<compile_context>
chip_gen: v7x
topology: tpu7x:2x2x1
jax: 0.10.2.dev20260603
libtpu: 0.0.44.dev20260713+nightly
codegen_flags: <defaults>
</compile_context>

<pallas_src>
import jax
import jax.numpy as jnp
from jax import lax
from jax.experimental import pallas as pl
from jax.experimental.pallas import tpu as pltpu
from jax.experimental.pallas import tpu_sc as plsc

B = 16384
D = 16
L = 16
NC = 2
NS = 16
NW = NC * NS
BPW = B // NW
G = 4
NSLOT = 4
NG = BPW // G
W = 128
WSH = 7
WM = W - 1

_mesh = plsc.VectorSubcoreMesh(core_axis_name="c", subcore_axis_name="s")

_SCRATCH = [
    pltpu.VMEM((BPW + L,), jnp.int32),
    pltpu.VMEM((BPW + L,), jnp.int32),
    pltpu.VMEM((NSLOT, G, D, W), jnp.float32),
    pltpu.VMEM((NSLOT, G, D, W), jnp.float32),
    pltpu.VMEM((BPW,), jnp.float32),
] + [pltpu.SemaphoreType.DMA] * (2 * NSLOT)


def _sc_dot_body(user_hbm, item_hbm, vtu_hbm, vti_hbm, out_hbm,
                 uidx_v, iidx_v, ubuf, ibuf, out_v, *sems):
    usems = sems[:NSLOT]
    isems = sems[NSLOT:]
    wid = lax.axis_index("s") * NC + lax.axis_index("c")
    base = wid * BPW

    pltpu.sync_copy(user_hbm.at[pl.ds(base, BPW)], uidx_v.at[pl.ds(0, BPW)])
    pltpu.sync_copy(item_hbm.at[pl.ds(base, BPW)], iidx_v.at[pl.ds(0, BPW)])

    lane = lax.iota(jnp.int32, L)

    def issue_group(g, slot):
        g = jnp.minimum(g, NG - 1)
        ug = uidx_v[pl.ds(g * G, L)]
        ig = iidx_v[pl.ds(g * G, L)]
        uw = (ug >> WSH) << WSH
        iw = (ig >> WSH) << WSH
        for k in range(G):
            wu = pl.multiple_of(uw[k], W)
            wi = pl.multiple_of(iw[k], W)
            for h in range(2):
                hs = pl.ds(h * 8, 8)
                pltpu.async_copy(vtu_hbm.at[hs, pl.ds(wu, W)],
                                 ubuf.at[slot, k, hs], usems[slot])
                pltpu.async_copy(vti_hbm.at[hs, pl.ds(wi, W)],
                                 ibuf.at[slot, k, hs], isems[slot])

    def wait_group(slot):
        for k in range(G):
            pltpu.make_async_copy(vtu_hbm.at[:, pl.ds(0, W)],
                                  ubuf.at[slot, k], usems[slot]).wait()
            pltpu.make_async_copy(vti_hbm.at[:, pl.ds(0, W)],
                                  ibuf.at[slot, k], isems[slot]).wait()

    issue_group(0, 0)
    issue_group(1, 1)
    issue_group(2, 2)

    def blk_body(m, carry):
        res = jnp.zeros((L,), jnp.float32)
        u16 = uidx_v[pl.ds(m * L, L)]
        i16 = iidx_v[pl.ds(m * L, L)]
        ulo = u16 & WM
        ilo = i16 & WM
        for b in range(NSLOT):
            g = m * NSLOT + b
            wait_group(b)
            issue_group(g + 3, (b + 3) % NSLOT)
            for k in range(G):
                t = b * G + k
                uvec = jnp.broadcast_to(ulo[t], (L,))
                ivec = jnp.broadcast_to(ilo[t], (L,))
                urow = plsc.load_gather(ubuf.at[b, k], [lane, uvec])
                irow = plsc.load_gather(ibuf.at[b, k], [lane, ivec])
                s = jnp.sum(urow * irow)
                res = jnp.where(lane == t, s, res)
        out_v[pl.ds(m * L, L)] = 1.0 / (1.0 + jnp.exp(-res))
        return carry

    lax.fori_loop(0, NG // NSLOT, blk_body, 0)

    wait_group(0)
    wait_group(1)
    wait_group(2)

    pltpu.sync_copy(out_v, out_hbm.at[pl.ds(base, BPW)])


_sc_dot = pl.kernel(
    _sc_dot_body,
    mesh=_mesh,
    compiler_params=pltpu.CompilerParams(needs_layout_passes=False),
    out_type=jax.ShapeDtypeStruct((B,), jnp.float32),
    scratch_types=_SCRATCH,
)


def kernel(user, item, user_table, item_table):
    vtu = user_table.T
    vti = item_table.T
    return _sc_dot(user.astype(jnp.int32), item.astype(jnp.int32), vtu, vti)

# --- scband reference (transcript-rebuilt; emitter-appended) ---
"""Pipeline reference for scband-item2-item-model-16226386444294 (READ-ONLY COPY).

The authoritative reference and input builder live on the scoring server;
editing this copy changes nothing except your own understanding.
"""

import jax, jax.numpy as jnp
import numpy as np

NUM_USERS = 1000000
NUM_ITEMS = 1000000
EMBED_DIM = 16
BATCH = 16384


def setup_inputs(seed: int = 0) -> dict:
    key = jax.random.key(seed)
    k1, k2, k3, k4 = jax.random.split(key, 4)
    user = jax.random.randint(k1, (BATCH,), 0, NUM_USERS, dtype=jnp.int64 if jax.config.jax_enable_x64 else jnp.int32)
    item = jax.random.randint(k2, (BATCH,), 0, NUM_ITEMS, dtype=jnp.int64 if jax.config.jax_enable_x64 else jnp.int32)
    user_table = jax.random.normal(k3, (NUM_USERS, EMBED_DIM), dtype=jnp.float32)
    item_table = jax.random.normal(k4, (NUM_ITEMS, EMBED_DIM), dtype=jnp.float32)
    return {"user": user, "item": item, "user_table": user_table, "item_table": item_table}


def reference(user, item, user_table, item_table):
    # user_embedded = self.user_embedding(user)
    user_embedded = jnp.take(user_table, user, axis=0)
    # item_embedded = self.item_embedding(item)
    item_embedded = jnp.take(item_table, item, axis=0)
    # interaction = sigmoid(sum(user_embedded * item_embedded, dim=1))
    interaction = jax.nn.sigmoid(jnp.sum(user_embedded * item_embedded, axis=1))
    return interaction

if __name__ == "__main__":
    import jax
    _d = setup_inputs()
    print(jax.jit(kernel)(*tuple(_d.values())))

</pallas_src>

<mosaic_0001>
#map = affine_map<(d0, d1) -> (0)>
#map1 = affine_map<(d0, d1) -> (0, 0)>
module attributes {stable_mosaic.version = 14 : i64} {
  func.func @_sc_dot_body(%arg0: i32, %arg1: i32, %arg2: memref<16384xi32, #tpu.memory_space<hbm>>, %arg3: memref<16384xi32, #tpu.memory_space<hbm>>, %arg4: memref<16x1000000xf32, #tpu.memory_space<hbm>>, %arg5: memref<16x1000000xf32, #tpu.memory_space<hbm>>, %arg6: memref<16384xf32, #tpu.memory_space<hbm>>, %arg7: memref<528xi32, #tpu.memory_space<vmem>>, %arg8: memref<528xi32, #tpu.memory_space<vmem>>, %arg9: memref<4x4x16x128xf32, #tpu.memory_space<vmem>>, %arg10: memref<4x4x16x128xf32, #tpu.memory_space<vmem>>, %arg11: memref<512xf32, #tpu.memory_space<vmem>>, %arg12: memref<!tpu.dma_semaphore, #tpu.memory_space<semaphore_mem>>, %arg13: memref<!tpu.dma_semaphore, #tpu.memory_space<semaphore_mem>>, %arg14: memref<!tpu.dma_semaphore, #tpu.memory_space<semaphore_mem>>, %arg15: memref<!tpu.dma_semaphore, #tpu.memory_space<semaphore_mem>>, %arg16: memref<!tpu.dma_semaphore, #tpu.memory_space<semaphore_mem>>, %arg17: memref<!tpu.dma_semaphore, #tpu.memory_space<semaphore_mem>>, %arg18: memref<!tpu.dma_semaphore, #tpu.memory_space<semaphore_mem>>, %arg19: memref<!tpu.dma_semaphore, #tpu.memory_space<semaphore_mem>>) attributes {dimension_semantics = [#tpu.dimension_semantics<core_parallel>, #tpu.dimension_semantics<subcore_parallel>], iteration_bounds = array<i64: 2, 16>, scalar_prefetch = 0 : i64, scratch_operands = 13 : i64, tpu.core_type = #tpu.core_type<sc_vector_subcore>, window_params = [{transform_indices = #map}, {transform_indices = #map}, {transform_indices = #map1}, {transform_indices = #map1}, {transform_indices = #map}]} {
    %mul3A = arith.constant 2 : i32
    %mul3A_0 = arith.muli %arg1, %mul3A : i32
    %add3A = arith.addi %mul3A_0, %arg0 : i32
    %mul3A_1 = arith.constant 512 : i32
    %mul3A_2 = arith.muli %add3A, %mul3A_1 : i32
    "tpu.region"() ({
      %run_scoped3A = tpu.sem_alloc : memref<!tpu.dma_semaphore, #tpu.memory_space<semaphore_mem>>
      %dma_start3A_1196 = arith.constant 0 : i32
      %dma_start3A_1197 = tpu.memref_slice %arg7[%dma_start3A_1196] : memref<528xi32, #tpu.memory_space<vmem>> -> memref<512xi32, #tpu.memory_space<vmem>>
      %dma_start3A_1198 = tpu.memref_slice %arg2[%mul3A_2] : memref<16384xi32, #tpu.memory_space<hbm>> -> memref<512xi32, #tpu.memory_space<hbm>>
      %dma_start3A_1199 = arith.constant 0 : i32
      %dma_start3A_1200 = tpu.memref_slice %arg7[%dma_start3A_1199] : memref<528xi32, #tpu.memory_space<vmem>> -> memref<512xi32, #tpu.memory_space<vmem>>
      %dma_start3A_1201 = tpu.memref_slice %arg2[%mul3A_2] : memref<16384xi32, #tpu.memory_space<hbm>> -> memref<512xi32, #tpu.memory_space<hbm>>
      tpu.enqueue_dma source(%dma_start3A_1201 : memref<512xi32, #tpu.memory_space<hbm>>) target(%dma_start3A_1200 : memref<512xi32, #tpu.memory_space<vmem>>) target_semaphore(%run_scoped3A : memref<!tpu.dma_semaphore, #tpu.memory_space<semaphore_mem>>)
      %dma_wait3A_1202 = arith.constant 0 : i32
      %dma_wait3A_1203 = tpu.memref_slice %arg7[%dma_wait3A_1202] : memref<528xi32, #tpu.memory_space<vmem>> -> memref<512xi32, #tpu.memory_space<vmem>>
      %dma_wait3A_1204 = tpu.memref_slice %arg2[%mul3A_2] : memref<16384xi32, #tpu.memory_space<hbm>> -> memref<512xi32, #tpu.memory_space<hbm>>
      %dma_wait3A_1205 = arith.constant 0 : i32
      %dma_wait3A_1206 = tpu.memref_slice %arg7[%dma_wait3A_1205] : memref<528xi32, #tpu.memory_space<vmem>> -> memref<512xi32, #tpu.memory_space<vmem>>
      %dma_wait3A_1207 = tpu.memref_slice %arg2[%mul3A_2] : memref<16384xi32, #tpu.memory_space<hbm>> -> memref<512xi32, #tpu.memory_space<hbm>>
      tpu.wait_dma2 semaphore(%run_scoped3A : memref<!tpu.dma_semaphore, #tpu.memory_space<semaphore_mem>>) src(%dma_wait3A_1207 : memref<512xi32, #tpu.memory_space<hbm>>) dst(%dma_wait3A_1206 : memref<512xi32, #tpu.memory_space<vmem>>)
      tpu.yield
    }) : () -> ()
    "tpu.region"() ({
      %run_scoped3A = tpu.sem_alloc : memref<!tpu.dma_semaphore, #tpu.memory_space<semaphore_mem>>
      %dma_start3A_1196 = arith.constant 0 : i32
      %dma_start3A_1197 = tpu.memref_slice %arg8[%dma_start3A_1196] : memref<528xi32, #tpu.memory_space<vmem>> -> memref<512xi32, #tpu.memory_space<vmem>>
      %dma_start3A_1198 = tpu.memref_slice %arg3[%mul3A_2] : memref<16384xi32, #tpu.memory_space<hbm>> -> memref<512xi32, #tpu.memory_space<hbm>>
      %dma_start3A_1199 = arith.constant 0 : i32
      %dma_start3A_1200 = tpu.memref_slice %arg8[%dma_start3A_1199] : memref<528xi32, #tpu.memory_space<vmem>> -> memref<512xi32, #tpu.memory_space<vmem>>
      %dma_start3A_1201 = tpu.memref_slice %arg3[%mul3A_2] : memref<16384xi32, #tpu.memory_space<hbm>> -> memref<512xi32, #tpu.memory_space<hbm>>
      tpu.enqueue_dma source(%dma_start3A_1201 : memref<512xi32, #tpu.memory_space<hbm>>) target(%dma_start3A_1200 : memref<512xi32, #tpu.memory_space<vmem>>) target_semaphore(%run_scoped3A : memref<!tpu.dma_semaphore, #tpu.memory_space<semaphore_mem>>)
      %dma_wait3A_1202 = arith.constant 0 : i32
      %dma_wait3A_1203 = tpu.memref_slice %arg8[%dma_wait3A_1202] : memref<528xi32, #tpu.memory_space<vmem>> -> memref<512xi32, #tpu.memory_space<vmem>>
      %dma_wait3A_1204 = tpu.memref_slice %arg3[%mul3A_2] : memref<16384xi32, #tpu.memory_space<hbm>> -> memref<512xi32, #tpu.memory_space<hbm>>
      %dma_wait3A_1205 = arith.constant 0 : i32
      %dma_wait3A_1206 = tpu.memref_slice %arg8[%dma_wait3A_1205] : memref<528xi32, #tpu.memory_space<vmem>> -> memref<512xi32, #tpu.memory_space<vmem>>
      %dma_wait3A_1207 = tpu.memref_slice %arg3[%mul3A_2] : memref<16384xi32, #tpu.memory_space<hbm>> -> memref<512xi32, #tpu.memory_space<hbm>>
      tpu.wait_dma2 semaphore(%run_scoped3A : memref<!tpu.dma_semaphore, #tpu.memory_space<semaphore_mem>>) src(%dma_wait3A_1207 : memref<512xi32, #tpu.memory_space<hbm>>) dst(%dma_wait3A_1206 : memref<512xi32, #tpu.memory_space<vmem>>)
      tpu.yield
    }) : () -> ()
    %iota3A = tpu.iota {dimensions = array<i32: 0>} : vector<16xi32>
    %min3A = arith.constant 0 : i32
    %min3A_3 = arith.constant 127 : i32
    %min3A_4 = arith.minsi %min3A, %min3A_3 : i32
    %mul3A_5 = arith.constant 4 : i32
    %mul3A_6 = arith.muli %min3A_4, %mul3A_5 : i32
    %get3A = arith.index_cast %mul3A_6 : i32 to index
    %get3A_7 = tpu.vector_load %arg7[%get3A] {strides = array<i32>} : memref<528xi32, #tpu.memory_space<vmem>>, vector<16xi32>,
    %mul3A_8 = arith.constant 4 : i32
    %mul3A_9 = arith.muli %min3A_4, %mul3A_8 : i32
    %get3A_10 = arith.index_cast %mul3A_9 : i32 to index
    %get3A_11 = tpu.vector_load %arg8[%get3A_10] {strides = array<i32>} : memref<528xi32, #tpu.memory_space<vmem>>, vector<16xi32>,
    %shift_right_arithmetic3A = arith.constant 7 : i32
    %shift_right_arithmetic3A_12 = vector.broadcast %shift_right_arithmetic3A : i32 to vector<16xi32>
    %shift_right_arithmetic3A_13 = arith.shrsi %get3A_7, %shift_right_arithmetic3A_12 : vector<16xi32>
    %shift_left3A = arith.constant 7 : i32
    %shift_left3A_14 = vector.broadcast %shift_left3A : i32 to vector<16xi32>
    %shift_left3A_15 = arith.shli %shift_right_arithmetic3A_13, %shift_left3A_14 : vector<16xi32>
    %shift_right_arithmetic3A_16 = arith.constant 7 : i32
    %shift_right_arithmetic3A_17 = vector.broadcast %shift_right_arithmetic3A_16 : i32 to vector<16xi32>
    %shift_right_arithmetic3A_18 = arith.shrsi %get3A_11, %shift_right_arithmetic3A_17 : vector<16xi32>
    %shift_left3A_19 = arith.constant 7 : i32
    %shift_left3A_20 = vector.broadcast %shift_left3A_19 : i32 to vector<16xi32>
    %shift_left3A_21 = arith.shli %shift_right_arithmetic3A_18, %shift_left3A_20 : vector<16xi32>
    %slice3A = vector.extract_strided_slice %shift_left3A_15 {offsets = [0], sizes = [1], strides = [1]} : vector<16xi32> to vector<1xi32>
    %squeeze3A = vector.extract %slice3A[0] : i32 from vector<1xi32>
    %multiple_of3A = tpu.assume_multiple %squeeze3A, 128 : i32
    %slice3A_22 = vector.extract_strided_slice %shift_left3A_21 {offsets = [0], sizes = [1], strides = [1]} : vector<16xi32> to vector<1xi32>
    %squeeze3A_23 = vector.extract %slice3A_22[0] : i32 from vector<1xi32>
    %multiple_of3A_24 = tpu.assume_multiple %squeeze3A_23, 128 : i32
    %dma_start3A = arith.constant 0 : i32
    %dma_start3A_25 = arith.constant 0 : i32
    %dma_start3A_26 = arith.constant 0 : i32
    %dma_start3A_27 = arith.constant 0 : i32
    %dma_start3A_28 = tpu.memref_slice %arg9[%dma_start3A, %dma_start3A_25, %dma_start3A_26, %dma_start3A_27] : memref<4x4x16x128xf32, #tpu.memory_space<vmem>> -> memref<1x1x8x128xf32, #tpu.memory_space<vmem>>
    %dma_start3A_29 = tpu.memref_squeeze %dma_start3A_28 : memref<1x1x8x128xf32, #tpu.memory_space<vmem>> -> memref<8x128xf32, #tpu.memory_space<vmem>>
    %dma_start3A_30 = arith.constant 0 : i32
    %dma_start3A_31 = tpu.memref_slice %arg4[%dma_start3A_30, %multiple_of3A] : memref<16x1000000xf32, #tpu.memory_space<hbm>> -> memref<8x128xf32, #tpu.memory_space<hbm>>
    %dma_start3A_32 = arith.constant 0 : i32
    %dma_start3A_33 = arith.constant 0 : i32
    %dma_start3A_34 = tpu.memref_slice %arg9[%dma_start3A, %dma_start3A_25, %dma_start3A_32, %dma_start3A_33] : memref<4x4x16x128xf32, #tpu.memory_space<vmem>> -> memref<1x1x8x128xf32, #tpu.memory_space<vmem>>
    %dma_start3A_35 = tpu.memref_squeeze %dma_start3A_34 : memref<1x1x8x128xf32, #tpu.memory_space<vmem>> -> memref<8x128xf32, #tpu.memory_space<vmem>>
    %dma_start3A_36 = arith.constant 0 : i32
    %dma_start3A_37 = tpu.memref_slice %arg4[%dma_start3A_36, %multiple_of3A] : memref<16x1000000xf32, #tpu.memory_space<hbm>> -> memref<8x128xf32, #tpu.memory_space<hbm>>
    tpu.enqueue_dma source(%dma_start3A_37 : memref<8x128xf32, #tpu.memory_space<hbm>>) target(%dma_start3A_35 : memref<8x128xf32, #tpu.memory_space<vmem>>) target_semaphore(%arg12 : memref<!tpu.dma_semaphore, #tpu.memory_space<semaphore_mem>>)
    %dma_start3A_38 = arith.constant 0 : i32
    %dma_start3A_39 = arith.constant 0 : i32
    %dma_start3A_40 = arith.constant 0 : i32
    %dma_start3A_41 = arith.constant 0 : i32
    %dma_start3A_42 = tpu.memref_slice %arg10[%dma_start3A_38, %dma_start3A_39, %dma_start3A_40, %dma_start3A_41] : memref<4x4x16x128xf32, #tpu.memory_space<vmem>> -> memref<1x1x8x128xf32, #tpu.memory_space<vmem>>
    %dma_start3A_43 = tpu.memref_squeeze %dma_start3A_42 : memref<1x1x8x128xf32, #tpu.memory_space<vmem>> -> memref<8x128xf32, #tpu.memory_space<vmem>>
    %dma_start3A_44 = arith.constant 0 : i32
    %dma_start3A_45 = tpu.memref_slice %arg5[%dma_start3A_44, %multiple_of3A_24] : memref<16x1000000xf32, #tpu.memory_space<hbm>> -> memref<8x128xf32, #tpu.memory_space<hbm>>
    %dma_start3A_46 = arith.constant 0 : i32
    %dma_start3A_47 = arith.constant 0 : i32
    %dma_start3A_48 = tpu.memref_slice %arg10[%dma_start3A_38, %dma_start3A_39, %dma_start3A_46, %dma_start3A_47] : memref<4x4x16x128xf32, #tpu.memory_space<vmem>> -> memref<1x1x8x128xf32, #tpu.memory_space<vmem>>
    %dma_start3A_49 = tpu.memref_squeeze %dma_start3A_48 : memref<1x1x8x128xf32, #tpu.memory_space<vmem>> -> memref<8x128xf32, #tpu.memory_space<vmem>>
    %dma_start3A_50 = arith.constant 0 : i32
    %dma_start3A_51 = tpu.memref_slice %arg5[%dma_start3A_50, %multiple_of3A_24] : memref<16x1000000xf32, #tpu.memory_space<hbm>> -> memref<8x128xf32, #tpu.memory_space<hbm>>
    tpu.enqueue_dma source(%dma_start3A_51 : memref<8x128xf32, #tpu.memory_space<hbm>>) target(%dma_start3A_49 : memref<8x128xf32, #tpu.memory_space<vmem>>) target_semaphore(%arg16 : memref<!tpu.dma_semaphore, #tpu.memory_space<semaphore_mem>>)
    %dma_start3A_52 = arith.constant 0 : i32
    %dma_start3A_53 = arith.constant 0 : i32
    %dma_start3A_54 = arith.constant 8 : i32
    %dma_start3A_55 = arith.constant 0 : i32
    %dma_start3A_56 = tpu.memref_slice %arg9[%dma_start3A_52, %dma_start3A_53, %dma_start3A_54, %dma_start3A_55] : memref<4x4x16x128xf32, #tpu.memory_space<vmem>> -> memref<1x1x8x128xf32, #tpu.memory_space<vmem>>
    %dma_start3A_57 = tpu.memref_squeeze %dma_start3A_56 : memref<1x1x8x128xf32, #tpu.memory_space<vmem>> -> memref<8x128xf32, #tpu.memory_space<vmem>>
    %dma_start3A_58 = arith.constant 8 : i32
    %dma_start3A_59 = tpu.memref_slice %arg4[%dma_start3A_58, %multiple_of3A] : memref<16x1000000xf32, #tpu.memory_space<hbm>> -> memref<8x128xf32, #tpu.memory_space<hbm>>
    %dma_start3A_60 = arith.constant 8 : i32
    %dma_start3A_61 = arith.constant 0 : i32
    %dma_start3A_62 = tpu.memref_slice %arg9[%dma_start3A_52, %dma_start3A_53, %dma_start3A_60, %dma_start3A_61] : memref<4x4x16x128xf32, #tpu.memory_space<vmem>> -> memref<1x1x8x128xf32, #tpu.memory_space<vmem>>
    %dma_start3A_63 = tpu.memref_squeeze %dma_start3A_62 : memref<1x1x8x128xf32, #tpu.memory_space<vmem>> -> memref<8x128xf32, #tpu.memory_space<vmem>>
    %dma_start3A_64 = arith.constant 8 : i32
    %dma_start3A_65 = tpu.memref_slice %arg4[%dma_start3A_64, %multiple_of3A] : memref<16x1000000xf32, #tpu.memory_space<hbm>> -> memref<8x128xf32, #tpu.memory_space<hbm>>
    tpu.enqueue_dma source(%dma_start3A_65 : memref<8x128xf32, #tpu.memory_space<hbm>>) target(%dma_start3A_63 : memref<8x128xf32, #tpu.memory_space<vmem>>) target_semaphore(%arg12 : memref<!tpu.dma_semaphore, #tpu.memory_space<semaphore_mem>>)
    %dma_start3A_66 = arith.constant 0 : i32
    %dma_start3A_67 = arith.constant 0 : i32
    %dma_start3A_68 = arith.constant 8 : i32
    %dma_start3A_69 = arith.constant 0 : i32
    %dma_start3A_70 = tpu.memref_slice %arg10[%dma_start3A_66, %dma_start3A_67, %dma_start3A_68, %dma_start3A_69] : memref<4x4x16x128xf32, #tpu.memory_space<vmem>> -> memref<1x1x8x128xf32, #tpu.memory_space<vmem>>
    %dma_start3A_71 = tpu.memref_squeeze %dma_start3A_70 : memref<1x1x8x128xf32, #tpu.memory_space<vmem>> -> memref<8x128xf32, #tpu.memory_space<vmem>>
    %dma_start3A_72 = arith.constant 8 : i32
    %dma_start3A_73 = tpu.memref_slice %arg5[%dma_start3A_72, %multiple_of3A_24] : memref<16x1000000xf32, #tpu.memory_space<hbm>> -> memref<8x128xf32, #tpu.memory_space<hbm>>
    %dma_start3A_74 = arith.constant 8 : i32
    %dma_start3A_75 = arith.constant 0 : i32
    %dma_start3A_76 = tpu.memref_slice %arg10[%dma_start3A_66, %dma_start3A_67, %dma_start3A_74, %dma_start3A_75] : memref<4x4x16x128xf32, #tpu.memory_space<vmem>> -> memref<1x1x8x128xf32, #tpu.memory_space<vmem>>
    %dma_start3A_77 = tpu.memref_squeeze %dma_start3A_76 : memref<1x1x8x128xf32, #tpu.memory_space<vmem>> -> memref<8x128xf32, #tpu.memory_space<vmem>>
    %dma_start3A_78 = arith.constant 8 : i32
    %dma_start3A_79 = tpu.memref_slice %arg5[%dma_start3A_78, %multiple_of3A_24] : memref<16x1000000xf32, #tpu.memory_space<hbm>> -> memref<8x128xf32, #tpu.memory_space<hbm>>
    tpu.enqueue_dma source(%dma_start3A_79 : memref<8x128xf32, #tpu.memory_space<hbm>>) target(%dma_start3A_77 : memref<8x128xf32, #tpu.memory_space<vmem>>) target_semaphore(%arg16 : memref<!tpu.dma_semaphore, #tpu.memory_space<semaphore_mem>>)
    %slice3A_80 = vector.extract_strided_slice %shift_left3A_15 {offsets = [1], sizes = [1], strides = [1]} : vector<16xi32> to vector<1xi32>
    %squeeze3A_81 = vector.extract %slice3A_80[0] : i32 from vector<1xi32>
    %multiple_of3A_82 = tpu.assume_multiple %squeeze3A_81, 128 : i32
    %slice3A_83 = vector.extract_strided_slice %shift_left3A_21 {offsets = [1], sizes = [1], strides = [1]} : vector<16xi32> to vector<1xi32>
    %squeeze3A_84 = vector.extract %slice3A_83[0] : i32 from vector<1xi32>
    %multiple_of3A_85 = tpu.assume_multiple %squeeze3A_84, 128 : i32
    %dma_start3A_86 = arith.constant 0 : i32
    %dma_start3A_87 = arith.constant 1 : i32
    %dma_start3A_88 = arith.constant 0 : i32
    %dma_start3A_89 = arith.constant 0 : i32
    %dma_start3A_90 = tpu.memref_slice %arg9[%dma_start3A_86, %dma_start3A_87, %dma_start3A_88, %dma_start3A_89] : memref<4x4x16x128xf32, #tpu.memory_space<vmem>> -> memref<1x1x8x128xf32, #tpu.memory_space<vmem>>
    %dma_start3A_91 = tpu.memref_squeeze %dma_start3A_90 : memref<1x1x8x128xf32, #tpu.memory_space<vmem>> -> memref<8x128xf32, #tpu.memory_space<vmem>>
    %dma_start3A_92 = arith.constant 0 : i32
    %dma_start3A_93 = tpu.memref_slice %arg4[%dma_start3A_92, %multiple_of3A_82] : memref<16x1000000xf32, #tpu.memory_space<hbm>> -> memref<8x128xf32, #tpu.memory_space<hbm>>
    %dma_start3A_94 = arith.constant 0 : i32
    %dma_start3A_95 = arith.constant 0 : i32
    %dma_start3A_96 = tpu.memref_slice %arg9[%dma_start3A_86, %dma_start3A_87, %dma_start3A_94, %dma_start3A_95] : memref<4x4x16x128xf32, #tpu.memory_space<vmem>> -> memref<1x1x8x128xf32, #tpu.memory_space<vmem>>
    %dma_start3A_97 = tpu.memref_squeeze %dma_start3A_96 : memref<1x1x8x128xf32, #tpu.memory_space<vmem>> -> memref<8x128xf32, #tpu.memory_space<vmem>>
    %dma_start3A_98 = arith.constant 0 : i32
    %dma_start3A_99 = tpu.memref_slice %arg4[%dma_start3A_98, %multiple_of3A_82] : memref<16x1000000xf32, #tpu.memory_space<hbm>> -> memref<8x128xf32, #tpu.memory_space<hbm>>
    tpu.enqueue_dma source(%dma_start3A_99 : memref<8x128xf32, #tpu.memory_space<hbm>>) target(%dma_start3A_97 : memref<8x128xf32, #tpu.memory_space<vmem>>) target_semaphore(%arg12 : memref<!tpu.dma_semaphore, #tpu.memory_space<semaphore_mem>>)
    %dma_start3A_100 = arith.constant 0 : i32
    %dma_start3A_101 = arith.constant 1 : i32
    %dma_start3A_102 = arith.constant 0 : i32
    %dma_start3A_103 = arith.constant 0 : i32
    %dma_start3A_104 = tpu.memref_slice %arg10[%dma_start3A_100, %dma_start3A_101, %dma_start3A_102, %dma_start3A_103] : memref<4x4x16x128xf32, #tpu.memory_space<vmem>> -> memref<1x1x8x128xf32, #tpu.memory_space<vmem>>
    %dma_start3A_105 = tpu.memref_squeeze %dma_start3A_104 : memref<1x1x8x128xf32, #tpu.memory_space<vmem>> -> memref<8x128xf32, #tpu.memory_space<vmem>>
    %dma_start3A_106 = arith.constant 0 : i32
    %dma_start3A_107 = tpu.memref_slice %arg5[%dma_start3A_106, %multiple_of3A_85] : memref<16x1000000xf32, #tpu.memory_space<hbm>> -> memref<8x128xf32, #tpu.memory_space<hbm>>
    %dma_start3A_108 = arith.constant 0 : i32
    %dma_start3A_109 = arith.constant 0 : i32
    %dma_start3A_110 = tpu.memref_slice %arg10[%dma_start3A_100, %dma_start3A_101, %dma_start3A_108, %dma_start3A_109] : memref<4x4x16x128xf32, #tpu.memory_space<vmem>> -> memref<1x1x8x128xf32, #tpu.memory_space<vmem>>
    %dma_start3A_111 = tpu.memref_squeeze %dma_start3A_110 : memref<1x1x8x128xf32, #tpu.memory_space<vmem>> -> memref<8x128xf32, #tpu.memory_space<vmem>>
    %dma_start3A_112 = arith.constant 0 : i32
    %dma_start3A_113 = tpu.memref_slice %arg5[%dma_start3A_112, %multiple_of3A_85] : memref<16x1000000xf32, #tpu.memory_space<hbm>> -> memref<8x128xf32, #tpu.memory_space<hbm>>
    tpu.enqueue_dma source(%dma_start3A_113 : memref<8x128xf32, #tpu.memory_space<hbm>>) target(%dma_start3A_111 : memref<8x128xf32, #tpu.memory_space<vmem>>) target_semaphore(%arg16 : memref<!tpu.dma_semaphore, #tpu.memory_space<semaphore_mem>>)
    %dma_start3A_114 = arith.constant 0 : i32
    %dma_start3A_115 = arith.constant 1 : i32
    %dma_start3A_116 = arith.constant 8 : i32
    %dma_start3A_117 = arith.constant 0 : i32
    %dma_start3A_118 = tpu.memref_slice %arg9[%dma_start3A_114, %dma_start3A_115, %dma_start3A_116, %dma_start3A_117] : memref<4x4x16x128xf32, #tpu.memory_space<vmem>> -> memref<1x1x8x128xf32, #tpu.memory_space<vmem>>
    %dma_start3A_119 = tpu.memref_squeeze %dma_start3A_118 : memref<1x1x8x128xf32, #tpu.memory_space<vmem>> -> memref<8x128xf32, #tpu.memory_space<vmem>>
    %dma_start3A_120 = arith.constant 8 : i32
    %dma_start3A_121 = tpu.memref_slice %arg4[%dma_start3A_120, %multiple_of3A_82] : memref<16x1000000xf32, #tpu.memory_space<hbm>> -> memref<8x128xf32, #tpu.memory_space<hbm>>
    %dma_start3A_122 = arith.constant 8 : i32
    %dma_start3A_123 = arith.constant 0 : i32
    %dma_start3A_124 = tpu.memref_slice %arg9[%dma_start3A_114, %dma_start3A_115, %dma_start3A_122, %dma_start3A_123] : memref<4x4x16x128xf32, #tpu.memory_space<vmem>> -> memref<1x1x8x128xf32, #tpu.memory_space<vmem>>
    %dma_start3A_125 = tpu.memref_squeeze %dma_start3A_124 : memref<1x1x8x128xf32, #tpu.memory_space<vmem>> -> memref<8x128xf32, #tpu.memory_space<vmem>>
    %dma_start3A_126 = arith.constant 8 : i32
    %dma_start3A_127 = tpu.memref_slice %arg4[%dma_start3A_126, %multiple_of3A_82] : memref<16x1000000xf32, #tpu.memory_space<hbm>> -> memref<8x128xf32, #tpu.memory_space<hbm>>
    tpu.enqueue_dma source(%dma_start3A_127 : memref<8x128xf32, #tpu.memory_space<hbm>>) target(%dma_start3A_125 : memref<8x128xf32, #tpu.memory_space<vmem>>) target_semaphore(%arg12 : memref<!tpu.dma_semaphore, #tpu.memory_space<semaphore_mem>>)
    %dma_start3A_128 = arith.constant 0 : i32
    %dma_start3A_129 = arith.constant 1 : i32
    %dma_start3A_130 = arith.constant 8 : i32
    %dma_start3A_131 = arith.constant 0 : i32
    %dma_start3A_132 = tpu.memref_slice %arg10[%dma_start3A_128, %dma_start3A_129, %dma_start3A_130, %dma_start3A_131] : memref<4x4x16x128xf32, #tpu.memory_space<vmem>> -> memref<1x1x8x128xf32, #tpu.memory_space<vmem>>
    %dma_start3A_133 = tpu.memref_squeeze %dma_start3A_132 : memref<1x1x8x128xf32, #tpu.memory_space<vmem>> -> memref<8x128xf32, #tpu.memory_space<vmem>>
    %dma_start3A_134 = arith.constant 8 : i32
    %dma_start3A_135 = tpu.memref_slice %arg5[%dma_start3A_134, %multiple_of3A_85] : memref<16x1000000xf32, #tpu.memory_space<hbm>> -> memref<8x128xf32, #tpu.memory_space<hbm>>
    %dma_start3A_136 = arith.constant 8 : i32
    %dma_start3A_137 = arith.constant 0 : i32
    %dma_start3A_138 = tpu.memref_slice %arg10[%dma_start3A_128, %dma_start3A_129, %dma_start3A_136, %dma_start3A_137] : memref<4x4x16x128xf32, #tpu.memory_space<vmem>> -> memref<1x1x8x128xf32, #tpu.memory_space<vmem>>
    %dma_start3A_139 = tpu.memref_squeeze %dma_start3A_138 : memref<1x1x8x128xf32, #tpu.memory_space<vmem>> -> memref<8x128xf32, #tpu.memory_space<vmem>>
    %dma_start3A_140 = arith.constant 8 : i32
    %dma_start3A_141 = tpu.memref_slice %arg5[%dma_start3A_140, %multiple_of3A_85] : memref<16x1000000xf32, #tpu.memory_space<hbm>> -> memref<8x128xf32, #tpu.memory_space<hbm>>
    tpu.enqueue_dma source(%dma_start3A_141 : memref<8x128xf32, #tpu.memory_space<hbm>>) target(%dma_start3A_139 : memref<8x128xf32, #tpu.memory_space<vmem>>) target_semaphore(%arg16 : memref<!tpu.dma_semaphore, #tpu.memory_space<semaphore_mem>>)
    %slice3A_142 = vector.extract_strided_slice %shift_left3A_15 {offsets = [2], sizes = [1], strides = [1]} : vector<16xi32> to vector<1xi32>
    %squeeze3A_143 = vector.extract %slice3A_142[0] : i32 from vector<1xi32>
    %multiple_of3A_144 = tpu.assume_multiple %squeeze3A_143, 128 : i32
    %slice3A_145 = vector.extract_strided_slice %shift_left3A_21 {offsets = [2], sizes = [1], strides = [1]} : vector<16xi32> to vector<1xi32>
    %squeeze3A_146 = vector.extract %slice3A_145[0] : i32 from vector<1xi32>
    %multiple_of3A_147 = tpu.assume_multiple %squeeze3A_146, 128 : i32
    %dma_start3A_148 = arith.constant 0 : i32
    %dma_start3A_149 = arith.constant 2 : i32
    %dma_start3A_150 = arith.constant 0 : i32
    %dma_start3A_151 = arith.constant 0 : i32
    %dma_start3A_152 = tpu.memref_slice %arg9[%dma_start3A_148, %dma_start3A_149, %dma_start3A_150, %dma_start3A_151] : memref<4x4x16x128xf32, #tpu.memory_space<vmem>> -> memref<1x1x8x128xf32, #tpu.memory_space<vmem>>
    %dma_start3A_153 = tpu.memref_squeeze %dma_start3A_152 : memref<1x1x8x128xf32, #tpu.memory_space<vmem>> -> memref<8x128xf32, #tpu.memory_space<vmem>>
    %dma_start3A_154 = arith.constant 0 : i32
    %dma_start3A_155 = tpu.memref_slice %arg4[%dma_start3A_154, %multiple_of3A_144] : memref<16x1000000xf32, #tpu.memory_space<hbm>> -> memref<8x128xf32, #tpu.memory_space<hbm>>
    %dma_start3A_156 = arith.constant 0 : i32
    %dma_start3A_157 = arith.constant 0 : i32
    %dma_start3A_158 = tpu.memref_slice %arg9[%dma_start3A_148, %dma_start3A_149, %dma_start3A_156, %dma_start3A_157] : memref<4x4x16x128xf32, #tpu.memory_space<vmem>> -> memref<1x1x8x128xf32, #tpu.memory_space<vmem>>
    %dma_start3A_159 = tpu.memref_squeeze %dma_start3A_158 : memref<1x1x8x128xf32, #tpu.memory_space<vmem>> -> memref<8x128xf32, #tpu.memory_space<vmem>>
    %dma_start3A_160 = arith.constant 0 : i32
    %dma_start3A_161 = tpu.memref_slice %arg4[%dma_start3A_160, %multiple_of3A_144] : memref<16x1000000xf32, #tpu.memory_space<hbm>> -> memref<8x128xf32, #tpu.memory_space<hbm>>
    tpu.enqueue_dma source(%dma_start3A_161 : memref<8x128xf32, #tpu.memory_space<hbm>>) target(%dma_start3A_159 : memref<8x128xf32, #tpu.memory_space<vmem>>) target_semaphore(%arg12 : memref<!tpu.dma_semaphore, #tpu.memory_space<semaphore_mem>>)
    %dma_start3A_162 = arith.constant 0 : i32
    %dma_start3A_163 = arith.constant 2 : i32
    %dma_start3A_164 = arith.constant 0 : i32
    %dma_start3A_165 = arith.constant 0 : i32
    %dma_start3A_166 = tpu.memref_slice %arg10[%dma_start3A_162, %dma_start3A_163, %dma_start3A_164, %dma_start3A_165] : memref<4x4x16x128xf32, #tpu.memory_space<vmem>> -> memref<1x1x8x128xf32, #tpu.memory_space<vmem>>
    %dma_start3A_167 = tpu.memref_squeeze %dma_start3A_166 : memref<1x1x8x128xf32, #tpu.memory_space<vmem>> -> memref<8x128xf32, #tpu.memory_space<vmem>>
    %dma_start3A_168 = arith.constant 0 : i32
    %dma_start3A_169 = tpu.memref_slice %arg5[%dma_start3A_168, %multiple_of3A_147] : memref<16x1000000xf32, #tpu.memory_space<hbm>> -> memref<8x128xf32, #tpu.memory_space<hbm>>
    %dma_start3A_170 = arith.constant 0 : i32
    %dma_start3A_171 = arith.constant 0 : i32
    %dma_start3A_172 = tpu.memref_slice %arg10[%dma_start3A_162, %dma_start3A_163, %dma_start3A_170, %dma_start3A_171] : memref<4x4x16x128xf32, #tpu.memory_space<vmem>> -> memref<1x1x8x128xf32, #tpu.memory_space<vmem>>
    %dma_start3A_173 = tpu.memref_squeeze %dma_start3A_172 : memref<1x1x8x128xf32, #tpu.memory_space<vmem>> -> memref<8x128xf32, #tpu.memory_space<vmem>>
    %dma_start3A_174 = arith.constant 0 : i32
    %dma_start3A_175 = tpu.memref_slice %arg5[%dma_start3A_174, %multiple_of3A_147] : memref<16x1000000xf32, #tpu.memory_space<hbm>> -> memref<8x128xf32, #tpu.memory_space<hbm>>
    tpu.enqueue_dma source(%dma_start3A_175 : memref<8x128xf32, #tpu.memory_space<hbm>>) target(%dma_start3A_173 : memref<8x128xf32, #tpu.memory_space<vmem>>) target_semaphore(%arg16 : memref<!tpu.dma_semaphore, #tpu.memory_space<semaphore_mem>>)
    %dma_start3A_176 = arith.constant 0 : i32
    %dma_start3A_177 = arith.constant 2 : i32
    %dma_start3A_178 = arith.constant 8 : i32
    %dma_start3A_179 = arith.constant 0 : i32
    %dma_start3A_180 = tpu.memref_slice %arg9[%dma_start3A_176, %dma_start3A_177, %dma_start3A_178, %dma_start3A_179] : memref<4x4x16x128xf32, #tpu.memory_space<vmem>> -> memref<1x1x8x128xf32, #tpu.memory_space<vmem>>
    %dma_start3A_181 = tpu.memref_squeeze %dma_start3A_180 : memref<1x1x8x128xf32, #tpu.memory_space<vmem>> -> memref<8x128xf32, #tpu.memory_space<vmem>>
    %dma_start3A_182 = arith.constant 8 : i32
    %dma_start3A_183 = tpu.memref_slice %arg4[%dma_start3A_182, %multiple_of3A_144] : memref<16x1000000xf32, #tpu.memory_space<hbm>> -> memref<8x128xf32, #tpu.memory_space<hbm>>
    %dma_start3A_184 = arith.constant 8 : i32
    %dma_start3A_185 = arith.constant 0 : i32
    %dma_start3A_186 = tpu.memref_slice %arg9[%dma_start3A_176, %dma_start3A_177, %dma_start3A_184, %dma_start3A_185] : memref<4x4x16x128xf32, #tpu.memory_space<vmem>> -> memref<1x1x8x128xf32, #tpu.memory_space<vmem>>
    %dma_start3A_187 = tpu.memref_squeeze %dma_start3A_186 : memref<1x1x8x128xf32, #tpu.memory_space<vmem>> -> memref<8x128xf32, #tpu.memory_space<vmem>>
    %dma_start3A_188 = arith.constant 8 : i32
    %dma_start3A_189 = tpu.memref_slice %arg4[%dma_start3A_188, %multiple_of3A_144] : memref<16x1000000xf32, #tpu.memory_space<hbm>> -> memref<8x128xf32, #tpu.memory_space<hbm>>
    tpu.enqueue_dma source(%dma_start3A_189 : memref<8x128xf32, #tpu.memory_space<hbm>>) target(%dma_start3A_187 : memref<8x128xf32, #tpu.memory_space<vmem>>) target_semaphore(%arg12 : memref<!tpu.dma_semaphore, #tpu.memory_space<semaphore_mem>>)
    %dma_start3A_190 = arith.constant 0 : i32
    %dma_start3A_191 = arith.constant 2 : i32
    %dma_start3A_192 = arith.constant 8 : i32
    %dma_start3A_193 = arith.constant 0 : i32
    %dma_start3A_194 = tpu.memref_slice %arg10[%dma_start3A_190, %dma_start3A_191, %dma_start3A_192, %dma_start3A_193] : memref<4x4x16x128xf32, #tpu.memory_space<vmem>> -> memref<1x1x8x128xf32, #tpu.memory_space<vmem>>
    %dma_start3A_195 = tpu.memref_squeeze %dma_start3A_194 : memref<1x1x8x128xf32, #tpu.memory_space<vmem>> -> memref<8x128xf32, #tpu.memory_space<vmem>>
    %dma_start3A_196 = arith.constant 8 : i32
    %dma_start3A_197 = tpu.memref_slice %arg5[%dma_start3A_196, %multiple_of3A_147] : memref<16x1000000xf32, #tpu.memory_space<hbm>> -> memref<8x128xf32, #tpu.memory_space<hbm>>
    %dma_start3A_198 = arith.constant 8 : i32
    %dma_start3A_199 = arith.constant 0 : i32
    %dma_start3A_200 = tpu.memref_slice %arg10[%dma_start3A_190, %dma_start3A_191, %dma_start3A_198, %dma_start3A_199] : memref<4x4x16x128xf32, #tpu.memory_space<vmem>> -> memref<1x1x8x128xf32, #tpu.memory_space<vmem>>
    %dma_start3A_201 = tpu.memref_squeeze %dma_start3A_200 : memref<1x1x8x128xf32, #tpu.memory_space<vmem>> -> memref<8x128xf32, #tpu.memory_space<vmem>>
    %dma_start3A_202 = arith.constant 8 : i32
    %dma_start3A_203 = tpu.memref_slice %arg5[%dma_start3A_202, %multiple_of3A_147] : memref<16x1000000xf32, #tpu.memory_space<hbm>> -> memref<8x128xf32, #tpu.memory_space<hbm>>
    tpu.enqueue_dma source(%dma_start3A_203 : memref<8x128xf32, #tpu.memory_space<hbm>>) target(%dma_start3A_201 : memref<8x128xf32, #tpu.memory_space<vmem>>) target_semaphore(%arg16 : memref<!tpu.dma_semaphore, #tpu.memory_space<semaphore_mem>>)
    %slice3A_204 = vector.extract_strided_slice %shift_left3A_15 {offsets = [3], sizes = [1], strides = [1]} : vector<16xi32> to vector<1xi32>
    %squeeze3A_205 = vector.extract %slice3A_204[0] : i32 from vector<1xi32>
    %multiple_of3A_206 = tpu.assume_multiple %squeeze3A_205, 128 : i32
    %slice3A_207 = vector.extract_strided_slice %shift_left3A_21 {offsets = [3], sizes = [1], strides = [1]} : vector<16xi32> to vector<1xi32>
    %squeeze3A_208 = vector.extract %slice3A_207[0] : i32 from vector<1xi32>
    %multiple_of3A_209 = tpu.assume_multiple %squeeze3A_208, 128 : i32
    %dma_start3A_210 = arith.constant 0 : i32
    %dma_start3A_211 = arith.constant 3 : i32
    %dma_start3A_212 = arith.constant 0 : i32
    %dma_start3A_213 = arith.constant 0 : i32
    %dma_start3A_214 = tpu.memref_slice %arg9[%dma_start3A_210, %dma_start3A_211, %dma_start3A_212, %dma_start3A_213] : memref<4x4x16x128xf32, #tpu.memory_space<vmem>> -> memref<1x1x8x128xf32, #tpu.memory_space<vmem>>
    %dma_start3A_215 = tpu.memref_squeeze %dma_start3A_214 : memref<1x1x8x128xf32, #tpu.memory_space<vmem>> -> memref<8x128xf32, #tpu.memory_space<vmem>>
    %dma_start3A_216 = arith.constant 0 : i32
    %dma_start3A_217 = tpu.memref_slice %arg4[%dma_start3A_216, %multiple_of3A_206] : memref<16x1000000xf32, #tpu.memory_space<hbm>> -> memref<8x128xf32, #tpu.memory_space<hbm>>
    %dma_start3A_218 = arith.constant 0 : i32
    %dma_start3A_219 = arith.constant 0 : i32
    %dma_start3A_220 = tpu.memref_slice %arg9[%dma_start3A_210, %dma_start3A_211, %dma_start3A_218, %dma_start3A_219] : memref<4x4x16x128xf32, #tpu.memory_space<vmem>> -> memref<1x1x8x128xf32, #tpu.memory_space<vmem>>
    %dma_start3A_221 = tpu.memref_squeeze %dma_start3A_220 : memref<1x1x8x128xf32, #tpu.memory_space<vmem>> -> memref<8x128xf32, #tpu.memory_space<vmem>>
    %dma_start3A_222 = arith.constant 0 : i32
    %dma_start3A_223 = tpu.memref_slice %arg4[%dma_start3A_222, %multiple_of3A_206] : memref<16x1000000xf32, #tpu.memory_space<hbm>> -> memref<8x128xf32, #tpu.memory_space<hbm>>
    tpu.enqueue_dma source(%dma_start3A_223 : memref<8x128xf32, #tpu.memory_space<hbm>>) target(%dma_start3A_221 : memref<8x128xf32, #tpu.memory_space<vmem>>) target_semaphore(%arg12 : memref<!tpu.dma_semaphore, #tpu.memory_space<semaphore_mem>>)
    %dma_start3A_224 = arith.constant 0 : i32
    %dma_start3A_225 = arith.constant 3 : i32
    %dma_start3A_226 = arith.constant 0 : i32
    %dma_start3A_227 = arith.constant 0 : i32
    %dma_start3A_228 = tpu.memref_slice %arg10[%dma_start3A_224, %dma_start3A_225, %dma_start3A_226, %dma_start3A_227] : memref<4x4x16x128xf32, #tpu.memory_space<vmem>> -> memref<1x1x8x128xf32, #tpu.memory_space<vmem>>
    %dma_start3A_229 = tpu.memref_squeeze %dma_start3A_228 : memref<1x1x8x128xf32, #tpu.memory_space<vmem>> -> memref<8x128xf32, #tpu.memory_space<vmem>>
    %dma_start3A_230 = arith.constant 0 : i32
    %dma_start3A_231 = tpu.memref_slice %arg5[%dma_start3A_230, %multiple_of3A_209] : memref<16x1000000xf32, #tpu.memory_space<hbm>> -> memref<8x128xf32, #tpu.memory_space<hbm>>
    %dma_start3A_232 = arith.constant 0 : i32
    %dma_start3A_233 = arith.constant 0 : i32
    %dma_start3A_234 = tpu.memref_slice %arg10[%dma_start3A_224, %dma_start3A_225, %dma_start3A_232, %dma_start3A_233] : memref<4x4x16x128xf32, #tpu.memory_space<vmem>> -> memref<1x1x8x128xf32, #tpu.memory_space<vmem>>
    %dma_start3A_235 = tpu.memref_squeeze %dma_start3A_234 : memref<1x1x8x128xf32, #tpu.memory_space<vmem>> -> memref<8x128xf32, #tpu.memory_space<vmem>>
    %dma_start3A_236 = arith.constant 0 : i32
    %dma_start3A_237 = tpu.memref_slice %arg5[%dma_start3A_236, %multiple_of3A_209] : memref<16x1000000xf32, #tpu.memory_space<hbm>> -> memref<8x128xf32, #tpu.memory_space<hbm>>
    tpu.enqueue_dma source(%dma_start3A_237 : memref<8x128xf32, #tpu.memory_space<hbm>>) target(%dma_start3A_235 : memref<8x128xf32, #tpu.memory_space<vmem>>) target_semaphore(%arg16 : memref<!tpu.dma_semaphore, #tpu.memory_space<semaphore_mem>>)
    %dma_start3A_238 = arith.constant 0 : i32
    %dma_start3A_239 = arith.constant 3 : i32
    %dma_start3A_240 = arith.constant 8 : i32
    %dma_start3A_241 = arith.constant 0 : i32
    %dma_start3A_242 = tpu.memref_slice %arg9[%dma_start3A_238, %dma_start3A_239, %dma_start3A_240, %dma_start3A_241] : memref<4x4x16x128xf32, #tpu.memory_space<vmem>> -> memref<1x1x8x128xf32, #tpu.memory_space<vmem>>
    %dma_start3A_243 = tpu.memref_squeeze %dma_start3A_242 : memref<1x1x8x128xf32, #tpu.memory_space<vmem>> -> memref<8x128xf32, #tpu.memory_space<vmem>>
    %dma_start3A_244 = arith.constant 8 : i32
    %dma_start3A_245 = tpu.memref_slice %arg4[%dma_start3A_244, %multiple_of3A_206] : memref<16x1000000xf32, #tpu.memory_space<hbm>> -> memref<8x128xf32, #tpu.memory_space<hbm>>
    %dma_start3A_246 = arith.constant 8 : i32
    %dma_start3A_247 = arith.constant 0 : i32
    %dma_start3A_248 = tpu.memref_slice %arg9[%dma_start3A_238, %dma_start3A_239, %dma_start3A_246, %dma_start3A_247] : memref<4x4x16x128xf32, #tpu.memory_space<vmem>> -> memref<1x1x8x128xf32, #tpu.memory_space<vmem>>
    %dma_start3A_249 = tpu.memref_squeeze %dma_start3A_248 : memref<1x1x8x128xf32, #tpu.memory_space<vmem>> -> memref<8x128xf32, #tpu.memory_space<vmem>>
    %dma_start3A_250 = arith.constant 8 : i32
    %dma_start3A_251 = tpu.memref_slice %arg4[%dma_start3A_250, %multiple_of3A_206] : memref<16x1000000xf32, #tpu.memory_space<hbm>> -> memref<8x128xf32, #tpu.memory_space<hbm>>
    tpu.enqueue_dma source(%dma_start3A_251 : memref<8x128xf32, #tpu.memory_space<hbm>>) target(%dma_start3A_249 : memref<8x128xf32, #tpu.memory_space<vmem>>) target_semaphore(%arg12 : memref<!tpu.dma_semaphore, #tpu.memory_space<semaphore_mem>>)
    %dma_start3A_252 = arith.constant 0 : i32
    %dma_start3A_253 = arith.constant 3 : i32
    %dma_start3A_254 = arith.constant 8 : i32
    %dma_start3A_255 = arith.constant 0 : i32
    %dma_start3A_256 = tpu.memref_slice %arg10[%dma_start3A_252, %dma_start3A_253, %dma_start3A_254, %dma_start3A_255] : memref<4x4x16x128xf32, #tpu.memory_space<vmem>> -> memref<1x1x8x128xf32, #tpu.memory_space<vmem>>
    %dma_start3A_257 = tpu.memref_squeeze %dma_start3A_256 : memref<1x1x8x128xf32, #tpu.memory_space<vmem>> -> memref<8x128xf32, #tpu.memory_space<vmem>>
    %dma_start3A_258 = arith.constant 8 : i32
    %dma_start3A_259 = tpu.memref_slice %arg5[%dma_start3A_258, %multiple_of3A_209] : memref<16x1000000xf32, #tpu.memory_space<hbm>> -> memref<8x128xf32, #tpu.memory_space<hbm>>
    %dma_start3A_260 = arith.constant 8 : i32
    %dma_start3A_261 = arith.constant 0 : i32
    %dma_start3A_262 = tpu.memref_slice %arg10[%dma_start3A_252, %dma_start3A_253, %dma_start3A_260, %dma_start3A_261] : memref<4x4x16x128xf32, #tpu.memory_space<vmem>> -> memref<1x1x8x128xf32, #tpu.memory_space<vmem>>
    %dma_start3A_263 = tpu.memref_squeeze %dma_start3A_262 : memref<1x1x8x128xf32, #tpu.memory_space<vmem>> -> memref<8x128xf32, #tpu.memory_space<vmem>>
    %dma_start3A_264 = arith.constant 8 : i32
    %dma_start3A_265 = tpu.memref_slice %arg5[%dma_start3A_264, %multiple_of3A_209] : memref<16x1000000xf32, #tpu.memory_space<hbm>> -> memref<8x128xf32, #tpu.memory_space<hbm>>
    tpu.enqueue_dma source(%dma_start3A_265 : memref<8x128xf32, #tpu.memory_space<hbm>>) target(%dma_start3A_263 : memref<8x128xf32, #tpu.memory_space<vmem>>) target_semaphore(%arg16 : memref<!tpu.dma_semaphore, #tpu.memory_space<semaphore_mem>>)
    %min3A_266 = arith.constant 1 : i32
    %min3A_267 = arith.constant 127 : i32
    %min3A_268 = arith.minsi %min3A_266, %min3A_267 : i32
    %mul3A_269 = arith.constant 4 : i32
    %mul3A_270 = arith.muli %min3A_268, %mul3A_269 : i32
    %get3A_271 = arith.index_cast %mul3A_270 : i32 to index
    %get3A_272 = tpu.vector_load %arg7[%get3A_271] {strides = array<i32>} : memref<528xi32, #tpu.memory_space<vmem>>, vector<16xi32>,
    %mul3A_273 = arith.constant 4 : i32
    %mul3A_274 = arith.muli %min3A_268, %mul3A_273 : i32
    %get3A_275 = arith.index_cast %mul3A_274 : i32 to index
    %get3A_276 = tpu.vector_load %arg8[%get3A_275] {strides = array<i32>} : memref<528xi32, #tpu.memory_space<vmem>>, vector<16xi32>,
    %shift_right_arithmetic3A_277 = arith.constant 7 : i32
    %shift_right_arithmetic3A_278 = vector.broadcast %shift_right_arithmetic3A_277 : i32 to vector<16xi32>
    %shift_right_arithmetic3A_279 = arith.shrsi %get3A_272, %shift_right_arithmetic3A_278 : vector<16xi32>
    %shift_left3A_280 = arith.constant 7 : i32
    %shift_left3A_281 = vector.broadcast %shift_left3A_280 : i32 to vector<16xi32>
    %shift_left3A_282 = arith.shli %shift_right_arithmetic3A_279, %shift_left3A_281 : vector<16xi32>
    %shift_right_arithmetic3A_283 = arith.constant 7 : i32
    %shift_right_arithmetic3A_284 = vector.broadcast %shift_right_arithmetic3A_283 : i32 to vector<16xi32>
    %shift_right_arithmetic3A_285 = arith.shrsi %get3A_276, %shift_right_arithmetic3A_284 : vector<16xi32>
    %shift_left3A_286 = arith.constant 7 : i32
    %shift_left3A_287 = vector.broadcast %shift_left3A_286 : i32 to vector<16xi32>
    %shift_left3A_288 = arith.shli %shift_right_arithmetic3A_285, %shift_left3A_287 : vector<16xi32>
    %slice3A_289 = vector.extract_strided_slice %shift_left3A_282 {offsets = [0], sizes = [1], strides = [1]} : vector<16xi32> to vector<1xi32>
    %squeeze3A_290 = vector.extract %slice3A_289[0] : i32 from vector<1xi32>
    %multiple_of3A_291 = tpu.assume_multiple %squeeze3A_290, 128 : i32
    %slice3A_292 = vector.extract_strided_slice %shift_left3A_288 {offsets = [0], sizes = [1], strides = [1]} : vector<16xi32> to vector<1xi32>
    %squeeze3A_293 = vector.extract %slice3A_292[0] : i32 from vector<1xi32>
    %multiple_of3A_294 = tpu.assume_multiple %squeeze3A_293, 128 : i32
    %dma_start3A_295 = arith.constant 1 : i32
    %dma_start3A_296 = arith.constant 0 : i32
    %dma_start3A_297 = arith.constant 0 : i32
    %dma_start3A_298 = arith.constant 0 : i32
    %dma_start3A_299 = tpu.memref_slice %arg9[%dma_start3A_295, %dma_start3A_296, %dma_start3A_297, %dma_start3A_298] : memref<4x4x16x128xf32, #tpu.memory_space<vmem>> -> memref<1x1x8x128xf32, #tpu.memory_space<vmem>>
    %dma_start3A_300 = tpu.memref_squeeze %dma_start3A_299 : memref<1x1x8x128xf32, #tpu.memory_space<vmem>> -> memref<8x128xf32, #tpu.memory_space<vmem>>
    %dma_start3A_301 = arith.constant 0 : i32
    %dma_start3A_302 = tpu.memref_slice %arg4[%dma_start3A_301, %multiple_of3A_291] : memref<16x1000000xf32, #tpu.memory_space<hbm>> -> memref<8x128xf32, #tpu.memory_space<hbm>>
    %dma_start3A_303 = arith.constant 0 : i32
    %dma_start3A_304 = arith.constant 0 : i32
    %dma_start3A_305 = tpu.memref_slice %arg9[%dma_start3A_295, %dma_start3A_296, %dma_start3A_303, %dma_start3A_304] : memref<4x4x16x128xf32, #tpu.memory_space<vmem>> -> memref<1x1x8x128xf32, #tpu.memory_space<vmem>>
    %dma_start3A_306 = tpu.memref_squeeze %dma_start3A_305 : memref<1x1x8x128xf32, #tpu.memory_space<vmem>> -> memref<8x128xf32, #tpu.memory_space<vmem>>
    %dma_start3A_307 = arith.constant 0 : i32
    %dma_start3A_308 = tpu.memref_slice %arg4[%dma_start3A_307, %multiple_of3A_291] : memref<16x1000000xf32, #tpu.memory_space<hbm>> -> memref<8x128xf32, #tpu.memory_space<hbm>>
    tpu.enqueue_dma source(%dma_start3A_308 : memref<8x128xf32, #tpu.memory_space<hbm>>) target(%dma_start3A_306 : memref<8x128xf32, #tpu.memory_space<vmem>>) target_semaphore(%arg13 : memref<!tpu.dma_semaphore, #tpu.memory_space<semaphore_mem>>)
    %dma_start3A_309 = arith.constant 1 : i32
    %dma_start3A_310 = arith.constant 0 : i32
    %dma_start3A_311 = arith.constant 0 : i32
    %dma_start3A_312 = arith.constant 0 : i32
    %dma_start3A_313 = tpu.memref_slice %arg10[%dma_start3A_309, %dma_start3A_310, %dma_start3A_311, %dma_start3A_312] : memref<4x4x16x128xf32, #tpu.memory_space<vmem>> -> memref<1x1x8x128xf32, #tpu.memory_space<vmem>>
    %dma_start3A_314 = tpu.memref_squeeze %dma_start3A_313 : memref<1x1x8x128xf32, #tpu.memory_space<vmem>> -> memref<8x128xf32, #tpu.memory_space<vmem>>
    %dma_start3A_315 = arith.constant 0 : i32
    %dma_start3A_316 = tpu.memref_slice %arg5[%dma_start3A_315, %multiple_of3A_294] : memref<16x1000000xf32, #tpu.memory_space<hbm>> -> memref<8x128xf32, #tpu.memory_space<hbm>>
    %dma_start3A_317 = arith.constant 0 : i32
    %dma_start3A_318 = arith.constant 0 : i32
    %dma_start3A_319 = tpu.memref_slice %arg10[%dma_start3A_309, %dma_start3A_310, %dma_start3A_317, %dma_start3A_318] : memref<4x4x16x128xf32, #tpu.memory_space<vmem>> -> memref<1x1x8x128xf32, #tpu.memory_space<vmem>>
    %dma_start3A_320 = tpu.memref_squeeze %dma_start3A_319 : memref<1x1x8x128xf32, #tpu.memory_space<vmem>> -> memref<8x128xf32, #tpu.memory_space<vmem>>
    %dma_start3A_321 = arith.constant 0 : i32
    %dma_start3A_322 = tpu.memref_slice %arg5[%dma_start3A_321, %multiple_of3A_294] : memref<16x1000000xf32, #tpu.memory_space<hbm>> -> memref<8x128xf32, #tpu.memory_space<hbm>>
    tpu.enqueue_dma source(%dma_start3A_322 : memref<8x128xf32, #tpu.memory_space<hbm>>) target(%dma_start3A_320 : memref<8x128xf32, #tpu.memory_space<vmem>>) target_semaphore(%arg17 : memref<!tpu.dma_semaphore, #tpu.memory_space<semaphore_mem>>)
    %dma_start3A_323 = arith.constant 1 : i32
    %dma_start3A_324 = arith.constant 0 : i32
    %dma_start3A_325 = arith.constant 8 : i32
    %dma_start3A_326 = arith.constant 0 : i32
    %dma_start3A_327 = tpu.memref_slice %arg9[%dma_start3A_323, %dma_start3A_324, %dma_start3A_325, %dma_start3A_326] : memref<4x4x16x128xf32, #tpu.memory_space<vmem>> -> memref<1x1x8x128xf32, #tpu.memory_space<vmem>>
    %dma_start3A_328 = tpu.memref_squeeze %dma_start3A_327 : memref<1x1x8x128xf32, #tpu.memory_space<vmem>> -> memref<8x128xf32, #tpu.memory_space<vmem>>
    %dma_start3A_329 = arith.constant 8 : i32
    %dma_start3A_330 = tpu.memref_slice %arg4[%dma_start3A_329, %multiple_of3A_291] : memref<16x1000000xf32, #tpu.memory_space<hbm>> -> memref<8x128xf32, #tpu.memory_space<hbm>>
    %dma_start3A_331 = arith.constant 8 : i32
    %dma_start3A_332 = arith.constant 0 : i32
    %dma_start3A_333 = tpu.memref_slice %arg9[%dma_start3A_323, %dma_start3A_324, %dma_start3A_331, %dma_start3A_332] : memref<4x4x16x128xf32, #tpu.memory_space<vmem>> -> memref<1x1x8x128xf32, #tpu.memory_space<vmem>>
    %dma_start3A_334 = tpu.memref_squeeze %dma_start3A_333 : memref<1x1x8x128xf32, #tpu.memory_space<vmem>> -> memref<8x128xf32, #tpu.memory_space<vmem>>
    %dma_start3A_335 = arith.constant 8 : i32
    %dma_start3A_336 = tpu.memref_slice %arg4[%dma_start3A_335, %multiple_of3A_291] : memref<16x1000000xf32, #tpu.memory_space<hbm>> -> memref<8x128xf32, #tpu.memory_space<hbm>>
    tpu.enqueue_dma source(%dma_start3A_336 : memref<8x128xf32, #tpu.memory_space<hbm>>) target(%dma_start3A_334 : memref<8x128xf32, #tpu.memory_space<vmem>>) target_semaphore(%arg13 : memref<!tpu.dma_semaphore, #tpu.memory_space<semaphore_mem>>)
    %dma_start3A_337 = arith.constant 1 : i32
    %dma_start3A_338 = arith.constant 0 : i32
    %dma_start3A_339 = arith.constant 8 : i32
    %dma_start3A_340 = arith.constant 0 : i32
    %dma_start3A_341 = tpu.memref_slice %arg10[%dma_start3A_337, %dma_start3A_338, %dma_start3A_339, %dma_start3A_340] : memref<4x4x16x128xf32, #tpu.memory_space<vmem>> -> memref<1x1x8x128xf32, #tpu.memory_space<vmem>>
    %dma_start3A_342 = tpu.memref_squeeze %dma_start3A_341 : memref<1x1x8x128xf32, #tpu.memory_space<vmem>> -> memref<8x128xf32, #tpu.memory_space<vmem>>
    %dma_start3A_343 = arith.constant 8 : i32
    %dma_start3A_344 = tpu.memref_slice %arg5[%dma_start3A_343, %multiple_of3A_294] : memref<16x1000000xf32, #tpu.memory_space<hbm>> -> memref<8x128xf32, #tpu.memory_space<hbm>>
    %dma_start3A_345 = arith.constant 8 : i32
    %dma_start3A_346 = arith.constant 0 : i32
    %dma_start3A_347 = tpu.memref_slice %arg10[%dma_start3A_337, %dma_start3A_338, %dma_start3A_345, %dma_start3A_346] : memref<4x4x16x128xf32, #tpu.memory_space<vmem>> -> memref<1x1x8x128xf32, #tpu.memory_space<vmem>>
    %dma_start3A_348 = tpu.memref_squeeze %dma_start3A_347 : memref<1x1x8x128xf32, #tpu.memory_space<vmem>> -> memref<8x128xf32, #tpu.memory_space<vmem>>
    %dma_start3A_349 = arith.constant 8 : i32
    %dma_start3A_350 = tpu.memref_slice %arg5[%dma_start3A_349, %multiple_of3A_294] : memref<16x1000000xf32, #tpu.memory_space<hbm>> -> memref<8x128xf32, #tpu.memory_space<hbm>>
    tpu.enqueue_dma source(%dma_start3A_350 : memref<8x128xf32, #tpu.memory_space<hbm>>) target(%dma_start3A_348 : memref<8x128xf32, #tpu.memory_space<vmem>>) target_semaphore(%arg17 : memref<!tpu.dma_semaphore, #tpu.memory_space<semaphore_mem>>)
    %slice3A_351 = vector.extract_strided_slice %shift_left3A_282 {offsets = [1], sizes = [1], strides = [1]} : vector<16xi32> to vector<1xi32>
    %squeeze3A_352 = vector.extract %slice3A_351[0] : i32 from vector<1xi32>
    %multiple_of3A_353 = tpu.assume_multiple %squeeze3A_352, 128 : i32
    %slice3A_354 = vector.extract_strided_slice %shift_left3A_288 {offsets = [1], sizes = [1], strides = [1]} : vector<16xi32> to vector<1xi32>
    %squeeze3A_355 = vector.extract %slice3A_354[0] : i32 from vector<1xi32>
    %multiple_of3A_356 = tpu.assume_multiple %squeeze3A_355, 128 : i32
    %dma_start3A_357 = arith.constant 1 : i32
    %dma_start3A_358 = arith.constant 1 : i32
    %dma_start3A_359 = arith.constant 0 : i32
    %dma_start3A_360 = arith.constant 0 : i32
    %dma_start3A_361 = tpu.memref_slice %arg9[%dma_start3A_357, %dma_start3A_358, %dma_start3A_359, %dma_start3A_360] : memref<4x4x16x128xf32, #tpu.memory_space<vmem>> -> memref<1x1x8x128xf32, #tpu.memory_space<vmem>>
    %dma_start3A_362 = tpu.memref_squeeze %dma_start3A_361 : memref<1x1x8x128xf32, #tpu.memory_space<vmem>> -> memref<8x128xf32, #tpu.memory_space<vmem>>
    %dma_start3A_363 = arith.constant 0 : i32
    %dma_start3A_364 = tpu.memref_slice %arg4[%dma_start3A_363, %multiple_of3A_353] : memref<16x1000000xf32, #tpu.memory_space<hbm>> -> memref<8x128xf32, #tpu.memory_space<hbm>>
    %dma_start3A_365 = arith.constant 0 : i32
    %dma_start3A_366 = arith.constant 0 : i32
    %dma_start3A_367 = tpu.memref_slice %arg9[%dma_start3A_357, %dma_start3A_358, %dma_start3A_365, %dma_start3A_366] : memref<4x4x16x128xf32, #tpu.memory_space<vmem>> -> memref<1x1x8x128xf32, #tpu.memory_space<vmem>>
    %dma_start3A_368 = tpu.memref_squeeze %dma_start3A_367 : memref<1x1x8x128xf32, #tpu.memory_space<vmem>> -> memref<8x128xf32, #tpu.memory_space<vmem>>
    %dma_start3A_369 = arith.constant 0 : i32
    %dma_start3A_370 = tpu.memref_slice %arg4[%dma_start3A_369, %multiple_of3A_353] : memref<16x1000000xf32, #tpu.memory_space<hbm>> -> memref<8x128xf32, #tpu.memory_space<hbm>>
    tpu.enqueue_dma source(%dma_start3A_370 : memref<8x128xf32, #tpu.memory_space<hbm>>) target(%dma_start3A_368 : memref<8x128xf32, #tpu.memory_space<vmem>>) target_semaphore(%arg13 : memref<!tpu.dma_semaphore, #tpu.memory_space<semaphore_mem>>)
    %dma_start3A_371 = arith.constant 1 : i32
    %dma_start3A_372 = arith.constant 1 : i32
    %dma_start3A_373 = arith.constant 0 : i32
    %dma_start3A_374 = arith.constant 0 : i32
    %dma_start3A_375 = tpu.memref_slice %arg10[%dma_start3A_371, %dma_start3A_372, %dma_start3A_373, %dma_start3A_374] : memref<4x4x16x128xf32, #tpu.memory_space<vmem>> -> memref<1x1x8x128xf32, #tpu.memory_space<vmem>>
    %dma_start3A_376 = tpu.memref_squeeze %dma_start3A_375 : memref<1x1x8x128xf32, #tpu.memory_space<vmem>> -> memref<8x128xf32, #tpu.memory_space<vmem>>
    %dma_start3A_377 = arith.constant 0 : i32
    %dma_start3A_378 = tpu.memref_slice %arg5[%dma_start3A_377, %multiple_of3A_356] : memref<16x1000000xf32, #tpu.memory_space<hbm>> -> memref<8x128xf32, #tpu.memory_space<hbm>>
    %dma_start3A_379 = arith.constant 0 : i32
    %dma_start3A_380 = arith.constant 0 : i32
    %dma_start3A_381 = tpu.memref_slice %arg10[%dma_start3A_371, %dma_start3A_372, %dma_start3A_379, %dma_start3A_380] : memref<4x4x16x128xf32, #tpu.memory_space<vmem>> -> memref<1x1x8x128xf32, #tpu.memory_space<vmem>>
    %dma_start3A_382 = tpu.memref_squeeze %dma_start3A_381 : memref<1x1x8x128xf32, #tpu.memory_space<vmem>> -> memref<8x128xf32, #tpu.memory_space<vmem>>
    %dma_start3A_383 = arith.constant 0 : i32
    %dma_start3A_384 = tpu.memref_slice %arg5[%dma_start3A_383, %multiple_of3A_356] : memref<16x1000000xf32, #tpu.memory_space<hbm>> -> memref<8x128xf32, #tpu.memory_space<hbm>>
    tpu.enqueue_dma source(%dma_start3A_384 : memref<8x128xf32, #tpu.memory_space<hbm>>) target(%dma_start3A_382 : memref<8x128xf32, #tpu.memory_space<vmem>>) target_semaphore(%arg17 : memref<!tpu.dma_semaphore, #tpu.memory_space<semaphore_mem>>)
    %dma_start3A_385 = arith.constant 1 : i32
    %dma_start3A_386 = arith.constant 1 : i32
    %dma_start3A_387 = arith.constant 8 : i32
    %dma_start3A_388 = arith.constant 0 : i32
    %dma_start3A_389 = tpu.memref_slice %arg9[%dma_start3A_385, %dma_start3A_386, %dma_start3A_387, %dma_start3A_388] : memref<4x4x16x128xf32, #tpu.memory_space<vmem>> -> memref<1x1x8x128xf32, #tpu.memory_space<vmem>>
    %dma_start3A_390 = tpu.memref_squeeze %dma_start3A_389 : memref<1x1x8x128xf32, #tpu.memory_space<vmem>> -> memref<8x128xf32, #tpu.memory_space<vmem>>
    %dma_start3A_391 = arith.constant 8 : i32
    %dma_start3A_392 = tpu.memref_slice %arg4[%dma_start3A_391, %multiple_of3A_353] : memref<16x1000000xf32, #tpu.memory_space<hbm>> -> memref<8x128xf32, #tpu.memory_space<hbm>>
    %dma_start3A_393 = arith.constant 8 : i32
    %dma_start3A_394 = arith.constant 0 : i32
    %dma_start3A_395 = tpu.memref_slice %arg9[%dma_start3A_385, %dma_start3A_386, %dma_start3A_393, %dma_start3A_394] : memref<4x4x16x128xf32, #tpu.memory_space<vmem>> -> memref<1x1x8x128xf32, #tpu.memory_space<vmem>>
    %dma_start3A_396 = tpu.memref_squeeze %dma_start3A_395 : memref<1x1x8x128xf32, #tpu.memory_space<vmem>> -> memref<8x128xf32, #tpu.memory_space<vmem>>
    %dma_start3A_397 = arith.constant 8 : i32
    %dma_start3A_398 = tpu.memref_slice %arg4[%dma_start3A_397, %multiple_of3A_353] : memref<16x1000000xf32, #tpu.memory_space<hbm>> -> memref<8x128xf32, #tpu.memory_space<hbm>>
    tpu.enqueue_dma source(%dma_start3A_398 : memref<8x128xf32, #tpu.memory_space<hbm>>) target(%dma_start3A_396 : memref<8x128xf32, #tpu.memory_space<vmem>>) target_semaphore(%arg13 : memref<!tpu.dma_semaphore, #tpu.memory_space<semaphore_mem>>)
    %dma_start3A_399 = arith.constant 1 : i32
    %dma_start3A_400 = arith.constant 1 : i32
    %dma_start3A_401 = arith.constant 8 : i32
    %dma_start3A_402 = arith.constant 0 : i32
    %dma_start3A_403 = tpu.memref_slice %arg10[%dma_start3A_399, %dma_start3A_400, %dma_start3A_401, %dma_start3A_402] : memref<4x4x16x128xf32, #tpu.memory_space<vmem>> -> memref<1x1x8x128xf32, #tpu.memory_space<vmem>>
    %dma_start3A_404 = tpu.memref_squeeze %dma_start3A_403 : memref<1x1x8x128xf32, #tpu.memory_space<vmem>> -> memref<8x128xf32, #tpu.memory_space<vmem>>
    %dma_start3A_405 = arith.constant 8 : i32
    %dma_start3A_406 = tpu.memref_slice %arg5[%dma_start3A_405, %multiple_of3A_356] : memref<16x1000000xf32, #tpu.memory_space<hbm>> -> memref<8x128xf32, #tpu.memory_space<hbm>>
    %dma_start3A_407 = arith.constant 8 : i32
    %dma_start3A_408 = arith.constant 0 : i32
    %dma_start3A_409 = tpu.memref_slice %arg10[%dma_start3A_399, %dma_start3A_400, %dma_start3A_407, %dma_start3A_408] : memref<4x4x16x128xf32, #tpu.memory_space<vmem>> -> memref<1x1x8x128xf32, #tpu.memory_space<vmem>>
    %dma_start3A_410 = tpu.memref_squeeze %dma_start3A_409 : memref<1x1x8x128xf32, #tpu.memory_space<vmem>> -> memref<8x128xf32, #tpu.memory_space<vmem>>
    %dma_start3A_411 = arith.constant 8 : i32
    %dma_start3A_412 = tpu.memref_slice %arg5[%dma_start3A_411, %multiple_of3A_356] : memref<16x1000000xf32, #tpu.memory_space<hbm>> -> memref<8x128xf32, #tpu.memory_space<hbm>>
    tpu.enqueue_dma source(%dma_start3A_412 : memref<8x128xf32, #tpu.memory_space<hbm>>) target(%dma_start3A_410 : memref<8x128xf32, #tpu.memory_space<vmem>>) target_semaphore(%arg17 : memref<!tpu.dma_semaphore, #tpu.memory_space<semaphore_mem>>)
    %slice3A_413 = vector.extract_strided_slice %shift_left3A_282 {offsets = [2], sizes = [1], strides = [1]} : vector<16xi32> to vector<1xi32>
    %squeeze3A_414 = vector.extract %slice3A_413[0] : i32 from vector<1xi32>
    %multiple_of3A_415 = tpu.assume_multiple %squeeze3A_414, 128 : i32
    %slice3A_416 = vector.extract_strided_slice %shift_left3A_288 {offsets = [2], sizes = [1], strides = [1]} : vector<16xi32> to vector<1xi32>
    %squeeze3A_417 = vector.extract %slice3A_416[0] : i32 from vector<1xi32>
    %multiple_of3A_418 = tpu.assume_multiple %squeeze3A_417, 128 : i32
    %dma_start3A_419 = arith.constant 1 : i32
    %dma_start3A_420 = arith.constant 2 : i32
    %dma_start3A_421 = arith.constant 0 : i32
    %dma_start3A_422 = arith.constant 0 : i32
    %dma_start3A_423 = tpu.memref_slice %arg9[%dma_start3A_419, %dma_start3A_420, %dma_start3A_421, %dma_start3A_422] : memref<4x4x16x128xf32, #tpu.memory_space<vmem>> -> memref<1x1x8x128xf32, #tpu.memory_space<vmem>>
    %dma_start3A_424 = tpu.memref_squeeze %dma_start3A_423 : memref<1x1x8x128xf32, #tpu.memory_space<vmem>> -> memref<8x128xf32, #tpu.memory_space<vmem>>
    %dma_start3A_425 = arith.constant 0 : i32
    %dma_start3A_426 = tpu.memref_slice %arg4[%dma_start3A_425, %multiple_of3A_415] : memref<16x1000000xf32, #tpu.memory_space<hbm>> -> memref<8x128xf32, #tpu.memory_space<hbm>>
    %dma_start3A_427 = arith.constant 0 : i32
    %dma_start3A_428 = arith.constant 0 : i32
    %dma_start3A_429 = tpu.memref_slice %arg9[%dma_start3A_419, %dma_start3A_420, %dma_start3A_427, %dma_start3A_428] : memref<4x4x16x128xf32, #tpu.memory_space<vmem>> -> memref<1x1x8x128xf32, #tpu.memory_space<vmem>>
    %dma_start3A_430 = tpu.memref_squeeze %dma_start3A_429 : memref<1x1x8x128xf32, #tpu.memory_space<vmem>> -> memref<8x128xf32, #tpu.memory_space<vmem>>
    %dma_start3A_431 = arith.constant 0 : i32
    %dma_start3A_432 = tpu.memref_slice %arg4[%dma_start3A_431, %multiple_of3A_415] : memref<16x1000000xf32, #tpu.memory_space<hbm>> -> memref<8x128xf32, #tpu.memory_space<hbm>>
    tpu.enqueue_dma source(%dma_start3A_432 : memref<8x128xf32, #tpu.memory_space<hbm>>) target(%dma_start3A_430 : memref<8x128xf32, #tpu.memory_space<vmem>>) target_semaphore(%arg13 : memref<!tpu.dma_semaphore, #tpu.memory_space<semaphore_mem>>)
    %dma_start3A_433 = arith.constant 1 : i32
    %dma_start3A_434 = arith.constant 2 : i32
    %dma_start3A_435 = arith.constant 0 : i32
    %dma_start3A_436 = arith.constant 0 : i32
    %dma_start3A_437 = tpu.memref_slice %arg10[%dma_start3A_433, %dma_start3A_434, %dma_start3A_435, %dma_start3A_436] : memref<4x4x16x128xf32, #tpu.memory_space<vmem>> -> memref<1x1x8x128xf32, #tpu.memory_space<vmem>>
    %dma_start3A_438 = tpu.memref_squeeze %dma_start3A_437 : memref<1x1x8x128xf32, #tpu.memory_space<vmem>> -> memref<8x128xf32, #tpu.memory_space<vmem>>
    %dma_start3A_439 = arith.constant 0 : i32
    %dma_start3A_440 = tpu.memref_slice %arg5[%dma_start3A_439, %multiple_of3A_418] : memref<16x1000000xf32, #tpu.memory_space<hbm>> -> memref<8x128xf32, #tpu.memory_space<hbm>>
    %dma_start3A_441 = arith.constant 0 : i32
    %dma_start3A_442 = arith.constant 0 : i32
    %dma_start3A_443 = tpu.memref_slice %arg10[%dma_start3A_433, %dma_start3A_434, %dma_start3A_441, %dma_start3A_442] : memref<4x4x16x128xf32, #tpu.memory_space<vmem>> -> memref<1x1x8x128xf32, #tpu.memory_space<vmem>>
    %dma_start3A_444 = tpu.memref_squeeze %dma_start3A_443 : memref<1x1x8x128xf32, #tpu.memory_space<vmem>> -> memref<8x128xf32, #tpu.memory_space<vmem>>
    %dma_start3A_445 = arith.constant 0 : i32
    %dma_start3A_446 = tpu.memref_slice %arg5[%dma_start3A_445, %multiple_of3A_418] : memref<16x1000000xf32, #tpu.memory_space<hbm>> -> memref<8x128xf32, #tpu.memory_space<hbm>>
    tpu.enqueue_dma source(%dma_start3A_446 : memref<8x128xf32, #tpu.memory_space<hbm>>) target(%dma_start3A_444 : memref<8x128xf32, #tpu.memory_space<vmem>>) target_semaphore(%arg17 : memref<!tpu.dma_semaphore, #tpu.memory_space<semaphore_mem>>)
    %dma_start3A_447 = arith.constant 1 : i32
    %dma_start3A_448 = arith.constant 2 : i32
    %dma_start3A_449 = arith.constant 8 : i32
    %dma_start3A_450 = arith.constant 0 : i32
    %dma_start3A_451 = tpu.memref_slice %arg9[%dma_start3A_447, %dma_start3A_448, %dma_start3A_449, %dma_start3A_450] : memref<4x4x16x128xf32, #tpu.memory_space<vmem>> -> memref<1x1x8x128xf32, #tpu.memory_space<vmem>>
    %dma_start3A_452 = tpu.memref_squeeze %dma_start3A_451 : memref<1x1x8x128xf32, #tpu.memory_space<vmem>> -> memref<8x128xf32, #tpu.memory_space<vmem>>
    %dma_start3A_453 = arith.constant 8 : i32
    %dma_start3A_454 = tpu.memref_slice %arg4[%dma_start3A_453, %multiple_of3A_415] : memref<16x1000000xf32, #tpu.memory_space<hbm>> -> memref<8x128xf32, #tpu.memory_space<hbm>>
    %dma_start3A_455 = arith.constant 8 : i32
    %dma_start3A_456 = arith.constant 0 : i32
    %dma_start3A_457 = tpu.memref_slice %arg9[%dma_start3A_447, %dma_start3A_448, %dma_start3A_455, %dma_start3A_456] : memref<4x4x16x128xf32, #tpu.memory_space<vmem>> -> memref<1x1x8x128xf32, #tpu.memory_space<vmem>>
    %dma_start3A_458 = tpu.memref_squeeze %dma_start3A_457 : memref<1x1x8x128xf32, #tpu.memory_space<vmem>> -> memref<8x128xf32, #tpu.memory_space<vmem>>
    %dma_start3A_459 = arith.constant 8 : i32
    %dma_start3A_460 = tpu.memref_slice %arg4[%dma_start3A_459, %multiple_of3A_415] : memref<16x1000000xf32, #tpu.memory_space<hbm>> -> memref<8x128xf32, #tpu.memory_space<hbm>>
    tpu.enqueue_dma source(%dma_start3A_460 : memref<8x128xf32, #tpu.memory_space<hbm>>) target(%dma_start3A_458 : memref<8x128xf32, #tpu.memory_space<vmem>>) target_semaphore(%arg13 : memref<!tpu.dma_semaphore, #tpu.memory_space<semaphore_mem>>)
    %dma_start3A_461 = arith.constant 1 : i32
    %dma_start3A_462 = arith.constant 2 : i32
    %dma_start3A_463 = arith.constant 8 : i32
    %dma_start3A_464 = arith.constant 0 : i32
    %dma_start3A_465 = tpu.memref_slice %arg10[%dma_start3A_461, %dma_start3A_462, %dma_start3A_463, %dma_start3A_464] : memref<4x4x16x128xf32, #tpu.memory_space<vmem>> -> memref<1x1x8x128xf32, #tpu.memory_space<vmem>>
    %dma_start3A_466 = tpu.memref_squeeze %dma_start3A_465 : memref<1x1x8x128xf32, #tpu.memory_space<vmem>> -> memref<8x128xf32, #tpu.memory_space<vmem>>
    %dma_start3A_467 = arith.constant 8 : i32
    %dma_start3A_468 = tpu.memref_slice %arg5[%dma_start3A_467, %multiple_of3A_418] : memref<16x1000000xf32, #tpu.memory_space<hbm>> -> memref<8x128xf32, #tpu.memory_space<hbm>>
    %dma_start3A_469 = arith.constant 8 : i32
    %dma_start3A_470 = arith.constant 0 : i32
    %dma_start3A_471 = tpu.memref_slice %arg10[%dma_start3A_461, %dma_start3A_462, %dma_start3A_469, %dma_start3A_470] : memref<4x4x16x128xf32, #tpu.memory_space<vmem>> -> memref<1x1x8x128xf32, #tpu.memory_space<vmem>>
    %dma_start3A_472 = tpu.memref_squeeze %dma_start3A_471 : memref<1x1x8x128xf32, #tpu.memory_space<vmem>> -> memref<8x128xf32, #tpu.memory_space<vmem>>
    %dma_start3A_473 = arith.constant 8 : i32
    %dma_start3A_474 = tpu.memref_slice %arg5[%dma_start3A_473, %multiple_of3A_418] : memref<16x1000000xf32, #tpu.memory_space<hbm>> -> memref<8x128xf32, #tpu.memory_space<hbm>>
    tpu.enqueue_dma source(%dma_start3A_474 : memref<8x128xf32, #tpu.memory_space<hbm>>) target(%dma_start3A_472 : memref<8x128xf32, #tpu.memory_space<vmem>>) target_semaphore(%arg17 : memref<!tpu.dma_semaphore, #tpu.memory_space<semaphore_mem>>)
    %slice3A_475 = vector.extract_strided_slice %shift_left3A_282 {offsets = [3], sizes = [1], strides = [1]} : vector<16xi32> to vector<1xi32>
    %squeeze3A_476 = vector.extract %slice3A_475[0] : i32 from vector<1xi32>
    %multiple_of3A_477 = tpu.assume_multiple %squeeze3A_476, 128 : i32
    %slice3A_478 = vector.extract_strided_slice %shift_left3A_288 {offsets = [3], sizes = [1], strides = [1]} : vector<16xi32> to vector<1xi32>
    %squeeze3A_479 = vector.extract %slice3A_478[0] : i32 from vector<1xi32>
    %multiple_of3A_480 = tpu.assume_multiple %squeeze3A_479, 128 : i32
    %dma_start3A_481 = arith.constant 1 : i32
    %dma_start3A_482 = arith.constant 3 : i32
    %dma_start3A_483 = arith.constant 0 : i32
    %dma_start3A_484 = arith.constant 0 : i32
    %dma_start3A_485 = tpu.memref_slice %arg9[%dma_start3A_481, %dma_start3A_482, %dma_start3A_483, %dma_start3A_484] : memref<4x4x16x128xf32, #tpu.memory_space<vmem>> -> memref<1x1x8x128xf32, #tpu.memory_space<vmem>>
    %dma_start3A_486 = tpu.memref_squeeze %dma_start3A_485 : memref<1x1x8x128xf32, #tpu.memory_space<vmem>> -> memref<8x128xf32, #tpu.memory_space<vmem>>
    %dma_start3A_487 = arith.constant 0 : i32
    %dma_start3A_488 = tpu.memref_slice %arg4[%dma_start3A_487, %multiple_of3A_477] : memref<16x1000000xf32, #tpu.memory_space<hbm>> -> memref<8x128xf32, #tpu.memory_space<hbm>>
    %dma_start3A_489 = arith.constant 0 : i32
    %dma_start3A_490 = arith.constant 0 : i32
    %dma_start3A_491 = tpu.memref_slice %arg9[%dma_start3A_481, %dma_start3A_482, %dma_start3A_489, %dma_start3A_490] : memref<4x4x16x128xf32, #tpu.memory_space<vmem>> -> memref<1x1x8x128xf32, #tpu.memory_space<vmem>>
    %dma_start3A_492 = tpu.memref_squeeze %dma_start3A_491 : memref<1x1x8x128xf32, #tpu.memory_space<vmem>> -> memref<8x128xf32, #tpu.memory_space<vmem>>
    %dma_start3A_493 = arith.constant 0 : i32
    %dma_start3A_494 = tpu.memref_slice %arg4[%dma_start3A_493, %multiple_of3A_477] : memref<16x1000000xf32, #tpu.memory_space<hbm>> -> memref<8x128xf32, #tpu.memory_space<hbm>>
    tpu.enqueue_dma source(%dma_start3A_494 : memref<8x128xf32, #tpu.memory_space<hbm>>) target(%dma_start3A_492 : memref<8x128xf32, #tpu.memory_space<vmem>>) target_semaphore(%arg13 : memref<!tpu.dma_semaphore, #tpu.memory_space<semaphore_mem>>)
    %dma_start3A_495 = arith.constant 1 : i32
    %dma_start3A_496 = arith.constant 3 : i32
    %dma_start3A_497 = arith.constant 0 : i32
    %dma_start3A_498 = arith.constant 0 : i32
    %dma_start3A_499 = tpu.memref_slice %arg10[%dma_start3A_495, %dma_start3A_496, %dma_start3A_497, %dma_start3A_498] : memref<4x4x16x128xf32, #tpu.memory_space<vmem>> -> memref<1x1x8x128xf32, #tpu.memory_space<vmem>>
    %dma_start3A_500 = tpu.memref_squeeze %dma_start3A_499 : memref<1x1x8x128xf32, #tpu.memory_space<vmem>> -> memref<8x128xf32, #tpu.memory_space<vmem>>
    %dma_start3A_501 = arith.constant 0 : i32
    %dma_start3A_502 = tpu.memref_slice %arg5[%dma_start3A_501, %multiple_of3A_480] : memref<16x1000000xf32, #tpu.memory_space<hbm>> -> memref<8x128xf32, #tpu.memory_space<hbm>>
    %dma_start3A_503 = arith.constant 0 : i32
    %dma_start3A_504 = arith.constant 0 : i32
    %dma_start3A_505 = tpu.memref_slice %arg10[%dma_start3A_495, %dma_start3A_496, %dma_start3A_503, %dma_start3A_504] : memref<4x4x16x128xf32, #tpu.memory_space<vmem>> -> memref<1x1x8x128xf32, #tpu.memory_space<vmem>>
    %dma_start3A_506 = tpu.memref_squeeze %dma_start3A_505 : memref<1x1x8x128xf32, #tpu.memory_space<vmem>> -> memref<8x128xf32, #tpu.memory_space<vmem>>
    %dma_start3A_507 = arith.constant 0 : i32
    %dma_start3A_508 = tpu.memref_slice %arg5[%dma_start3A_507, %multiple_of3A_480] : memref<16x1000000xf32, #tpu.memory_space<hbm>> -> memref<8x128xf32, #tpu.memory_space<hbm>>
    tpu.enqueue_dma source(%dma_start3A_508 : memref<8x128xf32, #tpu.memory_space<hbm>>) target(%dma_start3A_506 : memref<8x128xf32, #tpu.memory_space<vmem>>) target_semaphore(%arg17 : memref<!tpu.dma_semaphore, #tpu.memory_space<semaphore_mem>>)
    %dma_start3A_509 = arith.constant 1 : i32
    %dma_start3A_510 = arith.constant 3 : i32
    %dma_start3A_511 = arith.constant 8 : i32
    %dma_start3A_512 = arith.constant 0 : i32
    %dma_start3A_513 = tpu.memref_slice %arg9[%dma_start3A_509, %dma_start3A_510, %dma_start3A_511, %dma_start3A_512] : memref<4x4x16x128xf32, #tpu.memory_space<vmem>> -> memref<1x1x8x128xf32, #tpu.memory_space<vmem>>
    %dma_start3A_514 = tpu.memref_squeeze %dma_start3A_513 : memref<1x1x8x128xf32, #tpu.memory_space<vmem>> -> memref<8x128xf32, #tpu.memory_space<vmem>>
    %dma_start3A_515 = arith.constant 8 : i32
    %dma_start3A_516 = tpu.memref_slice %arg4[%dma_start3A_515, %multiple_of3A_477] : memref<16x1000000xf32, #tpu.memory_space<hbm>> -> memref<8x128xf32, #tpu.memory_space<hbm>>
    %dma_start3A_517 = arith.constant 8 : i32
    %dma_start3A_518 = arith.constant 0 : i32
    %dma_start3A_519 = tpu.memref_slice %arg9[%dma_start3A_509, %dma_start3A_510, %dma_start3A_517, %dma_start3A_518] : memref<4x4x16x128xf32, #tpu.memory_space<vmem>> -> memref<1x1x8x128xf32, #tpu.memory_space<vmem>>
    %dma_start3A_520 = tpu.memref_squeeze %dma_start3A_519 : memref<1x1x8x128xf32, #tpu.memory_space<vmem>> -> memref<8x128xf32, #tpu.memory_space<vmem>>
    %dma_start3A_521 = arith.constant 8 : i32
    %dma_start3A_522 = tpu.memref_slice %arg4[%dma_start3A_521, %multiple_of3A_477] : memref<16x1000000xf32, #tpu.memory_space<hbm>> -> memref<8x128xf32, #tpu.memory_space<hbm>>
    tpu.enqueue_dma source(%dma_start3A_522 : memref<8x128xf32, #tpu.memory_space<hbm>>) target(%dma_start3A_520 : memref<8x128xf32, #tpu.memory_space<vmem>>) target_semaphore(%arg13 : memref<!tpu.dma_semaphore, #tpu.memory_space<semaphore_mem>>)
    %dma_start3A_523 = arith.constant 1 : i32
    %dma_start3A_524 = arith.constant 3 : i32
    %dma_start3A_525 = arith.constant 8 : i32
    %dma_start3A_526 = arith.constant 0 : i32
    %dma_start3A_527 = tpu.memref_slice %arg10[%dma_start3A_523, %dma_start3A_524, %dma_start3A_525, %dma_start3A_526] : memref<4x4x16x128xf32, #tpu.memory_space<vmem>> -> memref<1x1x8x128xf32, #tpu.memory_space<vmem>>
    %dma_start3A_528 = tpu.memref_squeeze %dma_start3A_527 : memref<1x1x8x128xf32, #tpu.memory_space<vmem>> -> memref<8x128xf32, #tpu.memory_space<vmem>>
    %dma_start3A_529 = arith.constant 8 : i32
    %dma_start3A_530 = tpu.memref_slice %arg5[%dma_start3A_529, %multiple_of3A_480] : memref<16x1000000xf32, #tpu.memory_space<hbm>> -> memref<8x128xf32, #tpu.memory_space<hbm>>
    %dma_start3A_531 = arith.constant 8 : i32
    %dma_start3A_532 = arith.constant 0 : i32
    %dma_start3A_533 = tpu.memref_slice %arg10[%dma_start3A_523, %dma_start3A_524, %dma_start3A_531, %dma_start3A_532] : memref<4x4x16x128xf32, #tpu.memory_space<vmem>> -> memref<1x1x8x128xf32, #tpu.memory_space<vmem>>
    %dma_start3A_534 = tpu.memref_squeeze %dma_start3A_533 : memref<1x1x8x128xf32, #tpu.memory_space<vmem>> -> memref<8x128xf32, #tpu.memory_space<vmem>>
    %dma_start3A_535 = arith.constant 8 : i32
    %dma_start3A_536 = tpu.memref_slice %arg5[%dma_start3A_535, %multiple_of3A_480] : memref<16x1000000xf32, #tpu.memory_space<hbm>> -> memref<8x128xf32, #tpu.memory_space<hbm>>
    tpu.enqueue_dma source(%dma_start3A_536 : memref<8x128xf32, #tpu.memory_space<hbm>>) target(%dma_start3A_534 : memref<8x128xf32, #tpu.memory_space<vmem>>) target_semaphore(%arg17 : memref<!tpu.dma_semaphore, #tpu.memory_space<semaphore_mem>>)
    %min3A_537 = arith.constant 2 : i32
    %min3A_538 = arith.constant 127 : i32
    %min3A_539 = arith.minsi %min3A_537, %min3A_538 : i32
    %mul3A_540 = arith.constant 4 : i32
    %mul3A_541 = arith.muli %min3A_539, %mul3A_540 : i32
    %get3A_542 = arith.index_cast %mul3A_541 : i32 to index
    %get3A_543 = tpu.vector_load %arg7[%get3A_542] {strides = array<i32>} : memref<528xi32, #tpu.memory_space<vmem>>, vector<16xi32>,
    %mul3A_544 = arith.constant 4 : i32
    %mul3A_545 = arith.muli %min3A_539, %mul3A_544 : i32
    %get3A_546 = arith.index_cast %mul3A_545 : i32 to index
    %get3A_547 = tpu.vector_load %arg8[%get3A_546] {strides = array<i32>} : memref<528xi32, #tpu.memory_space<vmem>>, vector<16xi32>,
    %shift_right_arithmetic3A_548 = arith.constant 7 : i32
    %shift_right_arithmetic3A_549 = vector.broadcast %shift_right_arithmetic3A_548 : i32 to vector<16xi32>
    %shift_right_arithmetic3A_550 = arith.shrsi %get3A_543, %shift_right_arithmetic3A_549 : vector<16xi32>
    %shift_left3A_551 = arith.constant 7 : i32
    %shift_left3A_552 = vector.broadcast %shift_left3A_551 : i32 to vector<16xi32>
    %shift_left3A_553 = arith.shli %shift_right_arithmetic3A_550, %shift_left3A_552 : vector<16xi32>
    %shift_right_arithmetic3A_554 = arith.constant 7 : i32
    %shift_right_arithmetic3A_555 = vector.broadcast %shift_right_arithmetic3A_554 : i32 to vector<16xi32>
    %shift_right_arithmetic3A_556 = arith.shrsi %get3A_547, %shift_right_arithmetic3A_555 : vector<16xi32>
    %shift_left3A_557 = arith.constant 7 : i32
    %shift_left3A_558 = vector.broadcast %shift_left3A_557 : i32 to vector<16xi32>
    %shift_left3A_559 = arith.shli %shift_right_arithmetic3A_556, %shift_left3A_558 : vector<16xi32>
    %slice3A_560 = vector.extract_strided_slice %shift_left3A_553 {offsets = [0], sizes = [1], strides = [1]} : vector<16xi32> to vector<1xi32>
    %squeeze3A_561 = vector.extract %slice3A_560[0] : i32 from vector<1xi32>
    %multiple_of3A_562 = tpu.assume_multiple %squeeze3A_561, 128 : i32
    %slice3A_563 = vector.extract_strided_slice %shift_left3A_559 {offsets = [0], sizes = [1], strides = [1]} : vector<16xi32> to vector<1xi32>
    %squeeze3A_564 = vector.extract %slice3A_563[0] : i32 from vector<1xi32>
    %multiple_of3A_565 = tpu.assume_multiple %squeeze3A_564, 128 : i32
    %dma_start3A_566 = arith.constant 2 : i32
    %dma_start3A_567 = arith.constant 0 : i32
    %dma_start3A_568 = arith.constant 0 : i32
    %dma_start3A_569 = arith.constant 0 : i32
    %dma_start3A_570 = tpu.memref_slice %arg9[%dma_start3A_566, %dma_start3A_567, %dma_start3A_568, %dma_start3A_569] : memref<4x4x16x128xf32, #tpu.memory_space<vmem>> -> memref<1x1x8x128xf32, #tpu.memory_space<vmem>>
    %dma_start3A_571 = tpu.memref_squeeze %dma_start3A_570 : memref<1x1x8x128xf32, #tpu.memory_space<vmem>> -> memref<8x128xf32, #tpu.memory_space<vmem>>
    %dma_start3A_572 = arith.constant 0 : i32
    %dma_start3A_573 = tpu.memref_slice %arg4[%dma_start3A_572, %multiple_of3A_562] : memref<16x1000000xf32, #tpu.memory_space<hbm>> -> memref<8x128xf32, #tpu.memory_space<hbm>>
    %dma_start3A_574 = arith.constant 0 : i32
    %dma_start3A_575 = arith.constant 0 : i32
    %dma_start3A_576 = tpu.memref_slice %arg9[%dma_start3A_566, %dma_start3A_567, %dma_start3A_574, %dma_start3A_575] : memref<4x4x16x128xf32, #tpu.memory_space<vmem>> -> memref<1x1x8x128xf32, #tpu.memory_space<vmem>>
    %dma_start3A_577 = tpu.memref_squeeze %dma_start3A_576 : memref<1x1x8x128xf32, #tpu.memory_space<vmem>> -> memref<8x128xf32, #tpu.memory_space<vmem>>
    %dma_start3A_578 = arith.constant 0 : i32
    %dma_start3A_579 = tpu.memref_slice %arg4[%dma_start3A_578, %multiple_of3A_562] : memref<16x1000000xf32, #tpu.memory_space<hbm>> -> memref<8x128xf32, #tpu.memory_space<hbm>>
    tpu.enqueue_dma source(%dma_start3A_579 : memref<8x128xf32, #tpu.memory_space<hbm>>) target(%dma_start3A_577 : memref<8x128xf32, #tpu.memory_space<vmem>>) target_semaphore(%arg14 : memref<!tpu.dma_semaphore, #tpu.memory_space<semaphore_mem>>)
    %dma_start3A_580 = arith.constant 2 : i32
    %dma_start3A_581 = arith.constant 0 : i32
    %dma_start3A_582 = arith.constant 0 : i32
    %dma_start3A_583 = arith.constant 0 : i32
    %dma_start3A_584 = tpu.memref_slice %arg10[%dma_start3A_580, %dma_start3A_581, %dma_start3A_582, %dma_start3A_583] : memref<4x4x16x128xf32, #tpu.memory_space<vmem>> -> memref<1x1x8x128xf32, #tpu.memory_space<vmem>>
    %dma_start3A_585 = tpu.memref_squeeze %dma_start3A_584 : memref<1x1x8x128xf32, #tpu.memory_space<vmem>> -> memref<8x128xf32, #tpu.memory_space<vmem>>
    %dma_start3A_586 = arith.constant 0 : i32
    %dma_start3A_587 = tpu.memref_slice %arg5[%dma_start3A_586, %multiple_of3A_565] : memref<16x1000000xf32, #tpu.memory_space<hbm>> -> memref<8x128xf32, #tpu.memory_space<hbm>>
    %dma_start3A_588 = arith.constant 0 : i32
    %dma_start3A_589 = arith.constant 0 : i32
    %dma_start3A_590 = tpu.memref_slice %arg10[%dma_start3A_580, %dma_start3A_581, %dma_start3A_588, %dma_start3A_589] : memref<4x4x16x128xf32, #tpu.memory_space<vmem>> -> memref<1x1x8x128xf32, #tpu.memory_space<vmem>>
    %dma_start3A_591 = tpu.memref_squeeze %dma_start3A_590 : memref<1x1x8x128xf32, #tpu.memory_space<vmem>> -> memref<8x128xf32, #tpu.memory_space<vmem>>
    %dma_start3A_592 = arith.constant 0 : i32
    %dma_start3A_593 = tpu.memref_slice %arg5[%dma_start3A_592, %multiple_of3A_565] : memref<16x1000000xf32, #tpu.memory_space<hbm>> -> memref<8x128xf32, #tpu.memory_space<hbm>>
    tpu.enqueue_dma source(%dma_start3A_593 : memref<8x128xf32, #tpu.memory_space<hbm>>) target(%dma_start3A_591 : memref<8x128xf32, #tpu.memory_space<vmem>>) target_semaphore(%arg18 : memref<!tpu.dma_semaphore, #tpu.memory_space<semaphore_mem>>)
    %dma_start3A_594 = arith.constant 2 : i32
    %dma_start3A_595 = arith.constant 0 : i32
    %dma_start3A_596 = arith.constant 8 : i32
    %dma_start3A_597 = arith.constant 0 : i32
    %dma_start3A_598 = tpu.memref_slice %arg9[%dma_start3A_594, %dma_start3A_595, %dma_start3A_596, %dma_start3A_597] : memref<4x4x16x128xf32, #tpu.memory_space<vmem>> -> memref<1x1x8x128xf32, #tpu.memory_space<vmem>>
    %dma_start3A_599 = tpu.memref_squeeze %dma_start3A_598 : memref<1x1x8x128xf32, #tpu.memory_space<vmem>> -> memref<8x128xf32, #tpu.memory_space<vmem>>
    %dma_start3A_600 = arith.constant 8 : i32
    %dma_start3A_601 = tpu.memref_slice %arg4[%dma_start3A_600, %multiple_of3A_562] : memref<16x1000000xf32, #tpu.memory_space<hbm>> -> memref<8x128xf32, #tpu.memory_space<hbm>>
    %dma_start3A_602 = arith.constant 8 : i32
    %dma_start3A_603 = arith.constant 0 : i32
    %dma_start3A_604 = tpu.memref_slice %arg9[%dma_start3A_594, %dma_start3A_595, %dma_start3A_602, %dma_start3A_603] : memref<4x4x16x128xf32, #tpu.memory_space<vmem>> -> memref<1x1x8x128xf32, #tpu.memory_space<vmem>>
    %dma_start3A_605 = tpu.memref_squeeze %dma_start3A_604 : memref<1x1x8x128xf32, #tpu.memory_space<vmem>> -> memref<8x128xf32, #tpu.memory_space<vmem>>
    %dma_start3A_606 = arith.constant 8 : i32
    %dma_start3A_607 = tpu.memref_slice %arg4[%dma_start3A_606, %multiple_of3A_562] : memref<16x1000000xf32, #tpu.memory_space<hbm>> -> memref<8x128xf32, #tpu.memory_space<hbm>>
    tpu.enqueue_dma source(%dma_start3A_607 : memref<8x128xf32, #tpu.memory_space<hbm>>) target(%dma_start3A_605 : memref<8x128xf32, #tpu.memory_space<vmem>>) target_semaphore(%arg14 : memref<!tpu.dma_semaphore, #tpu.memory_space<semaphore_mem>>)
    %dma_start3A_608 = arith.constant 2 : i32
    %dma_start3A_609 = arith.constant 0 : i32
    %dma_start3A_610 = arith.constant 8 : i32
    %dma_start3A_611 = arith.constant 0 : i32
    %dma_start3A_612 = tpu.memref_slice %arg10[%dma_start3A_608, %dma_start3A_609, %dma_start3A_610, %dma_start3A_611] : memref<4x4x16x128xf32, #tpu.memory_space<vmem>> -> memref<1x1x8x128xf32, #tpu.memory_space<vmem>>
    %dma_start3A_613 = tpu.memref_squeeze %dma_start3A_612 : memref<1x1x8x128xf32, #tpu.memory_space<vmem>> -> memref<8x128xf32, #tpu.memory_space<vmem>>
    %dma_start3A_614 = arith.constant 8 : i32
    %dma_start3A_615 = tpu.memref_slice %arg5[%dma_start3A_614, %multiple_of3A_565] : memref<16x1000000xf32, #tpu.memory_space<hbm>> -> memref<8x128xf32, #tpu.memory_space<hbm>>
    %dma_start3A_616 = arith.constant 8 : i32
    %dma_start3A_617 = arith.constant 0 : i32
    %dma_start3A_618 = tpu.memref_slice %arg10[%dma_start3A_608, %dma_start3A_609, %dma_start3A_616, %dma_start3A_617] : memref<4x4x16x128xf32, #tpu.memory_space<vmem>> -> memref<1x1x8x128xf32, #tpu.memory_space<vmem>>
    %dma_start3A_619 = tpu.memref_squeeze %dma_start3A_618 : memref<1x1x8x128xf32, #tpu.memory_space<vmem>> -> memref<8x128xf32, #tpu.memory_space<vmem>>
    %dma_start3A_620 = arith.constant 8 : i32
    %dma_start3A_621 = tpu.memref_slice %arg5[%dma_start3A_620, %multiple_of3A_565] : memref<16x1000000xf32, #tpu.memory_space<hbm>> -> memref<8x128xf32, #tpu.memory_space<hbm>>
    tpu.enqueue_dma source(%dma_start3A_621 : memref<8x128xf32, #tpu.memory_space<hbm>>) target(%dma_start3A_619 : memref<8x128xf32, #tpu.memory_space<vmem>>) target_semaphore(%arg18 : memref<!tpu.dma_semaphore, #tpu.memory_space<semaphore_mem>>)
    %slice3A_622 = vector.extract_strided_slice %shift_left3A_553 {offsets = [1], sizes = [1], strides = [1]} : vector<16xi32> to vector<1xi32>
    %squeeze3A_623 = vector.extract %slice3A_622[0] : i32 from vector<1xi32>
    %multiple_of3A_624 = tpu.assume_multiple %squeeze3A_623, 128 : i32
    %slice3A_625 = vector.extract_strided_slice %shift_left3A_559 {offsets = [1], sizes = [1], strides = [1]} : vector<16xi32> to vector<1xi32>
    %squeeze3A_626 = vector.extract %slice3A_625[0] : i32 from vector<1xi32>
    %multiple_of3A_627 = tpu.assume_multiple %squeeze3A_626, 128 : i32
    %dma_start3A_628 = arith.constant 2 : i32
    %dma_start3A_629 = arith.constant 1 : i32
    %dma_start3A_630 = arith.constant 0 : i32
    %dma_start3A_631 = arith.constant 0 : i32
    %dma_start3A_632 = tpu.memref_slice %arg9[%dma_start3A_628, %dma_start3A_629, %dma_start3A_630, %dma_start3A_631] : memref<4x4x16x128xf32, #tpu.memory_space<vmem>> -> memref<1x1x8x128xf32, #tpu.memory_space<vmem>>
    %dma_start3A_633 = tpu.memref_squeeze %dma_start3A_632 : memref<1x1x8x128xf32, #tpu.memory_space<vmem>> -> memref<8x128xf32, #tpu.memory_space<vmem>>
    %dma_start3A_634 = arith.constant 0 : i32
    %dma_start3A_635 = tpu.memref_slice %arg4[%dma_start3A_634, %multiple_of3A_624] : memref<16x1000000xf32, #tpu.memory_space<hbm>> -> memref<8x128xf32, #tpu.memory_space<hbm>>
    %dma_start3A_636 = arith.constant 0 : i32
    %dma_start3A_637 = arith.constant 0 : i32
    %dma_start3A_638 = tpu.memref_slice %arg9[%dma_start3A_628, %dma_start3A_629, %dma_start3A_636, %dma_start3A_637] : memref<4x4x16x128xf32, #tpu.memory_space<vmem>> -> memref<1x1x8x128xf32, #tpu.memory_space<vmem>>
    %dma_start3A_639 = tpu.memref_squeeze %dma_start3A_638 : memref<1x1x8x128xf32, #tpu.memory_space<vmem>> -> memref<8x128xf32, #tpu.memory_space<vmem>>
    %dma_start3A_640 = arith.constant 0 : i32
    %dma_start3A_641 = tpu.memref_slice %arg4[%dma_start3A_640, %multiple_of3A_624] : memref<16x1000000xf32, #tpu.memory_space<hbm>> -> memref<8x128xf32, #tpu.memory_space<hbm>>
    tpu.enqueue_dma source(%dma_start3A_641 : memref<8x128xf32, #tpu.memory_space<hbm>>) target(%dma_start3A_639 : memref<8x128xf32, #tpu.memory_space<vmem>>) target_semaphore(%arg14 : memref<!tpu.dma_semaphore, #tpu.memory_space<semaphore_mem>>)
    %dma_start3A_642 = arith.constant 2 : i32
    %dma_start3A_643 = arith.constant 1 : i32
    %dma_start3A_644 = arith.constant 0 : i32
    %dma_start3A_645 = arith.constant 0 : i32
    %dma_start3A_646 = tpu.memref_slice %arg10[%dma_start3A_642, %dma_start3A_643, %dma_start3A_644, %dma_start3A_645] : memref<4x4x16x128xf32, #tpu.memory_space<vmem>> -> memref<1x1x8x128xf32, #tpu.memory_space<vmem>>
    %dma_start3A_647 = tpu.memref_squeeze %dma_start3A_646 : memref<1x1x8x128xf32, #tpu.memory_space<vmem>> -> memref<8x128xf32, #tpu.memory_space<vmem>>
    %dma_start3A_648 = arith.constant 0 : i32
    %dma_start3A_649 = tpu.memref_slice %arg5[%dma_start3A_648, %multiple_of3A_627] : memref<16x1000000xf32, #tpu.memory_space<hbm>> -> memref<8x128xf32, #tpu.memory_space<hbm>>
    %dma_start3A_650 = arith.constant 0 : i32
    %dma_start3A_651 = arith.constant 0 : i32
    %dma_start3A_652 = tpu.memref_slice %arg10[%dma_start3A_642, %dma_start3A_643, %dma_start3A_650, %dma_start3A_651] : memref<4x4x16x128xf32, #tpu.memory_space<vmem>> -> memref<1x1x8x128xf32, #tpu.memory_space<vmem>>
    %dma_start3A_653 = tpu.memref_squeeze %dma_start3A_652 : memref<1x1x8x128xf32, #tpu.memory_space<vmem>> -> memref<8x128xf32, #tpu.memory_space<vmem>>
    %dma_start3A_654 = arith.constant 0 : i32
    %dma_start3A_655 = tpu.memref_slice %arg5[%dma_start3A_654, %multiple_of3A_627] : memref<16x1000000xf32, #tpu.memory_space<hbm>> -> memref<8x128xf32, #tpu.memory_space<hbm>>
    tpu.enqueue_dma source(%dma_start3A_655 : memref<8x128xf32, #tpu.memory_space<hbm>>) target(%dma_start3A_653 : memref<8x128xf32, #tpu.memory_space<vmem>>) target_semaphore(%arg18 : memref<!tpu.dma_semaphore, #tpu.memory_space<semaphore_mem>>)
    %dma_start3A_656 = arith.constant 2 : i32
    %dma_start3A_657 = arith.constant 1 : i32
    %dma_start3A_658 = arith.constant 8 : i32
    %dma_start3A_659 = arith.constant 0 : i32
    %dma_start3A_660 = tpu.memref_slice %arg9[%dma_start3A_656, %dma_start3A_657, %dma_start3A_658, %dma_start3A_659] : memref<4x4x16x128xf32, #tpu.memory_space<vmem>> -> memref<1x1x8x128xf32, #tpu.memory_space<vmem>>
    %dma_start3A_661 = tpu.memref_squeeze %dma_start3A_660 : memref<1x1x8x128xf32, #tpu.memory_space<vmem>> -> memref<8x128xf32, #tpu.memory_space<vmem>>
    %dma_start3A_662 = arith.constant 8 : i32
    %dma_start3A_663 = tpu.memref_slice %arg4[%dma_start3A_662, %multiple_of3A_624] : memref<16x1000000xf32, #tpu.memory_space<hbm>> -> memref<8x128xf32, #tpu.memory_space<hbm>>
    %dma_start3A_664 = arith.constant 8 : i32
    %dma_start3A_665 = arith.constant 0 : i32
    %dma_start3A_666 = tpu.memref_slice %arg9[%dma_start3A_656, %dma_start3A_657, %dma_start3A_664, %dma_start3A_665] : memref<4x4x16x128xf32, #tpu.memory_space<vmem>> -> memref<1x1x8x128xf32, #tpu.memory_space<vmem>>
    %dma_start3A_667 = tpu.memref_squeeze %dma_start3A_666 : memref<1x1x8x128xf32, #tpu.memory_space<vmem>> -> memref<8x128xf32, #tpu.memory_space<vmem>>
    %dma_start3A_668 = arith.constant 8 : i32
    %dma_start3A_669 = tpu.memref_slice %arg4[%dma_start3A_668, %multiple_of3A_624] : memref<16x1000000xf32, #tpu.memory_space<hbm>> -> memref<8x128xf32, #tpu.memory_space<hbm>>
    tpu.enqueue_dma source(%dma_start3A_669 : memref<8x128xf32, #tpu.memory_space<hbm>>) target(%dma_start3A_667 : memref<8x128xf32, #tpu.memory_space<vmem>>) target_semaphore(%arg14 : memref<!tpu.dma_semaphore, #tpu.memory_space<semaphore_mem>>)
    %dma_start3A_670 = arith.constant 2 : i32
    %dma_start3A_671 = arith.constant 1 : i32
    %dma_start3A_672 = arith.constant 8 : i32
    %dma_start3A_673 = arith.constant 0 : i32
    %dma_start3A_674 = tpu.memref_slice %arg10[%dma_start3A_670, %dma_start3A_671, %dma_start3A_672, %dma_start3A_673] : memref<4x4x16x128xf32, #tpu.memory_space<vmem>> -> memref<1x1x8x128xf32, #tpu.memory_space<vmem>>
    %dma_start3A_675 = tpu.memref_squeeze %dma_start3A_674 : memref<1x1x8x128xf32, #tpu.memory_space<vmem>> -> memref<8x128xf32, #tpu.memory_space<vmem>>
    %dma_start3A_676 = arith.constant 8 : i32
    %dma_start3A_677 = tpu.memref_slice %arg5[%dma_start3A_676, %multiple_of3A_627] : memref<16x1000000xf32, #tpu.memory_space<hbm>> -> memref<8x128xf32, #tpu.memory_space<hbm>>
    %dma_start3A_678 = arith.constant 8 : i32
    %dma_start3A_679 = arith.constant 0 : i32
    %dma_start3A_680 = tpu.memref_slice %arg10[%dma_start3A_670, %dma_start3A_671, %dma_start3A_678, %dma_start3A_679] : memref<4x4x16x128xf32, #tpu.memory_space<vmem>> -> memref<1x1x8x128xf32, #tpu.memory_space<vmem>>
    %dma_start3A_681 = tpu.memref_squeeze %dma_start3A_680 : memref<1x1x8x128xf32, #tpu.memory_space<vmem>> -> memref<8x128xf32, #tpu.memory_space<vmem>>
    %dma_start3A_682 = arith.constant 8 : i32
    %dma_start3A_683 = tpu.memref_slice %arg5[%dma_start3A_682, %multiple_of3A_627] : memref<16x1000000xf32, #tpu.memory_space<hbm>> -> memref<8x128xf32, #tpu.memory_space<hbm>>
    tpu.enqueue_dma source(%dma_start3A_683 : memref<8x128xf32, #tpu.memory_space<hbm>>) target(%dma_start3A_681 : memref<8x128xf32, #tpu.memory_space<vmem>>) target_semaphore(%arg18 : memref<!tpu.dma_semaphore, #tpu.memory_space<semaphore_mem>>)
    %slice3A_684 = vector.extract_strided_slice %shift_left3A_553 {offsets = [2], sizes = [1], strides = [1]} : vector<16xi32> to vector<1xi32>
    %squeeze3A_685 = vector.extract %slice3A_684[0] : i32 from vector<1xi32>
    %multiple_of3A_686 = tpu.assume_multiple %squeeze3A_685, 128 : i32
    %slice3A_687 = vector.extract_strided_slice %shift_left3A_559 {offsets = [2], sizes = [1], strides = [1]} : vector<16xi32> to vector<1xi32>
    %squeeze3A_688 = vector.extract %slice3A_687[0] : i32 from vector<1xi32>
    %multiple_of3A_689 = tpu.assume_multiple %squeeze3A_688, 128 : i32
    %dma_start3A_690 = arith.constant 2 : i32
    %dma_start3A_691 = arith.constant 2 : i32
    %dma_start3A_692 = arith.constant 0 : i32
    %dma_start3A_693 = arith.constant 0 : i32
    %dma_start3A_694 = tpu.memref_slice %arg9[%dma_start3A_690, %dma_start3A_691, %dma_start3A_692, %dma_start3A_693] : memref<4x4x16x128xf32, #tpu.memory_space<vmem>> -> memref<1x1x8x128xf32, #tpu.memory_space<vmem>>
    %dma_start3A_695 = tpu.memref_squeeze %dma_start3A_694 : memref<1x1x8x128xf32, #tpu.memory_space<vmem>> -> memref<8x128xf32, #tpu.memory_space<vmem>>
    %dma_start3A_696 = arith.constant 0 : i32
    %dma_start3A_697 = tpu.memref_slice %arg4[%dma_start3A_696, %multiple_of3A_686] : memref<16x1000000xf32, #tpu.memory_space<hbm>> -> memref<8x128xf32, #tpu.memory_space<hbm>>
    %dma_start3A_698 = arith.constant 0 : i32
    %dma_start3A_699 = arith.constant 0 : i32
    %dma_start3A_700 = tpu.memref_slice %arg9[%dma_start3A_690, %dma_start3A_691, %dma_start3A_698, %dma_start3A_699] : memref<4x4x16x128xf32, #tpu.memory_space<vmem>> -> memref<1x1x8x128xf32, #tpu.memory_space<vmem>>
    %dma_start3A_701 = tpu.memref_squeeze %dma_start3A_700 : memref<1x1x8x128xf32, #tpu.memory_space<vmem>> -> memref<8x128xf32, #tpu.memory_space<vmem>>
    %dma_start3A_702 = arith.constant 0 : i32
    %dma_start3A_703 = tpu.memref_slice %arg4[%dma_start3A_702, %multiple_of3A_686] : memref<16x1000000xf32, #tpu.memory_space<hbm>> -> memref<8x128xf32, #tpu.memory_space<hbm>>
    tpu.enqueue_dma source(%dma_start3A_703 : memref<8x128xf32, #tpu.memory_space<hbm>>) target(%dma_start3A_701 : memref<8x128xf32, #tpu.memory_space<vmem>>) target_semaphore(%arg14 : memref<!tpu.dma_semaphore, #tpu.memory_space<semaphore_mem>>)
    %dma_start3A_704 = arith.constant 2 : i32
    %dma_start3A_705 = arith.constant 2 : i32
    %dma_start3A_706 = arith.constant 0 : i32
    %dma_start3A_707 = arith.constant 0 : i32
    %dma_start3A_708 = tpu.memref_slice %arg10[%dma_start3A_704, %dma_start3A_705, %dma_start3A_706, %dma_start3A_707] : memref<4x4x16x128xf32, #tpu.memory_space<vmem>> -> memref<1x1x8x128xf32, #tpu.memory_space<vmem>>
    %dma_start3A_709 = tpu.memref_squeeze %dma_start3A_708 : memref<1x1x8x128xf32, #tpu.memory_space<vmem>> -> memref<8x128xf32, #tpu.memory_space<vmem>>
    %dma_start3A_710 = arith.constant 0 : i32
    %dma_start3A_711 = tpu.memref_slice %arg5[%dma_start3A_710, %multiple_of3A_689] : memref<16x1000000xf32, #tpu.memory_space<hbm>> -> memref<8x128xf32, #tpu.memory_space<hbm>>
    %dma_start3A_712 = arith.constant 0 : i32
    %dma_start3A_713 = arith.constant 0 : i32
    %dma_start3A_714 = tpu.memref_slice %arg10[%dma_start3A_704, %dma_start3A_705, %dma_start3A_712, %dma_start3A_713] : memref<4x4x16x128xf32, #tpu.memory_space<vmem>> -> memref<1x1x8x128xf32, #tpu.memory_space<vmem>>
    %dma_start3A_715 = tpu.memref_squeeze %dma_start3A_714 : memref<1x1x8x128xf32, #tpu.memory_space<vmem>> -> memref<8x128xf32, #tpu.memory_space<vmem>>
    %dma_start3A_716 = arith.constant 0 : i32
    %dma_start3A_717 = tpu.memref_slice %arg5[%dma_start3A_716, %multiple_of3A_689] : memref<16x1000000xf32, #tpu.memory_space<hbm>> -> memref<8x128xf32, #tpu.memory_space<hbm>>
    tpu.enqueue_dma source(%dma_start3A_717 : memref<8x128xf32, #tpu.memory_space<hbm>>) target(%dma_start3A_715 : memref<8x128xf32, #tpu.memory_space<vmem>>) target_semaphore(%arg18 : memref<!tpu.dma_semaphore, #tpu.memory_space<semaphore_mem>>)
    %dma_start3A_718 = arith.constant 2 : i32
    %dma_start3A_719 = arith.constant 2 : i32
    %dma_start3A_720 = arith.constant 8 : i32
    %dma_start3A_721 = arith.constant 0 : i32
    %dma_start3A_722 = tpu.memref_slice %arg9[%dma_start3A_718, %dma_start3A_719, %dma_start3A_720, %dma_start3A_721] : memref<4x4x16x128xf32, #tpu.memory_space<vmem>> -> memref<1x1x8x128xf32, #tpu.memory_space<vmem>>
    %dma_start3A_723 = tpu.memref_squeeze %dma_start3A_722 : memref<1x1x8x128xf32, #tpu.memory_space<vmem>> -> memref<8x128xf32, #tpu.memory_space<vmem>>
    %dma_start3A_724 = arith.constant 8 : i32
    %dma_start3A_725 = tpu.memref_slice %arg4[%dma_start3A_724, %multiple_of3A_686] : memref<16x1000000xf32, #tpu.memory_space<hbm>> -> memref<8x128xf32, #tpu.memory_space<hbm>>
    %dma_start3A_726 = arith.constant 8 : i32
    %dma_start3A_727 = arith.constant 0 : i32
    %dma_start3A_728 = tpu.memref_slice %arg9[%dma_start3A_718, %dma_start3A_719, %dma_start3A_726, %dma_start3A_727] : memref<4x4x16x128xf32, #tpu.memory_space<vmem>> -> memref<1x1x8x128xf32, #tpu.memory_space<vmem>>
    %dma_start3A_729 = tpu.memref_squeeze %dma_start3A_728 : memref<1x1x8x128xf32, #tpu.memory_space<vmem>> -> memref<8x128xf32, #tpu.memory_space<vmem>>
    %dma_start3A_730 = arith.constant 8 : i32
    %dma_start3A_731 = tpu.memref_slice %arg4[%dma_start3A_730, %multiple_of3A_686] : memref<16x1000000xf32, #tpu.memory_space<hbm>> -> memref<8x128xf32, #tpu.memory_space<hbm>>
    tpu.enqueue_dma source(%dma_start3A_731 : memref<8x128xf32, #tpu.memory_space<hbm>>) target(%dma_start3A_729 : memref<8x128xf32, #tpu.memory_space<vmem>>) target_semaphore(%arg14 : memref<!tpu.dma_semaphore, #tpu.memory_space<semaphore_mem>>)
    %dma_start3A_732 = arith.constant 2 : i32
    %dma_start3A_733 = arith.constant 2 : i32
    %dma_start3A_734 = arith.constant 8 : i32
    %dma_start3A_735 = arith.constant 0 : i32
    %dma_start3A_736 = tpu.memref_slice %arg10[%dma_start3A_732, %dma_start3A_733, %dma_start3A_734, %dma_start3A_735] : memref<4x4x16x128xf32, #tpu.memory_space<vmem>> -> memref<1x1x8x128xf32, #tpu.memory_space<vmem>>
    %dma_start3A_737 = tpu.memref_squeeze %dma_start3A_736 : memref<1x1x8x128xf32, #tpu.memory_space<vmem>> -> memref<8x128xf32, #tpu.memory_space<vmem>>
    %dma_start3A_738 = arith.constant 8 : i32
    %dma_start3A_739 = tpu.memref_slice %arg5[%dma_start3A_738, %multiple_of3A_689] : memref<16x1000000xf32, #tpu.memory_space<hbm>> -> memref<8x128xf32, #tpu.memory_space<hbm>>
    %dma_start3A_740 = arith.constant 8 : i32
    %dma_start3A_741 = arith.constant 0 : i32
    %dma_start3A_742 = tpu.memref_slice %arg10[%dma_start3A_732, %dma_start3A_733, %dma_start3A_740, %dma_start3A_741] : memref<4x4x16x128xf32, #tpu.memory_space<vmem>> -> memref<1x1x8x128xf32, #tpu.memory_space<vmem>>
    %dma_start3A_743 = tpu.memref_squeeze %dma_start3A_742 : memref<1x1x8x128xf32, #tpu.memory_space<vmem>> -> memref<8x128xf32, #tpu.memory_space<vmem>>
    %dma_start3A_744 = arith.constant 8 : i32
    %dma_start3A_745 = tpu.memref_slice %arg5[%dma_start3A_744, %multiple_of3A_689] : memref<16x1000000xf32, #tpu.memory_space<hbm>> -> memref<8x128xf32, #tpu.memory_space<hbm>>
    tpu.enqueue_dma source(%dma_start3A_745 : memref<8x128xf32, #tpu.memory_space<hbm>>) target(%dma_start3A_743 : memref<8x128xf32, #tpu.memory_space<vmem>>) target_semaphore(%arg18 : memref<!tpu.dma_semaphore, #tpu.memory_space<semaphore_mem>>)
    %slice3A_746 = vector.extract_strided_slice %shift_left3A_553 {offsets = [3], sizes = [1], strides = [1]} : vector<16xi32> to vector<1xi32>
    %squeeze3A_747 = vector.extract %slice3A_746[0] : i32 from vector<1xi32>
    %multiple_of3A_748 = tpu.assume_multiple %squeeze3A_747, 128 : i32
    %slice3A_749 = vector.extract_strided_slice %shift_left3A_559 {offsets = [3], sizes = [1], strides = [1]} : vector<16xi32> to vector<1xi32>
    %squeeze3A_750 = vector.extract %slice3A_749[0] : i32 from vector<1xi32>
    %multiple_of3A_751 = tpu.assume_multiple %squeeze3A_750, 128 : i32
    %dma_start3A_752 = arith.constant 2 : i32
    %dma_start3A_753 = arith.constant 3 : i32
    %dma_start3A_754 = arith.constant 0 : i32
    %dma_start3A_755 = arith.constant 0 : i32
    %dma_start3A_756 = tpu.memref_slice %arg9[%dma_start3A_752, %dma_start3A_753, %dma_start3A_754, %dma_start3A_755] : memref<4x4x16x128xf32, #tpu.memory_space<vmem>> -> memref<1x1x8x128xf32, #tpu.memory_space<vmem>>
    %dma_start3A_757 = tpu.memref_squeeze %dma_start3A_756 : memref<1x1x8x128xf32, #tpu.memory_space<vmem>> -> memref<8x128xf32, #tpu.memory_space<vmem>>
    %dma_start3A_758 = arith.constant 0 : i32
    %dma_start3A_759 = tpu.memref_slice %arg4[%dma_start3A_758, %multiple_of3A_748] : memref<16x1000000xf32, #tpu.memory_space<hbm>> -> memref<8x128xf32, #tpu.memory_space<hbm>>
    %dma_start3A_760 = arith.constant 0 : i32
    %dma_start3A_761 = arith.constant 0 : i32
    %dma_start3A_762 = tpu.memref_slice %arg9[%dma_start3A_752, %dma_start3A_753, %dma_start3A_760, %dma_start3A_761] : memref<4x4x16x128xf32, #tpu.memory_space<vmem>> -> memref<1x1x8x128xf32, #tpu.memory_space<vmem>>
    %dma_start3A_763 = tpu.memref_squeeze %dma_start3A_762 : memref<1x1x8x128xf32, #tpu.memory_space<vmem>> -> memref<8x128xf32, #tpu.memory_space<vmem>>
    %dma_start3A_764 = arith.constant 0 : i32
    %dma_start3A_765 = tpu.memref_slice %arg4[%dma_start3A_764, %multiple_of3A_748] : memref<16x1000000xf32, #tpu.memory_space<hbm>> -> memref<8x128xf32, #tpu.memory_space<hbm>>
    tpu.enqueue_dma source(%dma_start3A_765 : memref<8x128xf32, #tpu.memory_space<hbm>>) target(%dma_start3A_763 : memref<8x128xf32, #tpu.memory_space<vmem>>) target_semaphore(%arg14 : memref<!tpu.dma_semaphore, #tpu.memory_space<semaphore_mem>>)
    %dma_start3A_766 = arith.constant 2 : i32
    %dma_start3A_767 = arith.constant 3 : i32
    %dma_start3A_768 = arith.constant 0 : i32
    %dma_start3A_769 = arith.constant 0 : i32
    %dma_start3A_770 = tpu.memref_slice %arg10[%dma_start3A_766, %dma_start3A_767, %dma_start3A_768, %dma_start3A_769] : memref<4x4x16x128xf32, #tpu.memory_space<vmem>> -> memref<1x1x8x128xf32, #tpu.memory_space<vmem>>
    %dma_start3A_771 = tpu.memref_squeeze %dma_start3A_770 : memref<1x1x8x128xf32, #tpu.memory_space<vmem>> -> memref<8x128xf32, #tpu.memory_space<vmem>>
    %dma_start3A_772 = arith.constant 0 : i32
    %dma_start3A_773 = tpu.memref_slice %arg5[%dma_start3A_772, %multiple_of3A_751] : memref<16x1000000xf32, #tpu.memory_space<hbm>> -> memref<8x128xf32, #tpu.memory_space<hbm>>
    %dma_start3A_774 = arith.constant 0 : i32
    %dma_start3A_775 = arith.constant 0 : i32
    %dma_start3A_776 = tpu.memref_slice %arg10[%dma_start3A_766, %dma_start3A_767, %dma_start3A_774, %dma_start3A_775] : memref<4x4x16x128xf32, #tpu.memory_space<vmem>> -> memref<1x1x8x128xf32, #tpu.memory_space<vmem>>
    %dma_start3A_777 = tpu.memref_squeeze %dma_start3A_776 : memref<1x1x8x128xf32, #tpu.memory_space<vmem>> -> memref<8x128xf32, #tpu.memory_space<vmem>>
    %dma_start3A_778 = arith.constant 0 : i32
    %dma_start3A_779 = tpu.memref_slice %arg5[%dma_start3A_778, %multiple_of3A_751] : memref<16x1000000xf32, #tpu.memory_space<hbm>> -> memref<8x128xf32, #tpu.memory_space<hbm>>
    tpu.enqueue_dma source(%dma_start3A_779 : memref<8x128xf32, #tpu.memory_space<hbm>>) target(%dma_start3A_777 : memref<8x128xf32, #tpu.memory_space<vmem>>) target_semaphore(%arg18 : memref<!tpu.dma_semaphore, #tpu.memory_space<semaphore_mem>>)
    %dma_start3A_780 = arith.constant 2 : i32
    %dma_start3A_781 = arith.constant 3 : i32
    %dma_start3A_782 = arith.constant 8 : i32
    %dma_start3A_783 = arith.constant 0 : i32
    %dma_start3A_784 = tpu.memref_slice %arg9[%dma_start3A_780, %dma_start3A_781, %dma_start3A_782, %dma_start3A_783] : memref<4x4x16x128xf32, #tpu.memory_space<vmem>> -> memref<1x1x8x128xf32, #tpu.memory_space<vmem>>
    %dma_start3A_785 = tpu.memref_squeeze %dma_start3A_784 : memref<1x1x8x128xf32, #tpu.memory_space<vmem>> -> memref<8x128xf32, #tpu.memory_space<vmem>>
    %dma_start3A_786 = arith.constant 8 : i32
    %dma_start3A_787 = tpu.memref_slice %arg4[%dma_start3A_786, %multiple_of3A_748] : memref<16x1000000xf32, #tpu.memory_space<hbm>> -> memref<8x128xf32, #tpu.memory_space<hbm>>
    %dma_start3A_788 = arith.constant 8 : i32
    %dma_start3A_789 = arith.constant 0 : i32
    %dma_start3A_790 = tpu.memref_slice %arg9[%dma_start3A_780, %dma_start3A_781, %dma_start3A_788, %dma_start3A_789] : memref<4x4x16x128xf32, #tpu.memory_space<vmem>> -> memref<1x1x8x128xf32, #tpu.memory_space<vmem>>
    %dma_start3A_791 = tpu.memref_squeeze %dma_start3A_790 : memref<1x1x8x128xf32, #tpu.memory_space<vmem>> -> memref<8x128xf32, #tpu.memory_space<vmem>>
    %dma_start3A_792 = arith.constant 8 : i32
    %dma_start3A_793 = tpu.memref_slice %arg4[%dma_start3A_792, %multiple_of3A_748] : memref<16x1000000xf32, #tpu.memory_space<hbm>> -> memref<8x128xf32, #tpu.memory_space<hbm>>
    tpu.enqueue_dma source(%dma_start3A_793 : memref<8x128xf32, #tpu.memory_space<hbm>>) target(%dma_start3A_791 : memref<8x128xf32, #tpu.memory_space<vmem>>) target_semaphore(%arg14 : memref<!tpu.dma_semaphore, #tpu.memory_space<semaphore_mem>>)
    %dma_start3A_794 = arith.constant 2 : i32
    %dma_start3A_795 = arith.constant 3 : i32
    %dma_start3A_796 = arith.constant 8 : i32
    %dma_start3A_797 = arith.constant 0 : i32
    %dma_start3A_798 = tpu.memref_slice %arg10[%dma_start3A_794, %dma_start3A_795, %dma_start3A_796, %dma_start3A_797] : memref<4x4x16x128xf32, #tpu.memory_space<vmem>> -> memref<1x1x8x128xf32, #tpu.memory_space<vmem>>
    %dma_start3A_799 = tpu.memref_squeeze %dma_start3A_798 : memref<1x1x8x128xf32, #tpu.memory_space<vmem>> -> memref<8x128xf32, #tpu.memory_space<vmem>>
    %dma_start3A_800 = arith.constant 8 : i32
    %dma_start3A_801 = tpu.memref_slice %arg5[%dma_start3A_800, %multiple_of3A_751] : memref<16x1000000xf32, #tpu.memory_space<hbm>> -> memref<8x128xf32, #tpu.memory_space<hbm>>
    %dma_start3A_802 = arith.constant 8 : i32
    %dma_start3A_803 = arith.constant 0 : i32
    %dma_start3A_804 = tpu.memref_slice %arg10[%dma_start3A_794, %dma_start3A_795, %dma_start3A_802, %dma_start3A_803] : memref<4x4x16x128xf32, #tpu.memory_space<vmem>> -> memref<1x1x8x128xf32, #tpu.memory_space<vmem>>
    %dma_start3A_805 = tpu.memref_squeeze %dma_start3A_804 : memref<1x1x8x128xf32, #tpu.memory_space<vmem>> -> memref<8x128xf32, #tpu.memory_space<vmem>>
    %dma_start3A_806 = arith.constant 8 : i32
    %dma_start3A_807 = tpu.memref_slice %arg5[%dma_start3A_806, %multiple_of3A_751] : memref<16x1000000xf32, #tpu.memory_space<hbm>> -> memref<8x128xf32, #tpu.memory_space<hbm>>
    tpu.enqueue_dma source(%dma_start3A_807 : memref<8x128xf32, #tpu.memory_space<hbm>>) target(%dma_start3A_805 : memref<8x128xf32, #tpu.memory_space<vmem>>) target_semaphore(%arg18 : memref<!tpu.dma_semaphore, #tpu.memory_space<semaphore_mem>>)
    %scan3A = arith.constant 0 : i32
    %scan3A_808 = arith.constant 0 : i32
    %scan3A_809 = arith.constant 32 : i32
    %scan3A_810 = arith.addi %scan3A_808, %scan3A_809 : i32
    %scan3A_811 = arith.constant 1 : i32
    scf.for %scan3A_1196 = %scan3A_808 to %scan3A_810 step %scan3A_811  : i32 {
      %broadcast_in_dim3A = arith.constant 0.000000e+00 : f32
      %broadcast_in_dim3A_1197 = vector.broadcast %broadcast_in_dim3A : f32 to vector<16xf32>
      %mul3A_1198 = arith.constant 16 : i32
      %mul3A_1199 = arith.muli %scan3A_1196, %mul3A_1198 : i32
      %get3A_1200 = arith.index_cast %mul3A_1199 : i32 to index
      %get3A_1201 = tpu.vector_load %arg7[%get3A_1200] {strides = array<i32>} : memref<528xi32, #tpu.memory_space<vmem>>, vector<16xi32>,
      %mul3A_1202 = arith.constant 16 : i32
      %mul3A_1203 = arith.muli %scan3A_1196, %mul3A_1202 : i32
      %get3A_1204 = arith.index_cast %mul3A_1203 : i32 to index
      %get3A_1205 = tpu.vector_load %arg8[%get3A_1204] {strides = array<i32>} : memref<528xi32, #tpu.memory_space<vmem>>, vector<16xi32>,
      %and3A = arith.constant 127 : i32
      %and3A_1206 = vector.broadcast %and3A : i32 to vector<16xi32>
      %and3A_1207 = arith.andi %get3A_1201, %and3A_1206 : vector<16xi32>
      %and3A_1208 = arith.constant 127 : i32
      %and3A_1209 = vector.broadcast %and3A_1208 : i32 to vector<16xi32>
      %and3A_1210 = arith.andi %get3A_1205, %and3A_1209 : vector<16xi32>
      %mul3A_1211 = arith.constant 4 : i32
      %mul3A_1212 = arith.muli %scan3A_1196, %mul3A_1211 : i32
      %add3A_1213 = arith.constant 0 : i32
      %add3A_1214 = arith.addi %mul3A_1212, %add3A_1213 : i32
      %dma_wait3A_1215 = arith.constant 0 : i32
      %dma_wait3A_1216 = arith.constant 0 : i32
      %dma_wait3A_1217 = arith.constant 0 : i32
      %dma_wait3A_1218 = arith.constant 0 : i32
      %dma_wait3A_1219 = tpu.memref_slice %arg9[%dma_wait3A_1215, %dma_wait3A_1216, %dma_wait3A_1217, %dma_wait3A_1218] : memref<4x4x16x128xf32, #tpu.memory_space<vmem>> -> memref<1x1x16x128xf32, #tpu.memory_space<vmem>>
      %dma_wait3A_1220 = tpu.memref_squeeze %dma_wait3A_1219 : memref<1x1x16x128xf32, #tpu.memory_space<vmem>> -> memref<16x128xf32, #tpu.memory_space<vmem>>
      %dma_wait3A_1221 = arith.constant 0 : i32
      %dma_wait3A_1222 = arith.constant 0 : i32
      %dma_wait3A_1223 = tpu.memref_slice %arg4[%dma_wait3A_1221, %dma_wait3A_1222] : memref<16x1000000xf32, #tpu.memory_space<hbm>> -> memref<16x128xf32, #tpu.memory_space<hbm>>
      %dma_wait3A_1224 = arith.constant 0 : i32
      %dma_wait3A_1225 = arith.constant 0 : i32
      %dma_wait3A_1226 = tpu.memref_slice %arg9[%dma_wait3A_1215, %dma_wait3A_1216, %dma_wait3A_1224, %dma_wait3A_1225] : memref<4x4x16x128xf32, #tpu.memory_space<vmem>> -> memref<1x1x16x128xf32, #tpu.memory_space<vmem>>
      %dma_wait3A_1227 = tpu.memref_squeeze %dma_wait3A_1226 : memref<1x1x16x128xf32, #tpu.memory_space<vmem>> -> memref<16x128xf32, #tpu.memory_space<vmem>>
      %dma_wait3A_1228 = arith.constant 0 : i32
      %dma_wait3A_1229 = arith.constant 0 : i32
      %dma_wait3A_1230 = tpu.memref_slice %arg4[%dma_wait3A_1228, %dma_wait3A_1229] : memref<16x1000000xf32, #tpu.memory_space<hbm>> -> memref<16x128xf32, #tpu.memory_space<hbm>>
      tpu.wait_dma2 semaphore(%arg12 : memref<!tpu.dma_semaphore, #tpu.memory_space<semaphore_mem>>) src(%dma_wait3A_1230 : memref<16x128xf32, #tpu.memory_space<hbm>>) dst(%dma_wait3A_1227 : memref<16x128xf32, #tpu.memory_space<vmem>>)
      %dma_wait3A_1231 = arith.constant 0 : i32
      %dma_wait3A_1232 = arith.constant 0 : i32
      %dma_wait3A_1233 = arith.constant 0 : i32
      %dma_wait3A_1234 = arith.constant 0 : i32
      %dma_wait3A_1235 = tpu.memref_slice %arg10[%dma_wait3A_1231, %dma_wait3A_1232, %dma_wait3A_1233, %dma_wait3A_1234] : memref<4x4x16x128xf32, #tpu.memory_space<vmem>> -> memref<1x1x16x128xf32, #tpu.memory_space<vmem>>
      %dma_wait3A_1236 = tpu.memref_squeeze %dma_wait3A_1235 : memref<1x1x16x128xf32, #tpu.memory_space<vmem>> -> memref<16x128xf32, #tpu.memory_space<vmem>>
      %dma_wait3A_1237 = arith.constant 0 : i32
      %dma_wait3A_1238 = arith.constant 0 : i32
      %dma_wait3A_1239 = tpu.memref_slice %arg5[%dma_wait3A_1237, %dma_wait3A_1238] : memref<16x1000000xf32, #tpu.memory_space<hbm>> -> memref<16x128xf32, #tpu.memory_space<hbm>>
      %dma_wait3A_1240 = arith.constant 0 : i32
      %dma_wait3A_1241 = arith.constant 0 : i32
      %dma_wait3A_1242 = tpu.memref_slice %arg10[%dma_wait3A_1231, %dma_wait3A_1232, %dma_wait3A_1240, %dma_wait3A_1241] : memref<4x4x16x128xf32, #tpu.memory_space<vmem>> -> memref<1x1x16x128xf32, #tpu.memory_space<vmem>>
      %dma_wait3A_1243 = tpu.memref_squeeze %dma_wait3A_1242 : memref<1x1x16x128xf32, #tpu.memory_space<vmem>> -> memref<16x128xf32, #tpu.memory_space<vmem>>
      %dma_wait3A_1244 = arith.constant 0 : i32
      %dma_wait3A_1245 = arith.constant 0 : i32
      %dma_wait3A_1246 = tpu.memref_slice %arg5[%dma_wait3A_1244, %dma_wait3A_1245] : memref<16x1000000xf32, #tpu.memory_space<hbm>> -> memref<16x128xf32, #tpu.memory_space<hbm>>
      tpu.wait_dma2 semaphore(%arg16 : memref<!tpu.dma_semaphore, #tpu.memory_space<semaphore_mem>>) src(%dma_wait3A_1246 : memref<16x128xf32, #tpu.memory_space<hbm>>) dst(%dma_wait3A_1243 : memref<16x128xf32, #tpu.memory_space<vmem>>)
      %dma_wait3A_1247 = arith.constant 0 : i32
      %dma_wait3A_1248 = arith.constant 1 : i32
      %dma_wait3A_1249 = arith.constant 0 : i32
      %dma_wait3A_1250 = arith.constant 0 : i32
      %dma_wait3A_1251 = tpu.memref_slice %arg9[%dma_wait3A_1247, %dma_wait3A_1248, %dma_wait3A_1249, %dma_wait3A_1250] : memref<4x4x16x128xf32, #tpu.memory_space<vmem>> -> memref<1x1x16x128xf32, #tpu.memory_space<vmem>>
      %dma_wait3A_1252 = tpu.memref_squeeze %dma_wait3A_1251 : memref<1x1x16x128xf32, #tpu.memory_space<vmem>> -> memref<16x128xf32, #tpu.memory_space<vmem>>
      %dma_wait3A_1253 = arith.constant 0 : i32
      %dma_wait3A_1254 = arith.constant 0 : i32
      %dma_wait3A_1255 = tpu.memref_slice %arg4[%dma_wait3A_1253, %dma_wait3A_1254] : memref<16x1000000xf32, #tpu.memory_space<hbm>> -> memref<16x128xf32, #tpu.memory_space<hbm>>
      %dma_wait3A_1256 = arith.constant 0 : i32
      %dma_wait3A_1257 = arith.constant 0 : i32
      %dma_wait3A_1258 = tpu.memref_slice %arg9[%dma_wait3A_1247, %dma_wait3A_1248, %dma_wait3A_1256, %dma_wait3A_1257] : memref<4x4x16x128xf32, #tpu.memory_space<vmem>> -> memref<1x1x16x128xf32, #tpu.memory_space<vmem>>
      %dma_wait3A_1259 = tpu.memref_squeeze %dma_wait3A_1258 : memref<1x1x16x128xf32, #tpu.memory_space<vmem>> -> memref<16x128xf32, #tpu.memory_space<vmem>>
      %dma_wait3A_1260 = arith.constant 0 : i32
      %dma_wait3A_1261 = arith.constant 0 : i32
      %dma_wait3A_1262 = tpu.memref_slice %arg4[%dma_wait3A_1260, %dma_wait3A_1261] : memref<16x1000000xf32, #tpu.memory_space<hbm>> -> memref<16x128xf32, #tpu.memory_space<hbm>>
      tpu.wait_dma2 semaphore(%arg12 : memref<!tpu.dma_semaphore, #tpu.memory_space<semaphore_mem>>) src(%dma_wait3A_1262 : memref<16x128xf32, #tpu.memory_space<hbm>>) dst(%dma_wait3A_1259 : memref<16x128xf32, #tpu.memory_space<vmem>>)
      %dma_wait3A_1263 = arith.constant 0 : i32
      %dma_wait3A_1264 = arith.constant 1 : i32
      %dma_wait3A_1265 = arith.constant 0 : i32
      %dma_wait3A_1266 = arith.constant 0 : i32
      %dma_wait3A_1267 = tpu.memref_slice %arg10[%dma_wait3A_1263, %dma_wait3A_1264, %dma_wait3A_1265, %dma_wait3A_1266] : memref<4x4x16x128xf32, #tpu.memory_space<vmem>> -> memref<1x1x16x128xf32, #tpu.memory_space<vmem>>
      %dma_wait3A_1268 = tpu.memref_squeeze %dma_wait3A_1267 : memref<1x1x16x128xf32, #tpu.memory_space<vmem>> -> memref<16x128xf32, #tpu.memory_space<vmem>>
      %dma_wait3A_1269 = arith.constant 0 : i32
      %dma_wait3A_1270 = arith.constant 0 : i32
      %dma_wait3A_1271 = tpu.memref_slice %arg5[%dma_wait3A_1269, %dma_wait3A_1270] : memref<16x1000000xf32, #tpu.memory_space<hbm>> -> memref<16x128xf32, #tpu.memory_space<hbm>>
      %dma_wait3A_1272 = arith.constant 0 : i32
      %dma_wait3A_1273 = arith.constant 0 : i32
      %dma_wait3A_1274 = tpu.memref_slice %arg10[%dma_wait3A_1263, %dma_wait3A_1264, %dma_wait3A_1272, %dma_wait3A_1273] : memref<4x4x16x128xf32, #tpu.memory_space<vmem>> -> memref<1x1x16x128xf32, #tpu.memory_space<vmem>>
      %dma_wait3A_1275 = tpu.memref_squeeze %dma_wait3A_1274 : memref<1x1x16x128xf32, #tpu.memory_space<vmem>> -> memref<16x128xf32, #tpu.memory_space<vmem>>
      %dma_wait3A_1276 = arith.constant 0 : i32
      %dma_wait3A_1277 = arith.constant 0 : i32
      %dma_wait3A_1278 = tpu.memref_slice %arg5[%dma_wait3A_1276, %dma_wait3A_1277] : memref<16x1000000xf32, #tpu.memory_space<hbm>> -> memref<16x128xf32, #tpu.memory_space<hbm>>
      tpu.wait_dma2 semaphore(%arg16 : memref<!tpu.dma_semaphore, #tpu.memory_space<semaphore_mem>>) src(%dma_wait3A_1278 : memref<16x128xf32, #tpu.memory_space<hbm>>) dst(%dma_wait3A_1275 : memref<16x128xf32, #tpu.memory_space<vmem>>)
      %dma_wait3A_1279 = arith.constant 0 : i32
      %dma_wait3A_1280 = arith.constant 2 : i32
      %dma_wait3A_1281 = arith.constant 0 : i32
      %dma_wait3A_1282 = arith.constant 0 : i32
      %dma_wait3A_1283 = tpu.memref_slice %arg9[%dma_wait3A_1279, %dma_wait3A_1280, %dma_wait3A_1281, %dma_wait3A_1282] : memref<4x4x16x128xf32, #tpu.memory_space<vmem>> -> memref<1x1x16x128xf32, #tpu.memory_space<vmem>>
      %dma_wait3A_1284 = tpu.memref_squeeze %dma_wait3A_1283 : memref<1x1x16x128xf32, #tpu.memory_space<vmem>> -> memref<16x128xf32, #tpu.memory_space<vmem>>
      %dma_wait3A_1285 = arith.constant 0 : i32
      %dma_wait3A_1286 = arith.constant 0 : i32
      %dma_wait3A_1287 = tpu.memref_slice %arg4[%dma_wait3A_1285, %dma_wait3A_1286] : memref<16x1000000xf32, #tpu.memory_space<hbm>> -> memref<16x128xf32, #tpu.memory_space<hbm>>
      %dma_wait3A_1288 = arith.constant 0 : i32
      %dma_wait3A_1289 = arith.constant 0 : i32
      %dma_wait3A_1290 = tpu.memref_slice %arg9[%dma_wait3A_1279, %dma_wait3A_1280, %dma_wait3A_1288, %dma_wait3A_1289] : memref<4x4x16x128xf32, #tpu.memory_space<vmem>> -> memref<1x1x16x128xf32, #tpu.memory_space<vmem>>
      %dma_wait3A_1291 = tpu.memref_squeeze %dma_wait3A_1290 : memref<1x1x16x128xf32, #tpu.memory_space<vmem>> -> memref<16x128xf32, #tpu.memory_space<vmem>>
      %dma_wait3A_1292 = arith.constant 0 : i32
      %dma_wait3A_1293 = arith.constant 0 : i32
      %dma_wait3A_1294 = tpu.memref_slice %arg4[%dma_wait3A_1292, %dma_wait3A_1293] : memref<16x1000000xf32, #tpu.memory_space<hbm>> -> memref<16x128xf32, #tpu.memory_space<hbm>>
      tpu.wait_dma2 semaphore(%arg12 : memref<!tpu.dma_semaphore, #tpu.memory_space<semaphore_mem>>) src(%dma_wait3A_1294 : memref<16x128xf32, #tpu.memory_space<hbm>>) dst(%dma_wait3A_1291 : memref<16x128xf32, #tpu.memory_space<vmem>>)
      %dma_wait3A_1295 = arith.constant 0 : i32
      %dma_wait3A_1296 = arith.constant 2 : i32
      %dma_wait3A_1297 = arith.constant 0 : i32
      %dma_wait3A_1298 = arith.constant 0 : i32
      %dma_wait3A_1299 = tpu.memref_slice %arg10[%dma_wait3A_1295, %dma_wait3A_1296, %dma_wait3A_1297, %dma_wait3A_1298] : memref<4x4x16x128xf32, #tpu.memory_space<vmem>> -> memref<1x1x16x128xf32, #tpu.memory_space<vmem>>
      %dma_wait3A_1300 = tpu.memref_squeeze %dma_wait3A_1299 : memref<1x1x16x128xf32, #tpu.memory_space<vmem>> -> memref<16x128xf32, #tpu.memory_space<vmem>>
      %dma_wait3A_1301 = arith.constant 0 : i32
      %dma_wait3A_1302 = arith.constant 0 : i32
      %dma_wait3A_1303 = tpu.memref_slice %arg5[%dma_wait3A_1301, %dma_wait3A_1302] : memref<16x1000000xf32, #tpu.memory_space<hbm>> -> memref<16x128xf32, #tpu.memory_space<hbm>>
      %dma_wait3A_1304 = arith.constant 0 : i32
      %dma_wait3A_1305 = arith.constant 0 : i32
      %dma_wait3A_1306 = tpu.memref_slice %arg10[%dma_wait3A_1295, %dma_wait3A_1296, %dma_wait3A_1304, %dma_wait3A_1305] : memref<4x4x16x128xf32, #tpu.memory_space<vmem>> -> memref<1x1x16x128xf32, #tpu.memory_space<vmem>>
      %dma_wait3A_1307 = tpu.memref_squeeze %dma_wait3A_1306 : memref<1x1x16x128xf32, #tpu.memory_space<vmem>> -> memref<16x128xf32, #tpu.memory_space<vmem>>
      %dma_wait3A_1308 = arith.constant 0 : i32
      %dma_wait3A_1309 = arith.constant 0 : i32
      %dma_wait3A_1310 = tpu.memref_slice %arg5[%dma_wait3A_1308, %dma_wait3A_1309] : memref<16x1000000xf32, #tpu.memory_space<hbm>> -> memref<16x128xf32, #tpu.memory_space<hbm>>
      tpu.wait_dma2 semaphore(%arg16 : memref<!tpu.dma_semaphore, #tpu.memory_space<semaphore_mem>>) src(%dma_wait3A_1310 : memref<16x128xf32, #tpu.memory_space<hbm>>) dst(%dma_wait3A_1307 : memref<16x128xf32, #tpu.memory_space<vmem>>)
      %dma_wait3A_1311 = arith.constant 0 : i32
      %dma_wait3A_1312 = arith.constant 3 : i32
      %dma_wait3A_1313 = arith.constant 0 : i32
      %dma_wait3A_1314 = arith.constant 0 : i32
      %dma_wait3A_1315 = tpu.memref_slice %arg9[%dma_wait3A_1311, %dma_wait3A_1312, %dma_wait3A_1313, %dma_wait3A_1314] : memref<4x4x16x128xf32, #tpu.memory_space<vmem>> -> memref<1x1x16x128xf32, #tpu.memory_space<vmem>>
      %dma_wait3A_1316 = tpu.memref_squeeze %dma_wait3A_1315 : memref<1x1x16x128xf32, #tpu.memory_space<vmem>> -> memref<16x128xf32, #tpu.memory_space<vmem>>
      %dma_wait3A_1317 = arith.constant 0 : i32
      %dma_wait3A_1318 = arith.constant 0 : i32
      %dma_wait3A_1319 = tpu.memref_slice %arg4[%dma_wait3A_1317, %dma_wait3A_1318] : memref<16x1000000xf32, #tpu.memory_space<hbm>> -> memref<16x128xf32, #tpu.memory_space<hbm>>
      %dma_wait3A_1320 = arith.constant 0 : i32
      %dma_wait3A_1321 = arith.constant 0 : i32
      %dma_wait3A_1322 = tpu.memref_slice %arg9[%dma_wait3A_1311, %dma_wait3A_1312, %dma_wait3A_1320, %dma_wait3A_1321] : memref<4x4x16x128xf32, #tpu.memory_space<vmem>> -> memref<1x1x16x128xf32, #tpu.memory_space<vmem>>
      %dma_wait3A_1323 = tpu.memref_squeeze %dma_wait3A_1322 : memref<1x1x16x128xf32, #tpu.memory_space<vmem>> -> memref<16x128xf32, #tpu.memory_space<vmem>>
      %dma_wait3A_1324 = arith.constant 0 : i32
      %dma_wait3A_1325 = arith.constant 0 : i32
      %dma_wait3A_1326 = tpu.memref_slice %arg4[%dma_wait3A_1324, %dma_wait3A_1325] : memref<16x1000000xf32, #tpu.memory_space<hbm>> -> memref<16x128xf32, #tpu.memory_space<hbm>>
      tpu.wait_dma2 semaphore(%arg12 : memref<!tpu.dma_semaphore, #tpu.memory_space<semaphore_mem>>) src(%dma_wait3A_1326 : memref<16x128xf32, #tpu.memory_space<hbm>>) dst(%dma_wait3A_1323 : memref<16x128xf32, #tpu.memory_space<vmem>>)
      %dma_wait3A_1327 = arith.constant 0 : i32
      %dma_wait3A_1328 = arith.constant 3 : i32
      %dma_wait3A_1329 = arith.constant 0 : i32
      %dma_wait3A_1330 = arith.constant 0 : i32
      %dma_wait3A_1331 = tpu.memref_slice %arg10[%dma_wait3A_1327, %dma_wait3A_1328, %dma_wait3A_1329, %dma_wait3A_1330] : memref<4x4x16x128xf32, #tpu.memory_space<vmem>> -> memref<1x1x16x128xf32, #tpu.memory_space<vmem>>
      %dma_wait3A_1332 = tpu.memref_squeeze %dma_wait3A_1331 : memref<1x1x16x128xf32, #tpu.memory_space<vmem>> -> memref<16x128xf32, #tpu.memory_space<vmem>>
      %dma_wait3A_1333 = arith.constant 0 : i32
      %dma_wait3A_1334 = arith.constant 0 : i32
      %dma_wait3A_1335 = tpu.memref_slice %arg5[%dma_wait3A_1333, %dma_wait3A_1334] : memref<16x1000000xf32, #tpu.memory_space<hbm>> -> memref<16x128xf32, #tpu.memory_space<hbm>>
      %dma_wait3A_1336 = arith.constant 0 : i32
      %dma_wait3A_1337 = arith.constant 0 : i32
      %dma_wait3A_1338 = tpu.memref_slice %arg10[%dma_wait3A_1327, %dma_wait3A_1328, %dma_wait3A_1336, %dma_wait3A_1337] : memref<4x4x16x128xf32, #tpu.memory_space<vmem>> -> memref<1x1x16x128xf32, #tpu.memory_space<vmem>>
      %dma_wait3A_1339 = tpu.memref_squeeze %dma_wait3A_1338 : memref<1x1x16x128xf32, #tpu.memory_space<vmem>> -> memref<16x128xf32, #tpu.memory_space<vmem>>
      %dma_wait3A_1340 = arith.constant 0 : i32
      %dma_wait3A_1341 = arith.constant 0 : i32
      %dma_wait3A_1342 = tpu.memref_slice %arg5[%dma_wait3A_1340, %dma_wait3A_1341] : memref<16x1000000xf32, #tpu.memory_space<hbm>> -> memref<16x128xf32, #tpu.memory_space<hbm>>
      tpu.wait_dma2 semaphore(%arg16 : memref<!tpu.dma_semaphore, #tpu.memory_space<semaphore_mem>>) src(%dma_wait3A_1342 : memref<16x128xf32, #tpu.memory_space<hbm>>) dst(%dma_wait3A_1339 : memref<16x128xf32, #tpu.memory_space<vmem>>)
      %add3A_1343 = arith.constant 3 : i32
      %add3A_1344 = arith.addi %add3A_1214, %add3A_1343 : i32
      %min3A_1345 = arith.constant 127 : i32
      %min3A_1346 = arith.minsi %add3A_1344, %min3A_1345 : i32
      %mul3A_1347 = arith.constant 4 : i32
      %mul3A_1348 = arith.muli %min3A_1346, %mul3A_1347 : i32
      %get3A_1349 = arith.index_cast %mul3A_1348 : i32 to index
      %get3A_1350 = tpu.vector_load %arg7[%get3A_1349] {strides = array<i32>} : memref<528xi32, #tpu.memory_space<vmem>>, vector<16xi32>,
      %mul3A_1351 = arith.constant 4 : i32
      %mul3A_1352 = arith.muli %min3A_1346, %mul3A_1351 : i32
      %get3A_1353 = arith.index_cast %mul3A_1352 : i32 to index
      %get3A_1354 = tpu.vector_load %arg8[%get3A_1353] {strides = array<i32>} : memref<528xi32, #tpu.memory_space<vmem>>, vector<16xi32>,
      %shift_right_arithmetic3A_1355 = arith.constant 7 : i32
      %shift_right_arithmetic3A_1356 = vector.broadcast %shift_right_arithmetic3A_1355 : i32 to vector<16xi32>
      %shift_right_arithmetic3A_1357 = arith.shrsi %get3A_1350, %shift_right_arithmetic3A_1356 : vector<16xi32>
      %shift_left3A_1358 = arith.constant 7 : i32
      %shift_left3A_1359 = vector.broadcast %shift_left3A_1358 : i32 to vector<16xi32>
      %shift_left3A_1360 = arith.shli %shift_right_arithmetic3A_1357, %shift_left3A_1359 : vector<16xi32>
      %shift_right_arithmetic3A_1361 = arith.constant 7 : i32
      %shift_right_arithmetic3A_1362 = vector.broadcast %shift_right_arithmetic3A_1361 : i32 to vector<16xi32>
      %shift_right_arithmetic3A_1363 = arith.shrsi %get3A_1354, %shift_right_arithmetic3A_1362 : vector<16xi32>
      %shift_left3A_1364 = arith.constant 7 : i32
      %shift_left3A_1365 = vector.broadcast %shift_left3A_1364 : i32 to vector<16xi32>
      %shift_left3A_1366 = arith.shli %shift_right_arithmetic3A_1363, %shift_left3A_1365 : vector<16xi32>
      %slice3A_1367 = vector.extract_strided_slice %shift_left3A_1360 {offsets = [0], sizes = [1], strides = [1]} : vector<16xi32> to vector<1xi32>
      %squeeze3A_1368 = vector.extract %slice3A_1367[0] : i32 from vector<1xi32>
      %multiple_of3A_1369 = tpu.assume_multiple %squeeze3A_1368, 128 : i32
      %slice3A_1370 = vector.extract_strided_slice %shift_left3A_1366 {offsets = [0], sizes = [1], strides = [1]} : vector<16xi32> to vector<1xi32>
      %squeeze3A_1371 = vector.extract %slice3A_1370[0] : i32 from vector<1xi32>
      %multiple_of3A_1372 = tpu.assume_multiple %squeeze3A_1371, 128 : i32
      %dma_start3A_1373 = arith.constant 3 : i32
      %dma_start3A_1374 = arith.constant 0 : i32
      %dma_start3A_1375 = arith.constant 0 : i32
      %dma_start3A_1376 = arith.constant 0 : i32
      %dma_start3A_1377 = tpu.memref_slice %arg9[%dma_start3A_1373, %dma_start3A_1374, %dma_start3A_1375, %dma_start3A_1376] : memref<4x4x16x128xf32, #tpu.memory_space<vmem>> -> memref<1x1x8x128xf32, #tpu.memory_space<vmem>>
      %dma_start3A_1378 = tpu.memref_squeeze %dma_start3A_1377 : memref<1x1x8x128xf32, #tpu.memory_space<vmem>> -> memref<8x128xf32, #tpu.memory_space<vmem>>
      %dma_start3A_1379 = arith.constant 0 : i32
      %dma_start3A_1380 = tpu.memref_slice %arg4[%dma_start3A_1379, %multiple_of3A_1369] : memref<16x1000000xf32, #tpu.memory_space<hbm>> -> memref<8x128xf32, #tpu.memory_space<hbm>>
      %dma_start3A_1381 = arith.constant 0 : i32
      %dma_start3A_1382 = arith.constant 0 : i32
      %dma_start3A_1383 = tpu.memref_slice %arg9[%dma_start3A_1373, %dma_start3A_1374, %dma_start3A_1381, %dma_start3A_1382] : memref<4x4x16x128xf32, #tpu.memory_space<vmem>> -> memref<1x1x8x128xf32, #tpu.memory_space<vmem>>
      %dma_start3A_1384 = tpu.memref_squeeze %dma_start3A_1383 : memref<1x1x8x128xf32, #tpu.memory_space<vmem>> -> memref<8x128xf32, #tpu.memory_space<vmem>>
      %dma_start3A_1385 = arith.constant 0 : i32
      %dma_start3A_1386 = tpu.memref_slice %arg4[%dma_start3A_1385, %multiple_of3A_1369] : memref<16x1000000xf32, #tpu.memory_space<hbm>> -> memref<8x128xf32, #tpu.memory_space<hbm>>
      tpu.enqueue_dma source(%dma_start3A_1386 : memref<8x128xf32, #tpu.memory_space<hbm>>) target(%dma_start3A_1384 : memref<8x128xf32, #tpu.memory_space<vmem>>) target_semaphore(%arg15 : memref<!tpu.dma_semaphore, #tpu.memory_space<semaphore_mem>>)
      %dma_start3A_1387 = arith.constant 3 : i32
      %dma_start3A_1388 = arith.constant 0 : i32
      %dma_start3A_1389 = arith.constant 0 : i32
      %dma_start3A_1390 = arith.constant 0 : i32
      %dma_start3A_1391 = tpu.memref_slice %arg10[%dma_start3A_1387, %dma_start3A_1388, %dma_start3A_1389, %dma_start3A_1390] : memref<4x4x16x128xf32, #tpu.memory_space<vmem>> -> memref<1x1x8x128xf32, #tpu.memory_space<vmem>>
      %dma_start3A_1392 = tpu.memref_squeeze %dma_start3A_1391 : memref<1x1x8x128xf32, #tpu.memory_space<vmem>> -> memref<8x128xf32, #tpu.memory_space<vmem>>
      %dma_start3A_1393 = arith.constant 0 : i32
      %dma_start3A_1394 = tpu.memref_slice %arg5[%dma_start3A_1393, %multiple_of3A_1372] : memref<16x1000000xf32, #tpu.memory_space<hbm>> -> memref<8x128xf32, #tpu.memory_space<hbm>>
      %dma_start3A_1395 = arith.constant 0 : i32
      %dma_start3A_1396 = arith.constant 0 : i32
      %dma_start3A_1397 = tpu.memref_slice %arg10[%dma_start3A_1387, %dma_start3A_1388, %dma_start3A_1395, %dma_start3A_1396] : memref<4x4x16x128xf32, #tpu.memory_space<vmem>> -> memref<1x1x8x128xf32, #tpu.memory_space<vmem>>
      %dma_start3A_1398 = tpu.memref_squeeze %dma_start3A_1397 : memref<1x1x8x128xf32, #tpu.memory_space<vmem>> -> memref<8x128xf32, #tpu.memory_space<vmem>>
      %dma_start3A_1399 = arith.constant 0 : i32
      %dma_start3A_1400 = tpu.memref_slice %arg5[%dma_start3A_1399, %multiple_of3A_1372] : memref<16x1000000xf32, #tpu.memory_space<hbm>> -> memref<8x128xf32, #tpu.memory_space<hbm>>
      tpu.enqueue_dma source(%dma_start3A_1400 : memref<8x128xf32, #tpu.memory_space<hbm>>) target(%dma_start3A_1398 : memref<8x128xf32, #tpu.memory_space<vmem>>) target_semaphore(%arg19 : memref<!tpu.dma_semaphore, #tpu.memory_space<semaphore_mem>>)
      %dma_start3A_1401 = arith.constant 3 : i32
      %dma_start3A_1402 = arith.constant 0 : i32
      %dma_start3A_1403 = arith.constant 8 : i32
      %dma_start3A_1404 = arith.constant 0 : i32
      %dma_start3A_1405 = tpu.memref_slice %arg9[%dma_start3A_1401, %dma_start3A_1402, %dma_start3A_1403, %dma_start3A_1404] : memref<4x4x16x128xf32, #tpu.memory_space<vmem>> -> memref<1x1x8x128xf32, #tpu.memory_space<vmem>>
      %dma_start3A_1406 = tpu.memref_squeeze %dma_start3A_1405 : memref<1x1x8x128xf32, #tpu.memory_space<vmem>> -> memref<8x128xf32, #tpu.memory_space<vmem>>
      %dma_start3A_1407 = arith.constant 8 : i32
      %dma_start3A_1408 = tpu.memref_slice %arg4[%dma_start3A_1407, %multiple_of3A_1369] : memref<16x1000000xf32, #tpu.memory_space<hbm>> -> memref<8x128xf32, #tpu.memory_space<hbm>>
      %dma_start3A_1409 = arith.constant 8 : i32
      %dma_start3A_1410 = arith.constant 0 : i32
      %dma_start3A_1411 = tpu.memref_slice %arg9[%dma_start3A_1401, %dma_start3A_1402, %dma_start3A_1409, %dma_start3A_1410] : memref<4x4x16x128xf32, #tpu.memory_space<vmem>> -> memref<1x1x8x128xf32, #tpu.memory_space<vmem>>
      %dma_start3A_1412 = tpu.memref_squeeze %dma_start3A_1411 : memref<1x1x8x128xf32, #tpu.memory_space<vmem>> -> memref<8x128xf32, #tpu.memory_space<vmem>>
      %dma_start3A_1413 = arith.constant 8 : i32
      %dma_start3A_1414 = tpu.memref_slice %arg4[%dma_start3A_1413, %multiple_of3A_1369] : memref<16x1000000xf32, #tpu.memory_space<hbm>> -> memref<8x128xf32, #tpu.memory_space<hbm>>
      tpu.enqueue_dma source(%dma_start3A_1414 : memref<8x128xf32, #tpu.memory_space<hbm>>) target(%dma_start3A_1412 : memref<8x128xf32, #tpu.memory_space<vmem>>) target_semaphore(%arg15 : memref<!tpu.dma_semaphore, #tpu.memory_space<semaphore_mem>>)
      %dma_start3A_1415 = arith.constant 3 : i32
      %dma_start3A_1416 = arith.constant 0 : i32
      %dma_start3A_1417 = arith.constant 8 : i32
      %dma_start3A_1418 = arith.constant 0 : i32
      %dma_start3A_1419 = tpu.memref_slice %arg10[%dma_start3A_1415, %dma_start3A_1416, %dma_start3A_1417, %dma_start3A_1418] : memref<4x4x16x128xf32, #tpu.memory_space<vmem>> -> memref<1x1x8x128xf32, #tpu.memory_space<vmem>>
      %dma_start3A_1420 = tpu.memref_squeeze %dma_start3A_1419 : memref<1x1x8x128xf32, #tpu.memory_space<vmem>> -> memref<8x128xf32, #tpu.memory_space<vmem>>
      %dma_start3A_1421 = arith.constant 8 : i32
      %dma_start3A_1422 = tpu.memref_slice %arg5[%dma_start3A_1421, %multiple_of3A_1372] : memref<16x1000000xf32, #tpu.memory_space<hbm>> -> memref<8x128xf32, #tpu.memory_space<hbm>>
      %dma_start3A_1423 = arith.constant 8 : i32
      %dma_start3A_1424 = arith.constant 0 : i32
      %dma_start3A_1425 = tpu.memref_slice %arg10[%dma_start3A_1415, %dma_start3A_1416, %dma_start3A_1423, %dma_start3A_1424] : memref<4x4x16x128xf32, #tpu.memory_space<vmem>> -> memref<1x1x8x128xf32, #tpu.memory_space<vmem>>
      %dma_start3A_1426 = tpu.memref_squeeze %dma_start3A_1425 : memref<1x1x8x128xf32, #tpu.memory_space<vmem>> -> memref<8x128xf32, #tpu.memory_space<vmem>>
      %dma_start3A_1427 = arith.constant 8 : i32
      %dma_start3A_1428 = tpu.memref_slice %arg5[%dma_start3A_1427, %multiple_of3A_1372] : memref<16x1000000xf32, #tpu.memory_space<hbm>> -> memref<8x128xf32, #tpu.memory_space<hbm>>
      tpu.enqueue_dma source(%dma_start3A_1428 : memref<8x128xf32, #tpu.memory_space<hbm>>) target(%dma_start3A_1426 : memref<8x128xf32, #tpu.memory_space<vmem>>) target_semaphore(%arg19 : memref<!tpu.dma_semaphore, #tpu.memory_space<semaphore_mem>>)
      %slice3A_1429 = vector.extract_strided_slice %shift_left3A_1360 {offsets = [1], sizes = [1], strides = [1]} : vector<16xi32> to vector<1xi32>
      %squeeze3A_1430 = vector.extract %slice3A_1429[0] : i32 from vector<1xi32>
      %multiple_of3A_1431 = tpu.assume_multiple %squeeze3A_1430, 128 : i32
      %slice3A_1432 = vector.extract_strided_slice %shift_left3A_1366 {offsets = [1], sizes = [1], strides = [1]} : vector<16xi32> to vector<1xi32>
      %squeeze3A_1433 = vector.extract %slice3A_1432[0] : i32 from vector<1xi32>
      %multiple_of3A_1434 = tpu.assume_multiple %squeeze3A_1433, 128 : i32
      %dma_start3A_1435 = arith.constant 3 : i32
      %dma_start3A_1436 = arith.constant 1 : i32
      %dma_start3A_1437 = arith.constant 0 : i32
      %dma_start3A_1438 = arith.constant 0 : i32
      %dma_start3A_1439 = tpu.memref_slice %arg9[%dma_start3A_1435, %dma_start3A_1436, %dma_start3A_1437, %dma_start3A_1438] : memref<4x4x16x128xf32, #tpu.memory_space<vmem>> -> memref<1x1x8x128xf32, #tpu.memory_space<vmem>>
      %dma_start3A_1440 = tpu.memref_squeeze %dma_start3A_1439 : memref<1x1x8x128xf32, #tpu.memory_space<vmem>> -> memref<8x128xf32, #tpu.memory_space<vmem>>
      %dma_start3A_1441 = arith.constant 0 : i32
      %dma_start3A_1442 = tpu.memref_slice %arg4[%dma_start3A_1441, %multiple_of3A_1431] : memref<16x1000000xf32, #tpu.memory_space<hbm>> -> memref<8x128xf32, #tpu.memory_space<hbm>>
      %dma_start3A_1443 = arith.constant 0 : i32
      %dma_start3A_1444 = arith.constant 0 : i32
      %dma_start3A_1445 = tpu.memref_slice %arg9[%dma_start3A_1435, %dma_start3A_1436, %dma_start3A_1443, %dma_start3A_1444] : memref<4x4x16x128xf32, #tpu.memory_space<vmem>> -> memref<1x1x8x128xf32, #tpu.memory_space<vmem>>
      %dma_start3A_1446 = tpu.memref_squeeze %dma_start3A_1445 : memref<1x1x8x128xf32, #tpu.memory_space<vmem>> -> memref<8x128xf32, #tpu.memory_space<vmem>>
      %dma_start3A_1447 = arith.constant 0 : i32
      %dma_start3A_1448 = tpu.memref_slice %arg4[%dma_start3A_1447, %multiple_of3A_1431] : memref<16x1000000xf32, #tpu.memory_space<hbm>> -> memref<8x128xf32, #tpu.memory_space<hbm>>
      tpu.enqueue_dma source(%dma_start3A_1448 : memref<8x128xf32, #tpu.memory_space<hbm>>) target(%dma_start3A_1446 : memref<8x128xf32, #tpu.memory_space<vmem>>) target_semaphore(%arg15 : memref<!tpu.dma_semaphore, #tpu.memory_space<semaphore_mem>>)
      %dma_start3A_1449 = arith.constant 3 : i32
      %dma_start3A_1450 = arith.constant 1 : i32
      %dma_start3A_1451 = arith.constant 0 : i32
      %dma_start3A_1452 = arith.constant 0 : i32
      %dma_start3A_1453 = tpu.memref_slice %arg10[%dma_start3A_1449, %dma_start3A_1450, %dma_start3A_1451, %dma_start3A_1452] : memref<4x4x16x128xf32, #tpu.memory_space<vmem>> -> memref<1x1x8x128xf32, #tpu.memory_space<vmem>>
      %dma_start3A_1454 = tpu.memref_squeeze %dma_start3A_1453 : memref<1x1x8x128xf32, #tpu.memory_space<vmem>> -> memref<8x128xf32, #tpu.memory_space<vmem>>
      %dma_start3A_1455 = arith.constant 0 : i32
      %dma_start3A_1456 = tpu.memref_slice %arg5[%dma_start3A_1455, %multiple_of3A_1434] : memref<16x1000000xf32, #tpu.memory_space<hbm>> -> memref<8x128xf32, #tpu.memory_space<hbm>>
      %dma_start3A_1457 = arith.constant 0 : i32
      %dma_start3A_1458 = arith.constant 0 : i32
      %dma_start3A_1459 = tpu.memref_slice %arg10[%dma_start3A_1449, %dma_start3A_1450, %dma_start3A_1457, %dma_start3A_1458] : memref<4x4x16x128xf32, #tpu.memory_space<vmem>> -> memref<1x1x8x128xf32, #tpu.memory_space<vmem>>
      %dma_start3A_1460 = tpu.memref_squeeze %dma_start3A_1459 : memref<1x1x8x128xf32, #tpu.memory_space<vmem>> -> memref<8x128xf32, #tpu.memory_space<vmem>>
      %dma_start3A_1461 = arith.constant 0 : i32
      %dma_start3A_1462 = tpu.memref_slice %arg5[%dma_start3A_1461, %multiple_of3A_1434] : memref<16x1000000xf32, #tpu.memory_space<hbm>> -> memref<8x128xf32, #tpu.memory_space<hbm>>
      tpu.enqueue_dma source(%dma_start3A_1462 : memref<8x128xf32, #tpu.memory_space<hbm>>) target(%dma_start3A_1460 : memref<8x128xf32, #tpu.memory_space<vmem>>) target_semaphore(%arg19 : memref<!tpu.dma_semaphore, #tpu.memory_space<semaphore_mem>>)
      %dma_start3A_1463 = arith.constant 3 : i32
      %dma_start3A_1464 = arith.constant 1 : i32
      %dma_start3A_1465 = arith.constant 8 : i32
      %dma_start3A_1466 = arith.constant 0 : i32
      %dma_start3A_1467 = tpu.memref_slice %arg9[%dma_start3A_1463, %dma_start3A_1464, %dma_start3A_1465, %dma_start3A_1466] : memref<4x4x16x128xf32, #tpu.memory_space<vmem>> -> memref<1x1x8x128xf32, #tpu.memory_space<vmem>>
      %dma_start3A_1468 = tpu.memref_squeeze %dma_start3A_1467 : memref<1x1x8x128xf32, #tpu.memory_space<vmem>> -> memref<8x128xf32, #tpu.memory_space<vmem>>
      %dma_start3A_1469 = arith.constant 8 : i32
      %dma_start3A_1470 = tpu.memref_slice %arg4[%dma_start3A_1469, %multiple_of3A_1431] : memref<16x1000000xf32, #tpu.memory_space<hbm>> -> memref<8x128xf32, #tpu.memory_space<hbm>>
      %dma_start3A_1471 = arith.constant 8 : i32
      %dma_start3A_1472 = arith.constant 0 : i32
      %dma_start3A_1473 = tpu.memref_slice %arg9[%dma_start3A_1463, %dma_start3A_1464, %dma_start3A_1471, %dma_start3A_1472] : memref<4x4x16x128xf32, #tpu.memory_space<vmem>> -> memref<1x1x8x128xf32, #tpu.memory_space<vmem>>
      %dma_start3A_1474 = tpu.memref_squeeze %dma_start3A_1473 : memref<1x1x8x128xf32, #tpu.memory_space<vmem>> -> memref<8x128xf32, #tpu.memory_space<vmem>>
      %dma_start3A_1475 = arith.constant 8 : i32
      %dma_start3A_1476 = tpu.memref_slice %arg4[%dma_start3A_1475, %multiple_of3A_1431] : memref<16x1000000xf32, #tpu.memory_space<hbm>> -> memref<8x128xf32, #tpu.memory_space<hbm>>
      tpu.enqueue_dma source(%dma_start3A_1476 : memref<8x128xf32, #tpu.memory_space<hbm>>) target(%dma_start3A_1474 : memref<8x128xf32, #tpu.memory_space<vmem>>) target_semaphore(%arg15 : memref<!tpu.dma_semaphore, #tpu.memory_space<semaphore_mem>>)
      %dma_start3A_1477 = arith.constant 3 : i32
      %dma_start3A_1478 = arith.constant 1 : i32
      %dma_start3A_1479 = arith.constant 8 : i32
      %dma_start3A_1480 = arith.constant 0 : i32
      %dma_start3A_1481 = tpu.memref_slice %arg10[%dma_start3A_1477, %dma_start3A_1478, %dma_start3A_1479, %dma_start3A_1480] : memref<4x4x16x128xf32, #tpu.memory_space<vmem>> -> memref<1x1x8x128xf32, #tpu.memory_space<vmem>>
      %dma_start3A_1482 = tpu.memref_squeeze %dma_start3A_1481 : memref<1x1x8x128xf32, #tpu.memory_space<vmem>> -> memref<8x128xf32, #tpu.memory_space<vmem>>
      %dma_start3A_1483 = arith.constant 8 : i32
      %dma_start3A_1484 = tpu.memref_slice %arg5[%dma_start3A_1483, %multiple_of3A_1434] : memref<16x1000000xf32, #tpu.memory_space<hbm>> -> memref<8x128xf32, #tpu.memory_space<hbm>>
      %dma_start3A_1485 = arith.constant 8 : i32
      %dma_start3A_1486 = arith.constant 0 : i32
      %dma_start3A_1487 = tpu.memref_slice %arg10[%dma_start3A_1477, %dma_start3A_1478, %dma_start3A_1485, %dma_start3A_1486] : memref<4x4x16x128xf32, #tpu.memory_space<vmem>> -> memref<1x1x8x128xf32, #tpu.memory_space<vmem>>
      %dma_start3A_1488 = tpu.memref_squeeze %dma_start3A_1487 : memref<1x1x8x128xf32, #tpu.memory_space<vmem>> -> memref<8x128xf32, #tpu.memory_space<vmem>>
      %dma_start3A_1489 = arith.constant 8 : i32
      %dma_start3A_1490 = tpu.memref_slice %arg5[%dma_start3A_1489, %multiple_of3A_1434] : memref<16x1000000xf32, #tpu.memory_space<hbm>> -> memref<8x128xf32, #tpu.memory_space<hbm>>
      tpu.enqueue_dma source(%dma_start3A_1490 : memref<8x128xf32, #tpu.memory_space<hbm>>) target(%dma_start3A_1488 : memref<8x128xf32, #tpu.memory_space<vmem>>) target_semaphore(%arg19 : memref<!tpu.dma_semaphore, #tpu.memory_space<semaphore_mem>>)
      %slice3A_1491 = vector.extract_strided_slice %shift_left3A_1360 {offsets = [2], sizes = [1], strides = [1]} : vector<16xi32> to vector<1xi32>
      %squeeze3A_1492 = vector.extract %slice3A_1491[0] : i32 from vector<1xi32>
      %multiple_of3A_1493 = tpu.assume_multiple %squeeze3A_1492, 128 : i32
      %slice3A_1494 = vector.extract_strided_slice %shift_left3A_1366 {offsets = [2], sizes = [1], strides = [1]} : vector<16xi32> to vector<1xi32>
      %squeeze3A_1495 = vector.extract %slice3A_1494[0] : i32 from vector<1xi32>
      %multiple_of3A_1496 = tpu.assume_multiple %squeeze3A_1495, 128 : i32
      %dma_start3A_1497 = arith.constant 3 : i32
      %dma_start3A_1498 = arith.constant 2 : i32
      %dma_start3A_1499 = arith.constant 0 : i32
      %dma_start3A_1500 = arith.constant 0 : i32
      %dma_start3A_1501 = tpu.memref_slice %arg9[%dma_start3A_1497, %dma_start3A_1498, %dma_start3A_1499, %dma_start3A_1500] : memref<4x4x16x128xf32, #tpu.memory_space<vmem>> -> memref<1x1x8x128xf32, #tpu.memory_space<vmem>>
      %dma_start3A_1502 = tpu.memref_squeeze %dma_start3A_1501 : memref<1x1x8x128xf32, #tpu.memory_space<vmem>> -> memref<8x128xf32, #tpu.memory_space<vmem>>
      %dma_start3A_1503 = arith.constant 0 : i32
      %dma_start3A_1504 = tpu.memref_slice %arg4[%dma_start3A_1503, %multiple_of3A_1493] : memref<16x1000000xf32, #tpu.memory_space<hbm>> -> memref<8x128xf32, #tpu.memory_space<hbm>>
      %dma_start3A_1505 = arith.constant 0 : i32
      %dma_start3A_1506 = arith.constant 0 : i32
      %dma_start3A_1507 = tpu.memref_slice %arg9[%dma_start3A_1497, %dma_start3A_1498, %dma_start3A_1505, %dma_start3A_1506] : memref<4x4x16x128xf32, #tpu.memory_space<vmem>> -> memref<1x1x8x128xf32, #tpu.memory_space<vmem>>
      %dma_start3A_1508 = tpu.memref_squeeze %dma_start3A_1507 : memref<1x1x8x128xf32, #tpu.memory_space<vmem>> -> memref<8x128xf32, #tpu.memory_space<vmem>>
      %dma_start3A_1509 = arith.constant 0 : i32
      %dma_start3A_1510 = tpu.memref_slice %arg4[%dma_start3A_1509, %multiple_of3A_1493] : memref<16x1000000xf32, #tpu.memory_space<hbm>> -> memref<8x128xf32, #tpu.memory_space<hbm>>
      tpu.enqueue_dma source(%dma_start3A_1510 : memref<8x128xf32, #tpu.memory_space<hbm>>) target(%dma_start3A_1508 : memref<8x128xf32, #tpu.memory_space<vmem>>) target_semaphore(%arg15 : memref<!tpu.dma_semaphore, #tpu.memory_space<semaphore_mem>>)
      %dma_start3A_1511 = arith.constant 3 : i32
      %dma_start3A_1512 = arith.constant 2 : i32
      %dma_start3A_1513 = arith.constant 0 : i32
      %dma_start3A_1514 = arith.constant 0 : i32
      %dma_start3A_1515 = tpu.memref_slice %arg10[%dma_start3A_1511, %dma_start3A_1512, %dma_start3A_1513, %dma_start3A_1514] : memref<4x4x16x128xf32, #tpu.memory_space<vmem>> -> memref<1x1x8x128xf32, #tpu.memory_space<vmem>>
      %dma_start3A_1516 = tpu.memref_squeeze %dma_start3A_1515 : memref<1x1x8x128xf32, #tpu.memory_space<vmem>> -> memref<8x128xf32, #tpu.memory_space<vmem>>
      %dma_start3A_1517 = arith.constant 0 : i32
      %dma_start3A_1518 = tpu.memref_slice %arg5[%dma_start3A_1517, %multiple_of3A_1496] : memref<16x1000000xf32, #tpu.memory_space<hbm>> -> memref<8x128xf32, #tpu.memory_space<hbm>>
      %dma_start3A_1519 = arith.constant 0 : i32
      %dma_start3A_1520 = arith.constant 0 : i32
      %dma_start3A_1521 = tpu.memref_slice %arg10[%dma_start3A_1511, %dma_start3A_1512, %dma_start3A_1519, %dma_start3A_1520] : memref<4x4x16x128xf32, #tpu.memory_space<vmem>> -> memref<1x1x8x128xf32, #tpu.memory_space<vmem>>
      %dma_start3A_1522 = tpu.memref_squeeze %dma_start3A_1521 : memref<1x1x8x128xf32, #tpu.memory_space<vmem>> -> memref<8x128xf32, #tpu.memory_space<vmem>>
      %dma_start3A_1523 = arith.constant 0 : i32
      %dma_start3A_1524 = tpu.memref_slice %arg5[%dma_start3A_1523, %multiple_of3A_1496] : memref<16x1000000xf32, #tpu.memory_space<hbm>> -> memref<8x128xf32, #tpu.memory_space<hbm>>
      tpu.enqueue_dma source(%dma_start3A_1524 : memref<8x128xf32, #tpu.memory_space<hbm>>) target(%dma_start3A_1522 : memref<8x128xf32, #tpu.memory_space<vmem>>) target_semaphore(%arg19 : memref<!tpu.dma_semaphore, #tpu.memory_space<semaphore_mem>>)
      %dma_start3A_1525 = arith.constant 3 : i32
      %dma_start3A_1526 = arith.constant 2 : i32
      %dma_start3A_1527 = arith.constant 8 : i32
      %dma_start3A_1528 = arith.constant 0 : i32
      %dma_start3A_1529 = tpu.memref_slice %arg9[%dma_start3A_1525, %dma_start3A_1526, %dma_start3A_1527, %dma_start3A_1528] : memref<4x4x16x128xf32, #tpu.memory_space<vmem>> -> memref<1x1x8x128xf32, #tpu.memory_space<vmem>>
      %dma_start3A_1530 = tpu.memref_squeeze %dma_start3A_1529 : memref<1x1x8x128xf32, #tpu.memory_space<vmem>> -> memref<8x128xf32, #tpu.memory_space<vmem>>
      %dma_start3A_1531 = arith.constant 8 : i32
      %dma_start3A_1532 = tpu.memref_slice %arg4[%dma_start3A_1531, %multiple_of3A_1493] : memref<16x1000000xf32, #tpu.memory_space<hbm>> -> memref<8x128xf32, #tpu.memory_space<hbm>>
      %dma_start3A_1533 = arith.constant 8 : i32
      %dma_start3A_1534 = arith.constant 0 : i32
      %dma_start3A_1535 = tpu.memref_slice %arg9[%dma_start3A_1525, %dma_start3A_1526, %dma_start3A_1533, %dma_start3A_1534] : memref<4x4x16x128xf32, #tpu.memory_space<vmem>> -> memref<1x1x8x128xf32, #tpu.memory_space<vmem>>
      %dma_start3A_1536 = tpu.memref_squeeze %dma_start3A_1535 : memref<1x1x8x128xf32, #tpu.memory_space<vmem>> -> memref<8x128xf32, #tpu.memory_space<vmem>>
      %dma_start3A_1537 = arith.constant 8 : i32
      %dma_start3A_1538 = tpu.memref_slice %arg4[%dma_start3A_1537, %multiple_of3A_1493] : memref<16x1000000xf32, #tpu.memory_space<hbm>> -> memref<8x128xf32, #tpu.memory_space<hbm>>
      tpu.enqueue_dma source(%dma_start3A_1538 : memref<8x128xf32, #tpu.memory_space<hbm>>) target(%dma_start3A_1536 : memref<8x128xf32, #tpu.memory_space<vmem>>) target_semaphore(%arg15 : memref<!tpu.dma_semaphore, #tpu.memory_space<semaphore_mem>>)
      %dma_start3A_1539 = arith.constant 3 : i32
      %dma_start3A_1540 = arith.constant 2 : i32
      %dma_start3A_1541 = arith.constant 8 : i32
      %dma_start3A_1542 = arith.constant 0 : i32
      %dma_start3A_1543 = tpu.memref_slice %arg10[%dma_start3A_1539, %dma_start3A_1540, %dma_start3A_1541, %dma_start3A_1542] : memref<4x4x16x128xf32, #tpu.memory_space<vmem>> -> memref<1x1x8x128xf32, #tpu.memory_space<vmem>>
      %dma_start3A_1544 = tpu.memref_squeeze %dma_start3A_1543 : memref<1x1x8x128xf32, #tpu.memory_space<vmem>> -> memref<8x128xf32, #tpu.memory_space<vmem>>
      %dma_start3A_1545 = arith.constant 8 : i32
      %dma_start3A_1546 = tpu.memref_slice %arg5[%dma_start3A_1545, %multiple_of3A_1496] : memref<16x1000000xf32, #tpu.memory_space<hbm>> -> memref<8x128xf32, #tpu.memory_space<hbm>>
      %dma_start3A_1547 = arith.constant 8 : i32
      %dma_start3A_1548 = arith.constant 0 : i32
      %dma_start3A_1549 = tpu.memref_slice %arg10[%dma_start3A_1539, %dma_start3A_1540, %dma_start3A_1547, %dma_start3A_1548] : memref<4x4x16x128xf32, #tpu.memory_space<vmem>> -> memref<1x1x8x128xf32, #tpu.memory_space<vmem>>
      %dma_start3A_1550 = tpu.memref_squeeze %dma_start3A_1549 : memref<1x1x8x128xf32, #tpu.memory_space<vmem>> -> memref<8x128xf32, #tpu.memory_space<vmem>>
      %dma_start3A_1551 = arith.constant 8 : i32
      %dma_start3A_1552 = tpu.memref_slice %arg5[%dma_start3A_1551, %multiple_of3A_1496] : memref<16x1000000xf32, #tpu.memory_space<hbm>> -> memref<8x128xf32, #tpu.memory_space<hbm>>
      tpu.enqueue_dma source(%dma_start3A_1552 : memref<8x128xf32, #tpu.memory_space<hbm>>) target(%dma_start3A_1550 : memref<8x128xf32, #tpu.memory_space<vmem>>) target_semaphore(%arg19 : memref<!tpu.dma_semaphore, #tpu.memory_space<semaphore_mem>>)
      %slice3A_1553 = vector.extract_strided_slice %shift_left3A_1360 {offsets = [3], sizes = [1], strides = [1]} : vector<16xi32> to vector<1xi32>
      %squeeze3A_1554 = vector.extract %slice3A_1553[0] : i32 from vector<1xi32>
      %multiple_of3A_1555 = tpu.assume_multiple %squeeze3A_1554, 128 : i32
      %slice3A_1556 = vector.extract_strided_slice %shift_left3A_1366 {offsets = [3], sizes = [1], strides = [1]} : vector<16xi32> to vector<1xi32>
      %squeeze3A_1557 = vector.extract %slice3A_1556[0] : i32 from vector<1xi32>
      %multiple_of3A_1558 = tpu.assume_multiple %squeeze3A_1557, 128 : i32
      %dma_start3A_1559 = arith.constant 3 : i32
      %dma_start3A_1560 = arith.constant 3 : i32
      %dma_start3A_1561 = arith.constant 0 : i32
      %dma_start3A_1562 = arith.constant 0 : i32
      %dma_start3A_1563 = tpu.memref_slice %arg9[%dma_start3A_1559, %dma_start3A_1560, %dma_start3A_1561, %dma_start3A_1562] : memref<4x4x16x128xf32, #tpu.memory_space<vmem>> -> memref<1x1x8x128xf32, #tpu.memory_space<vmem>>
      %dma_start3A_1564 = tpu.memref_squeeze %dma_start3A_1563 : memref<1x1x8x128xf32, #tpu.memory_space<vmem>> -> memref<8x128xf32, #tpu.memory_space<vmem>>
      %dma_start3A_1565 = arith.constant 0 : i32
      %dma_start3A_1566 = tpu.memref_slice %arg4[%dma_start3A_1565, %multiple_of3A_1555] : memref<16x1000000xf32, #tpu.memory_space<hbm>> -> memref<8x128xf32, #tpu.memory_space<hbm>>
      %dma_start3A_1567 = arith.constant 0 : i32
      %dma_start3A_1568 = arith.constant 0 : i32
      %dma_start3A_1569 = tpu.memref_slice %arg9[%dma_start3A_1559, %dma_start3A_1560, %dma_start3A_1567, %dma_start3A_1568] : memref<4x4x16x128xf32, #tpu.memory_space<vmem>> -> memref<1x1x8x128xf32, #tpu.memory_space<vmem>>
      %dma_start3A_1570 = tpu.memref_squeeze %dma_start3A_1569 : memref<1x1x8x128xf32, #tpu.memory_space<vmem>> -> memref<8x128xf32, #tpu.memory_space<vmem>>
      %dma_start3A_1571 = arith.constant 0 : i32
      %dma_start3A_1572 = tpu.memref_slice %arg4[%dma_start3A_1571, %multiple_of3A_1555] : memref<16x1000000xf32, #tpu.memory_space<hbm>> -> memref<8x128xf32, #tpu.memory_space<hbm>>
      tpu.enqueue_dma source(%dma_start3A_1572 : memref<8x128xf32, #tpu.memory_space<hbm>>) target(%dma_start3A_1570 : memref<8x128xf32, #tpu.memory_space<vmem>>) target_semaphore(%arg15 : memref<!tpu.dma_semaphore, #tpu.memory_space<semaphore_mem>>)
      %dma_start3A_1573 = arith.constant 3 : i32
      %dma_start3A_1574 = arith.constant 3 : i32
      %dma_start3A_1575 = arith.constant 0 : i32
      %dma_start3A_1576 = arith.constant 0 : i32
      %dma_start3A_1577 = tpu.memref_slice %arg10[%dma_start3A_1573, %dma_start3A_1574, %dma_start3A_1575, %dma_start3A_1576] : memref<4x4x16x128xf32, #tpu.memory_space<vmem>> -> memref<1x1x8x128xf32, #tpu.memory_space<vmem>>
      %dma_start3A_1578 = tpu.memref_squeeze %dma_start3A_1577 : memref<1x1x8x128xf32, #tpu.memory_space<vmem>> -> memref<8x128xf32, #tpu.memory_space<vmem>>
      %dma_start3A_1579 = arith.constant 0 : i32
      %dma_start3A_1580 = tpu.memref_slice %arg5[%dma_start3A_1579, %multiple_of3A_1558] : memref<16x1000000xf32, #tpu.memory_space<hbm>> -> memref<8x128xf32, #tpu.memory_space<hbm>>
      %dma_start3A_1581 = arith.constant 0 : i32
      %dma_start3A_1582 = arith.constant 0 : i32
      %dma_start3A_1583 = tpu.memref_slice %arg10[%dma_start3A_1573, %dma_start3A_1574, %dma_start3A_1581, %dma_start3A_1582] : memref<4x4x16x128xf32, #tpu.memory_space<vmem>> -> memref<1x1x8x128xf32, #tpu.memory_space<vmem>>
      %dma_start3A_1584 = tpu.memref_squeeze %dma_start3A_1583 : memref<1x1x8x128xf32, #tpu.memory_space<vmem>> -> memref<8x128xf32, #tpu.memory_space<vmem>>
      %dma_start3A_1585 = arith.constant 0 : i32
      %dma_start3A_1586 = tpu.memref_slice %arg5[%dma_start3A_1585, %multiple_of3A_1558] : memref<16x1000000xf32, #tpu.memory_space<hbm>> -> memref<8x128xf32, #tpu.memory_space<hbm>>
      tpu.enqueue_dma source(%dma_start3A_1586 : memref<8x128xf32, #tpu.memory_space<hbm>>) target(%dma_start3A_1584 : memref<8x128xf32, #tpu.memory_space<vmem>>) target_semaphore(%arg19 : memref<!tpu.dma_semaphore, #tpu.memory_space<semaphore_mem>>)
      %dma_start3A_1587 = arith.constant 3 : i32
      %dma_start3A_1588 = arith.constant 3 : i32
      %dma_start3A_1589 = arith.constant 8 : i32
      %dma_start3A_1590 = arith.constant 0 : i32
      %dma_start3A_1591 = tpu.memref_slice %arg9[%dma_start3A_1587, %dma_start3A_1588, %dma_start3A_1589, %dma_start3A_1590] : memref<4x4x16x128xf32, #tpu.memory_space<vmem>> -> memref<1x1x8x128xf32, #tpu.memory_space<vmem>>
      %dma_start3A_1592 = tpu.memref_squeeze %dma_start3A_1591 : memref<1x1x8x128xf32, #tpu.memory_space<vmem>> -> memref<8x128xf32, #tpu.memory_space<vmem>>
      %dma_start3A_1593 = arith.constant 8 : i32
      %dma_start3A_1594 = tpu.memref_slice %arg4[%dma_start3A_1593, %multiple_of3A_1555] : memref<16x1000000xf32, #tpu.memory_space<hbm>> -> memref<8x128xf32, #tpu.memory_space<hbm>>
      %dma_start3A_1595 = arith.constant 8 : i32
      %dma_start3A_1596 = arith.constant 0 : i32
      %dma_start3A_1597 = tpu.memref_slice %arg9[%dma_start3A_1587, %dma_start3A_1588, %dma_start3A_1595, %dma_start3A_1596] : memref<4x4x16x128xf32, #tpu.memory_space<vmem>> -> memref<1x1x8x128xf32, #tpu.memory_space<vmem>>
      %dma_start3A_1598 = tpu.memref_squeeze %dma_start3A_1597 : memref<1x1x8x128xf32, #tpu.memory_space<vmem>> -> memref<8x128xf32, #tpu.memory_space<vmem>>
      %dma_start3A_1599 = arith.constant 8 : i32
      %dma_start3A_1600 = tpu.memref_slice %arg4[%dma_start3A_1599, %multiple_of3A_1555] : memref<16x1000000xf32, #tpu.memory_space<hbm>> -> memref<8x128xf32, #tpu.memory_space<hbm>>
      tpu.enqueue_dma source(%dma_start3A_1600 : memref<8x128xf32, #tpu.memory_space<hbm>>) target(%dma_start3A_1598 : memref<8x128xf32, #tpu.memory_space<vmem>>) target_semaphore(%arg15 : memref<!tpu.dma_semaphore, #tpu.memory_space<semaphore_mem>>)
      %dma_start3A_1601 = arith.constant 3 : i32
      %dma_start3A_1602 = arith.constant 3 : i32
      %dma_start3A_1603 = arith.constant 8 : i32
      %dma_start3A_1604 = arith.constant 0 : i32
      %dma_start3A_1605 = tpu.memref_slice %arg10[%dma_start3A_1601, %dma_start3A_1602, %dma_start3A_1603, %dma_start3A_1604] : memref<4x4x16x128xf32, #tpu.memory_space<vmem>> -> memref<1x1x8x128xf32, #tpu.memory_space<vmem>>
      %dma_start3A_1606 = tpu.memref_squeeze %dma_start3A_1605 : memref<1x1x8x128xf32, #tpu.memory_space<vmem>> -> memref<8x128xf32, #tpu.memory_space<vmem>>
      %dma_start3A_1607 = arith.constant 8 : i32
      %dma_start3A_1608 = tpu.memref_slice %arg5[%dma_start3A_1607, %multiple_of3A_1558] : memref<16x1000000xf32, #tpu.memory_space<hbm>> -> memref<8x128xf32, #tpu.memory_space<hbm>>
      %dma_start3A_1609 = arith.constant 8 : i32
      %dma_start3A_1610 = arith.constant 0 : i32
      %dma_start3A_1611 = tpu.memref_slice %arg10[%dma_start3A_1601, %dma_start3A_1602, %dma_start3A_1609, %dma_start3A_1610] : memref<4x4x16x128xf32, #tpu.memory_space<vmem>> -> memref<1x1x8x128xf32, #tpu.memory_space<vmem>>
      %dma_start3A_1612 = tpu.memref_squeeze %dma_start3A_1611 : memref<1x1x8x128xf32, #tpu.memory_space<vmem>> -> memref<8x128xf32, #tpu.memory_space<vmem>>
      %dma_start3A_1613 = arith.constant 8 : i32
      %dma_start3A_1614 = tpu.memref_slice %arg5[%dma_start3A_1613, %multiple_of3A_1558] : memref<16x1000000xf32, #tpu.memory_space<hbm>> -> memref<8x128xf32, #tpu.memory_space<hbm>>
      tpu.enqueue_dma source(%dma_start3A_1614 : memref<8x128xf32, #tpu.memory_space<hbm>>) target(%dma_start3A_1612 : memref<8x128xf32, #tpu.memory_space<vmem>>) target_semaphore(%arg19 : memref<!tpu.dma_semaphore, #tpu.memory_space<semaphore_mem>>)
      %slice3A_1615 = vector.extract_strided_slice %and3A_1207 {offsets = [0], sizes = [1], strides = [1]} : vector<16xi32> to vector<1xi32>
      %squeeze3A_1616 = vector.extract %slice3A_1615[0] : i32 from vector<1xi32>
      %broadcast_in_dim3A_1617 = vector.broadcast %squeeze3A_1616 : i32 to vector<16xi32>
      %slice3A_1618 = vector.extract_strided_slice %and3A_1210 {offsets = [0], sizes = [1], strides = [1]} : vector<16xi32> to vector<1xi32>
      %squeeze3A_1619 = vector.extract %slice3A_1618[0] : i32 from vector<1xi32>
      %broadcast_in_dim3A_1620 = vector.broadcast %squeeze3A_1619 : i32 to vector<16xi32>
      %gather3A = arith.constant 0 : i32
      %gather3A_1621 = arith.constant 0 : i32
      %gather3A_1622 = arith.constant 0 : i32
      %gather3A_1623 = arith.constant 0 : i32
      %gather3A_1624 = tpu.memref_slice %arg9[%gather3A, %gather3A_1621, %gather3A_1622, %gather3A_1623] : memref<4x4x16x128xf32, #tpu.memory_space<vmem>> -> memref<1x1x16x128xf32, #tpu.memory_space<vmem>>
      %gather3A_1625 = tpu.memref_squeeze %gather3A_1624 : memref<1x1x16x128xf32, #tpu.memory_space<vmem>> -> memref<16x128xf32, #tpu.memory_space<vmem>>
      %gather3A_1626 = tpu.vector_load_idx %gather3A_1625[%iota3A, %broadcast_in_dim3A_1617] : memref<16x128xf32, #tpu.memory_space<vmem>>[vector<16xi32>, vector<16xi32>], vector<16xf32>,
      %gather3A_1627 = arith.constant 0 : i32
      %gather3A_1628 = arith.constant 0 : i32
      %gather3A_1629 = arith.constant 0 : i32
      %gather3A_1630 = arith.constant 0 : i32
      %gather3A_1631 = tpu.memref_slice %arg10[%gather3A_1627, %gather3A_1628, %gather3A_1629, %gather3A_1630] : memref<4x4x16x128xf32, #tpu.memory_space<vmem>> -> memref<1x1x16x128xf32, #tpu.memory_space<vmem>>
      %gather3A_1632 = tpu.memref_squeeze %gather3A_1631 : memref<1x1x16x128xf32, #tpu.memory_space<vmem>> -> memref<16x128xf32, #tpu.memory_space<vmem>>
      %gather3A_1633 = tpu.vector_load_idx %gather3A_1632[%iota3A, %broadcast_in_dim3A_1620] : memref<16x128xf32, #tpu.memory_space<vmem>>[vector<16xi32>, vector<16xi32>], vector<16xf32>,
      %mul3A_1634 = arith.mulf %gather3A_1626, %gather3A_1633 : vector<16xf32>
      %reduce_sum3A = arith.constant true
      %reduce_sum3A_1635 = vector.broadcast %reduce_sum3A : i1 to vector<16xi1>
      %reduce_sum3A_1636 = tpu.scan <sum>, %mul3A_1634 masked %reduce_sum3A_1635 : vector<16xf32>, vector<16xi1> -> vector<16xf32>
      %reduce_sum3A_1637 = vector.extract %reduce_sum3A_1636[15] : f32 from vector<16xf32>
      %eq3A = arith.constant 0 : i32
      %eq3A_1638 = vector.broadcast %eq3A : i32 to vector<16xi32>
      %eq3A_1639 = arith.cmpi eq, %iota3A, %eq3A_1638 : vector<16xi32>
      %broadcast_in_dim3A_1640 = vector.broadcast %reduce_sum3A_1637 : f32 to vector<16xf32>
      %select_n3A = arith.select %eq3A_1639, %broadcast_in_dim3A_1640, %broadcast_in_dim3A_1197 : vector<16xi1>, vector<16xf32>
      %slice3A_1641 = vector.extract_strided_slice %and3A_1207 {offsets = [1], sizes = [1], strides = [1]} : vector<16xi32> to vector<1xi32>
      %squeeze3A_1642 = vector.extract %slice3A_1641[0] : i32 from vector<1xi32>
      %broadcast_in_dim3A_1643 = vector.broadcast %squeeze3A_1642 : i32 to vector<16xi32>
      %slice3A_1644 = vector.extract_strided_slice %and3A_1210 {offsets = [1], sizes = [1], strides = [1]} : vector<16xi32> to vector<1xi32>
      %squeeze3A_1645 = vector.extract %slice3A_1644[0] : i32 from vector<1xi32>
      %broadcast_in_dim3A_1646 = vector.broadcast %squeeze3A_1645 : i32 to vector<16xi32>
      %gather3A_1647 = arith.constant 0 : i32
      %gather3A_1648 = arith.constant 1 : i32
      %gather3A_1649 = arith.constant 0 : i32
      %gather3A_1650 = arith.constant 0 : i32
      %gather3A_1651 = tpu.memref_slice %arg9[%gather3A_1647, %gather3A_1648, %gather3A_1649, %gather3A_1650] : memref<4x4x16x128xf32, #tpu.memory_space<vmem>> -> memref<1x1x16x128xf32, #tpu.memory_space<vmem>>
      %gather3A_1652 = tpu.memref_squeeze %gather3A_1651 : memref<1x1x16x128xf32, #tpu.memory_space<vmem>> -> memref<16x128xf32, #tpu.memory_space<vmem>>
      %gather3A_1653 = tpu.vector_load_idx %gather3A_1652[%iota3A, %broadcast_in_dim3A_1643] : memref<16x128xf32, #tpu.memory_space<vmem>>[vector<16xi32>, vector<16xi32>], vector<16xf32>,
      %gather3A_1654 = arith.constant 0 : i32
      %gather3A_1655 = arith.constant 1 : i32
      %gather3A_1656 = arith.constant 0 : i32
      %gather3A_1657 = arith.constant 0 : i32
      %gather3A_1658 = tpu.memref_slice %arg10[%gather3A_1654, %gather3A_1655, %gather3A_1656, %gather3A_1657] : memref<4x4x16x128xf32, #tpu.memory_space<vmem>> -> memref<1x1x16x128xf32, #tpu.memory_space<vmem>>
      %gather3A_1659 = tpu.memref_squeeze %gather3A_1658 : memref<1x1x16x128xf32, #tpu.memory_space<vmem>> -> memref<16x128xf32, #tpu.memory_space<vmem>>
      %gather3A_1660 = tpu.vector_load_idx %gather3A_1659[%iota3A, %broadcast_in_dim3A_1646] : memref<16x128xf32, #tpu.memory_space<vmem>>[vector<16xi32>, vector<16xi32>], vector<16xf32>,
      %mul3A_1661 = arith.mulf %gather3A_1653, %gather3A_1660 : vector<16xf32>
      %reduce_sum3A_1662 = arith.constant true
      %reduce_sum3A_1663 = vector.broadcast %reduce_sum3A_1662 : i1 to vector<16xi1>
      %reduce_sum3A_1664 = tpu.scan <sum>, %mul3A_1661 masked %reduce_sum3A_1663 : vector<16xf32>, vector<16xi1> -> vector<16xf32>
      %reduce_sum3A_1665 = vector.extract %reduce_sum3A_1664[15] : f32 from vector<16xf32>
      %eq3A_1666 = arith.constant 1 : i32
      %eq3A_1667 = vector.broadcast %eq3A_1666 : i32 to vector<16xi32>
      %eq3A_1668 = arith.cmpi eq, %iota3A, %eq3A_1667 : vector<16xi32>
      %broadcast_in_dim3A_1669 = vector.broadcast %reduce_sum3A_1665 : f32 to vector<16xf32>
      %select_n3A_1670 = arith.select %eq3A_1668, %broadcast_in_dim3A_1669, %select_n3A : vector<16xi1>, vector<16xf32>
      %slice3A_1671 = vector.extract_strided_slice %and3A_1207 {offsets = [2], sizes = [1], strides = [1]} : vector<16xi32> to vector<1xi32>
      %squeeze3A_1672 = vector.extract %slice3A_1671[0] : i32 from vector<1xi32>
      %broadcast_in_dim3A_1673 = vector.broadcast %squeeze3A_1672 : i32 to vector<16xi32>
      %slice3A_1674 = vector.extract_strided_slice %and3A_1210 {offsets = [2], sizes = [1], strides = [1]} : vector<16xi32> to vector<1xi32>
      %squeeze3A_1675 = vector.extract %slice3A_1674[0] : i32 from vector<1xi32>
      %broadcast_in_dim3A_1676 = vector.broadcast %squeeze3A_1675 : i32 to vector<16xi32>
      %gather3A_1677 = arith.constant 0 : i32
      %gather3A_1678 = arith.constant 2 : i32
      %gather3A_1679 = arith.constant 0 : i32
      %gather3A_1680 = arith.constant 0 : i32
      %gather3A_1681 = tpu.memref_slice %arg9[%gather3A_1677, %gather3A_1678, %gather3A_1679, %gather3A_1680] : memref<4x4x16x128xf32, #tpu.memory_space<vmem>> -> memref<1x1x16x128xf32, #tpu.memory_space<vmem>>
      %gather3A_1682 = tpu.memref_squeeze %gather3A_1681 : memref<1x1x16x128xf32, #tpu.memory_space<vmem>> -> memref<16x128xf32, #tpu.memory_space<vmem>>
      %gather3A_1683 = tpu.vector_load_idx %gather3A_1682[%iota3A, %broadcast_in_dim3A_1673] : memref<16x128xf32, #tpu.memory_space<vmem>>[vector<16xi32>, vector<16xi32>], vector<16xf32>,
      %gather3A_1684 = arith.constant 0 : i32
      %gather3A_1685 = arith.constant 2 : i32
      %gather3A_1686 = arith.constant 0 : i32
      %gather3A_1687 = arith.constant 0 : i32
      %gather3A_1688 = tpu.memref_slice %arg10[%gather3A_1684, %gather3A_1685, %gather3A_1686, %gather3A_1687] : memref<4x4x16x128xf32, #tpu.memory_space<vmem>> -> memref<1x1x16x128xf32, #tpu.memory_space<vmem>>
      %gather3A_1689 = tpu.memref_squeeze %gather3A_1688 : memref<1x1x16x128xf32, #tpu.memory_space<vmem>> -> memref<16x128xf32, #tpu.memory_space<vmem>>
      %gather3A_1690 = tpu.vector_load_idx %gather3A_1689[%iota3A, %broadcast_in_dim3A_1676] : memref<16x128xf32, #tpu.memory_space<vmem>>[vector<16xi32>, vector<16xi32>], vector<16xf32>,
      %mul3A_1691 = arith.mulf %gather3A_1683, %gather3A_1690 : vector<16xf32>
      %reduce_sum3A_1692 = arith.constant true
      %reduce_sum3A_1693 = vector.broadcast %reduce_sum3A_1692 : i1 to vector<16xi1>
      %reduce_sum3A_1694 = tpu.scan <sum>, %mul3A_1691 masked %reduce_sum3A_1693 : vector<16xf32>, vector<16xi1> -> vector<16xf32>
      %reduce_sum3A_1695 = vector.extract %reduce_sum3A_1694[15] : f32 from vector<16xf32>
      %eq3A_1696 = arith.constant 2 : i32
      %eq3A_1697 = vector.broadcast %eq3A_1696 : i32 to vector<16xi32>
      %eq3A_1698 = arith.cmpi eq, %iota3A, %eq3A_1697 : vector<16xi32>
      %broadcast_in_dim3A_1699 = vector.broadcast %reduce_sum3A_1695 : f32 to vector<16xf32>
      %select_n3A_1700 = arith.select %eq3A_1698, %broadcast_in_dim3A_1699, %select_n3A_1670 : vector<16xi1>, vector<16xf32>
      %slice3A_1701 = vector.extract_strided_slice %and3A_1207 {offsets = [3], sizes = [1], strides = [1]} : vector<16xi32> to vector<1xi32>
      %squeeze3A_1702 = vector.extract %slice3A_1701[0] : i32 from vector<1xi32>
      %broadcast_in_dim3A_1703 = vector.broadcast %squeeze3A_1702 : i32 to vector<16xi32>
      %slice3A_1704 = vector.extract_strided_slice %and3A_1210 {offsets = [3], sizes = [1], strides = [1]} : vector<16xi32> to vector<1xi32>
      %squeeze3A_1705 = vector.extract %slice3A_1704[0] : i32 from vector<1xi32>
      %broadcast_in_dim3A_1706 = vector.broadcast %squeeze3A_1705 : i32 to vector<16xi32>
      %gather3A_1707 = arith.constant 0 : i32
      %gather3A_1708 = arith.constant 3 : i32
      %gather3A_1709 = arith.constant 0 : i32
      %gather3A_1710 = arith.constant 0 : i32
      %gather3A_1711 = tpu.memref_slice %arg9[%gather3A_1707, %gather3A_1708, %gather3A_1709, %gather3A_1710] : memref<4x4x16x128xf32, #tpu.memory_space<vmem>> -> memref<1x1x16x128xf32, #tpu.memory_space<vmem>>
      %gather3A_1712 = tpu.memref_squeeze %gather3A_1711 : memref<1x1x16x128xf32, #tpu.memory_space<vmem>> -> memref<16x128xf32, #tpu.memory_space<vmem>>
      %gather3A_1713 = tpu.vector_load_idx %gather3A_1712[%iota3A, %broadcast_in_dim3A_1703] : memref<16x128xf32, #tpu.memory_space<vmem>>[vector<16xi32>, vector<16xi32>], vector<16xf32>,
      %gather3A_1714 = arith.constant 0 : i32
      %gather3A_1715 = arith.constant 3 : i32
      %gather3A_1716 = arith.constant 0 : i32
      %gather3A_1717 = arith.constant 0 : i32
      %gather3A_1718 = tpu.memref_slice %arg10[%gather3A_1714, %gather3A_1715, %gather3A_1716, %gather3A_1717] : memref<4x4x16x128xf32, #tpu.memory_space<vmem>> -> memref<1x1x16x128xf32, #tpu.memory_space<vmem>>
      %gather3A_1719 = tpu.memref_squeeze %gather3A_1718 : memref<1x1x16x128xf32, #tpu.memory_space<vmem>> -> memref<16x128xf32, #tpu.memory_space<vmem>>
      %gather3A_1720 = tpu.vector_load_idx %gather3A_1719[%iota3A, %broadcast_in_dim3A_1706] : memref<16x128xf32, #tpu.memory_space<vmem>>[vector<16xi32>, vector<16xi32>], vector<16xf32>,
      %mul3A_1721 = arith.mulf %gather3A_1713, %gather3A_1720 : vector<16xf32>
      %reduce_sum3A_1722 = arith.constant true
      %reduce_sum3A_1723 = vector.broadcast %reduce_sum3A_1722 : i1 to vector<16xi1>
      %reduce_sum3A_1724 = tpu.scan <sum>, %mul3A_1721 masked %reduce_sum3A_1723 : vector<16xf32>, vector<16xi1> -> vector<16xf32>
      %reduce_sum3A_1725 = vector.extract %reduce_sum3A_1724[15] : f32 from vector<16xf32>
      %eq3A_1726 = arith.constant 3 : i32
      %eq3A_1727 = vector.broadcast %eq3A_1726 : i32 to vector<16xi32>
      %eq3A_1728 = arith.cmpi eq, %iota3A, %eq3A_1727 : vector<16xi32>
      %broadcast_in_dim3A_1729 = vector.broadcast %reduce_sum3A_1725 : f32 to vector<16xf32>
      %select_n3A_1730 = arith.select %eq3A_1728, %broadcast_in_dim3A_1729, %select_n3A_1700 : vector<16xi1>, vector<16xf32>
      %mul3A_1731 = arith.constant 4 : i32
      %mul3A_1732 = arith.muli %scan3A_1196, %mul3A_1731 : i32
      %add3A_1733 = arith.constant 1 : i32
      %add3A_1734 = arith.addi %mul3A_1732, %add3A_1733 : i32
      %dma_wait3A_1735 = arith.constant 1 : i32
      %dma_wait3A_1736 = arith.constant 0 : i32
      %dma_wait3A_1737 = arith.constant 0 : i32
      %dma_wait3A_1738 = arith.constant 0 : i32
      %dma_wait3A_1739 = tpu.memref_slice %arg9[%dma_wait3A_1735, %dma_wait3A_1736, %dma_wait3A_1737, %dma_wait3A_1738] : memref<4x4x16x128xf32, #tpu.memory_space<vmem>> -> memref<1x1x16x128xf32, #tpu.memory_space<vmem>>
      %dma_wait3A_1740 = tpu.memref_squeeze %dma_wait3A_1739 : memref<1x1x16x128xf32, #tpu.memory_space<vmem>> -> memref<16x128xf32, #tpu.memory_space<vmem>>
      %dma_wait3A_1741 = arith.constant 0 : i32
      %dma_wait3A_1742 = arith.constant 0 : i32
      %dma_wait3A_1743 = tpu.memref_slice %arg4[%dma_wait3A_1741, %dma_wait3A_1742] : memref<16x1000000xf32, #tpu.memory_space<hbm>> -> memref<16x128xf32, #tpu.memory_space<hbm>>
      %dma_wait3A_1744 = arith.constant 0 : i32
      %dma_wait3A_1745 = arith.constant 0 : i32
      %dma_wait3A_1746 = tpu.memref_slice %arg9[%dma_wait3A_1735, %dma_wait3A_1736, %dma_wait3A_1744, %dma_wait3A_1745] : memref<4x4x16x128xf32, #tpu.memory_space<vmem>> -> memref<1x1x16x128xf32, #tpu.memory_space<vmem>>
      %dma_wait3A_1747 = tpu.memref_squeeze %dma_wait3A_1746 : memref<1x1x16x128xf32, #tpu.memory_space<vmem>> -> memref<16x128xf32, #tpu.memory_space<vmem>>
      %dma_wait3A_1748 = arith.constant 0 : i32
      %dma_wait3A_1749 = arith.constant 0 : i32
      %dma_wait3A_1750 = tpu.memref_slice %arg4[%dma_wait3A_1748, %dma_wait3A_1749] : memref<16x1000000xf32, #tpu.memory_space<hbm>> -> memref<16x128xf32, #tpu.memory_space<hbm>>
      tpu.wait_dma2 semaphore(%arg13 : memref<!tpu.dma_semaphore, #tpu.memory_space<semaphore_mem>>) src(%dma_wait3A_1750 : memref<16x128xf32, #tpu.memory_space<hbm>>) dst(%dma_wait3A_1747 : memref<16x128xf32, #tpu.memory_space<vmem>>)
      %dma_wait3A_1751 = arith.constant 1 : i32
      %dma_wait3A_1752 = arith.constant 0 : i32
      %dma_wait3A_1753 = arith.constant 0 : i32
      %dma_wait3A_1754 = arith.constant 0 : i32
      %dma_wait3A_1755 = tpu.memref_slice %arg10[%dma_wait3A_1751, %dma_wait3A_1752, %dma_wait3A_1753, %dma_wait3A_1754] : memref<4x4x16x128xf32, #tpu.memory_space<vmem>> -> memref<1x1x16x128xf32, #tpu.memory_space<vmem>>
      %dma_wait3A_1756 = tpu.memref_squeeze %dma_wait3A_1755 : memref<1x1x16x128xf32, #tpu.memory_space<vmem>> -> memref<16x128xf32, #tpu.memory_space<vmem>>
      %dma_wait3A_1757 = arith.constant 0 : i32
      %dma_wait3A_1758 = arith.constant 0 : i32
      %dma_wait3A_1759 = tpu.memref_slice %arg5[%dma_wait3A_1757, %dma_wait3A_1758] : memref<16x1000000xf32, #tpu.memory_space<hbm>> -> memref<16x128xf32, #tpu.memory_space<hbm>>
      %dma_wait3A_1760 = arith.constant 0 : i32
      %dma_wait3A_1761 = arith.constant 0 : i32
      %dma_wait3A_1762 = tpu.memref_slice %arg10[%dma_wait3A_1751, %dma_wait3A_1752, %dma_wait3A_1760, %dma_wait3A_1761] : memref<4x4x16x128xf32, #tpu.memory_space<vmem>> -> memref<1x1x16x128xf32, #tpu.memory_space<vmem>>
      %dma_wait3A_1763 = tpu.memref_squeeze %dma_wait3A_1762 : memref<1x1x16x128xf32, #tpu.memory_space<vmem>> -> memref<16x128xf32, #tpu.memory_space<vmem>>
      %dma_wait3A_1764 = arith.constant 0 : i32
      %dma_wait3A_1765 = arith.constant 0 : i32
      %dma_wait3A_1766 = tpu.memref_slice %arg5[%dma_wait3A_1764, %dma_wait3A_1765] : memref<16x1000000xf32, #tpu.memory_space<hbm>> -> memref<16x128xf32, #tpu.memory_space<hbm>>
      tpu.wait_dma2 semaphore(%arg17 : memref<!tpu.dma_semaphore, #tpu.memory_space<semaphore_mem>>) src(%dma_wait3A_1766 : memref<16x128xf32, #tpu.memory_space<hbm>>) dst(%dma_wait3A_1763 : memref<16x128xf32, #tpu.memory_space<vmem>>)
      %dma_wait3A_1767 = arith.constant 1 : i32
      %dma_wait3A_1768 = arith.constant 1 : i32
      %dma_wait3A_1769 = arith.constant 0 : i32
      %dma_wait3A_1770 = arith.constant 0 : i32
      %dma_wait3A_1771 = tpu.memref_slice %arg9[%dma_wait3A_1767, %dma_wait3A_1768, %dma_wait3A_1769, %dma_wait3A_1770] : memref<4x4x16x128xf32, #tpu.memory_space<vmem>> -> memref<1x1x16x128xf32, #tpu.memory_space<vmem>>
      %dma_wait3A_1772 = tpu.memref_squeeze %dma_wait3A_1771 : memref<1x1x16x128xf32, #tpu.memory_space<vmem>> -> memref<16x128xf32, #tpu.memory_space<vmem>>
      %dma_wait3A_1773 = arith.constant 0 : i32
      %dma_wait3A_1774 = arith.constant 0 : i32
      %dma_wait3A_1775 = tpu.memref_slice %arg4[%dma_wait3A_1773, %dma_wait3A_1774] : memref<16x1000000xf32, #tpu.memory_space<hbm>> -> memref<16x128xf32, #tpu.memory_space<hbm>>
      %dma_wait3A_1776 = arith.constant 0 : i32
      %dma_wait3A_1777 = arith.constant 0 : i32
      %dma_wait3A_1778 = tpu.memref_slice %arg9[%dma_wait3A_1767, %dma_wait3A_1768, %dma_wait3A_1776, %dma_wait3A_1777] : memref<4x4x16x128xf32, #tpu.memory_space<vmem>> -> memref<1x1x16x128xf32, #tpu.memory_space<vmem>>
      %dma_wait3A_1779 = tpu.memref_squeeze %dma_wait3A_1778 : memref<1x1x16x128xf32, #tpu.memory_space<vmem>> -> memref<16x128xf32, #tpu.memory_space<vmem>>
      %dma_wait3A_1780 = arith.constant 0 : i32
      %dma_wait3A_1781 = arith.constant 0 : i32
      %dma_wait3A_1782 = tpu.memref_slice %arg4[%dma_wait3A_1780, %dma_wait3A_1781] : memref<16x1000000xf32, #tpu.memory_space<hbm>> -> memref<16x128xf32, #tpu.memory_space<hbm>>
      tpu.wait_dma2 semaphore(%arg13 : memref<!tpu.dma_semaphore, #tpu.memory_space<semaphore_mem>>) src(%dma_wait3A_1782 : memref<16x128xf32, #tpu.memory_space<hbm>>) dst(%dma_wait3A_1779 : memref<16x128xf32, #tpu.memory_space<vmem>>)
      %dma_wait3A_1783 = arith.constant 1 : i32
      %dma_wait3A_1784 = arith.constant 1 : i32
      %dma_wait3A_1785 = arith.constant 0 : i32
      %dma_wait3A_1786 = arith.constant 0 : i32
      %dma_wait3A_1787 = tpu.memref_slice %arg10[%dma_wait3A_1783, %dma_wait3A_1784, %dma_wait3A_1785, %dma_wait3A_1786] : memref<4x4x16x128xf32, #tpu.memory_space<vmem>> -> memref<1x1x16x128xf32, #tpu.memory_space<vmem>>
      %dma_wait3A_1788 = tpu.memref_squeeze %dma_wait3A_1787 : memref<1x1x16x128xf32, #tpu.memory_space<vmem>> -> memref<16x128xf32, #tpu.memory_space<vmem>>
      %dma_wait3A_1789 = arith.constant 0 : i32
      %dma_wait3A_1790 = arith.constant 0 : i32
      %dma_wait3A_1791 = tpu.memref_slice %arg5[%dma_wait3A_1789, %dma_wait3A_1790] : memref<16x1000000xf32, #tpu.memory_space<hbm>> -> memref<16x128xf32, #tpu.memory_space<hbm>>
      %dma_wait3A_1792 = arith.constant 0 : i32
      %dma_wait3A_1793 = arith.constant 0 : i32
      %dma_wait3A_1794 = tpu.memref_slice %arg10[%dma_wait3A_1783, %dma_wait3A_1784, %dma_wait3A_1792, %dma_wait3A_1793] : memref<4x4x16x128xf32, #tpu.memory_space<vmem>> -> memref<1x1x16x128xf32, #tpu.memory_space<vmem>>
      %dma_wait3A_1795 = tpu.memref_squeeze %dma_wait3A_1794 : memref<1x1x16x128xf32, #tpu.memory_space<vmem>> -> memref<16x128xf32, #tpu.memory_space<vmem>>
      %dma_wait3A_1796 = arith.constant 0 : i32
      %dma_wait3A_1797 = arith.constant 0 : i32
      %dma_wait3A_1798 = tpu.memref_slice %arg5[%dma_wait3A_1796, %dma_wait3A_1797] : memref<16x1000000xf32, #tpu.memory_space<hbm>> -> memref<16x128xf32, #tpu.memory_space<hbm>>
      tpu.wait_dma2 semaphore(%arg17 : memref<!tpu.dma_semaphore, #tpu.memory_space<semaphore_mem>>) src(%dma_wait3A_1798 : memref<16x128xf32, #tpu.memory_space<hbm>>) dst(%dma_wait3A_1795 : memref<16x128xf32, #tpu.memory_space<vmem>>)
      %dma_wait3A_1799 = arith.constant 1 : i32
      %dma_wait3A_1800 = arith.constant 2 : i32
      %dma_wait3A_1801 = arith.constant 0 : i32
      %dma_wait3A_1802 = arith.constant 0 : i32
      %dma_wait3A_1803 = tpu.memref_slice %arg9[%dma_wait3A_1799, %dma_wait3A_1800, %dma_wait3A_1801, %dma_wait3A_1802] : memref<4x4x16x128xf32, #tpu.memory_space<vmem>> -> memref<1x1x16x128xf32, #tpu.memory_space<vmem>>
      %dma_wait3A_1804 = tpu.memref_squeeze %dma_wait3A_1803 : memref<1x1x16x128xf32, #tpu.memory_space<vmem>> -> memref<16x128xf32, #tpu.memory_space<vmem>>
      %dma_wait3A_1805 = arith.constant 0 : i32
      %dma_wait3A_1806 = arith.constant 0 : i32
      %dma_wait3A_1807 = tpu.memref_slice %arg4[%dma_wait3A_1805, %dma_wait3A_1806] : memref<16x1000000xf32, #tpu.memory_space<hbm>> -> memref<16x128xf32, #tpu.memory_space<hbm>>
      %dma_wait3A_1808 = arith.constant 0 : i32
      %dma_wait3A_1809 = arith.constant 0 : i32
      %dma_wait3A_1810 = tpu.memref_slice %arg9[%dma_wait3A_1799, %dma_wait3A_1800, %dma_wait3A_1808, %dma_wait3A_1809] : memref<4x4x16x128xf32, #tpu.memory_space<vmem>> -> memref<1x1x16x128xf32, #tpu.memory_space<vmem>>
      %dma_wait3A_1811 = tpu.memref_squeeze %dma_wait3A_1810 : memref<1x1x16x128xf32, #tpu.memory_space<vmem>> -> memref<16x128xf32, #tpu.memory_space<vmem>>
      %dma_wait3A_1812 = arith.constant 0 : i32
      %dma_wait3A_1813 = arith.constant 0 : i32
      %dma_wait3A_1814 = tpu.memref_slice %arg4[%dma_wait3A_1812, %dma_wait3A_1813] : memref<16x1000000xf32, #tpu.memory_space<hbm>> -> memref<16x128xf32, #tpu.memory_space<hbm>>
      tpu.wait_dma2 semaphore(%arg13 : memref<!tpu.dma_semaphore, #tpu.memory_space<semaphore_mem>>) src(%dma_wait3A_1814 : memref<16x128xf32, #tpu.memory_space<hbm>>) dst(%dma_wait3A_1811 : memref<16x128xf32, #tpu.memory_space<vmem>>)
      %dma_wait3A_1815 = arith.constant 1 : i32
      %dma_wait3A_1816 = arith.constant 2 : i32
      %dma_wait3A_1817 = arith.constant 0 : i32
      %dma_wait3A_1818 = arith.constant 0 : i32
      %dma_wait3A_1819 = tpu.memref_slice %arg10[%dma_wait3A_1815, %dma_wait3A_1816, %dma_wait3A_1817, %dma_wait3A_1818] : memref<4x4x16x128xf32, #tpu.memory_space<vmem>> -> memref<1x1x16x128xf32, #tpu.memory_space<vmem>>
      %dma_wait3A_1820 = tpu.memref_squeeze %dma_wait3A_1819 : memref<1x1x16x128xf32, #tpu.memory_space<vmem>> -> memref<16x128xf32, #tpu.memory_space<vmem>>
      %dma_wait3A_1821 = arith.constant 0 : i32
      %dma_wait3A_1822 = arith.constant 0 : i32
      %dma_wait3A_1823 = tpu.memref_slice %arg5[%dma_wait3A_1821, %dma_wait3A_1822] : memref<16x1000000xf32, #tpu.memory_space<hbm>> -> memref<16x128xf32, #tpu.memory_space<hbm>>
      %dma_wait3A_1824 = arith.constant 0 : i32
      %dma_wait3A_1825 = arith.constant 0 : i32
      %dma_wait3A_1826 = tpu.memref_slice %arg10[%dma_wait3A_1815, %dma_wait3A_1816, %dma_wait3A_1824, %dma_wait3A_1825] : memref<4x4x16x128xf32, #tpu.memory_space<vmem>> -> memref<1x1x16x128xf32, #tpu.memory_space<vmem>>
      %dma_wait3A_1827 = tpu.memref_squeeze %dma_wait3A_1826 : memref<1x1x16x128xf32, #tpu.memory_space<vmem>> -> memref<16x128xf32, #tpu.memory_space<vmem>>
      %dma_wait3A_1828 = arith.constant 0 : i32
      %dma_wait3A_1829 = arith.constant 0 : i32
      %dma_wait3A_1830 = tpu.memref_slice %arg5[%dma_wait3A_1828, %dma_wait3A_1829] : memref<16x1000000xf32, #tpu.memory_space<hbm>> -> memref<16x128xf32, #tpu.memory_space<hbm>>
      tpu.wait_dma2 semaphore(%arg17 : memref<!tpu.dma_semaphore, #tpu.memory_space<semaphore_mem>>) src(%dma_wait3A_1830 : memref<16x128xf32, #tpu.memory_space<hbm>>) dst(%dma_wait3A_1827 : memref<16x128xf32, #tpu.memory_space<vmem>>)
      %dma_wait3A_1831 = arith.constant 1 : i32
      %dma_wait3A_1832 = arith.constant 3 : i32
      %dma_wait3A_1833 = arith.constant 0 : i32
      %dma_wait3A_1834 = arith.constant 0 : i32
      %dma_wait3A_1835 = tpu.memref_slice %arg9[%dma_wait3A_1831, %dma_wait3A_1832, %dma_wait3A_1833, %dma_wait3A_1834] : memref<4x4x16x128xf32, #tpu.memory_space<vmem>> -> memref<1x1x16x128xf32, #tpu.memory_space<vmem>>
      %dma_wait3A_1836 = tpu.memref_squeeze %dma_wait3A_1835 : memref<1x1x16x128xf32, #tpu.memory_space<vmem>> -> memref<16x128xf32, #tpu.memory_space<vmem>>
      %dma_wait3A_1837 = arith.constant 0 : i32
      %dma_wait3A_1838 = arith.constant 0 : i32
      %dma_wait3A_1839 = tpu.memref_slice %arg4[%dma_wait3A_1837, %dma_wait3A_1838] : memref<16x1000000xf32, #tpu.memory_space<hbm>> -> memref<16x128xf32, #tpu.memory_space<hbm>>
      %dma_wait3A_1840 = arith.constant 0 : i32
      %dma_wait3A_1841 = arith.constant 0 : i32
      %dma_wait3A_1842 = tpu.memref_slice %arg9[%dma_wait3A_1831, %dma_wait3A_1832, %dma_wait3A_1840, %dma_wait3A_1841] : memref<4x4x16x128xf32, #tpu.memory_space<vmem>> -> memref<1x1x16x128xf32, #tpu.memory_space<vmem>>
      %dma_wait3A_1843 = tpu.memref_squeeze %dma_wait3A_1842 : memref<1x1x16x128xf32, #tpu.memory_space<vmem>> -> memref<16x128xf32, #tpu.memory_space<vmem>>
      %dma_wait3A_1844 = arith.constant 0 : i32
      %dma_wait3A_1845 = arith.constant 0 : i32
      %dma_wait3A_1846 = tpu.memref_slice %arg4[%dma_wait3A_1844, %dma_wait3A_1845] : memref<16x1000000xf32, #tpu.memory_space<hbm>> -> memref<16x128xf32, #tpu.memory_space<hbm>>
      tpu.wait_dma2 semaphore(%arg13 : memref<!tpu.dma_semaphore, #tpu.memory_space<semaphore_mem>>) src(%dma_wait3A_1846 : memref<16x128xf32, #tpu.memory_space<hbm>>) dst(%dma_wait3A_1843 : memref<16x128xf32, #tpu.memory_space<vmem>>)
      %dma_wait3A_1847 = arith.constant 1 : i32
      %dma_wait3A_1848 = arith.constant 3 : i32
      %dma_wait3A_1849 = arith.constant 0 : i32
      %dma_wait3A_1850 = arith.constant 0 : i32
      %dma_wait3A_1851 = tpu.memref_slice %arg10[%dma_wait3A_1847, %dma_wait3A_1848, %dma_wait3A_1849, %dma_wait3A_1850] : memref<4x4x16x128xf32, #tpu.memory_space<vmem>> -> memref<1x1x16x128xf32, #tpu.memory_space<vmem>>
      %dma_wait3A_1852 = tpu.memref_squeeze %dma_wait3A_1851 : memref<1x1x16x128xf32, #tpu.memory_space<vmem>> -> memref<16x128xf32, #tpu.memory_space<vmem>>
      %dma_wait3A_1853 = arith.constant 0 : i32
      %dma_wait3A_1854 = arith.constant 0 : i32
      %dma_wait3A_1855 = tpu.memref_slice %arg5[%dma_wait3A_1853, %dma_wait3A_1854] : memref<16x1000000xf32, #tpu.memory_space<hbm>> -> memref<16x128xf32, #tpu.memory_space<hbm>>
      %dma_wait3A_1856 = arith.constant 0 : i32
      %dma_wait3A_1857 = arith.constant 0 : i32
      %dma_wait3A_1858 = tpu.memref_slice %arg10[%dma_wait3A_1847, %dma_wait3A_1848, %dma_wait3A_1856, %dma_wait3A_1857] : memref<4x4x16x128xf32, #tpu.memory_space<vmem>> -> memref<1x1x16x128xf32, #tpu.memory_space<vmem>>
      %dma_wait3A_1859 = tpu.memref_squeeze %dma_wait3A_1858 : memref<1x1x16x128xf32, #tpu.memory_space<vmem>> -> memref<16x128xf32, #tpu.memory_space<vmem>>
      %dma_wait3A_1860 = arith.constant 0 : i32
      %dma_wait3A_1861 = arith.constant 0 : i32
      %dma_wait3A_1862 = tpu.memref_slice %arg5[%dma_wait3A_1860, %dma_wait3A_1861] : memref<16x1000000xf32, #tpu.memory_space<hbm>> -> memref<16x128xf32, #tpu.memory_space<hbm>>
      tpu.wait_dma2 semaphore(%arg17 : memref<!tpu.dma_semaphore, #tpu.memory_space<semaphore_mem>>) src(%dma_wait3A_1862 : memref<16x128xf32, #tpu.memory_space<hbm>>) dst(%dma_wait3A_1859 : memref<16x128xf32, #tpu.memory_space<vmem>>)
      %add3A_1863 = arith.constant 3 : i32
      %add3A_1864 = arith.addi %add3A_1734, %add3A_1863 : i32
      %min3A_1865 = arith.constant 127 : i32
      %min3A_1866 = arith.minsi %add3A_1864, %min3A_1865 : i32
      %mul3A_1867 = arith.constant 4 : i32
      %mul3A_1868 = arith.muli %min3A_1866, %mul3A_1867 : i32
      %get3A_1869 = arith.index_cast %mul3A_1868 : i32 to index
      %get3A_1870 = tpu.vector_load %arg7[%get3A_1869] {strides = array<i32>} : memref<528xi32, #tpu.memory_space<vmem>>, vector<16xi32>,
      %mul3A_1871 = arith.constant 4 : i32
      %mul3A_1872 = arith.muli %min3A_1866, %mul3A_1871 : i32
      %get3A_1873 = arith.index_cast %mul3A_1872 : i32 to index
      %get3A_1874 = tpu.vector_load %arg8[%get3A_1873] {strides = array<i32>} : memref<528xi32, #tpu.memory_space<vmem>>, vector<16xi32>,
      %shift_right_arithmetic3A_1875 = arith.constant 7 : i32
      %shift_right_arithmetic3A_1876 = vector.broadcast %shift_right_arithmetic3A_1875 : i32 to vector<16xi32>
      %shift_right_arithmetic3A_1877 = arith.shrsi %get3A_1870, %shift_right_arithmetic3A_1876 : vector<16xi32>
      %shift_left3A_1878 = arith.constant 7 : i32
      %shift_left3A_1879 = vector.broadcast %shift_left3A_1878 : i32 to vector<16xi32>
      %shift_left3A_1880 = arith.shli %shift_right_arithmetic3A_1877, %shift_left3A_1879 : vector<16xi32>
      %shift_right_arithmetic3A_1881 = arith.constant 7 : i32
      %shift_right_arithmetic3A_1882 = vector.broadcast %shift_right_arithmetic3A_1881 : i32 to vector<16xi32>
      %shift_right_arithmetic3A_1883 = arith.shrsi %get3A_1874, %shift_right_arithmetic3A_1882 : vector<16xi32>
      %shift_left3A_1884 = arith.constant 7 : i32
      %shift_left3A_1885 = vector.broadcast %shift_left3A_1884 : i32 to vector<16xi32>
      %shift_left3A_1886 = arith.shli %shift_right_arithmetic3A_1883, %shift_left3A_1885 : vector<16xi32>
      %slice3A_1887 = vector.extract_strided_slice %shift_left3A_1880 {offsets = [0], sizes = [1], strides = [1]} : vector<16xi32> to vector<1xi32>
      %squeeze3A_1888 = vector.extract %slice3A_1887[0] : i32 from vector<1xi32>
      %multiple_of3A_1889 = tpu.assume_multiple %squeeze3A_1888, 128 : i32
      %slice3A_1890 = vector.extract_strided_slice %shift_left3A_1886 {offsets = [0], sizes = [1], strides = [1]} : vector<16xi32> to vector<1xi32>
      %squeeze3A_1891 = vector.extract %slice3A_1890[0] : i32 from vector<1xi32>
      %multiple_of3A_1892 = tpu.assume_multiple %squeeze3A_1891, 128 : i32
      %dma_start3A_1893 = arith.constant 0 : i32
      %dma_start3A_1894 = arith.constant 0 : i32
      %dma_start3A_1895 = arith.constant 0 : i32
      %dma_start3A_1896 = arith.constant 0 : i32
      %dma_start3A_1897 = tpu.memref_slice %arg9[%dma_start3A_1893, %dma_start3A_1894, %dma_start3A_1895, %dma_start3A_1896] : memref<4x4x16x128xf32, #tpu.memory_space<vmem>> -> memref<1x1x8x128xf32, #tpu.memory_space<vmem>>
      %dma_start3A_1898 = tpu.memref_squeeze %dma_start3A_1897 : memref<1x1x8x128xf32, #tpu.memory_space<vmem>> -> memref<8x128xf32, #tpu.memory_space<vmem>>
      %dma_start3A_1899 = arith.constant 0 : i32
      %dma_start3A_1900 = tpu.memref_slice %arg4[%dma_start3A_1899, %multiple_of3A_1889] : memref<16x1000000xf32, #tpu.memory_space<hbm>> -> memref<8x128xf32, #tpu.memory_space<hbm>>
      %dma_start3A_1901 = arith.constant 0 : i32
      %dma_start3A_1902 = arith.constant 0 : i32
      %dma_start3A_1903 = tpu.memref_slice %arg9[%dma_start3A_1893, %dma_start3A_1894, %dma_start3A_1901, %dma_start3A_1902] : memref<4x4x16x128xf32, #tpu.memory_space<vmem>> -> memref<1x1x8x128xf32, #tpu.memory_space<vmem>>
      %dma_start3A_1904 = tpu.memref_squeeze %dma_start3A_1903 : memref<1x1x8x128xf32, #tpu.memory_space<vmem>> -> memref<8x128xf32, #tpu.memory_space<vmem>>
      %dma_start3A_1905 = arith.constant 0 : i32
      %dma_start3A_1906 = tpu.memref_slice %arg4[%dma_start3A_1905, %multiple_of3A_1889] : memref<16x1000000xf32, #tpu.memory_space<hbm>> -> memref<8x128xf32, #tpu.memory_space<hbm>>
      tpu.enqueue_dma source(%dma_start3A_1906 : memref<8x128xf32, #tpu.memory_space<hbm>>) target(%dma_start3A_1904 : memref<8x128xf32, #tpu.memory_space<vmem>>) target_semaphore(%arg12 : memref<!tpu.dma_semaphore, #tpu.memory_space<semaphore_mem>>)
      %dma_start3A_1907 = arith.constant 0 : i32
      %dma_start3A_1908 = arith.constant 0 : i32
      %dma_start3A_1909 = arith.constant 0 : i32
      %dma_start3A_1910 = arith.constant 0 : i32
      %dma_start3A_1911 = tpu.memref_slice %arg10[%dma_start3A_1907, %dma_start3A_1908, %dma_start3A_1909, %dma_start3A_1910] : memref<4x4x16x128xf32, #tpu.memory_space<vmem>> -> memref<1x1x8x128xf32, #tpu.memory_space<vmem>>
      %dma_start3A_1912 = tpu.memref_squeeze %dma_start3A_1911 : memref<1x1x8x128xf32, #tpu.memory_space<vmem>> -> memref<8x128xf32, #tpu.memory_space<vmem>>
      %dma_start3A_1913 = arith.constant 0 : i32
      %dma_start3A_1914 = tpu.memref_slice %arg5[%dma_start3A_1913, %multiple_of3A_1892] : memref<16x1000000xf32, #tpu.memory_space<hbm>> -> memref<8x128xf32, #tpu.memory_space<hbm>>
      %dma_start3A_1915 = arith.constant 0 : i32
      %dma_start3A_1916 = arith.constant 0 : i32
      %dma_start3A_1917 = tpu.memref_slice %arg10[%dma_start3A_1907, %dma_start3A_1908, %dma_start3A_1915, %dma_start3A_1916] : memref<4x4x16x128xf32, #tpu.memory_space<vmem>> -> memref<1x1x8x128xf32, #tpu.memory_space<vmem>>
      %dma_start3A_1918 = tpu.memref_squeeze %dma_start3A_1917 : memref<1x1x8x128xf32, #tpu.memory_space<vmem>> -> memref<8x128xf32, #tpu.memory_space<vmem>>
      %dma_start3A_1919 = arith.constant 0 : i32
      %dma_start3A_1920 = tpu.memref_slice %arg5[%dma_start3A_1919, %multiple_of3A_1892] : memref<16x1000000xf32, #tpu.memory_space<hbm>> -> memref<8x128xf32, #tpu.memory_space<hbm>>
      tpu.enqueue_dma source(%dma_start3A_1920 : memref<8x128xf32, #tpu.memory_space<hbm>>) target(%dma_start3A_1918 : memref<8x128xf32, #tpu.memory_space<vmem>>) target_semaphore(%arg16 : memref<!tpu.dma_semaphore, #tpu.memory_space<semaphore_mem>>)
      %dma_start3A_1921 = arith.constant 0 : i32
      %dma_start3A_1922 = arith.constant 0 : i32
      %dma_start3A_1923 = arith.constant 8 : i32
      %dma_start3A_1924 = arith.constant 0 : i32
      %dma_start3A_1925 = tpu.memref_slice %arg9[%dma_start3A_1921, %dma_start3A_1922, %dma_start3A_1923, %dma_start3A_1924] : memref<4x4x16x128xf32, #tpu.memory_space<vmem>> -> memref<1x1x8x128xf32, #tpu.memory_space<vmem>>
      %dma_start3A_1926 = tpu.memref_squeeze %dma_start3A_1925 : memref<1x1x8x128xf32, #tpu.memory_space<vmem>> -> memref<8x128xf32, #tpu.memory_space<vmem>>
      %dma_start3A_1927 = arith.constant 8 : i32
      %dma_start3A_1928 = tpu.memref_slice %arg4[%dma_start3A_1927, %multiple_of3A_1889] : memref<16x1000000xf32, #tpu.memory_space<hbm>> -> memref<8x128xf32, #tpu.memory_space<hbm>>
      %dma_start3A_1929 = arith.constant 8 : i32
      %dma_start3A_1930 = arith.constant 0 : i32
      %dma_start3A_1931 = tpu.memref_slice %arg9[%dma_start3A_1921, %dma_start3A_1922, %dma_start3A_1929, %dma_start3A_1930] : memref<4x4x16x128xf32, #tpu.memory_space<vmem>> -> memref<1x1x8x128xf32, #tpu.memory_space<vmem>>
      %dma_start3A_1932 = tpu.memref_squeeze %dma_start3A_1931 : memref<1x1x8x128xf32, #tpu.memory_space<vmem>> -> memref<8x128xf32, #tpu.memory_space<vmem>>
      %dma_start3A_1933 = arith.constant 8 : i32
      %dma_start3A_1934 = tpu.memref_slice %arg4[%dma_start3A_1933, %multiple_of3A_1889] : memref<16x1000000xf32, #tpu.memory_space<hbm>> -> memref<8x128xf32, #tpu.memory_space<hbm>>
      tpu.enqueue_dma source(%dma_start3A_1934 : memref<8x128xf32, #tpu.memory_space<hbm>>) target(%dma_start3A_1932 : memref<8x128xf32, #tpu.memory_space<vmem>>) target_semaphore(%arg12 : memref<!tpu.dma_semaphore, #tpu.memory_space<semaphore_mem>>)
      %dma_start3A_1935 = arith.constant 0 : i32
      %dma_start3A_1936 = arith.constant 0 : i32
      %dma_start3A_1937 = arith.constant 8 : i32
      %dma_start3A_1938 = arith.constant 0 : i32
      %dma_start3A_1939 = tpu.memref_slice %arg10[%dma_start3A_1935, %dma_start3A_1936, %dma_start3A_1937, %dma_start3A_1938] : memref<4x4x16x128xf32, #tpu.memory_space<vmem>> -> memref<1x1x8x128xf32, #tpu.memory_space<vmem>>
      %dma_start3A_1940 = tpu.memref_squeeze %dma_start3A_1939 : memref<1x1x8x128xf32, #tpu.memory_space<vmem>> -> memref<8x128xf32, #tpu.memory_space<vmem>>
      %dma_start3A_1941 = arith.constant 8 : i32
      %dma_start3A_1942 = tpu.memref_slice %arg5[%dma_start3A_1941, %multiple_of3A_1892] : memref<16x1000000xf32, #tpu.memory_space<hbm>> -> memref<8x128xf32, #tpu.memory_space<hbm>>
      %dma_start3A_1943 = arith.constant 8 : i32
      %dma_start3A_1944 = arith.constant 0 : i32
      %dma_start3A_1945 = tpu.memref_slice %arg10[%dma_start3A_1935, %dma_start3A_1936, %dma_start3A_1943, %dma_start3A_1944] : memref<4x4x16x128xf32, #tpu.memory_space<vmem>> -> memref<1x1x8x128xf32, #tpu.memory_space<vmem>>
      %dma_start3A_1946 = tpu.memref_squeeze %dma_start3A_1945 : memref<1x1x8x128xf32, #tpu.memory_space<vmem>> -> memref<8x128xf32, #tpu.memory_space<vmem>>
      %dma_start3A_1947 = arith.constant 8 : i32
      %dma_start3A_1948 = tpu.memref_slice %arg5[%dma_start3A_1947, %multiple_of3A_1892] : memref<16x1000000xf32, #tpu.memory_space<hbm>> -> memref<8x128xf32, #tpu.memory_space<hbm>>
      tpu.enqueue_dma source(%dma_start3A_1948 : memref<8x128xf32, #tpu.memory_space<hbm>>) target(%dma_start3A_1946 : memref<8x128xf32, #tpu.memory_space<vmem>>) target_semaphore(%arg16 : memref<!tpu.dma_semaphore, #tpu.memory_space<semaphore_mem>>)
      %slice3A_1949 = vector.extract_strided_slice %shift_left3A_1880 {offsets = [1], sizes = [1], strides = [1]} : vector<16xi32> to vector<1xi32>
      %squeeze3A_1950 = vector.extract %slice3A_1949[0] : i32 from vector<1xi32>
      %multiple_of3A_1951 = tpu.assume_multiple %squeeze3A_1950, 128 : i32
      %slice3A_1952 = vector.extract_strided_slice %shift_left3A_1886 {offsets = [1], sizes = [1], strides = [1]} : vector<16xi32> to vector<1xi32>
      %squeeze3A_1953 = vector.extract %slice3A_1952[0] : i32 from vector<1xi32>
      %multiple_of3A_1954 = tpu.assume_multiple %squeeze3A_1953, 128 : i32
      %dma_start3A_1955 = arith.constant 0 : i32
      %dma_start3A_1956 = arith.constant 1 : i32
      %dma_start3A_1957 = arith.constant 0 : i32
      %dma_start3A_1958 = arith.constant 0 : i32
      %dma_start3A_1959 = tpu.memref_slice %arg9[%dma_start3A_1955, %dma_start3A_1956, %dma_start3A_1957, %dma_start3A_1958] : memref<4x4x16x128xf32, #tpu.memory_space<vmem>> -> memref<1x1x8x128xf32, #tpu.memory_space<vmem>>
      %dma_start3A_1960 = tpu.memref_squeeze %dma_start3A_1959 : memref<1x1x8x128xf32, #tpu.memory_space<vmem>> -> memref<8x128xf32, #tpu.memory_space<vmem>>
      %dma_start3A_1961 = arith.constant 0 : i32
      %dma_start3A_1962 = tpu.memref_slice %arg4[%dma_start3A_1961, %multiple_of3A_1951] : memref<16x1000000xf32, #tpu.memory_space<hbm>> -> memref<8x128xf32, #tpu.memory_space<hbm>>
      %dma_start3A_1963 = arith.constant 0 : i32
      %dma_start3A_1964 = arith.constant 0 : i32
      %dma_start3A_1965 = tpu.memref_slice %arg9[%dma_start3A_1955, %dma_start3A_1956, %dma_start3A_1963, %dma_start3A_1964] : memref<4x4x16x128xf32, #tpu.memory_space<vmem>> -> memref<1x1x8x128xf32, #tpu.memory_space<vmem>>
      %dma_start3A_1966 = tpu.memref_squeeze %dma_start3A_1965 : memref<1x1x8x128xf32, #tpu.memory_space<vmem>> -> memref<8x128xf32, #tpu.memory_space<vmem>>
      %dma_start3A_1967 = arith.constant 0 : i32
      %dma_start3A_1968 = tpu.memref_slice %arg4[%dma_start3A_1967, %multiple_of3A_1951] : memref<16x1000000xf32, #tpu.memory_space<hbm>> -> memref<8x128xf32, #tpu.memory_space<hbm>>
      tpu.enqueue_dma source(%dma_start3A_1968 : memref<8x128xf32, #tpu.memory_space<hbm>>) target(%dma_start3A_1966 : memref<8x128xf32, #tpu.memory_space<vmem>>) target_semaphore(%arg12 : memref<!tpu.dma_semaphore, #tpu.memory_space<semaphore_mem>>)
      %dma_start3A_1969 = arith.constant 0 : i32
      %dma_start3A_1970 = arith.constant 1 : i32
      %dma_start3A_1971 = arith.constant 0 : i32
      %dma_start3A_1972 = arith.constant 0 : i32
      %dma_start3A_1973 = tpu.memref_slice %arg10[%dma_start3A_1969, %dma_start3A_1970, %dma_start3A_1971, %dma_start3A_1972] : memref<4x4x16x128xf32, #tpu.memory_space<vmem>> -> memref<1x1x8x128xf32, #tpu.memory_space<vmem>>
      %dma_start3A_1974 = tpu.memref_squeeze %dma_start3A_1973 : memref<1x1x8x128xf32, #tpu.memory_space<vmem>> -> memref<8x128xf32, #tpu.memory_space<vmem>>
      %dma_start3A_1975 = arith.constant 0 : i32
      %dma_start3A_1976 = tpu.memref_slice %arg5[%dma_start3A_1975, %multiple_of3A_1954] : memref<16x1000000xf32, #tpu.memory_space<hbm>> -> memref<8x128xf32, #tpu.memory_space<hbm>>
      %dma_start3A_1977 = arith.constant 0 : i32
      %dma_start3A_1978 = arith.constant 0 : i32
      %dma_start3A_1979 = tpu.memref_slice %arg10[%dma_start3A_1969, %dma_start3A_1970, %dma_start3A_1977, %dma_start3A_1978] : memref<4x4x16x128xf32, #tpu.memory_space<vmem>> -> memref<1x1x8x128xf32, #tpu.memory_space<vmem>>
      %dma_start3A_1980 = tpu.memref_squeeze %dma_start3A_1979 : memref<1x1x8x128xf32, #tpu.memory_space<vmem>> -> memref<8x128xf32, #tpu.memory_space<vmem>>
      %dma_start3A_1981 = arith.constant 0 : i32
      %dma_start3A_1982 = tpu.memref_slice %arg5[%dma_start3A_1981, %multiple_of3A_1954] : memref<16x1000000xf32, #tpu.memory_space<hbm>> -> memref<8x128xf32, #tpu.memory_space<hbm>>
      tpu.enqueue_dma source(%dma_start3A_1982 : memref<8x128xf32, #tpu.memory_space<hbm>>) target(%dma_start3A_1980 : memref<8x128xf32, #tpu.memory_space<vmem>>) target_semaphore(%arg16 : memref<!tpu.dma_semaphore, #tpu.memory_space<semaphore_mem>>)
      %dma_start3A_1983 = arith.constant 0 : i32
      %dma_start3A_1984 = arith.constant 1 : i32
      %dma_start3A_1985 = arith.constant 8 : i32
      %dma_start3A_1986 = arith.constant 0 : i32
      %dma_start3A_1987 = tpu.memref_slice %arg9[%dma_start3A_1983, %dma_start3A_1984, %dma_start3A_1985, %dma_start3A_1986] : memref<4x4x16x128xf32, #tpu.memory_space<vmem>> -> memref<1x1x8x128xf32, #tpu.memory_space<vmem>>
      %dma_start3A_1988 = tpu.memref_squeeze %dma_start3A_1987 : memref<1x1x8x128xf32, #tpu.memory_space<vmem>> -> memref<8x128xf32, #tpu.memory_space<vmem>>
      %dma_start3A_1989 = arith.constant 8 : i32
      %dma_start3A_1990 = tpu.memref_slice %arg4[%dma_start3A_1989, %multiple_of3A_1951] : memref<16x1000000xf32, #tpu.memory_space<hbm>> -> memref<8x128xf32, #tpu.memory_space<hbm>>
      %dma_start3A_1991 = arith.constant 8 : i32
      %dma_start3A_1992 = arith.constant 0 : i32
      %dma_start3A_1993 = tpu.memref_slice %arg9[%dma_start3A_1983, %dma_start3A_1984, %dma_start3A_1991, %dma_start3A_1992] : memref<4x4x16x128xf32, #tpu.memory_space<vmem>> -> memref<1x1x8x128xf32, #tpu.memory_space<vmem>>
      %dma_start3A_1994 = tpu.memref_squeeze %dma_start3A_1993 : memref<1x1x8x128xf32, #tpu.memory_space<vmem>> -> memref<8x128xf32, #tpu.memory_space<vmem>>
      %dma_start3A_1995 = arith.constant 8 : i32
      %dma_start3A_1996 = tpu.memref_slice %arg4[%dma_start3A_1995, %multiple_of3A_1951] : memref<16x1000000xf32, #tpu.memory_space<hbm>> -> memref<8x128xf32, #tpu.memory_space<hbm>>
      tpu.enqueue_dma source(%dma_start3A_1996 : memref<8x128xf32, #tpu.memory_space<hbm>>) target(%dma_start3A_1994 : memref<8x128xf32, #tpu.memory_space<vmem>>) target_semaphore(%arg12 : memref<!tpu.dma_semaphore, #tpu.memory_space<semaphore_mem>>)
      %dma_start3A_1997 = arith.constant 0 : i32
      %dma_start3A_1998 = arith.constant 1 : i32
      %dma_start3A_1999 = arith.constant 8 : i32
      %dma_start3A_2000 = arith.constant 0 : i32
      %dma_start3A_2001 = tpu.memref_slice %arg10[%dma_start3A_1997, %dma_start3A_1998, %dma_start3A_1999, %dma_start3A_2000] : memref<4x4x16x128xf32, #tpu.memory_space<vmem>> -> memref<1x1x8x128xf32, #tpu.memory_space<vmem>>
      %dma_start3A_2002 = tpu.memref_squeeze %dma_start3A_2001 : memref<1x1x8x128xf32, #tpu.memory_space<vmem>> -> memref<8x128xf32, #tpu.memory_space<vmem>>
      %dma_start3A_2003 = arith.constant 8 : i32
      %dma_start3A_2004 = tpu.memref_slice %arg5[%dma_start3A_2003, %multiple_of3A_1954] : memref<16x1000000xf32, #tpu.memory_space<hbm>> -> memref<8x128xf32, #tpu.memory_space<hbm>>
      %dma_start3A_2005 = arith.constant 8 : i32
      %dma_start3A_2006 = arith.constant 0 : i32
      %dma_start3A_2007 = tpu.memref_slice %arg10[%dma_start3A_1997, %dma_start3A_1998, %dma_start3A_2005, %dma_start3A_2006] : memref<4x4x16x128xf32, #tpu.memory_space<vmem>> -> memref<1x1x8x128xf32, #tpu.memory_space<vmem>>
      %dma_start3A_2008 = tpu.memref_squeeze %dma_start3A_2007 : memref<1x1x8x128xf32, #tpu.memory_space<vmem>> -> memref<8x128xf32, #tpu.memory_space<vmem>>
      %dma_start3A_2009 = arith.constant 8 : i32
      %dma_start3A_2010 = tpu.memref_slice %arg5[%dma_start3A_2009, %multiple_of3A_1954] : memref<16x1000000xf32, #tpu.memory_space<hbm>> -> memref<8x128xf32, #tpu.memory_space<hbm>>
      tpu.enqueue_dma source(%dma_start3A_2010 : memref<8x128xf32, #tpu.memory_space<hbm>>) target(%dma_start3A_2008 : memref<8x128xf32, #tpu.memory_space<vmem>>) target_semaphore(%arg16 : memref<!tpu.dma_semaphore, #tpu.memory_space<semaphore_mem>>)
      %slice3A_2011 = vector.extract_strided_slice %shift_left3A_1880 {offsets = [2], sizes = [1], strides = [1]} : vector<16xi32> to vector<1xi32>
      %squeeze3A_2012 = vector.extract %slice3A_2011[0] : i32 from vector<1xi32>
      %multiple_of3A_2013 = tpu.assume_multiple %squeeze3A_2012, 128 : i32
      %slice3A_2014 = vector.extract_strided_slice %shift_left3A_1886 {offsets = [2], sizes = [1], strides = [1]} : vector<16xi32> to vector<1xi32>
      %squeeze3A_2015 = vector.extract %slice3A_2014[0] : i32 from vector<1xi32>
      %multiple_of3A_2016 = tpu.assume_multiple %squeeze3A_2015, 128 : i32
      %dma_start3A_2017 = arith.constant 0 : i32
      %dma_start3A_2018 = arith.constant 2 : i32
      %dma_start3A_2019 = arith.constant 0 : i32
      %dma_start3A_2020 = arith.constant 0 : i32
      %dma_start3A_2021 = tpu.memref_slice %arg9[%dma_start3A_2017, %dma_start3A_2018, %dma_start3A_2019, %dma_start3A_2020] : memref<4x4x16x128xf32, #tpu.memory_space<vmem>> -> memref<1x1x8x128xf32, #tpu.memory_space<vmem>>
      %dma_start3A_2022 = tpu.memref_squeeze %dma_start3A_2021 : memref<1x1x8x128xf32, #tpu.memory_space<vmem>> -> memref<8x128xf32, #tpu.memory_space<vmem>>
      %dma_start3A_2023 = arith.constant 0 : i32
      %dma_start3A_2024 = tpu.memref_slice %arg4[%dma_start3A_2023, %multiple_of3A_2013] : memref<16x1000000xf32, #tpu.memory_space<hbm>> -> memref<8x128xf32, #tpu.memory_space<hbm>>
      %dma_start3A_2025 = arith.constant 0 : i32
      %dma_start3A_2026 = arith.constant 0 : i32
      %dma_start3A_2027 = tpu.memref_slice %arg9[%dma_start3A_2017, %dma_start3A_2018, %dma_start3A_2025, %dma_start3A_2026] : memref<4x4x16x128xf32, #tpu.memory_space<vmem>> -> memref<1x1x8x128xf32, #tpu.memory_space<vmem>>
      %dma_start3A_2028 = tpu.memref_squeeze %dma_start3A_2027 : memref<1x1x8x128xf32, #tpu.memory_space<vmem>> -> memref<8x128xf32, #tpu.memory_space<vmem>>
      %dma_start3A_2029 = arith.constant 0 : i32
      %dma_start3A_2030 = tpu.memref_slice %arg4[%dma_start3A_2029, %multiple_of3A_2013] : memref<16x1000000xf32, #tpu.memory_space<hbm>> -> memref<8x128xf32, #tpu.memory_space<hbm>>
      tpu.enqueue_dma source(%dma_start3A_2030 : memref<8x128xf32, #tpu.memory_space<hbm>>) target(%dma_start3A_2028 : memref<8x128xf32, #tpu.memory_space<vmem>>) target_semaphore(%arg12 : memref<!tpu.dma_semaphore, #tpu.memory_space<semaphore_mem>>)
      %dma_start3A_2031 = arith.constant 0 : i32
      %dma_start3A_2032 = arith.constant 2 : i32
      %dma_start3A_2033 = arith.constant 0 : i32
      %dma_start3A_2034 = arith.constant 0 : i32
      %dma_start3A_2035 = tpu.memref_slice %arg10[%dma_start3A_2031, %dma_start3A_2032, %dma_start3A_2033, %dma_start3A_2034] : memref<4x4x16x128xf32, #tpu.memory_space<vmem>> -> memref<1x1x8x128xf32, #tpu.memory_space<vmem>>
      %dma_start3A_2036 = tpu.memref_squeeze %dma_start3A_2035 : memref<1x1x8x128xf32, #tpu.memory_space<vmem>> -> memref<8x128xf32, #tpu.memory_space<vmem>>
      %dma_start3A_2037 = arith.constant 0 : i32
      %dma_start3A_2038 = tpu.memref_slice %arg5[%dma_start3A_2037, %multiple_of3A_2016] : memref<16x1000000xf32, #tpu.memory_space<hbm>> -> memref<8x128xf32, #tpu.memory_space<hbm>>
      %dma_start3A_2039 = arith.constant 0 : i32
      %dma_start3A_2040 = arith.constant 0 : i32
      %dma_start3A_2041 = tpu.memref_slice %arg10[%dma_start3A_2031, %dma_start3A_2032, %dma_start3A_2039, %dma_start3A_2040] : memref<4x4x16x128xf32, #tpu.memory_space<vmem>> -> memref<1x1x8x128xf32, #tpu.memory_space<vmem>>
      %dma_start3A_2042 = tpu.memref_squeeze %dma_start3A_2041 : memref<1x1x8x128xf32, #tpu.memory_space<vmem>> -> memref<8x128xf32, #tpu.memory_space<vmem>>
      %dma_start3A_2043 = arith.constant 0 : i32
      %dma_start3A_2044 = tpu.memref_slice %arg5[%dma_start3A_2043, %multiple_of3A_2016] : memref<16x1000000xf32, #tpu.memory_space<hbm>> -> memref<8x128xf32, #tpu.memory_space<hbm>>
      tpu.enqueue_dma source(%dma_start3A_2044 : memref<8x128xf32, #tpu.memory_space<hbm>>) target(%dma_start3A_2042 : memref<8x128xf32, #tpu.memory_space<vmem>>) target_semaphore(%arg16 : memref<!tpu.dma_semaphore, #tpu.memory_space<semaphore_mem>>)
      %dma_start3A_2045 = arith.constant 0 : i32
      %dma_start3A_2046 = arith.constant 2 : i32
      %dma_start3A_2047 = arith.constant 8 : i32
      %dma_start3A_2048 = arith.constant 0 : i32
      %dma_start3A_2049 = tpu.memref_slice %arg9[%dma_start3A_2045, %dma_start3A_2046, %dma_start3A_2047, %dma_start3A_2048] : memref<4x4x16x128xf32, #tpu.memory_space<vmem>> -> memref<1x1x8x128xf32, #tpu.memory_space<vmem>>
      %dma_start3A_2050 = tpu.memref_squeeze %dma_start3A_2049 : memref<1x1x8x128xf32, #tpu.memory_space<vmem>> -> memref<8x128xf32, #tpu.memory_space<vmem>>
      %dma_start3A_2051 = arith.constant 8 : i32
      %dma_start3A_2052 = tpu.memref_slice %arg4[%dma_start3A_2051, %multiple_of3A_2013] : memref<16x1000000xf32, #tpu.memory_space<hbm>> -> memref<8x128xf32, #tpu.memory_space<hbm>>
      %dma_start3A_2053 = arith.constant 8 : i32
      %dma_start3A_2054 = arith.constant 0 : i32
      %dma_start3A_2055 = tpu.memref_slice %arg9[%dma_start3A_2045, %dma_start3A_2046, %dma_start3A_2053, %dma_start3A_2054] : memref<4x4x16x128xf32, #tpu.memory_space<vmem>> -> memref<1x1x8x128xf32, #tpu.memory_space<vmem>>
      %dma_start3A_2056 = tpu.memref_squeeze %dma_start3A_2055 : memref<1x1x8x128xf32, #tpu.memory_space<vmem>> -> memref<8x128xf32, #tpu.memory_space<vmem>>
      %dma_start3A_2057 = arith.constant 8 : i32
      %dma_start3A_2058 = tpu.memref_slice %arg4[%dma_start3A_2057, %multiple_of3A_2013] : memref<16x1000000xf32, #tpu.memory_space<hbm>> -> memref<8x128xf32, #tpu.memory_space<hbm>>
      tpu.enqueue_dma source(%dma_start3A_2058 : memref<8x128xf32, #tpu.memory_space<hbm>>) target(%dma_start3A_2056 : memref<8x128xf32, #tpu.memory_space<vmem>>) target_semaphore(%arg12 : memref<!tpu.dma_semaphore, #tpu.memory_space<semaphore_mem>>)
      %dma_start3A_2059 = arith.constant 0 : i32
      %dma_start3A_2060 = arith.constant 2 : i32
      %dma_start3A_2061 = arith.constant 8 : i32
      %dma_start3A_2062 = arith.constant 0 : i32
      %dma_start3A_2063 = tpu.memref_slice %arg10[%dma_start3A_2059, %dma_start3A_2060, %dma_start3A_2061, %dma_start3A_2062] : memref<4x4x16x128xf32, #tpu.memory_space<vmem>> -> memref<1x1x8x128xf32, #tpu.memory_space<vmem>>
      %dma_start3A_2064 = tpu.memref_squeeze %dma_start3A_2063 : memref<1x1x8x128xf32, #tpu.memory_space<vmem>> -> memref<8x128xf32, #tpu.memory_space<vmem>>
      %dma_start3A_2065 = arith.constant 8 : i32
      %dma_start3A_2066 = tpu.memref_slice %arg5[%dma_start3A_2065, %multiple_of3A_2016] : memref<16x1000000xf32, #tpu.memory_space<hbm>> -> memref<8x128xf32, #tpu.memory_space<hbm>>
      %dma_start3A_2067 = arith.constant 8 : i32
      %dma_start3A_2068 = arith.constant 0 : i32
      %dma_start3A_2069 = tpu.memref_slice %arg10[%dma_start3A_2059, %dma_start3A_2060, %dma_start3A_2067, %dma_start3A_2068] : memref<4x4x16x128xf32, #tpu.memory_space<vmem>> -> memref<1x1x8x128xf32, #tpu.memory_space<vmem>>
      %dma_start3A_2070 = tpu.memref_squeeze %dma_start3A_2069 : memref<1x1x8x128xf32, #tpu.memory_space<vmem>> -> memref<8x128xf32, #tpu.memory_space<vmem>>
      %dma_start3A_2071 = arith.constant 8 : i32
      %dma_start3A_2072 = tpu.memref_slice %arg5[%dma_start3A_2071, %multiple_of3A_2016] : memref<16x1000000xf32, #tpu.memory_space<hbm>> -> memref<8x128xf32, #tpu.memory_space<hbm>>
      tpu.enqueue_dma source(%dma_start3A_2072 : memref<8x128xf32, #tpu.memory_space<hbm>>) target(%dma_start3A_2070 : memref<8x128xf32, #tpu.memory_space<vmem>>) target_semaphore(%arg16 : memref<!tpu.dma_semaphore, #tpu.memory_space<semaphore_mem>>)
      %slice3A_2073 = vector.extract_strided_slice %shift_left3A_1880 {offsets = [3], sizes = [1], strides = [1]} : vector<16xi32> to vector<1xi32>
      %squeeze3A_2074 = vector.extract %slice3A_2073[0] : i32 from vector<1xi32>
      %multiple_of3A_2075 = tpu.assume_multiple %squeeze3A_2074, 128 : i32
      %slice3A_2076 = vector.extract_strided_slice %shift_left3A_1886 {offsets = [3], sizes = [1], strides = [1]} : vector<16xi32> to vector<1xi32>
      %squeeze3A_2077 = vector.extract %slice3A_2076[0] : i32 from vector<1xi32>
      %multiple_of3A_2078 = tpu.assume_multiple %squeeze3A_2077, 128 : i32
      %dma_start3A_2079 = arith.constant 0 : i32
      %dma_start3A_2080 = arith.constant 3 : i32
      %dma_start3A_2081 = arith.constant 0 : i32
      %dma_start3A_2082 = arith.constant 0 : i32
      %dma_start3A_2083 = tpu.memref_slice %arg9[%dma_start3A_2079, %dma_start3A_2080, %dma_start3A_2081, %dma_start3A_2082] : memref<4x4x16x128xf32, #tpu.memory_space<vmem>> -> memref<1x1x8x128xf32, #tpu.memory_space<vmem>>
      %dma_start3A_2084 = tpu.memref_squeeze %dma_start3A_2083 : memref<1x1x8x128xf32, #tpu.memory_space<vmem>> -> memref<8x128xf32, #tpu.memory_space<vmem>>
      %dma_start3A_2085 = arith.constant 0 : i32
      %dma_start3A_2086 = tpu.memref_slice %arg4[%dma_start3A_2085, %multiple_of3A_2075] : memref<16x1000000xf32, #tpu.memory_space<hbm>> -> memref<8x128xf32, #tpu.memory_space<hbm>>
      %dma_start3A_2087 = arith.constant 0 : i32
      %dma_start3A_2088 = arith.constant 0 : i32
      %dma_start3A_2089 = tpu.memref_slice %arg9[%dma_start3A_2079, %dma_start3A_2080, %dma_start3A_2087, %dma_start3A_2088] : memref<4x4x16x128xf32, #tpu.memory_space<vmem>> -> memref<1x1x8x128xf32, #tpu.memory_space<vmem>>
      %dma_start3A_2090 = tpu.memref_squeeze %dma_start3A_2089 : memref<1x1x8x128xf32, #tpu.memory_space<vmem>> -> memref<8x128xf32, #tpu.memory_space<vmem>>
      %dma_start3A_2091 = arith.constant 0 : i32
      %dma_start3A_2092 = tpu.memref_slice %arg4[%dma_start3A_2091, %multiple_of3A_2075] : memref<16x1000000xf32, #tpu.memory_space<hbm>> -> memref<8x128xf32, #tpu.memory_space<hbm>>
      tpu.enqueue_dma source(%dma_start3A_2092 : memref<8x128xf32, #tpu.memory_space<hbm>>) target(%dma_start3A_2090 : memref<8x128xf32, #tpu.memory_space<vmem>>) target_semaphore(%arg12 : memref<!tpu.dma_semaphore, #tpu.memory_space<semaphore_mem>>)
      %dma_start3A_2093 = arith.constant 0 : i32
      %dma_start3A_2094 = arith.constant 3 : i32
      %dma_start3A_2095 = arith.constant 0 : i32
      %dma_start3A_2096 = arith.constant 0 : i32
      %dma_start3A_2097 = tpu.memref_slice %arg10[%dma_start3A_2093, %dma_start3A_2094, %dma_start3A_2095, %dma_start3A_2096] : memref<4x4x16x128xf32, #tpu.memory_space<vmem>> -> memref<1x1x8x128xf32, #tpu.memory_space<vmem>>
      %dma_start3A_2098 = tpu.memref_squeeze %dma_start3A_2097 : memref<1x1x8x128xf32, #tpu.memory_space<vmem>> -> memref<8x128xf32, #tpu.memory_space<vmem>>
      %dma_start3A_2099 = arith.constant 0 : i32
      %dma_start3A_2100 = tpu.memref_slice %arg5[%dma_start3A_2099, %multiple_of3A_2078] : memref<16x1000000xf32, #tpu.memory_space<hbm>> -> memref<8x128xf32, #tpu.memory_space<hbm>>
      %dma_start3A_2101 = arith.constant 0 : i32
      %dma_start3A_2102 = arith.constant 0 : i32
      %dma_start3A_2103 = tpu.memref_slice %arg10[%dma_start3A_2093, %dma_start3A_2094, %dma_start3A_2101, %dma_start3A_2102] : memref<4x4x16x128xf32, #tpu.memory_space<vmem>> -> memref<1x1x8x128xf32, #tpu.memory_space<vmem>>
      %dma_start3A_2104 = tpu.memref_squeeze %dma_start3A_2103 : memref<1x1x8x128xf32, #tpu.memory_space<vmem>> -> memref<8x128xf32, #tpu.memory_space<vmem>>
      %dma_start3A_2105 = arith.constant 0 : i32
      %dma_start3A_2106 = tpu.memref_slice %arg5[%dma_start3A_2105, %multiple_of3A_2078] : memref<16x1000000xf32, #tpu.memory_space<hbm>> -> memref<8x128xf32, #tpu.memory_space<hbm>>
      tpu.enqueue_dma source(%dma_start3A_2106 : memref<8x128xf32, #tpu.memory_space<hbm>>) target(%dma_start3A_2104 : memref<8x128xf32, #tpu.memory_space<vmem>>) target_semaphore(%arg16 : memref<!tpu.dma_semaphore, #tpu.memory_space<semaphore_mem>>)
      %dma_start3A_2107 = arith.constant 0 : i32
      %dma_start3A_2108 = arith.constant 3 : i32
      %dma_start3A_2109 = arith.constant 8 : i32
      %dma_start3A_2110 = arith.constant 0 : i32
      %dma_start3A_2111 = tpu.memref_slice %arg9[%dma_start3A_2107, %dma_start3A_2108, %dma_start3A_2109, %dma_start3A_2110] : memref<4x4x16x128xf32, #tpu.memory_space<vmem>> -> memref<1x1x8x128xf32, #tpu.memory_space<vmem>>
      %dma_start3A_2112 = tpu.memref_squeeze %dma_start3A_2111 : memref<1x1x8x128xf32, #tpu.memory_space<vmem>> -> memref<8x128xf32, #tpu.memory_space<vmem>>
      %dma_start3A_2113 = arith.constant 8 : i32
      %dma_start3A_2114 = tpu.memref_slice %arg4[%dma_start3A_2113, %multiple_of3A_2075] : memref<16x1000000xf32, #tpu.memory_space<hbm>> -> memref<8x128xf32, #tpu.memory_space<hbm>>
      %dma_start3A_2115 = arith.constant 8 : i32
      %dma_start3A_2116 = arith.constant 0 : i32
      %dma_start3A_2117 = tpu.memref_slice %arg9[%dma_start3A_2107, %dma_start3A_2108, %dma_start3A_2115, %dma_start3A_2116] : memref<4x4x16x128xf32, #tpu.memory_space<vmem>> -> memref<1x1x8x128xf32, #tpu.memory_space<vmem>>
      %dma_start3A_2118 = tpu.memref_squeeze %dma_start3A_2117 : memref<1x1x8x128xf32, #tpu.memory_space<vmem>> -> memref<8x128xf32, #tpu.memory_space<vmem>>
      %dma_start3A_2119 = arith.constant 8 : i32
      %dma_start3A_2120 = tpu.memref_slice %arg4[%dma_start3A_2119, %multiple_of3A_2075] : memref<16x1000000xf32, #tpu.memory_space<hbm>> -> memref<8x128xf32, #tpu.memory_space<hbm>>
      tpu.enqueue_dma source(%dma_start3A_2120 : memref<8x128xf32, #tpu.memory_space<hbm>>) target(%dma_start3A_2118 : memref<8x128xf32, #tpu.memory_space<vmem>>) target_semaphore(%arg12 : memref<!tpu.dma_semaphore, #tpu.memory_space<semaphore_mem>>)
      %dma_start3A_2121 = arith.constant 0 : i32
      %dma_start3A_2122 = arith.constant 3 : i32
      %dma_start3A_2123 = arith.constant 8 : i32
      %dma_start3A_2124 = arith.constant 0 : i32
      %dma_start3A_2125 = tpu.memref_slice %arg10[%dma_start3A_2121, %dma_start3A_2122, %dma_start3A_2123, %dma_start3A_2124] : memref<4x4x16x128xf32, #tpu.memory_space<vmem>> -> memref<1x1x8x128xf32, #tpu.memory_space<vmem>>
      %dma_start3A_2126 = tpu.memref_squeeze %dma_start3A_2125 : memref<1x1x8x128xf32, #tpu.memory_space<vmem>> -> memref<8x128xf32, #tpu.memory_space<vmem>>
      %dma_start3A_2127 = arith.constant 8 : i32
      %dma_start3A_2128 = tpu.memref_slice %arg5[%dma_start3A_2127, %multiple_of3A_2078] : memref<16x1000000xf32, #tpu.memory_space<hbm>> -> memref<8x128xf32, #tpu.memory_space<hbm>>
      %dma_start3A_2129 = arith.constant 8 : i32
      %dma_start3A_2130 = arith.constant 0 : i32
      %dma_start3A_2131 = tpu.memref_slice %arg10[%dma_start3A_2121, %dma_start3A_2122, %dma_start3A_2129, %dma_start3A_2130] : memref<4x4x16x128xf32, #tpu.memory_space<vmem>> -> memref<1x1x8x128xf32, #tpu.memory_space<vmem>>
      %dma_start3A_2132 = tpu.memref_squeeze %dma_start3A_2131 : memref<1x1x8x128xf32, #tpu.memory_space<vmem>> -> memref<8x128xf32, #tpu.memory_space<vmem>>
      %dma_start3A_2133 = arith.constant 8 : i32
      %dma_start3A_2134 = tpu.memref_slice %arg5[%dma_start3A_2133, %multiple_of3A_2078] : memref<16x1000000xf32, #tpu.memory_space<hbm>> -> memref<8x128xf32, #tpu.memory_space<hbm>>
      tpu.enqueue_dma source(%dma_start3A_2134 : memref<8x128xf32, #tpu.memory_space<hbm>>) target(%dma_start3A_2132 : memref<8x128xf32, #tpu.memory_space<vmem>>) target_semaphore(%arg16 : memref<!tpu.dma_semaphore, #tpu.memory_space<semaphore_mem>>)
      %slice3A_2135 = vector.extract_strided_slice %and3A_1207 {offsets = [4], sizes = [1], strides = [1]} : vector<16xi32> to vector<1xi32>
      %squeeze3A_2136 = vector.extract %slice3A_2135[0] : i32 from vector<1xi32>
      %broadcast_in_dim3A_2137 = vector.broadcast %squeeze3A_2136 : i32 to vector<16xi32>
      %slice3A_2138 = vector.extract_strided_slice %and3A_1210 {offsets = [4], sizes = [1], strides = [1]} : vector<16xi32> to vector<1xi32>
      %squeeze3A_2139 = vector.extract %slice3A_2138[0] : i32 from vector<1xi32>
      %broadcast_in_dim3A_2140 = vector.broadcast %squeeze3A_2139 : i32 to vector<16xi32>
      %gather3A_2141 = arith.constant 1 : i32
      %gather3A_2142 = arith.constant 0 : i32
      %gather3A_2143 = arith.constant 0 : i32
      %gather3A_2144 = arith.constant 0 : i32
      %gather3A_2145 = tpu.memref_slice %arg9[%gather3A_2141, %gather3A_2142, %gather3A_2143, %gather3A_2144] : memref<4x4x16x128xf32, #tpu.memory_space<vmem>> -> memref<1x1x16x128xf32, #tpu.memory_space<vmem>>
      %gather3A_2146 = tpu.memref_squeeze %gather3A_2145 : memref<1x1x16x128xf32, #tpu.memory_space<vmem>> -> memref<16x128xf32, #tpu.memory_space<vmem>>
      %gather3A_2147 = tpu.vector_load_idx %gather3A_2146[%iota3A, %broadcast_in_dim3A_2137] : memref<16x128xf32, #tpu.memory_space<vmem>>[vector<16xi32>, vector<16xi32>], vector<16xf32>,
      %gather3A_2148 = arith.constant 1 : i32
      %gather3A_2149 = arith.constant 0 : i32
      %gather3A_2150 = arith.constant 0 : i32
      %gather3A_2151 = arith.constant 0 : i32
      %gather3A_2152 = tpu.memref_slice %arg10[%gather3A_2148, %gather3A_2149, %gather3A_2150, %gather3A_2151] : memref<4x4x16x128xf32, #tpu.memory_space<vmem>> -> memref<1x1x16x128xf32, #tpu.memory_space<vmem>>
      %gather3A_2153 = tpu.memref_squeeze %gather3A_2152 : memref<1x1x16x128xf32, #tpu.memory_space<vmem>> -> memref<16x128xf32, #tpu.memory_space<vmem>>
      %gather3A_2154 = tpu.vector_load_idx %gather3A_2153[%iota3A, %broadcast_in_dim3A_2140] : memref<16x128xf32, #tpu.memory_space<vmem>>[vector<16xi32>, vector<16xi32>], vector<16xf32>,
      %mul3A_2155 = arith.mulf %gather3A_2147, %gather3A_2154 : vector<16xf32>
      %reduce_sum3A_2156 = arith.constant true
      %reduce_sum3A_2157 = vector.broadcast %reduce_sum3A_2156 : i1 to vector<16xi1>
      %reduce_sum3A_2158 = tpu.scan <sum>, %mul3A_2155 masked %reduce_sum3A_2157 : vector<16xf32>, vector<16xi1> -> vector<16xf32>
      %reduce_sum3A_2159 = vector.extract %reduce_sum3A_2158[15] : f32 from vector<16xf32>
      %eq3A_2160 = arith.constant 4 : i32
      %eq3A_2161 = vector.broadcast %eq3A_2160 : i32 to vector<16xi32>
      %eq3A_2162 = arith.cmpi eq, %iota3A, %eq3A_2161 : vector<16xi32>
      %broadcast_in_dim3A_2163 = vector.broadcast %reduce_sum3A_2159 : f32 to vector<16xf32>
      %select_n3A_2164 = arith.select %eq3A_2162, %broadcast_in_dim3A_2163, %select_n3A_1730 : vector<16xi1>, vector<16xf32>
      %slice3A_2165 = vector.extract_strided_slice %and3A_1207 {offsets = [5], sizes = [1], strides = [1]} : vector<16xi32> to vector<1xi32>
      %squeeze3A_2166 = vector.extract %slice3A_2165[0] : i32 from vector<1xi32>
      %broadcast_in_dim3A_2167 = vector.broadcast %squeeze3A_2166 : i32 to vector<16xi32>
      %slice3A_2168 = vector.extract_strided_slice %and3A_1210 {offsets = [5], sizes = [1], strides = [1]} : vector<16xi32> to vector<1xi32>
      %squeeze3A_2169 = vector.extract %slice3A_2168[0] : i32 from vector<1xi32>
      %broadcast_in_dim3A_2170 = vector.broadcast %squeeze3A_2169 : i32 to vector<16xi32>
      %gather3A_2171 = arith.constant 1 : i32
      %gather3A_2172 = arith.constant 1 : i32
      %gather3A_2173 = arith.constant 0 : i32
      %gather3A_2174 = arith.constant 0 : i32
      %gather3A_2175 = tpu.memref_slice %arg9[%gather3A_2171, %gather3A_2172, %gather3A_2173, %gather3A_2174] : memref<4x4x16x128xf32, #tpu.memory_space<vmem>> -> memref<1x1x16x128xf32, #tpu.memory_space<vmem>>
      %gather3A_2176 = tpu.memref_squeeze %gather3A_2175 : memref<1x1x16x128xf32, #tpu.memory_space<vmem>> -> memref<16x128xf32, #tpu.memory_space<vmem>>
      %gather3A_2177 = tpu.vector_load_idx %gather3A_2176[%iota3A, %broadcast_in_dim3A_2167] : memref<16x128xf32, #tpu.memory_space<vmem>>[vector<16xi32>, vector<16xi32>], vector<16xf32>,
      %gather3A_2178 = arith.constant 1 : i32
      %gather3A_2179 = arith.constant 1 : i32
      %gather3A_2180 = arith.constant 0 : i32
      %gather3A_2181 = arith.constant 0 : i32
      %gather3A_2182 = tpu.memref_slice %arg10[%gather3A_2178, %gather3A_2179, %gather3A_2180, %gather3A_2181] : memref<4x4x16x128xf32, #tpu.memory_space<vmem>> -> memref<1x1x16x128xf32, #tpu.memory_space<vmem>>
      %gather3A_2183 = tpu.memref_squeeze %gather3A_2182 : memref<1x1x16x128xf32, #tpu.memory_space<vmem>> -> memref<16x128xf32, #tpu.memory_space<vmem>>
      %gather3A_2184 = tpu.vector_load_idx %gather3A_2183[%iota3A, %broadcast_in_dim3A_2170] : memref<16x128xf32, #tpu.memory_space<vmem>>[vector<16xi32>, vector<16xi32>], vector<16xf32>,
      %mul3A_2185 = arith.mulf %gather3A_2177, %gather3A_2184 : vector<16xf32>
      %reduce_sum3A_2186 = arith.constant true
      %reduce_sum3A_2187 = vector.broadcast %reduce_sum3A_2186 : i1 to vector<16xi1>
      %reduce_sum3A_2188 = tpu.scan <sum>, %mul3A_2185 masked %reduce_sum3A_2187 : vector<16xf32>, vector<16xi1> -> vector<16xf32>
      %reduce_sum3A_2189 = vector.extract %reduce_sum3A_2188[15] : f32 from vector<16xf32>
      %eq3A_2190 = arith.constant 5 : i32
      %eq3A_2191 = vector.broadcast %eq3A_2190 : i32 to vector<16xi32>
      %eq3A_2192 = arith.cmpi eq, %iota3A, %eq3A_2191 : vector<16xi32>
      %broadcast_in_dim3A_2193 = vector.broadcast %reduce_sum3A_2189 : f32 to vector<16xf32>
      %select_n3A_2194 = arith.select %eq3A_2192, %broadcast_in_dim3A_2193, %select_n3A_2164 : vector<16xi1>, vector<16xf32>
      %slice3A_2195 = vector.extract_strided_slice %and3A_1207 {offsets = [6], sizes = [1], strides = [1]} : vector<16xi32> to vector<1xi32>
      %squeeze3A_2196 = vector.extract %slice3A_2195[0] : i32 from vector<1xi32>
      %broadcast_in_dim3A_2197 = vector.broadcast %squeeze3A_2196 : i32 to vector<16xi32>
      %slice3A_2198 = vector.extract_strided_slice %and3A_1210 {offsets = [6], sizes = [1], strides = [1]} : vector<16xi32> to vector<1xi32>
      %squeeze3A_2199 = vector.extract %slice3A_2198[0] : i32 from vector<1xi32>
      %broadcast_in_dim3A_2200 = vector.broadcast %squeeze3A_2199 : i32 to vector<16xi32>
      %gather3A_2201 = arith.constant 1 : i32
      %gather3A_2202 = arith.constant 2 : i32
      %gather3A_2203 = arith.constant 0 : i32
      %gather3A_2204 = arith.constant 0 : i32
      %gather3A_2205 = tpu.memref_slice %arg9[%gather3A_2201, %gather3A_2202, %gather3A_2203, %gather3A_2204] : memref<4x4x16x128xf32, #tpu.memory_space<vmem>> -> memref<1x1x16x128xf32, #tpu.memory_space<vmem>>
      %gather3A_2206 = tpu.memref_squeeze %gather3A_2205 : memref<1x1x16x128xf32, #tpu.memory_space<vmem>> -> memref<16x128xf32, #tpu.memory_space<vmem>>
      %gather3A_2207 = tpu.vector_load_idx %gather3A_2206[%iota3A, %broadcast_in_dim3A_2197] : memref<16x128xf32, #tpu.memory_space<vmem>>[vector<16xi32>, vector<16xi32>], vector<16xf32>,
      %gather3A_2208 = arith.constant 1 : i32
      %gather3A_2209 = arith.constant 2 : i32
      %gather3A_2210 = arith.constant 0 : i32
      %gather3A_2211 = arith.constant 0 : i32
      %gather3A_2212 = tpu.memref_slice %arg10[%gather3A_2208, %gather3A_2209, %gather3A_2210, %gather3A_2211] : memref<4x4x16x128xf32, #tpu.memory_space<vmem>> -> memref<1x1x16x128xf32, #tpu.memory_space<vmem>>
      %gather3A_2213 = tpu.memref_squeeze %gather3A_2212 : memref<1x1x16x128xf32, #tpu.memory_space<vmem>> -> memref<16x128xf32, #tpu.memory_space<vmem>>
      %gather3A_2214 = tpu.vector_load_idx %gather3A_2213[%iota3A, %broadcast_in_dim3A_2200] : memref<16x128xf32, #tpu.memory_space<vmem>>[vector<16xi32>, vector<16xi32>], vector<16xf32>,
      %mul3A_2215 = arith.mulf %gather3A_2207, %gather3A_2214 : vector<16xf32>
      %reduce_sum3A_2216 = arith.constant true
      %reduce_sum3A_2217 = vector.broadcast %reduce_sum3A_2216 : i1 to vector<16xi1>
      %reduce_sum3A_2218 = tpu.scan <sum>, %mul3A_2215 masked %reduce_sum3A_2217 : vector<16xf32>, vector<16xi1> -> vector<16xf32>
      %reduce_sum3A_2219 = vector.extract %reduce_sum3A_2218[15] : f32 from vector<16xf32>
      %eq3A_2220 = arith.constant 6 : i32
      %eq3A_2221 = vector.broadcast %eq3A_2220 : i32 to vector<16xi32>
      %eq3A_2222 = arith.cmpi eq, %iota3A, %eq3A_2221 : vector<16xi32>
      %broadcast_in_dim3A_2223 = vector.broadcast %reduce_sum3A_2219 : f32 to vector<16xf32>
      %select_n3A_2224 = arith.select %eq3A_2222, %broadcast_in_dim3A_2223, %select_n3A_2194 : vector<16xi1>, vector<16xf32>
      %slice3A_2225 = vector.extract_strided_slice %and3A_1207 {offsets = [7], sizes = [1], strides = [1]} : vector<16xi32> to vector<1xi32>
      %squeeze3A_2226 = vector.extract %slice3A_2225[0] : i32 from vector<1xi32>
      %broadcast_in_dim3A_2227 = vector.broadcast %squeeze3A_2226 : i32 to vector<16xi32>
      %slice3A_2228 = vector.extract_strided_slice %and3A_1210 {offsets = [7], sizes = [1], strides = [1]} : vector<16xi32> to vector<1xi32>
      %squeeze3A_2229 = vector.extract %slice3A_2228[0] : i32 from vector<1xi32>
      %broadcast_in_dim3A_2230 = vector.broadcast %squeeze3A_2229 : i32 to vector<16xi32>
      %gather3A_2231 = arith.constant 1 : i32
      %gather3A_2232 = arith.constant 3 : i32
      %gather3A_2233 = arith.constant 0 : i32
      %gather3A_2234 = arith.constant 0 : i32
      %gather3A_2235 = tpu.memref_slice %arg9[%gather3A_2231, %gather3A_2232, %gather3A_2233, %gather3A_2234] : memref<4x4x16x128xf32, #tpu.memory_space<vmem>> -> memref<1x1x16x128xf32, #tpu.memory_space<vmem>>
      %gather3A_2236 = tpu.memref_squeeze %gather3A_2235 : memref<1x1x16x128xf32, #tpu.memory_space<vmem>> -> memref<16x128xf32, #tpu.memory_space<vmem>>
      %gather3A_2237 = tpu.vector_load_idx %gather3A_2236[%iota3A, %broadcast_in_dim3A_2227] : memref<16x128xf32, #tpu.memory_space<vmem>>[vector<16xi32>, vector<16xi32>], vector<16xf32>,
      %gather3A_2238 = arith.constant 1 : i32
      %gather3A_2239 = arith.constant 3 : i32
      %gather3A_2240 = arith.constant 0 : i32
      %gather3A_2241 = arith.constant 0 : i32
      %gather3A_2242 = tpu.memref_slice %arg10[%gather3A_2238, %gather3A_2239, %gather3A_2240, %gather3A_2241] : memref<4x4x16x128xf32, #tpu.memory_space<vmem>> -> memref<1x1x16x128xf32, #tpu.memory_space<vmem>>
      %gather3A_2243 = tpu.memref_squeeze %gather3A_2242 : memref<1x1x16x128xf32, #tpu.memory_space<vmem>> -> memref<16x128xf32, #tpu.memory_space<vmem>>
      %gather3A_2244 = tpu.vector_load_idx %gather3A_2243[%iota3A, %broadcast_in_dim3A_2230] : memref<16x128xf32, #tpu.memory_space<vmem>>[vector<16xi32>, vector<16xi32>], vector<16xf32>,
      %mul3A_2245 = arith.mulf %gather3A_2237, %gather3A_2244 : vector<16xf32>
      %reduce_sum3A_2246 = arith.constant true
      %reduce_sum3A_2247 = vector.broadcast %reduce_sum3A_2246 : i1 to vector<16xi1>
      %reduce_sum3A_2248 = tpu.scan <sum>, %mul3A_2245 masked %reduce_sum3A_2247 : vector<16xf32>, vector<16xi1> -> vector<16xf32>
      %reduce_sum3A_2249 = vector.extract %reduce_sum3A_2248[15] : f32 from vector<16xf32>
      %eq3A_2250 = arith.constant 7 : i32
      %eq3A_2251 = vector.broadcast %eq3A_2250 : i32 to vector<16xi32>
      %eq3A_2252 = arith.cmpi eq, %iota3A, %eq3A_2251 : vector<16xi32>
      %broadcast_in_dim3A_2253 = vector.broadcast %reduce_sum3A_2249 : f32 to vector<16xf32>
      %select_n3A_2254 = arith.select %eq3A_2252, %broadcast_in_dim3A_2253, %select_n3A_2224 : vector<16xi1>, vector<16xf32>
      %mul3A_2255 = arith.constant 4 : i32
      %mul3A_2256 = arith.muli %scan3A_1196, %mul3A_2255 : i32
      %add3A_2257 = arith.constant 2 : i32
      %add3A_2258 = arith.addi %mul3A_2256, %add3A_2257 : i32
      %dma_wait3A_2259 = arith.constant 2 : i32
      %dma_wait3A_2260 = arith.constant 0 : i32
      %dma_wait3A_2261 = arith.constant 0 : i32
      %dma_wait3A_2262 = arith.constant 0 : i32
      %dma_wait3A_2263 = tpu.memref_slice %arg9[%dma_wait3A_2259, %dma_wait3A_2260, %dma_wait3A_2261, %dma_wait3A_2262] : memref<4x4x16x128xf32, #tpu.memory_space<vmem>> -> memref<1x1x16x128xf32, #tpu.memory_space<vmem>>
      %dma_wait3A_2264 = tpu.memref_squeeze %dma_wait3A_2263 : memref<1x1x16x128xf32, #tpu.memory_space<vmem>> -> memref<16x128xf32, #tpu.memory_space<vmem>>
      %dma_wait3A_2265 = arith.constant 0 : i32
      %dma_wait3A_2266 = arith.constant 0 : i32
      %dma_wait3A_2267 = tpu.memref_slice %arg4[%dma_wait3A_2265, %dma_wait3A_2266] : memref<16x1000000xf32, #tpu.memory_space<hbm>> -> memref<16x128xf32, #tpu.memory_space<hbm>>
      %dma_wait3A_2268 = arith.constant 0 : i32
      %dma_wait3A_2269 = arith.constant 0 : i32
      %dma_wait3A_2270 = tpu.memref_slice %arg9[%dma_wait3A_2259, %dma_wait3A_2260, %dma_wait3A_2268, %dma_wait3A_2269] : memref<4x4x16x128xf32, #tpu.memory_space<vmem>> -> memref<1x1x16x128xf32, #tpu.memory_space<vmem>>
      %dma_wait3A_2271 = tpu.memref_squeeze %dma_wait3A_2270 : memref<1x1x16x128xf32, #tpu.memory_space<vmem>> -> memref<16x128xf32, #tpu.memory_space<vmem>>
      %dma_wait3A_2272 = arith.constant 0 : i32
      %dma_wait3A_2273 = arith.constant 0 : i32
      %dma_wait3A_2274 = tpu.memref_slice %arg4[%dma_wait3A_2272, %dma_wait3A_2273] : memref<16x1000000xf32, #tpu.memory_space<hbm>> -> memref<16x128xf32, #tpu.memory_space<hbm>>
      tpu.wait_dma2 semaphore(%arg14 : memref<!tpu.dma_semaphore, #tpu.memory_space<semaphore_mem>>) src(%dma_wait3A_2274 : memref<16x128xf32, #tpu.memory_space<hbm>>) dst(%dma_wait3A_2271 : memref<16x128xf32, #tpu.memory_space<vmem>>)
      %dma_wait3A_2275 = arith.constant 2 : i32
      %dma_wait3A_2276 = arith.constant 0 : i32
      %dma_wait3A_2277 = arith.constant 0 : i32
      %dma_wait3A_2278 = arith.constant 0 : i32
      %dma_wait3A_2279 = tpu.memref_slice %arg10[%dma_wait3A_2275, %dma_wait3A_2276, %dma_wait3A_2277, %dma_wait3A_2278] : memref<4x4x16x128xf32, #tpu.memory_space<vmem>> -> memref<1x1x16x128xf32, #tpu.memory_space<vmem>>
      %dma_wait3A_2280 = tpu.memref_squeeze %dma_wait3A_2279 : memref<1x1x16x128xf32, #tpu.memory_space<vmem>> -> memref<16x128xf32, #tpu.memory_space<vmem>>
      %dma_wait3A_2281 = arith.constant 0 : i32
      %dma_wait3A_2282 = arith.constant 0 : i32
      %dma_wait3A_2283 = tpu.memref_slice %arg5[%dma_wait3A_2281, %dma_wait3A_2282] : memref<16x1000000xf32, #tpu.memory_space<hbm>> -> memref<16x128xf32, #tpu.memory_space<hbm>>
      %dma_wait3A_2284 = arith.constant 0 : i32
      %dma_wait3A_2285 = arith.constant 0 : i32
      %dma_wait3A_2286 = tpu.memref_slice %arg10[%dma_wait3A_2275, %dma_wait3A_2276, %dma_wait3A_2284, %dma_wait3A_2285] : memref<4x4x16x128xf32, #tpu.memory_space<vmem>> -> memref<1x1x16x128xf32, #tpu.memory_space<vmem>>
      %dma_wait3A_2287 = tpu.memref_squeeze %dma_wait3A_2286 : memref<1x1x16x128xf32, #tpu.memory_space<vmem>> -> memref<16x128xf32, #tpu.memory_space<vmem>>
      %dma_wait3A_2288 = arith.constant 0 : i32
      %dma_wait3A_2289 = arith.constant 0 : i32
      %dma_wait3A_2290 = tpu.memref_slice %arg5[%dma_wait3A_2288, %dma_wait3A_2289] : memref<16x1000000xf32, #tpu.memory_space<hbm>> -> memref<16x128xf32, #tpu.memory_space<hbm>>
      tpu.wait_dma2 semaphore(%arg18 : memref<!tpu.dma_semaphore, #tpu.memory_space<semaphore_mem>>) src(%dma_wait3A_2290 : memref<16x128xf32, #tpu.memory_space<hbm>>) dst(%dma_wait3A_2287 : memref<16x128xf32, #tpu.memory_space<vmem>>)
      %dma_wait3A_2291 = arith.constant 2 : i32
      %dma_wait3A_2292 = arith.constant 1 : i32
      %dma_wait3A_2293 = arith.constant 0 : i32
      %dma_wait3A_2294 = arith.constant 0 : i32
      %dma_wait3A_2295 = tpu.memref_slice %arg9[%dma_wait3A_2291, %dma_wait3A_2292, %dma_wait3A_2293, %dma_wait3A_2294] : memref<4x4x16x128xf32, #tpu.memory_space<vmem>> -> memref<1x1x16x128xf32, #tpu.memory_space<vmem>>
      %dma_wait3A_2296 = tpu.memref_squeeze %dma_wait3A_2295 : memref<1x1x16x128xf32, #tpu.memory_space<vmem>> -> memref<16x128xf32, #tpu.memory_space<vmem>>
      %dma_wait3A_2297 = arith.constant 0 : i32
      %dma_wait3A_2298 = arith.constant 0 : i32
      %dma_wait3A_2299 = tpu.memref_slice %arg4[%dma_wait3A_2297, %dma_wait3A_2298] : memref<16x1000000xf32, #tpu.memory_space<hbm>> -> memref<16x128xf32, #tpu.memory_space<hbm>>
      %dma_wait3A_2300 = arith.constant 0 : i32
      %dma_wait3A_2301 = arith.constant 0 : i32
      %dma_wait3A_2302 = tpu.memref_slice %arg9[%dma_wait3A_2291, %dma_wait3A_2292, %dma_wait3A_2300, %dma_wait3A_2301] : memref<4x4x16x128xf32, #tpu.memory_space<vmem>> -> memref<1x1x16x128xf32, #tpu.memory_space<vmem>>
      %dma_wait3A_2303 = tpu.memref_squeeze %dma_wait3A_2302 : memref<1x1x16x128xf32, #tpu.memory_space<vmem>> -> memref<16x128xf32, #tpu.memory_space<vmem>>
      %dma_wait3A_2304 = arith.constant 0 : i32
      %dma_wait3A_2305 = arith.constant 0 : i32
      %dma_wait3A_2306 = tpu.memref_slice %arg4[%dma_wait3A_2304, %dma_wait3A_2305] : memref<16x1000000xf32, #tpu.memory_space<hbm>> -> memref<16x128xf32, #tpu.memory_space<hbm>>
      tpu.wait_dma2 semaphore(%arg14 : memref<!tpu.dma_semaphore, #tpu.memory_space<semaphore_mem>>) src(%dma_wait3A_2306 : memref<16x128xf32, #tpu.memory_space<hbm>>) dst(%dma_wait3A_2303 : memref<16x128xf32, #tpu.memory_space<vmem>>)
      %dma_wait3A_2307 = arith.constant 2 : i32
      %dma_wait3A_2308 = arith.constant 1 : i32
      %dma_wait3A_2309 = arith.constant 0 : i32
      %dma_wait3A_2310 = arith.constant 0 : i32
      %dma_wait3A_2311 = tpu.memref_slice %arg10[%dma_wait3A_2307, %dma_wait3A_2308, %dma_wait3A_2309, %dma_wait3A_2310] : memref<4x4x16x128xf32, #tpu.memory_space<vmem>> -> memref<1x1x16x128xf32, #tpu.memory_space<vmem>>
      %dma_wait3A_2312 = tpu.memref_squeeze %dma_wait3A_2311 : memref<1x1x16x128xf32, #tpu.memory_space<vmem>> -> memref<16x128xf32, #tpu.memory_space<vmem>>
      %dma_wait3A_2313 = arith.constant 0 : i32
      %dma_wait3A_2314 = arith.constant 0 : i32
      %dma_wait3A_2315 = tpu.memref_slice %arg5[%dma_wait3A_2313, %dma_wait3A_2314] : memref<16x1000000xf32, #tpu.memory_space<hbm>> -> memref<16x128xf32, #tpu.memory_space<hbm>>
      %dma_wait3A_2316 = arith.constant 0 : i32
      %dma_wait3A_2317 = arith.constant 0 : i32
      %dma_wait3A_2318 = tpu.memref_slice %arg10[%dma_wait3A_2307, %dma_wait3A_2308, %dma_wait3A_2316, %dma_wait3A_2317] : memref<4x4x16x128xf32, #tpu.memory_space<vmem>> -> memref<1x1x16x128xf32, #tpu.memory_space<vmem>>
      %dma_wait3A_2319 = tpu.memref_squeeze %dma_wait3A_2318 : memref<1x1x16x128xf32, #tpu.memory_space<vmem>> -> memref<16x128xf32, #tpu.memory_space<vmem>>
      %dma_wait3A_2320 = arith.constant 0 : i32
      %dma_wait3A_2321 = arith.constant 0 : i32
      %dma_wait3A_2322 = tpu.memref_slice %arg5[%dma_wait3A_2320, %dma_wait3A_2321] : memref<16x1000000xf32, #tpu.memory_space<hbm>> -> memref<16x128xf32, #tpu.memory_space<hbm>>
      tpu.wait_dma2 semaphore(%arg18 : memref<!tpu.dma_semaphore, #tpu.memory_space<semaphore_mem>>) src(%dma_wait3A_2322 : memref<16x128xf32, #tpu.memory_space<hbm>>) dst(%dma_wait3A_2319 : memref<16x128xf32, #tpu.memory_space<vmem>>)
      %dma_wait3A_2323 = arith.constant 2 : i32
      %dma_wait3A_2324 = arith.constant 2 : i32
      %dma_wait3A_2325 = arith.constant 0 : i32
      %dma_wait3A_2326 = arith.constant 0 : i32
      %dma_wait3A_2327 = tpu.memref_slice %arg9[%dma_wait3A_2323, %dma_wait3A_2324, %dma_wait3A_2325, %dma_wait3A_2326] : memref<4x4x16x128xf32, #tpu.memory_space<vmem>> -> memref<1x1x16x128xf32, #tpu.memory_space<vmem>>
      %dma_wait3A_2328 = tpu.memref_squeeze %dma_wait3A_2327 : memref<1x1x16x128xf32, #tpu.memory_space<vmem>> -> memref<16x128xf32, #tpu.memory_space<vmem>>
      %dma_wait3A_2329 = arith.constant 0 : i32
      %dma_wait3A_2330 = arith.constant 0 : i32
      %dma_wait3A_2331 = tpu.memref_slice %arg4[%dma_wait3A_2329, %dma_wait3A_2330] : memref<16x1000000xf32, #tpu.memory_space<hbm>> -> memref<16x128xf32, #tpu.memory_space<hbm>>
      %dma_wait3A_2332 = arith.constant 0 : i32
      %dma_wait3A_2333 = arith.constant 0 : i32
      %dma_wait3A_2334 = tpu.memref_slice %arg9[%dma_wait3A_2323, %dma_wait3A_2324, %dma_wait3A_2332, %dma_wait3A_2333] : memref<4x4x16x128xf32, #tpu.memory_space<vmem>> -> memref<1x1x16x128xf32, #tpu.memory_space<vmem>>
      %dma_wait3A_2335 = tpu.memref_squeeze %dma_wait3A_2334 : memref<1x1x16x128xf32, #tpu.memory_space<vmem>> -> memref<16x128xf32, #tpu.memory_space<vmem>>
      %dma_wait3A_2336 = arith.constant 0 : i32
      %dma_wait3A_2337 = arith.constant 0 : i32
      %dma_wait3A_2338 = tpu.memref_slice %arg4[%dma_wait3A_2336, %dma_wait3A_2337] : memref<16x1000000xf32, #tpu.memory_space<hbm>> -> memref<16x128xf32, #tpu.memory_space<hbm>>
      tpu.wait_dma2 semaphore(%arg14 : memref<!tpu.dma_semaphore, #tpu.memory_space<semaphore_mem>>) src(%dma_wait3A_2338 : memref<16x128xf32, #tpu.memory_space<hbm>>) dst(%dma_wait3A_2335 : memref<16x128xf32, #tpu.memory_space<vmem>>)
      %dma_wait3A_2339 = arith.constant 2 : i32
      %dma_wait3A_2340 = arith.constant 2 : i32
      %dma_wait3A_2341 = arith.constant 0 : i32
      %dma_wait3A_2342 = arith.constant 0 : i32
      %dma_wait3A_2343 = tpu.memref_slice %arg10[%dma_wait3A_2339, %dma_wait3A_2340, %dma_wait3A_2341, %dma_wait3A_2342] : memref<4x4x16x128xf32, #tpu.memory_space<vmem>> -> memref<1x1x16x128xf32, #tpu.memory_space<vmem>>
      %dma_wait3A_2344 = tpu.memref_squeeze %dma_wait3A_2343 : memref<1x1x16x128xf32, #tpu.memory_space<vmem>> -> memref<16x128xf32, #tpu.memory_space<vmem>>
      %dma_wait3A_2345 = arith.constant 0 : i32
      %dma_wait3A_2346 = arith.constant 0 : i32
      %dma_wait3A_2347 = tpu.memref_slice %arg5[%dma_wait3A_2345, %dma_wait3A_2346] : memref<16x1000000xf32, #tpu.memory_space<hbm>> -> memref<16x128xf32, #tpu.memory_space<hbm>>
      %dma_wait3A_2348 = arith.constant 0 : i32
      %dma_wait3A_2349 = arith.constant 0 : i32
      %dma_wait3A_2350 = tpu.memref_slice %arg10[%dma_wait3A_2339, %dma_wait3A_2340, %dma_wait3A_2348, %dma_wait3A_2349] : memref<4x4x16x128xf32, #tpu.memory_space<vmem>> -> memref<1x1x16x128xf32, #tpu.memory_space<vmem>>
      %dma_wait3A_2351 = tpu.memref_squeeze %dma_wait3A_2350 : memref<1x1x16x128xf32, #tpu.memory_space<vmem>> -> memref<16x128xf32, #tpu.memory_space<vmem>>
      %dma_wait3A_2352 = arith.constant 0 : i32
      %dma_wait3A_2353 = arith.constant 0 : i32
      %dma_wait3A_2354 = tpu.memref_slice %arg5[%dma_wait3A_2352, %dma_wait3A_2353] : memref<16x1000000xf32, #tpu.memory_space<hbm>> -> memref<16x128xf32, #tpu.memory_space<hbm>>
      tpu.wait_dma2 semaphore(%arg18 : memref<!tpu.dma_semaphore, #tpu.memory_space<semaphore_mem>>) src(%dma_wait3A_2354 : memref<16x128xf32, #tpu.memory_space<hbm>>) dst(%dma_wait3A_2351 : memref<16x128xf32, #tpu.memory_space<vmem>>)
      %dma_wait3A_2355 = arith.constant 2 : i32
      %dma_wait3A_2356 = arith.constant 3 : i32
      %dma_wait3A_2357 = arith.constant 0 : i32
      %dma_wait3A_2358 = arith.constant 0 : i32
      %dma_wait3A_2359 = tpu.memref_slice %arg9[%dma_wait3A_2355, %dma_wait3A_2356, %dma_wait3A_2357, %dma_wait3A_2358] : memref<4x4x16x128xf32, #tpu.memory_space<vmem>> -> memref<1x1x16x128xf32, #tpu.memory_space<vmem>>
      %dma_wait3A_2360 = tpu.memref_squeeze %dma_wait3A_2359 : memref<1x1x16x128xf32, #tpu.memory_space<vmem>> -> memref<16x128xf32, #tpu.memory_space<vmem>>
      %dma_wait3A_2361 = arith.constant 0 : i32
      %dma_wait3A_2362 = arith.constant 0 : i32
      %dma_wait3A_2363 = tpu.memref_slice %arg4[%dma_wait3A_2361, %dma_wait3A_2362] : memref<16x1000000xf32, #tpu.memory_space<hbm>> -> memref<16x128xf32, #tpu.memory_space<hbm>>
      %dma_wait3A_2364 = arith.constant 0 : i32
      %dma_wait3A_2365 = arith.constant 0 : i32
      %dma_wait3A_2366 = tpu.memref_slice %arg9[%dma_wait3A_2355, %dma_wait3A_2356, %dma_wait3A_2364, %dma_wait3A_2365] : memref<4x4x16x128xf32, #tpu.memory_space<vmem>> -> memref<1x1x16x128xf32, #tpu.memory_space<vmem>>
      %dma_wait3A_2367 = tpu.memref_squeeze %dma_wait3A_2366 : memref<1x1x16x128xf32, #tpu.memory_space<vmem>> -> memref<16x128xf32, #tpu.memory_space<vmem>>
      %dma_wait3A_2368 = arith.constant 0 : i32
      %dma_wait3A_2369 = arith.constant 0 : i32
      %dma_wait3A_2370 = tpu.memref_slice %arg4[%dma_wait3A_2368, %dma_wait3A_2369] : memref<16x1000000xf32, #tpu.memory_space<hbm>> -> memref<16x128xf32, #tpu.memory_space<hbm>>
      tpu.wait_dma2 semaphore(%arg14 : memref<!tpu.dma_semaphore, #tpu.memory_space<semaphore_mem>>) src(%dma_wait3A_2370 : memref<16x128xf32, #tpu.memory_space<hbm>>) dst(%dma_wait3A_2367 : memref<16x128xf32, #tpu.memory_space<vmem>>)
      %dma_wait3A_2371 = arith.constant 2 : i32
      %dma_wait3A_2372 = arith.constant 3 : i32
      %dma_wait3A_2373 = arith.constant 0 : i32
      %dma_wait3A_2374 = arith.constant 0 : i32
      %dma_wait3A_2375 = tpu.memref_slice %arg10[%dma_wait3A_2371, %dma_wait3A_2372, %dma_wait3A_2373, %dma_wait3A_2374] : memref<4x4x16x128xf32, #tpu.memory_space<vmem>> -> memref<1x1x16x128xf32, #tpu.memory_space<vmem>>
      %dma_wait3A_2376 = tpu.memref_squeeze %dma_wait3A_2375 : memref<1x1x16x128xf32, #tpu.memory_space<vmem>> -> memref<16x128xf32, #tpu.memory_space<vmem>>
      %dma_wait3A_2377 = arith.constant 0 : i32
      %dma_wait3A_2378 = arith.constant 0 : i32
      %dma_wait3A_2379 = tpu.memref_slice %arg5[%dma_wait3A_2377, %dma_wait3A_2378] : memref<16x1000000xf32, #tpu.memory_space<hbm>> -> memref<16x128xf32, #tpu.memory_space<hbm>>
      %dma_wait3A_2380 = arith.constant 0 : i32
      %dma_wait3A_2381 = arith.constant 0 : i32
      %dma_wait3A_2382 = tpu.memref_slice %arg10[%dma_wait3A_2371, %dma_wait3A_2372, %dma_wait3A_2380, %dma_wait3A_2381] : memref<4x4x16x128xf32, #tpu.memory_space<vmem>> -> memref<1x1x16x128xf32, #tpu.memory_space<vmem>>
      %dma_wait3A_2383 = tpu.memref_squeeze %dma_wait3A_2382 : memref<1x1x16x128xf32, #tpu.memory_space<vmem>> -> memref<16x128xf32, #tpu.memory_space<vmem>>
      %dma_wait3A_2384 = arith.constant 0 : i32
      %dma_wait3A_2385 = arith.constant 0 : i32
      %dma_wait3A_2386 = tpu.memref_slice %arg5[%dma_wait3A_2384, %dma_wait3A_2385] : memref<16x1000000xf32, #tpu.memory_space<hbm>> -> memref<16x128xf32, #tpu.memory_space<hbm>>
      tpu.wait_dma2 semaphore(%arg18 : memref<!tpu.dma_semaphore, #tpu.memory_space<semaphore_mem>>) src(%dma_wait3A_2386 : memref<16x128xf32, #tpu.memory_space<hbm>>) dst(%dma_wait3A_2383 : memref<16x128xf32, #tpu.memory_space<vmem>>)
      %add3A_2387 = arith.constant 3 : i32
      %add3A_2388 = arith.addi %add3A_2258, %add3A_2387 : i32
      %min3A_2389 = arith.constant 127 : i32
      %min3A_2390 = arith.minsi %add3A_2388, %min3A_2389 : i32
      %mul3A_2391 = arith.constant 4 : i32
      %mul3A_2392 = arith.muli %min3A_2390, %mul3A_2391 : i32
      %get3A_2393 = arith.index_cast %mul3A_2392 : i32 to index
      %get3A_2394 = tpu.vector_load %arg7[%get3A_2393] {strides = array<i32>} : memref<528xi32, #tpu.memory_space<vmem>>, vector<16xi32>,
      %mul3A_2395 = arith.constant 4 : i32
      %mul3A_2396 = arith.muli %min3A_2390, %mul3A_2395 : i32
      %get3A_2397 = arith.index_cast %mul3A_2396 : i32 to index
      %get3A_2398 = tpu.vector_load %arg8[%get3A_2397] {strides = array<i32>} : memref<528xi32, #tpu.memory_space<vmem>>, vector<16xi32>,
      %shift_right_arithmetic3A_2399 = arith.constant 7 : i32
      %shift_right_arithmetic3A_2400 = vector.broadcast %shift_right_arithmetic3A_2399 : i32 to vector<16xi32>
      %shift_right_arithmetic3A_2401 = arith.shrsi %get3A_2394, %shift_right_arithmetic3A_2400 : vector<16xi32>
      %shift_left3A_2402 = arith.constant 7 : i32
      %shift_left3A_2403 = vector.broadcast %shift_left3A_2402 : i32 to vector<16xi32>
      %shift_left3A_2404 = arith.shli %shift_right_arithmetic3A_2401, %shift_left3A_2403 : vector<16xi32>
      %shift_right_arithmetic3A_2405 = arith.constant 7 : i32
      %shift_right_arithmetic3A_2406 = vector.broadcast %shift_right_arithmetic3A_2405 : i32 to vector<16xi32>
      %shift_right_arithmetic3A_2407 = arith.shrsi %get3A_2398, %shift_right_arithmetic3A_2406 : vector<16xi32>
      %shift_left3A_2408 = arith.constant 7 : i32
      %shift_left3A_2409 = vector.broadcast %shift_left3A_2408 : i32 to vector<16xi32>
      %shift_left3A_2410 = arith.shli %shift_right_arithmetic3A_2407, %shift_left3A_2409 : vector<16xi32>
      %slice3A_2411 = vector.extract_strided_slice %shift_left3A_2404 {offsets = [0], sizes = [1], strides = [1]} : vector<16xi32> to vector<1xi32>
      %squeeze3A_2412 = vector.extract %slice3A_2411[0] : i32 from vector<1xi32>
      %multiple_of3A_2413 = tpu.assume_multiple %squeeze3A_2412, 128 : i32
      %slice3A_2414 = vector.extract_strided_slice %shift_left3A_2410 {offsets = [0], sizes = [1], strides = [1]} : vector<16xi32> to vector<1xi32>
      %squeeze3A_2415 = vector.extract %slice3A_2414[0] : i32 from vector<1xi32>
      %multiple_of3A_2416 = tpu.assume_multiple %squeeze3A_2415, 128 : i32
      %dma_start3A_2417 = arith.constant 1 : i32
      %dma_start3A_2418 = arith.constant 0 : i32
      %dma_start3A_2419 = arith.constant 0 : i32
      %dma_start3A_2420 = arith.constant 0 : i32
      %dma_start3A_2421 = tpu.memref_slice %arg9[%dma_start3A_2417, %dma_start3A_2418, %dma_start3A_2419, %dma_start3A_2420] : memref<4x4x16x128xf32, #tpu.memory_space<vmem>> -> memref<1x1x8x128xf32, #tpu.memory_space<vmem>>
      %dma_start3A_2422 = tpu.memref_squeeze %dma_start3A_2421 : memref<1x1x8x128xf32, #tpu.memory_space<vmem>> -> memref<8x128xf32, #tpu.memory_space<vmem>>
      %dma_start3A_2423 = arith.constant 0 : i32
      %dma_start3A_2424 = tpu.memref_slice %arg4[%dma_start3A_2423, %multiple_of3A_2413] : memref<16x1000000xf32, #tpu.memory_space<hbm>> -> memref<8x128xf32, #tpu.memory_space<hbm>>
      %dma_start3A_2425 = arith.constant 0 : i32
      %dma_start3A_2426 = arith.constant 0 : i32
      %dma_start3A_2427 = tpu.memref_slice %arg9[%dma_start3A_2417, %dma_start3A_2418, %dma_start3A_2425, %dma_start3A_2426] : memref<4x4x16x128xf32, #tpu.memory_space<vmem>> -> memref<1x1x8x128xf32, #tpu.memory_space<vmem>>
      %dma_start3A_2428 = tpu.memref_squeeze %dma_start3A_2427 : memref<1x1x8x128xf32, #tpu.memory_space<vmem>> -> memref<8x128xf32, #tpu.memory_space<vmem>>
      %dma_start3A_2429 = arith.constant 0 : i32
      %dma_start3A_2430 = tpu.memref_slice %arg4[%dma_start3A_2429, %multiple_of3A_2413] : memref<16x1000000xf32, #tpu.memory_space<hbm>> -> memref<8x128xf32, #tpu.memory_space<hbm>>
      tpu.enqueue_dma source(%dma_start3A_2430 : memref<8x128xf32, #tpu.memory_space<hbm>>) target(%dma_start3A_2428 : memref<8x128xf32, #tpu.memory_space<vmem>>) target_semaphore(%arg13 : memref<!tpu.dma_semaphore, #tpu.memory_space<semaphore_mem>>)
      %dma_start3A_2431 = arith.constant 1 : i32
      %dma_start3A_2432 = arith.constant 0 : i32
      %dma_start3A_2433 = arith.constant 0 : i32
      %dma_start3A_2434 = arith.constant 0 : i32
      %dma_start3A_2435 = tpu.memref_slice %arg10[%dma_start3A_2431, %dma_start3A_2432, %dma_start3A_2433, %dma_start3A_2434] : memref<4x4x16x128xf32, #tpu.memory_space<vmem>> -> memref<1x1x8x128xf32, #tpu.memory_space<vmem>>
      %dma_start3A_2436 = tpu.memref_squeeze %dma_start3A_2435 : memref<1x1x8x128xf32, #tpu.memory_space<vmem>> -> memref<8x128xf32, #tpu.memory_space<vmem>>
      %dma_start3A_2437 = arith.constant 0 : i32
      %dma_start3A_2438 = tpu.memref_slice %arg5[%dma_start3A_2437, %multiple_of3A_2416] : memref<16x1000000xf32, #tpu.memory_space<hbm>> -> memref<8x128xf32, #tpu.memory_space<hbm>>
      %dma_start3A_2439 = arith.constant 0 : i32
      %dma_start3A_2440 = arith.constant 0 : i32
      %dma_start3A_2441 = tpu.memref_slice %arg10[%dma_start3A_2431, %dma_start3A_2432, %dma_start3A_2439, %dma_start3A_2440] : memref<4x4x16x128xf32, #tpu.memory_space<vmem>> -> memref<1x1x8x128xf32, #tpu.memory_space<vmem>>
      %dma_start3A_2442 = tpu.memref_squeeze %dma_start3A_2441 : memref<1x1x8x128xf32, #tpu.memory_space<vmem>> -> memref<8x128xf32, #tpu.memory_space<vmem>>
      %dma_start3A_2443 = arith.constant 0 : i32
      %dma_start3A_2444 = tpu.memref_slice %arg5[%dma_start3A_2443, %multiple_of3A_2416] : memref<16x1000000xf32, #tpu.memory_space<hbm>> -> memref<8x128xf32, #tpu.memory_space<hbm>>
      tpu.enqueue_dma source(%dma_start3A_2444 : memref<8x128xf32, #tpu.memory_space<hbm>>) target(%dma_start3A_2442 : memref<8x128xf32, #tpu.memory_space<vmem>>) target_semaphore(%arg17 : memref<!tpu.dma_semaphore, #tpu.memory_space<semaphore_mem>>)
      %dma_start3A_2445 = arith.constant 1 : i32
      %dma_start3A_2446 = arith.constant 0 : i32
      %dma_start3A_2447 = arith.constant 8 : i32
      %dma_start3A_2448 = arith.constant 0 : i32
      %dma_start3A_2449 = tpu.memref_slice %arg9[%dma_start3A_2445, %dma_start3A_2446, %dma_start3A_2447, %dma_start3A_2448] : memref<4x4x16x128xf32, #tpu.memory_space<vmem>> -> memref<1x1x8x128xf32, #tpu.memory_space<vmem>>
      %dma_start3A_2450 = tpu.memref_squeeze %dma_start3A_2449 : memref<1x1x8x128xf32, #tpu.memory_space<vmem>> -> memref<8x128xf32, #tpu.memory_space<vmem>>
      %dma_start3A_2451 = arith.constant 8 : i32
      %dma_start3A_2452 = tpu.memref_slice %arg4[%dma_start3A_2451, %multiple_of3A_2413] : memref<16x1000000xf32, #tpu.memory_space<hbm>> -> memref<8x128xf32, #tpu.memory_space<hbm>>
      %dma_start3A_2453 = arith.constant 8 : i32
      %dma_start3A_2454 = arith.constant 0 : i32
      %dma_start3A_2455 = tpu.memref_slice %arg9[%dma_start3A_2445, %dma_start3A_2446, %dma_start3A_2453, %dma_start3A_2454] : memref<4x4x16x128xf32, #tpu.memory_space<vmem>> -> memref<1x1x8x128xf32, #tpu.memory_space<vmem>>
      %dma_start3A_2456 = tpu.memref_squeeze %dma_start3A_2455 : memref<1x1x8x128xf32, #tpu.memory_space<vmem>> -> memref<8x128xf32, #tpu.memory_space<vmem>>
      %dma_start3A_2457 = arith.constant 8 : i32
      %dma_start3A_2458 = tpu.memref_slice %arg4[%dma_start3A_2457, %multiple_of3A_2413] : memref<16x1000000xf32, #tpu.memory_space<hbm>> -> memref<8x128xf32, #tpu.memory_space<hbm>>
      tpu.enqueue_dma source(%dma_start3A_2458 : memref<8x128xf32, #tpu.memory_space<hbm>>) target(%dma_start3A_2456 : memref<8x128xf32, #tpu.memory_space<vmem>>) target_semaphore(%arg13 : memref<!tpu.dma_semaphore, #tpu.memory_space<semaphore_mem>>)
      %dma_start3A_2459 = arith.constant 1 : i32
      %dma_start3A_2460 = arith.constant 0 : i32
      %dma_start3A_2461 = arith.constant 8 : i32
      %dma_start3A_2462 = arith.constant 0 : i32
      %dma_start3A_2463 = tpu.memref_slice %arg10[%dma_start3A_2459, %dma_start3A_2460, %dma_start3A_2461, %dma_start3A_2462] : memref<4x4x16x128xf32, #tpu.memory_space<vmem>> -> memref<1x1x8x128xf32, #tpu.memory_space<vmem>>
      %dma_start3A_2464 = tpu.memref_squeeze %dma_start3A_2463 : memref<1x1x8x128xf32, #tpu.memory_space<vmem>> -> memref<8x128xf32, #tpu.memory_space<vmem>>
      %dma_start3A_2465 = arith.constant 8 : i32
      %dma_start3A_2466 = tpu.memref_slice %arg5[%dma_start3A_2465, %multiple_of3A_2416] : memref<16x1000000xf32, #tpu.memory_space<hbm>> -> memref<8x128xf32, #tpu.memory_space<hbm>>
      %dma_start3A_2467 = arith.constant 8 : i32
      %dma_start3A_2468 = arith.constant 0 : i32
      %dma_start3A_2469 = tpu.memref_slice %arg10[%dma_start3A_2459, %dma_start3A_2460, %dma_start3A_2467, %dma_start3A_2468] : memref<4x4x16x128xf32, #tpu.memory_space<vmem>> -> memref<1x1x8x128xf32, #tpu.memory_space<vmem>>
      %dma_start3A_2470 = tpu.memref_squeeze %dma_start3A_2469 : memref<1x1x8x128xf32, #tpu.memory_space<vmem>> -> memref<8x128xf32, #tpu.memory_space<vmem>>
      %dma_start3A_2471 = arith.constant 8 : i32
      %dma_start3A_2472 = tpu.memref_slice %arg5[%dma_start3A_2471, %multiple_of3A_2416] : memref<16x1000000xf32, #tpu.memory_space<hbm>> -> memref<8x128xf32, #tpu.memory_space<hbm>>
      tpu.enqueue_dma source(%dma_start3A_2472 : memref<8x128xf32, #tpu.memory_space<hbm>>) target(%dma_start3A_2470 : memref<8x128xf32, #tpu.memory_space<vmem>>) target_semaphore(%arg17 : memref<!tpu.dma_semaphore, #tpu.memory_space<semaphore_mem>>)
      %slice3A_2473 = vector.extract_strided_slice %shift_left3A_2404 {offsets = [1], sizes = [1], strides = [1]} : vector<16xi32> to vector<1xi32>
      %squeeze3A_2474 = vector.extract %slice3A_2473[0] : i32 from vector<1xi32>
      %multiple_of3A_2475 = tpu.assume_multiple %squeeze3A_2474, 128 : i32
      %slice3A_2476 = vector.extract_strided_slice %shift_left3A_2410 {offsets = [1], sizes = [1], strides = [1]} : vector<16xi32> to vector<1xi32>
      %squeeze3A_2477 = vector.extract %slice3A_2476[0] : i32 from vector<1xi32>
      %multiple_of3A_2478 = tpu.assume_multiple %squeeze3A_2477, 128 : i32
      %dma_start3A_2479 = arith.constant 1 : i32
      %dma_start3A_2480 = arith.constant 1 : i32
      %dma_start3A_2481 = arith.constant 0 : i32
      %dma_start3A_2482 = arith.constant 0 : i32
      %dma_start3A_2483 = tpu.memref_slice %arg9[%dma_start3A_2479, %dma_start3A_2480, %dma_start3A_2481, %dma_start3A_2482] : memref<4x4x16x128xf32, #tpu.memory_space<vmem>> -> memref<1x1x8x128xf32, #tpu.memory_space<vmem>>
      %dma_start3A_2484 = tpu.memref_squeeze %dma_start3A_2483 : memref<1x1x8x128xf32, #tpu.memory_space<vmem>> -> memref<8x128xf32, #tpu.memory_space<vmem>>
      %dma_start3A_2485 = arith.constant 0 : i32
      %dma_start3A_2486 = tpu.memref_slice %arg4[%dma_start3A_2485, %multiple_of3A_2475] : memref<16x1000000xf32, #tpu.memory_space<hbm>> -> memref<8x128xf32, #tpu.memory_space<hbm>>
      %dma_start3A_2487 = arith.constant 0 : i32
      %dma_start3A_2488 = arith.constant 0 : i32
      %dma_start3A_2489 = tpu.memref_slice %arg9[%dma_start3A_2479, %dma_start3A_2480, %dma_start3A_2487, %dma_start3A_2488] : memref<4x4x16x128xf32, #tpu.memory_space<vmem>> -> memref<1x1x8x128xf32, #tpu.memory_space<vmem>>
      %dma_start3A_2490 = tpu.memref_squeeze %dma_start3A_2489 : memref<1x1x8x128xf32, #tpu.memory_space<vmem>> -> memref<8x128xf32, #tpu.memory_space<vmem>>
      %dma_start3A_2491 = arith.constant 0 : i32
      %dma_start3A_2492 = tpu.memref_slice %arg4[%dma_start3A_2491, %multiple_of3A_2475] : memref<16x1000000xf32, #tpu.memory_space<hbm>> -> memref<8x128xf32, #tpu.memory_space<hbm>>
      tpu.enqueue_dma source(%dma_start3A_2492 : memref<8x128xf32, #tpu.memory_space<hbm>>) target(%dma_start3A_2490 : memref<8x128xf32, #tpu.memory_space<vmem>>) target_semaphore(%arg13 : memref<!tpu.dma_semaphore, #tpu.memory_space<semaphore_mem>>)
      %dma_start3A_2493 = arith.constant 1 : i32
      %dma_start3A_2494 = arith.constant 1 : i32
      %dma_start3A_2495 = arith.constant 0 : i32
      %dma_start3A_2496 = arith.constant 0 : i32
      %dma_start3A_2497 = tpu.memref_slice %arg10[%dma_start3A_2493, %dma_start3A_2494, %dma_start3A_2495, %dma_start3A_2496] : memref<4x4x16x128xf32, #tpu.memory_space<vmem>> -> memref<1x1x8x128xf32, #tpu.memory_space<vmem>>
      %dma_start3A_2498 = tpu.memref_squeeze %dma_start3A_2497 : memref<1x1x8x128xf32, #tpu.memory_space<vmem>> -> memref<8x128xf32, #tpu.memory_space<vmem>>
      %dma_start3A_2499 = arith.constant 0 : i32
      %dma_start3A_2500 = tpu.memref_slice %arg5[%dma_start3A_2499, %multiple_of3A_2478] : memref<16x1000000xf32, #tpu.memory_space<hbm>> -> memref<8x128xf32, #tpu.memory_space<hbm>>
      %dma_start3A_2501 = arith.constant 0 : i32
      %dma_start3A_2502 = arith.constant 0 : i32
      %dma_start3A_2503 = tpu.memref_slice %arg10[%dma_start3A_2493, %dma_start3A_2494, %dma_start3A_2501, %dma_start3A_2502] : memref<4x4x16x128xf32, #tpu.memory_space<vmem>> -> memref<1x1x8x128xf32, #tpu.memory_space<vmem>>
      %dma_start3A_2504 = tpu.memref_squeeze %dma_start3A_2503 : memref<1x1x8x128xf32, #tpu.memory_space<vmem>> -> memref<8x128xf32, #tpu.memory_space<vmem>>
      %dma_start3A_2505 = arith.constant 0 : i32
      %dma_start3A_2506 = tpu.memref_slice %arg5[%dma_start3A_2505, %multiple_of3A_2478] : memref<16x1000000xf32, #tpu.memory_space<hbm>> -> memref<8x128xf32, #tpu.memory_space<hbm>>
      tpu.enqueue_dma source(%dma_start3A_2506 : memref<8x128xf32, #tpu.memory_space<hbm>>) target(%dma_start3A_2504 : memref<8x128xf32, #tpu.memory_space<vmem>>) target_semaphore(%arg17 : memref<!tpu.dma_semaphore, #tpu.memory_space<semaphore_mem>>)
      %dma_start3A_2507 = arith.constant 1 : i32
      %dma_start3A_2508 = arith.constant 1 : i32
      %dma_start3A_2509 = arith.constant 8 : i32
      %dma_start3A_2510 = arith.constant 0 : i32
      %dma_start3A_2511 = tpu.memref_slice %arg9[%dma_start3A_2507, %dma_start3A_2508, %dma_start3A_2509, %dma_start3A_2510] : memref<4x4x16x128xf32, #tpu.memory_space<vmem>> -> memref<1x1x8x128xf32, #tpu.memory_space<vmem>>
      %dma_start3A_2512 = tpu.memref_squeeze %dma_start3A_2511 : memref<1x1x8x128xf32, #tpu.memory_space<vmem>> -> memref<8x128xf32, #tpu.memory_space<vmem>>
      %dma_start3A_2513 = arith.constant 8 : i32
      %dma_start3A_2514 = tpu.memref_slice %arg4[%dma_start3A_2513, %multiple_of3A_2475] : memref<16x1000000xf32, #tpu.memory_space<hbm>> -> memref<8x128xf32, #tpu.memory_space<hbm>>
      %dma_start3A_2515 = arith.constant 8 : i32
      %dma_start3A_2516 = arith.constant 0 : i32
      %dma_start3A_2517 = tpu.memref_slice %arg9[%dma_start3A_2507, %dma_start3A_2508, %dma_start3A_2515, %dma_start3A_2516] : memref<4x4x16x128xf32, #tpu.memory_space<vmem>> -> memref<1x1x8x128xf32, #tpu.memory_space<vmem>>
      %dma_start3A_2518 = tpu.memref_squeeze %dma_start3A_2517 : memref<1x1x8x128xf32, #tpu.memory_space<vmem>> -> memref<8x128xf32, #tpu.memory_space<vmem>>
      %dma_start3A_2519 = arith.constant 8 : i32
      %dma_start3A_2520 = tpu.memref_slice %arg4[%dma_start3A_2519, %multiple_of3A_2475] : memref<16x1000000xf32, #tpu.memory_space<hbm>> -> memref<8x128xf32, #tpu.memory_space<hbm>>
      tpu.enqueue_dma source(%dma_start3A_2520 : memref<8x128xf32, #tpu.memory_space<hbm>>) target(%dma_start3A_2518 : memref<8x128xf32, #tpu.memory_space<vmem>>) target_semaphore(%arg13 : memref<!tpu.dma_semaphore, #tpu.memory_space<semaphore_mem>>)
      %dma_start3A_2521 = arith.constant 1 : i32
      %dma_start3A_2522 = arith.constant 1 : i32
      %dma_start3A_2523 = arith.constant 8 : i32
      %dma_start3A_2524 = arith.constant 0 : i32
      %dma_start3A_2525 = tpu.memref_slice %arg10[%dma_start3A_2521, %dma_start3A_2522, %dma_start3A_2523, %dma_start3A_2524] : memref<4x4x16x128xf32, #tpu.memory_space<vmem>> -> memref<1x1x8x128xf32, #tpu.memory_space<vmem>>
      %dma_start3A_2526 = tpu.memref_squeeze %dma_start3A_2525 : memref<1x1x8x128xf32, #tpu.memory_space<vmem>> -> memref<8x128xf32, #tpu.memory_space<vmem>>
      %dma_start3A_2527 = arith.constant 8 : i32
      %dma_start3A_2528 = tpu.memref_slice %arg5[%dma_start3A_2527, %multiple_of3A_2478] : memref<16x1000000xf32, #tpu.memory_space<hbm>> -> memref<8x128xf32, #tpu.memory_space<hbm>>
      %dma_start3A_2529 = arith.constant 8 : i32
      %dma_start3A_2530 = arith.constant 0 : i32
      %dma_start3A_2531 = tpu.memref_slice %arg10[%dma_start3A_2521, %dma_start3A_2522, %dma_start3A_2529, %dma_start3A_2530] : memref<4x4x16x128xf32, #tpu.memory_space<vmem>> -> memref<1x1x8x128xf32, #tpu.memory_space<vmem>>
      %dma_start3A_2532 = tpu.memref_squeeze %dma_start3A_2531 : memref<1x1x8x128xf32, #tpu.memory_space<vmem>> -> memref<8x128xf32, #tpu.memory_space<vmem>>
      %dma_start3A_2533 = arith.constant 8 : i32
      %dma_start3A_2534 = tpu.memref_slice %arg5[%dma_start3A_2533, %multiple_of3A_2478] : memref<16x1000000xf32, #tpu.memory_space<hbm>> -> memref<8x128xf32, #tpu.memory_space<hbm>>
      tpu.enqueue_dma source(%dma_start3A_2534 : memref<8x128xf32, #tpu.memory_space<hbm>>) target(%dma_start3A_2532 : memref<8x128xf32, #tpu.memory_space<vmem>>) target_semaphore(%arg17 : memref<!tpu.dma_semaphore, #tpu.memory_space<semaphore_mem>>)
      %slice3A_2535 = vector.extract_strided_slice %shift_left3A_2404 {offsets = [2], sizes = [1], strides = [1]} : vector<16xi32> to vector<1xi32>
      %squeeze3A_2536 = vector.extract %slice3A_2535[0] : i32 from vector<1xi32>
      %multiple_of3A_2537 = tpu.assume_multiple %squeeze3A_2536, 128 : i32
      %slice3A_2538 = vector.extract_strided_slice %shift_left3A_2410 {offsets = [2], sizes = [1], strides = [1]} : vector<16xi32> to vector<1xi32>
      %squeeze3A_2539 = vector.extract %slice3A_2538[0] : i32 from vector<1xi32>
      %multiple_of3A_2540 = tpu.assume_multiple %squeeze3A_2539, 128 : i32
      %dma_start3A_2541 = arith.constant 1 : i32
      %dma_start3A_2542 = arith.constant 2 : i32
      %dma_start3A_2543 = arith.constant 0 : i32
      %dma_start3A_2544 = arith.constant 0 : i32
      %dma_start3A_2545 = tpu.memref_slice %arg9[%dma_start3A_2541, %dma_start3A_2542, %dma_start3A_2543, %dma_start3A_2544] : memref<4x4x16x128xf32, #tpu.memory_space<vmem>> -> memref<1x1x8x128xf32, #tpu.memory_space<vmem>>
      %dma_start3A_2546 = tpu.memref_squeeze %dma_start3A_2545 : memref<1x1x8x128xf32, #tpu.memory_space<vmem>> -> memref<8x128xf32, #tpu.memory_space<vmem>>
      %dma_start3A_2547 = arith.constant 0 : i32
      %dma_start3A_2548 = tpu.memref_slice %arg4[%dma_start3A_2547, %multiple_of3A_2537] : memref<16x1000000xf32, #tpu.memory_space<hbm>> -> memref<8x128xf32, #tpu.memory_space<hbm>>
      %dma_start3A_2549 = arith.constant 0 : i32
      %dma_start3A_2550 = arith.constant 0 : i32
      %dma_start3A_2551 = tpu.memref_slice %arg9[%dma_start3A_2541, %dma_start3A_2542, %dma_start3A_2549, %dma_start3A_2550] : memref<4x4x16x128xf32, #tpu.memory_space<vmem>> -> memref<1x1x8x128xf32, #tpu.memory_space<vmem>>
      %dma_start3A_2552 = tpu.memref_squeeze %dma_start3A_2551 : memref<1x1x8x128xf32, #tpu.memory_space<vmem>> -> memref<8x128xf32, #tpu.memory_space<vmem>>
      %dma_start3A_2553 = arith.constant 0 : i32
      %dma_start3A_2554 = tpu.memref_slice %arg4[%dma_start3A_2553, %multiple_of3A_2537] : memref<16x1000000xf32, #tpu.memory_space<hbm>> -> memref<8x128xf32, #tpu.memory_space<hbm>>
      tpu.enqueue_dma source(%dma_start3A_2554 : memref<8x128xf32, #tpu.memory_space<hbm>>) target(%dma_start3A_2552 : memref<8x128xf32, #tpu.memory_space<vmem>>) target_semaphore(%arg13 : memref<!tpu.dma_semaphore, #tpu.memory_space<semaphore_mem>>)
      %dma_start3A_2555 = arith.constant 1 : i32
      %dma_start3A_2556 = arith.constant 2 : i32
      %dma_start3A_2557 = arith.constant 0 : i32
      %dma_start3A_2558 = arith.constant 0 : i32
      %dma_start3A_2559 = tpu.memref_slice %arg10[%dma_start3A_2555, %dma_start3A_2556, %dma_start3A_2557, %dma_start3A_2558] : memref<4x4x16x128xf32, #tpu.memory_space<vmem>> -> memref<1x1x8x128xf32, #tpu.memory_space<vmem>>
      %dma_start3A_2560 = tpu.memref_squeeze %dma_start3A_2559 : memref<1x1x8x128xf32, #tpu.memory_space<vmem>> -> memref<8x128xf32, #tpu.memory_space<vmem>>
      %dma_start3A_2561 = arith.constant 0 : i32
      %dma_start3A_2562 = tpu.memref_slice %arg5[%dma_start3A_2561, %multiple_of3A_2540] : memref<16x1000000xf32, #tpu.memory_space<hbm>> -> memref<8x128xf32, #tpu.memory_space<hbm>>
      %dma_start3A_2563 = arith.constant 0 : i32
      %dma_start3A_2564 = arith.constant 0 : i32
      %dma_start3A_2565 = tpu.memref_slice %arg10[%dma_start3A_2555, %dma_start3A_2556, %dma_start3A_2563, %dma_start3A_2564] : memref<4x4x16x128xf32, #tpu.memory_space<vmem>> -> memref<1x1x8x128xf32, #tpu.memory_space<vmem>>
      %dma_start3A_2566 = tpu.memref_squeeze %dma_start3A_2565 : memref<1x1x8x128xf32, #tpu.memory_space<vmem>> -> memref<8x128xf32, #tpu.memory_space<vmem>>
      %dma_start3A_2567 = arith.constant 0 : i32
      %dma_start3A_2568 = tpu.memref_slice %arg5[%dma_start3A_2567, %multiple_of3A_2540] : memref<16x1000000xf32, #tpu.memory_space<hbm>> -> memref<8x128xf32, #tpu.memory_space<hbm>>
      tpu.enqueue_dma source(%dma_start3A_2568 : memref<8x128xf32, #tpu.memory_space<hbm>>) target(%dma_start3A_2566 : memref<8x128xf32, #tpu.memory_space<vmem>>) target_semaphore(%arg17 : memref<!tpu.dma_semaphore, #tpu.memory_space<semaphore_mem>>)
      %dma_start3A_2569 = arith.constant 1 : i32
      %dma_start3A_2570 = arith.constant 2 : i32
      %dma_start3A_2571 = arith.constant 8 : i32
      %dma_start3A_2572 = arith.constant 0 : i32
      %dma_start3A_2573 = tpu.memref_slice %arg9[%dma_start3A_2569, %dma_start3A_2570, %dma_start3A_2571, %dma_start3A_2572] : memref<4x4x16x128xf32, #tpu.memory_space<vmem>> -> memref<1x1x8x128xf32, #tpu.memory_space<vmem>>
      %dma_start3A_2574 = tpu.memref_squeeze %dma_start3A_2573 : memref<1x1x8x128xf32, #tpu.memory_space<vmem>> -> memref<8x128xf32, #tpu.memory_space<vmem>>
      %dma_start3A_2575 = arith.constant 8 : i32
      %dma_start3A_2576 = tpu.memref_slice %arg4[%dma_start3A_2575, %multiple_of3A_2537] : memref<16x1000000xf32, #tpu.memory_space<hbm>> -> memref<8x128xf32, #tpu.memory_space<hbm>>
      %dma_start3A_2577 = arith.constant 8 : i32
      %dma_start3A_2578 = arith.constant 0 : i32
      %dma_start3A_2579 = tpu.memref_slice %arg9[%dma_start3A_2569, %dma_start3A_2570, %dma_start3A_2577, %dma_start3A_2578] : memref<4x4x16x128xf32, #tpu.memory_space<vmem>> -> memref<1x1x8x128xf32, #tpu.memory_space<vmem>>
      %dma_start3A_2580 = tpu.memref_squeeze %dma_start3A_2579 : memref<1x1x8x128xf32, #tpu.memory_space<vmem>> -> memref<8x128xf32, #tpu.memory_space<vmem>>
      %dma_start3A_2581 = arith.constant 8 : i32
      %dma_start3A_2582 = tpu.memref_slice %arg4[%dma_start3A_2581, %multiple_of3A_2537] : memref<16x1000000xf32, #tpu.memory_space<hbm>> -> memref<8x128xf32, #tpu.memory_space<hbm>>
      tpu.enqueue_dma source(%dma_start3A_2582 : memref<8x128xf32, #tpu.memory_space<hbm>>) target(%dma_start3A_2580 : memref<8x128xf32, #tpu.memory_space<vmem>>) target_semaphore(%arg13 : memref<!tpu.dma_semaphore, #tpu.memory_space<semaphore_mem>>)
      %dma_start3A_2583 = arith.constant 1 : i32
      %dma_start3A_2584 = arith.constant 2 : i32
      %dma_start3A_2585 = arith.constant 8 : i32
      %dma_start3A_2586 = arith.constant 0 : i32
      %dma_start3A_2587 = tpu.memref_slice %arg10[%dma_start3A_2583, %dma_start3A_2584, %dma_start3A_2585, %dma_start3A_2586] : memref<4x4x16x128xf32, #tpu.memory_space<vmem>> -> memref<1x1x8x128xf32, #tpu.memory_space<vmem>>
      %dma_start3A_2588 = tpu.memref_squeeze %dma_start3A_2587 : memref<1x1x8x128xf32, #tpu.memory_space<vmem>> -> memref<8x128xf32, #tpu.memory_space<vmem>>
      %dma_start3A_2589 = arith.constant 8 : i32
      %dma_start3A_2590 = tpu.memref_slice %arg5[%dma_start3A_2589, %multiple_of3A_2540] : memref<16x1000000xf32, #tpu.memory_space<hbm>> -> memref<8x128xf32, #tpu.memory_space<hbm>>
      %dma_start3A_2591 = arith.constant 8 : i32
      %dma_start3A_2592 = arith.constant 0 : i32
      %dma_start3A_2593 = tpu.memref_slice %arg10[%dma_start3A_2583, %dma_start3A_2584, %dma_start3A_2591, %dma_start3A_2592] : memref<4x4x16x128xf32, #tpu.memory_space<vmem>> -> memref<1x1x8x128xf32, #tpu.memory_space<vmem>>
      %dma_start3A_2594 = tpu.memref_squeeze %dma_start3A_2593 : memref<1x1x8x128xf32, #tpu.memory_space<vmem>> -> memref<8x128xf32, #tpu.memory_space<vmem>>
      %dma_start3A_2595 = arith.constant 8 : i32
      %dma_start3A_2596 = tpu.memref_slice %arg5[%dma_start3A_2595, %multiple_of3A_2540] : memref<16x1000000xf32, #tpu.memory_space<hbm>> -> memref<8x128xf32, #tpu.memory_space<hbm>>
      tpu.enqueue_dma source(%dma_start3A_2596 : memref<8x128xf32, #tpu.memory_space<hbm>>) target(%dma_start3A_2594 : memref<8x128xf32, #tpu.memory_space<vmem>>) target_semaphore(%arg17 : memref<!tpu.dma_semaphore, #tpu.memory_space<semaphore_mem>>)
      %slice3A_2597 = vector.extract_strided_slice %shift_left3A_2404 {offsets = [3], sizes = [1], strides = [1]} : vector<16xi32> to vector<1xi32>
      %squeeze3A_2598 = vector.extract %slice3A_2597[0] : i32 from vector<1xi32>
      %multiple_of3A_2599 = tpu.assume_multiple %squeeze3A_2598, 128 : i32
      %slice3A_2600 = vector.extract_strided_slice %shift_left3A_2410 {offsets = [3], sizes = [1], strides = [1]} : vector<16xi32> to vector<1xi32>
      %squeeze3A_2601 = vector.extract %slice3A_2600[0] : i32 from vector<1xi32>
      %multiple_of3A_2602 = tpu.assume_multiple %squeeze3A_2601, 128 : i32
      %dma_start3A_2603 = arith.constant 1 : i32
      %dma_start3A_2604 = arith.constant 3 : i32
      %dma_start3A_2605 = arith.constant 0 : i32
      %dma_start3A_2606 = arith.constant 0 : i32
      %dma_start3A_2607 = tpu.memref_slice %arg9[%dma_start3A_2603, %dma_start3A_2604, %dma_start3A_2605, %dma_start3A_2606] : memref<4x4x16x128xf32, #tpu.memory_space<vmem>> -> memref<1x1x8x128xf32, #tpu.memory_space<vmem>>
      %dma_start3A_2608 = tpu.memref_squeeze %dma_start3A_2607 : memref<1x1x8x128xf32, #tpu.memory_space<vmem>> -> memref<8x128xf32, #tpu.memory_space<vmem>>
      %dma_start3A_2609 = arith.constant 0 : i32
      %dma_start3A_2610 = tpu.memref_slice %arg4[%dma_start3A_2609, %multiple_of3A_2599] : memref<16x1000000xf32, #tpu.memory_space<hbm>> -> memref<8x128xf32, #tpu.memory_space<hbm>>
      %dma_start3A_2611 = arith.constant 0 : i32
      %dma_start3A_2612 = arith.constant 0 : i32
      %dma_start3A_2613 = tpu.memref_slice %arg9[%dma_start3A_2603, %dma_start3A_2604, %dma_start3A_2611, %dma_start3A_2612] : memref<4x4x16x128xf32, #tpu.memory_space<vmem>> -> memref<1x1x8x128xf32, #tpu.memory_space<vmem>>
      %dma_start3A_2614 = tpu.memref_squeeze %dma_start3A_2613 : memref<1x1x8x128xf32, #tpu.memory_space<vmem>> -> memref<8x128xf32, #tpu.memory_space<vmem>>
      %dma_start3A_2615 = arith.constant 0 : i32
      %dma_start3A_2616 = tpu.memref_slice %arg4[%dma_start3A_2615, %multiple_of3A_2599] : memref<16x1000000xf32, #tpu.memory_space<hbm>> -> memref<8x128xf32, #tpu.memory_space<hbm>>
      tpu.enqueue_dma source(%dma_start3A_2616 : memref<8x128xf32, #tpu.memory_space<hbm>>) target(%dma_start3A_2614 : memref<8x128xf32, #tpu.memory_space<vmem>>) target_semaphore(%arg13 : memref<!tpu.dma_semaphore, #tpu.memory_space<semaphore_mem>>)
      %dma_start3A_2617 = arith.constant 1 : i32
      %dma_start3A_2618 = arith.constant 3 : i32
      %dma_start3A_2619 = arith.constant 0 : i32
      %dma_start3A_2620 = arith.constant 0 : i32
      %dma_start3A_2621 = tpu.memref_slice %arg10[%dma_start3A_2617, %dma_start3A_2618, %dma_start3A_2619, %dma_start3A_2620] : memref<4x4x16x128xf32, #tpu.memory_space<vmem>> -> memref<1x1x8x128xf32, #tpu.memory_space<vmem>>
      %dma_start3A_2622 = tpu.memref_squeeze %dma_start3A_2621 : memref<1x1x8x128xf32, #tpu.memory_space<vmem>> -> memref<8x128xf32, #tpu.memory_space<vmem>>
      %dma_start3A_2623 = arith.constant 0 : i32
      %dma_start3A_2624 = tpu.memref_slice %arg5[%dma_start3A_2623, %multiple_of3A_2602] : memref<16x1000000xf32, #tpu.memory_space<hbm>> -> memref<8x128xf32, #tpu.memory_space<hbm>>
      %dma_start3A_2625 = arith.constant 0 : i32
      %dma_start3A_2626 = arith.constant 0 : i32
      %dma_start3A_2627 = tpu.memref_slice %arg10[%dma_start3A_2617, %dma_start3A_2618, %dma_start3A_2625, %dma_start3A_2626] : memref<4x4x16x128xf32, #tpu.memory_space<vmem>> -> memref<1x1x8x128xf32, #tpu.memory_space<vmem>>
      %dma_start3A_2628 = tpu.memref_squeeze %dma_start3A_2627 : memref<1x1x8x128xf32, #tpu.memory_space<vmem>> -> memref<8x128xf32, #tpu.memory_space<vmem>>
      %dma_start3A_2629 = arith.constant 0 : i32
      %dma_start3A_2630 = tpu.memref_slice %arg5[%dma_start3A_2629, %multiple_of3A_2602] : memref<16x1000000xf32, #tpu.memory_space<hbm>> -> memref<8x128xf32, #tpu.memory_space<hbm>>
      tpu.enqueue_dma source(%dma_start3A_2630 : memref<8x128xf32, #tpu.memory_space<hbm>>) target(%dma_start3A_2628 : memref<8x128xf32, #tpu.memory_space<vmem>>) target_semaphore(%arg17 : memref<!tpu.dma_semaphore, #tpu.memory_space<semaphore_mem>>)
      %dma_start3A_2631 = arith.constant 1 : i32
      %dma_start3A_2632 = arith.constant 3 : i32
      %dma_start3A_2633 = arith.constant 8 : i32
      %dma_start3A_2634 = arith.constant 0 : i32
      %dma_start3A_2635 = tpu.memref_slice %arg9[%dma_start3A_2631, %dma_start3A_2632, %dma_start3A_2633, %dma_start3A_2634] : memref<4x4x16x128xf32, #tpu.memory_space<vmem>> -> memref<1x1x8x128xf32, #tpu.memory_space<vmem>>
      %dma_start3A_2636 = tpu.memref_squeeze %dma_start3A_2635 : memref<1x1x8x128xf32, #tpu.memory_space<vmem>> -> memref<8x128xf32, #tpu.memory_space<vmem>>
      %dma_start3A_2637 = arith.constant 8 : i32
      %dma_start3A_2638 = tpu.memref_slice %arg4[%dma_start3A_2637, %multiple_of3A_2599] : memref<16x1000000xf32, #tpu.memory_space<hbm>> -> memref<8x128xf32, #tpu.memory_space<hbm>>
      %dma_start3A_2639 = arith.constant 8 : i32
      %dma_start3A_2640 = arith.constant 0 : i32
      %dma_start3A_2641 = tpu.memref_slice %arg9[%dma_start3A_2631, %dma_start3A_2632, %dma_start3A_2639, %dma_start3A_2640] : memref<4x4x16x128xf32, #tpu.memory_space<vmem>> -> memref<1x1x8x128xf32, #tpu.memory_space<vmem>>
      %dma_start3A_2642 = tpu.memref_squeeze %dma_start3A_2641 : memref<1x1x8x128xf32, #tpu.memory_space<vmem>> -> memref<8x128xf32, #tpu.memory_space<vmem>>
      %dma_start3A_2643 = arith.constant 8 : i32
      %dma_start3A_2644 = tpu.memref_slice %arg4[%dma_start3A_2643, %multiple_of3A_2599] : memref<16x1000000xf32, #tpu.memory_space<hbm>> -> memref<8x128xf32, #tpu.memory_space<hbm>>
      tpu.enqueue_dma source(%dma_start3A_2644 : memref<8x128xf32, #tpu.memory_space<hbm>>) target(%dma_start3A_2642 : memref<8x128xf32, #tpu.memory_space<vmem>>) target_semaphore(%arg13 : memref<!tpu.dma_semaphore, #tpu.memory_space<semaphore_mem>>)
      %dma_start3A_2645 = arith.constant 1 : i32
      %dma_start3A_2646 = arith.constant 3 : i32
      %dma_start3A_2647 = arith.constant 8 : i32
      %dma_start3A_2648 = arith.constant 0 : i32
      %dma_start3A_2649 = tpu.memref_slice %arg10[%dma_start3A_2645, %dma_start3A_2646, %dma_start3A_2647, %dma_start3A_2648] : memref<4x4x16x128xf32, #tpu.memory_space<vmem>> -> memref<1x1x8x128xf32, #tpu.memory_space<vmem>>
      %dma_start3A_2650 = tpu.memref_squeeze %dma_start3A_2649 : memref<1x1x8x128xf32, #tpu.memory_space<vmem>> -> memref<8x128xf32, #tpu.memory_space<vmem>>
      %dma_start3A_2651 = arith.constant 8 : i32
      %dma_start3A_2652 = tpu.memref_slice %arg5[%dma_start3A_2651, %multiple_of3A_2602] : memref<16x1000000xf32, #tpu.memory_space<hbm>> -> memref<8x128xf32, #tpu.memory_space<hbm>>
      %dma_start3A_2653 = arith.constant 8 : i32
      %dma_start3A_2654 = arith.constant 0 : i32
      %dma_start3A_2655 = tpu.memref_slice %arg10[%dma_start3A_2645, %dma_start3A_2646, %dma_start3A_2653, %dma_start3A_2654] : memref<4x4x16x128xf32, #tpu.memory_space<vmem>> -> memref<1x1x8x128xf32, #tpu.memory_space<vmem>>
      %dma_start3A_2656 = tpu.memref_squeeze %dma_start3A_2655 : memref<1x1x8x128xf32, #tpu.memory_space<vmem>> -> memref<8x128xf32, #tpu.memory_space<vmem>>
      %dma_start3A_2657 = arith.constant 8 : i32
      %dma_start3A_2658 = tpu.memref_slice %arg5[%dma_start3A_2657, %multiple_of3A_2602] : memref<16x1000000xf32, #tpu.memory_space<hbm>> -> memref<8x128xf32, #tpu.memory_space<hbm>>
      tpu.enqueue_dma source(%dma_start3A_2658 : memref<8x128xf32, #tpu.memory_space<hbm>>) target(%dma_start3A_2656 : memref<8x128xf32, #tpu.memory_space<vmem>>) target_semaphore(%arg17 : memref<!tpu.dma_semaphore, #tpu.memory_space<semaphore_mem>>)
      %slice3A_2659 = vector.extract_strided_slice %and3A_1207 {offsets = [8], sizes = [1], strides = [1]} : vector<16xi32> to vector<1xi32>
      %squeeze3A_2660 = vector.extract %slice3A_2659[0] : i32 from vector<1xi32>
      %broadcast_in_dim3A_2661 = vector.broadcast %squeeze3A_2660 : i32 to vector<16xi32>
      %slice3A_2662 = vector.extract_strided_slice %and3A_1210 {offsets = [8], sizes = [1], strides = [1]} : vector<16xi32> to vector<1xi32>
      %squeeze3A_2663 = vector.extract %slice3A_2662[0] : i32 from vector<1xi32>
      %broadcast_in_dim3A_2664 = vector.broadcast %squeeze3A_2663 : i32 to vector<16xi32>
      %gather3A_2665 = arith.constant 2 : i32
      %gather3A_2666 = arith.constant 0 : i32
      %gather3A_2667 = arith.constant 0 : i32
      %gather3A_2668 = arith.constant 0 : i32
      %gather3A_2669 = tpu.memref_slice %arg9[%gather3A_2665, %gather3A_2666, %gather3A_2667, %gather3A_2668] : memref<4x4x16x128xf32, #tpu.memory_space<vmem>> -> memref<1x1x16x128xf32, #tpu.memory_space<vmem>>
      %gather3A_2670 = tpu.memref_squeeze %gather3A_2669 : memref<1x1x16x128xf32, #tpu.memory_space<vmem>> -> memref<16x128xf32, #tpu.memory_space<vmem>>
      %gather3A_2671 = tpu.vector_load_idx %gather3A_2670[%iota3A, %broadcast_in_dim3A_2661] : memref<16x128xf32, #tpu.memory_space<vmem>>[vector<16xi32>, vector<16xi32>], vector<16xf32>,
      %gather3A_2672 = arith.constant 2 : i32
      %gather3A_2673 = arith.constant 0 : i32
      %gather3A_2674 = arith.constant 0 : i32
      %gather3A_2675 = arith.constant 0 : i32
      %gather3A_2676 = tpu.memref_slice %arg10[%gather3A_2672, %gather3A_2673, %gather3A_2674, %gather3A_2675] : memref<4x4x16x128xf32, #tpu.memory_space<vmem>> -> memref<1x1x16x128xf32, #tpu.memory_space<vmem>>
      %gather3A_2677 = tpu.memref_squeeze %gather3A_2676 : memref<1x1x16x128xf32, #tpu.memory_space<vmem>> -> memref<16x128xf32, #tpu.memory_space<vmem>>
      %gather3A_2678 = tpu.vector_load_idx %gather3A_2677[%iota3A, %broadcast_in_dim3A_2664] : memref<16x128xf32, #tpu.memory_space<vmem>>[vector<16xi32>, vector<16xi32>], vector<16xf32>,
      %mul3A_2679 = arith.mulf %gather3A_2671, %gather3A_2678 : vector<16xf32>
      %reduce_sum3A_2680 = arith.constant true
      %reduce_sum3A_2681 = vector.broadcast %reduce_sum3A_2680 : i1 to vector<16xi1>
      %reduce_sum3A_2682 = tpu.scan <sum>, %mul3A_2679 masked %reduce_sum3A_2681 : vector<16xf32>, vector<16xi1> -> vector<16xf32>
      %reduce_sum3A_2683 = vector.extract %reduce_sum3A_2682[15] : f32 from vector<16xf32>
      %eq3A_2684 = arith.constant 8 : i32
      %eq3A_2685 = vector.broadcast %eq3A_2684 : i32 to vector<16xi32>
      %eq3A_2686 = arith.cmpi eq, %iota3A, %eq3A_2685 : vector<16xi32>
      %broadcast_in_dim3A_2687 = vector.broadcast %reduce_sum3A_2683 : f32 to vector<16xf32>
      %select_n3A_2688 = arith.select %eq3A_2686, %broadcast_in_dim3A_2687, %select_n3A_2254 : vector<16xi1>, vector<16xf32>
      %slice3A_2689 = vector.extract_strided_slice %and3A_1207 {offsets = [9], sizes = [1], strides = [1]} : vector<16xi32> to vector<1xi32>
      %squeeze3A_2690 = vector.extract %slice3A_2689[0] : i32 from vector<1xi32>
      %broadcast_in_dim3A_2691 = vector.broadcast %squeeze3A_2690 : i32 to vector<16xi32>
      %slice3A_2692 = vector.extract_strided_slice %and3A_1210 {offsets = [9], sizes = [1], strides = [1]} : vector<16xi32> to vector<1xi32>
      %squeeze3A_2693 = vector.extract %slice3A_2692[0] : i32 from vector<1xi32>
      %broadcast_in_dim3A_2694 = vector.broadcast %squeeze3A_2693 : i32 to vector<16xi32>
      %gather3A_2695 = arith.constant 2 : i32
      %gather3A_2696 = arith.constant 1 : i32
      %gather3A_2697 = arith.constant 0 : i32
      %gather3A_2698 = arith.constant 0 : i32
      %gather3A_2699 = tpu.memref_slice %arg9[%gather3A_2695, %gather3A_2696, %gather3A_2697, %gather3A_2698] : memref<4x4x16x128xf32, #tpu.memory_space<vmem>> -> memref<1x1x16x128xf32, #tpu.memory_space<vmem>>
      %gather3A_2700 = tpu.memref_squeeze %gather3A_2699 : memref<1x1x16x128xf32, #tpu.memory_space<vmem>> -> memref<16x128xf32, #tpu.memory_space<vmem>>
      %gather3A_2701 = tpu.vector_load_idx %gather3A_2700[%iota3A, %broadcast_in_dim3A_2691] : memref<16x128xf32, #tpu.memory_space<vmem>>[vector<16xi32>, vector<16xi32>], vector<16xf32>,
      %gather3A_2702 = arith.constant 2 : i32
      %gather3A_2703 = arith.constant 1 : i32
      %gather3A_2704 = arith.constant 0 : i32
      %gather3A_2705 = arith.constant 0 : i32
      %gather3A_2706 = tpu.memref_slice %arg10[%gather3A_2702, %gather3A_2703, %gather3A_2704, %gather3A_2705] : memref<4x4x16x128xf32, #tpu.memory_space<vmem>> -> memref<1x1x16x128xf32, #tpu.memory_space<vmem>>
      %gather3A_2707 = tpu.memref_squeeze %gather3A_2706 : memref<1x1x16x128xf32, #tpu.memory_space<vmem>> -> memref<16x128xf32, #tpu.memory_space<vmem>>
      %gather3A_2708 = tpu.vector_load_idx %gather3A_2707[%iota3A, %broadcast_in_dim3A_2694] : memref<16x128xf32, #tpu.memory_space<vmem>>[vector<16xi32>, vector<16xi32>], vector<16xf32>,
      %mul3A_2709 = arith.mulf %gather3A_2701, %gather3A_2708 : vector<16xf32>
      %reduce_sum3A_2710 = arith.constant true
      %reduce_sum3A_2711 = vector.broadcast %reduce_sum3A_2710 : i1 to vector<16xi1>
      %reduce_sum3A_2712 = tpu.scan <sum>, %mul3A_2709 masked %reduce_sum3A_2711 : vector<16xf32>, vector<16xi1> -> vector<16xf32>
      %reduce_sum3A_2713 = vector.extract %reduce_sum3A_2712[15] : f32 from vector<16xf32>
      %eq3A_2714 = arith.constant 9 : i32
      %eq3A_2715 = vector.broadcast %eq3A_2714 : i32 to vector<16xi32>
      %eq3A_2716 = arith.cmpi eq, %iota3A, %eq3A_2715 : vector<16xi32>
      %broadcast_in_dim3A_2717 = vector.broadcast %reduce_sum3A_2713 : f32 to vector<16xf32>
      %select_n3A_2718 = arith.select %eq3A_2716, %broadcast_in_dim3A_2717, %select_n3A_2688 : vector<16xi1>, vector<16xf32>
      %slice3A_2719 = vector.extract_strided_slice %and3A_1207 {offsets = [10], sizes = [1], strides = [1]} : vector<16xi32> to vector<1xi32>
      %squeeze3A_2720 = vector.extract %slice3A_2719[0] : i32 from vector<1xi32>
      %broadcast_in_dim3A_2721 = vector.broadcast %squeeze3A_2720 : i32 to vector<16xi32>
      %slice3A_2722 = vector.extract_strided_slice %and3A_1210 {offsets = [10], sizes = [1], strides = [1]} : vector<16xi32> to vector<1xi32>
      %squeeze3A_2723 = vector.extract %slice3A_2722[0] : i32 from vector<1xi32>
      %broadcast_in_dim3A_2724 = vector.broadcast %squeeze3A_2723 : i32 to vector<16xi32>
      %gather3A_2725 = arith.constant 2 : i32
      %gather3A_2726 = arith.constant 2 : i32
      %gather3A_2727 = arith.constant 0 : i32
      %gather3A_2728 = arith.constant 0 : i32
      %gather3A_2729 = tpu.memref_slice %arg9[%gather3A_2725, %gather3A_2726, %gather3A_2727, %gather3A_2728] : memref<4x4x16x128xf32, #tpu.memory_space<vmem>> -> memref<1x1x16x128xf32, #tpu.memory_space<vmem>>
      %gather3A_2730 = tpu.memref_squeeze %gather3A_2729 : memref<1x1x16x128xf32, #tpu.memory_space<vmem>> -> memref<16x128xf32, #tpu.memory_space<vmem>>
      %gather3A_2731 = tpu.vector_load_idx %gather3A_2730[%iota3A, %broadcast_in_dim3A_2721] : memref<16x128xf32, #tpu.memory_space<vmem>>[vector<16xi32>, vector<16xi32>], vector<16xf32>,
      %gather3A_2732 = arith.constant 2 : i32
      %gather3A_2733 = arith.constant 2 : i32
      %gather3A_2734 = arith.constant 0 : i32
      %gather3A_2735 = arith.constant 0 : i32
      %gather3A_2736 = tpu.memref_slice %arg10[%gather3A_2732, %gather3A_2733, %gather3A_2734, %gather3A_2735] : memref<4x4x16x128xf32, #tpu.memory_space<vmem>> -> memref<1x1x16x128xf32, #tpu.memory_space<vmem>>
      %gather3A_2737 = tpu.memref_squeeze %gather3A_2736 : memref<1x1x16x128xf32, #tpu.memory_space<vmem>> -> memref<16x128xf32, #tpu.memory_space<vmem>>
      %gather3A_2738 = tpu.vector_load_idx %gather3A_2737[%iota3A, %broadcast_in_dim3A_2724] : memref<16x128xf32, #tpu.memory_space<vmem>>[vector<16xi32>, vector<16xi32>], vector<16xf32>,
      %mul3A_2739 = arith.mulf %gather3A_2731, %gather3A_2738 : vector<16xf32>
      %reduce_sum3A_2740 = arith.constant true
      %reduce_sum3A_2741 = vector.broadcast %reduce_sum3A_2740 : i1 to vector<16xi1>
      %reduce_sum3A_2742 = tpu.scan <sum>, %mul3A_2739 masked %reduce_sum3A_2741 : vector<16xf32>, vector<16xi1> -> vector<16xf32>
      %reduce_sum3A_2743 = vector.extract %reduce_sum3A_2742[15] : f32 from vector<16xf32>
      %eq3A_2744 = arith.constant 10 : i32
      %eq3A_2745 = vector.broadcast %eq3A_2744 : i32 to vector<16xi32>
      %eq3A_2746 = arith.cmpi eq, %iota3A, %eq3A_2745 : vector<16xi32>
      %broadcast_in_dim3A_2747 = vector.broadcast %reduce_sum3A_2743 : f32 to vector<16xf32>
      %select_n3A_2748 = arith.select %eq3A_2746, %broadcast_in_dim3A_2747, %select_n3A_2718 : vector<16xi1>, vector<16xf32>
      %slice3A_2749 = vector.extract_strided_slice %and3A_1207 {offsets = [11], sizes = [1], strides = [1]} : vector<16xi32> to vector<1xi32>
      %squeeze3A_2750 = vector.extract %slice3A_2749[0] : i32 from vector<1xi32>
      %broadcast_in_dim3A_2751 = vector.broadcast %squeeze3A_2750 : i32 to vector<16xi32>
      %slice3A_2752 = vector.extract_strided_slice %and3A_1210 {offsets = [11], sizes = [1], strides = [1]} : vector<16xi32> to vector<1xi32>
      %squeeze3A_2753 = vector.extract %slice3A_2752[0] : i32 from vector<1xi32>
      %broadcast_in_dim3A_2754 = vector.broadcast %squeeze3A_2753 : i32 to vector<16xi32>
      %gather3A_2755 = arith.constant 2 : i32
      %gather3A_2756 = arith.constant 3 : i32
      %gather3A_2757 = arith.constant 0 : i32
      %gather3A_2758 = arith.constant 0 : i32
      %gather3A_2759 = tpu.memref_slice %arg9[%gather3A_2755, %gather3A_2756, %gather3A_2757, %gather3A_2758] : memref<4x4x16x128xf32, #tpu.memory_space<vmem>> -> memref<1x1x16x128xf32, #tpu.memory_space<vmem>>
      %gather3A_2760 = tpu.memref_squeeze %gather3A_2759 : memref<1x1x16x128xf32, #tpu.memory_space<vmem>> -> memref<16x128xf32, #tpu.memory_space<vmem>>
      %gather3A_2761 = tpu.vector_load_idx %gather3A_2760[%iota3A, %broadcast_in_dim3A_2751] : memref<16x128xf32, #tpu.memory_space<vmem>>[vector<16xi32>, vector<16xi32>], vector<16xf32>,
      %gather3A_2762 = arith.constant 2 : i32
      %gather3A_2763 = arith.constant 3 : i32
      %gather3A_2764 = arith.constant 0 : i32
      %gather3A_2765 = arith.constant 0 : i32
      %gather3A_2766 = tpu.memref_slice %arg10[%gather3A_2762, %gather3A_2763, %gather3A_2764, %gather3A_2765] : memref<4x4x16x128xf32, #tpu.memory_space<vmem>> -> memref<1x1x16x128xf32, #tpu.memory_space<vmem>>
      %gather3A_2767 = tpu.memref_squeeze %gather3A_2766 : memref<1x1x16x128xf32, #tpu.memory_space<vmem>> -> memref<16x128xf32, #tpu.memory_space<vmem>>
      %gather3A_2768 = tpu.vector_load_idx %gather3A_2767[%iota3A, %broadcast_in_dim3A_2754] : memref<16x128xf32, #tpu.memory_space<vmem>>[vector<16xi32>, vector<16xi32>], vector<16xf32>,
      %mul3A_2769 = arith.mulf %gather3A_2761, %gather3A_2768 : vector<16xf32>
      %reduce_sum3A_2770 = arith.constant true
      %reduce_sum3A_2771 = vector.broadcast %reduce_sum3A_2770 : i1 to vector<16xi1>
      %reduce_sum3A_2772 = tpu.scan <sum>, %mul3A_2769 masked %reduce_sum3A_2771 : vector<16xf32>, vector<16xi1> -> vector<16xf32>
      %reduce_sum3A_2773 = vector.extract %reduce_sum3A_2772[15] : f32 from vector<16xf32>
      %eq3A_2774 = arith.constant 11 : i32
      %eq3A_2775 = vector.broadcast %eq3A_2774 : i32 to vector<16xi32>
      %eq3A_2776 = arith.cmpi eq, %iota3A, %eq3A_2775 : vector<16xi32>
      %broadcast_in_dim3A_2777 = vector.broadcast %reduce_sum3A_2773 : f32 to vector<16xf32>
      %select_n3A_2778 = arith.select %eq3A_2776, %broadcast_in_dim3A_2777, %select_n3A_2748 : vector<16xi1>, vector<16xf32>
      %mul3A_2779 = arith.constant 4 : i32
      %mul3A_2780 = arith.muli %scan3A_1196, %mul3A_2779 : i32
      %add3A_2781 = arith.constant 3 : i32
      %add3A_2782 = arith.addi %mul3A_2780, %add3A_2781 : i32
      %dma_wait3A_2783 = arith.constant 3 : i32
      %dma_wait3A_2784 = arith.constant 0 : i32
      %dma_wait3A_2785 = arith.constant 0 : i32
      %dma_wait3A_2786 = arith.constant 0 : i32
      %dma_wait3A_2787 = tpu.memref_slice %arg9[%dma_wait3A_2783, %dma_wait3A_2784, %dma_wait3A_2785, %dma_wait3A_2786] : memref<4x4x16x128xf32, #tpu.memory_space<vmem>> -> memref<1x1x16x128xf32, #tpu.memory_space<vmem>>
      %dma_wait3A_2788 = tpu.memref_squeeze %dma_wait3A_2787 : memref<1x1x16x128xf32, #tpu.memory_space<vmem>> -> memref<16x128xf32, #tpu.memory_space<vmem>>
      %dma_wait3A_2789 = arith.constant 0 : i32
      %dma_wait3A_2790 = arith.constant 0 : i32
      %dma_wait3A_2791 = tpu.memref_slice %arg4[%dma_wait3A_2789, %dma_wait3A_2790] : memref<16x1000000xf32, #tpu.memory_space<hbm>> -> memref<16x128xf32, #tpu.memory_space<hbm>>
      %dma_wait3A_2792 = arith.constant 0 : i32
      %dma_wait3A_2793 = arith.constant 0 : i32
      %dma_wait3A_2794 = tpu.memref_slice %arg9[%dma_wait3A_2783, %dma_wait3A_2784, %dma_wait3A_2792, %dma_wait3A_2793] : memref<4x4x16x128xf32, #tpu.memory_space<vmem>> -> memref<1x1x16x128xf32, #tpu.memory_space<vmem>>
      %dma_wait3A_2795 = tpu.memref_squeeze %dma_wait3A_2794 : memref<1x1x16x128xf32, #tpu.memory_space<vmem>> -> memref<16x128xf32, #tpu.memory_space<vmem>>
      %dma_wait3A_2796 = arith.constant 0 : i32
      %dma_wait3A_2797 = arith.constant 0 : i32
      %dma_wait3A_2798 = tpu.memref_slice %arg4[%dma_wait3A_2796, %dma_wait3A_2797] : memref<16x1000000xf32, #tpu.memory_space<hbm>> -> memref<16x128xf32, #tpu.memory_space<hbm>>
      tpu.wait_dma2 semaphore(%arg15 : memref<!tpu.dma_semaphore, #tpu.memory_space<semaphore_mem>>) src(%dma_wait3A_2798 : memref<16x128xf32, #tpu.memory_space<hbm>>) dst(%dma_wait3A_2795 : memref<16x128xf32, #tpu.memory_space<vmem>>)
      %dma_wait3A_2799 = arith.constant 3 : i32
      %dma_wait3A_2800 = arith.constant 0 : i32
      %dma_wait3A_2801 = arith.constant 0 : i32
      %dma_wait3A_2802 = arith.constant 0 : i32
      %dma_wait3A_2803 = tpu.memref_slice %arg10[%dma_wait3A_2799, %dma_wait3A_2800, %dma_wait3A_2801, %dma_wait3A_2802] : memref<4x4x16x128xf32, #tpu.memory_space<vmem>> -> memref<1x1x16x128xf32, #tpu.memory_space<vmem>>
      %dma_wait3A_2804 = tpu.memref_squeeze %dma_wait3A_2803 : memref<1x1x16x128xf32, #tpu.memory_space<vmem>> -> memref<16x128xf32, #tpu.memory_space<vmem>>
      %dma_wait3A_2805 = arith.constant 0 : i32
      %dma_wait3A_2806 = arith.constant 0 : i32
      %dma_wait3A_2807 = tpu.memref_slice %arg5[%dma_wait3A_2805, %dma_wait3A_2806] : memref<16x1000000xf32, #tpu.memory_space<hbm>> -> memref<16x128xf32, #tpu.memory_space<hbm>>
      %dma_wait3A_2808 = arith.constant 0 : i32
      %dma_wait3A_2809 = arith.constant 0 : i32
      %dma_wait3A_2810 = tpu.memref_slice %arg10[%dma_wait3A_2799, %dma_wait3A_2800, %dma_wait3A_2808, %dma_wait3A_2809] : memref<4x4x16x128xf32, #tpu.memory_space<vmem>> -> memref<1x1x16x128xf32, #tpu.memory_space<vmem>>
      %dma_wait3A_2811 = tpu.memref_squeeze %dma_wait3A_2810 : memref<1x1x16x128xf32, #tpu.memory_space<vmem>> -> memref<16x128xf32, #tpu.memory_space<vmem>>
      %dma_wait3A_2812 = arith.constant 0 : i32
      %dma_wait3A_2813 = arith.constant 0 : i32
      %dma_wait3A_2814 = tpu.memref_slice %arg5[%dma_wait3A_2812, %dma_wait3A_2813] : memref<16x1000000xf32, #tpu.memory_space<hbm>> -> memref<16x128xf32, #tpu.memory_space<hbm>>
      tpu.wait_dma2 semaphore(%arg19 : memref<!tpu.dma_semaphore, #tpu.memory_space<semaphore_mem>>) src(%dma_wait3A_2814 : memref<16x128xf32, #tpu.memory_space<hbm>>) dst(%dma_wait3A_2811 : memref<16x128xf32, #tpu.memory_space<vmem>>)
      %dma_wait3A_2815 = arith.constant 3 : i32
      %dma_wait3A_2816 = arith.constant 1 : i32
      %dma_wait3A_2817 = arith.constant 0 : i32
      %dma_wait3A_2818 = arith.constant 0 : i32
      %dma_wait3A_2819 = tpu.memref_slice %arg9[%dma_wait3A_2815, %dma_wait3A_2816, %dma_wait3A_2817, %dma_wait3A_2818] : memref<4x4x16x128xf32, #tpu.memory_space<vmem>> -> memref<1x1x16x128xf32, #tpu.memory_space<vmem>>
      %dma_wait3A_2820 = tpu.memref_squeeze %dma_wait3A_2819 : memref<1x1x16x128xf32, #tpu.memory_space<vmem>> -> memref<16x128xf32, #tpu.memory_space<vmem>>
      %dma_wait3A_2821 = arith.constant 0 : i32
      %dma_wait3A_2822 = arith.constant 0 : i32
      %dma_wait3A_2823 = tpu.memref_slice %arg4[%dma_wait3A_2821, %dma_wait3A_2822] : memref<16x1000000xf32, #tpu.memory_space<hbm>> -> memref<16x128xf32, #tpu.memory_space<hbm>>
      %dma_wait3A_2824 = arith.constant 0 : i32
      %dma_wait3A_2825 = arith.constant 0 : i32
      %dma_wait3A_2826 = tpu.memref_slice %arg9[%dma_wait3A_2815, %dma_wait3A_2816, %dma_wait3A_2824, %dma_wait3A_2825] : memref<4x4x16x128xf32, #tpu.memory_space<vmem>> -> memref<1x1x16x128xf32, #tpu.memory_space<vmem>>
      %dma_wait3A_2827 = tpu.memref_squeeze %dma_wait3A_2826 : memref<1x1x16x128xf32, #tpu.memory_space<vmem>> -> memref<16x128xf32, #tpu.memory_space<vmem>>
      %dma_wait3A_2828 = arith.constant 0 : i32
      %dma_wait3A_2829 = arith.constant 0 : i32
      %dma_wait3A_2830 = tpu.memref_slice %arg4[%dma_wait3A_2828, %dma_wait3A_2829] : memref<16x1000000xf32, #tpu.memory_space<hbm>> -> memref<16x128xf32, #tpu.memory_space<hbm>>
      tpu.wait_dma2 semaphore(%arg15 : memref<!tpu.dma_semaphore, #tpu.memory_space<semaphore_mem>>) src(%dma_wait3A_2830 : memref<16x128xf32, #tpu.memory_space<hbm>>) dst(%dma_wait3A_2827 : memref<16x128xf32, #tpu.memory_space<vmem>>)
      %dma_wait3A_2831 = arith.constant 3 : i32
      %dma_wait3A_2832 = arith.constant 1 : i32
      %dma_wait3A_2833 = arith.constant 0 : i32
      %dma_wait3A_2834 = arith.constant 0 : i32
      %dma_wait3A_2835 = tpu.memref_slice %arg10[%dma_wait3A_2831, %dma_wait3A_2832, %dma_wait3A_2833, %dma_wait3A_2834] : memref<4x4x16x128xf32, #tpu.memory_space<vmem>> -> memref<1x1x16x128xf32, #tpu.memory_space<vmem>>
      %dma_wait3A_2836 = tpu.memref_squeeze %dma_wait3A_2835 : memref<1x1x16x128xf32, #tpu.memory_space<vmem>> -> memref<16x128xf32, #tpu.memory_space<vmem>>
      %dma_wait3A_2837 = arith.constant 0 : i32
      %dma_wait3A_2838 = arith.constant 0 : i32
      %dma_wait3A_2839 = tpu.memref_slice %arg5[%dma_wait3A_2837, %dma_wait3A_2838] : memref<16x1000000xf32, #tpu.memory_space<hbm>> -> memref<16x128xf32, #tpu.memory_space<hbm>>
      %dma_wait3A_2840 = arith.constant 0 : i32
      %dma_wait3A_2841 = arith.constant 0 : i32
      %dma_wait3A_2842 = tpu.memref_slice %arg10[%dma_wait3A_2831, %dma_wait3A_2832, %dma_wait3A_2840, %dma_wait3A_2841] : memref<4x4x16x128xf32, #tpu.memory_space<vmem>> -> memref<1x1x16x128xf32, #tpu.memory_space<vmem>>
      %dma_wait3A_2843 = tpu.memref_squeeze %dma_wait3A_2842 : memref<1x1x16x128xf32, #tpu.memory_space<vmem>> -> memref<16x128xf32, #tpu.memory_space<vmem>>
      %dma_wait3A_2844 = arith.constant 0 : i32
      %dma_wait3A_2845 = arith.constant 0 : i32
      %dma_wait3A_2846 = tpu.memref_slice %arg5[%dma_wait3A_2844, %dma_wait3A_2845] : memref<16x1000000xf32, #tpu.memory_space<hbm>> -> memref<16x128xf32, #tpu.memory_space<hbm>>
      tpu.wait_dma2 semaphore(%arg19 : memref<!tpu.dma_semaphore, #tpu.memory_space<semaphore_mem>>) src(%dma_wait3A_2846 : memref<16x128xf32, #tpu.memory_space<hbm>>) dst(%dma_wait3A_2843 : memref<16x128xf32, #tpu.memory_space<vmem>>)
      %dma_wait3A_2847 = arith.constant 3 : i32
      %dma_wait3A_2848 = arith.constant 2 : i32
      %dma_wait3A_2849 = arith.constant 0 : i32
      %dma_wait3A_2850 = arith.constant 0 : i32
      %dma_wait3A_2851 = tpu.memref_slice %arg9[%dma_wait3A_2847, %dma_wait3A_2848, %dma_wait3A_2849, %dma_wait3A_2850] : memref<4x4x16x128xf32, #tpu.memory_space<vmem>> -> memref<1x1x16x128xf32, #tpu.memory_space<vmem>>
      %dma_wait3A_2852 = tpu.memref_squeeze %dma_wait3A_2851 : memref<1x1x16x128xf32, #tpu.memory_space<vmem>> -> memref<16x128xf32, #tpu.memory_space<vmem>>
      %dma_wait3A_2853 = arith.constant 0 : i32
      %dma_wait3A_2854 = arith.constant 0 : i32
      %dma_wait3A_2855 = tpu.memref_slice %arg4[%dma_wait3A_2853, %dma_wait3A_2854] : memref<16x1000000xf32, #tpu.memory_space<hbm>> -> memref<16x128xf32, #tpu.memory_space<hbm>>
      %dma_wait3A_2856 = arith.constant 0 : i32
      %dma_wait3A_2857 = arith.constant 0 : i32
      %dma_wait3A_2858 = tpu.memref_slice %arg9[%dma_wait3A_2847, %dma_wait3A_2848, %dma_wait3A_2856, %dma_wait3A_2857] : memref<4x4x16x128xf32, #tpu.memory_space<vmem>> -> memref<1x1x16x128xf32, #tpu.memory_space<vmem>>
      %dma_wait3A_2859 = tpu.memref_squeeze %dma_wait3A_2858 : memref<1x1x16x128xf32, #tpu.memory_space<vmem>> -> memref<16x128xf32, #tpu.memory_space<vmem>>
      %dma_wait3A_2860 = arith.constant 0 : i32
      %dma_wait3A_2861 = arith.constant 0 : i32
      %dma_wait3A_2862 = tpu.memref_slice %arg4[%dma_wait3A_2860, %dma_wait3A_2861] : memref<16x1000000xf32, #tpu.memory_space<hbm>> -> memref<16x128xf32, #tpu.memory_space<hbm>>
      tpu.wait_dma2 semaphore(%arg15 : memref<!tpu.dma_semaphore, #tpu.memory_space<semaphore_mem>>) src(%dma_wait3A_2862 : memref<16x128xf32, #tpu.memory_space<hbm>>) dst(%dma_wait3A_2859 : memref<16x128xf32, #tpu.memory_space<vmem>>)
      %dma_wait3A_2863 = arith.constant 3 : i32
      %dma_wait3A_2864 = arith.constant 2 : i32
      %dma_wait3A_2865 = arith.constant 0 : i32
      %dma_wait3A_2866 = arith.constant 0 : i32
      %dma_wait3A_2867 = tpu.memref_slice %arg10[%dma_wait3A_2863, %dma_wait3A_2864, %dma_wait3A_2865, %dma_wait3A_2866] : memref<4x4x16x128xf32, #tpu.memory_space<vmem>> -> memref<1x1x16x128xf32, #tpu.memory_space<vmem>>
      %dma_wait3A_2868 = tpu.memref_squeeze %dma_wait3A_2867 : memref<1x1x16x128xf32, #tpu.memory_space<vmem>> -> memref<16x128xf32, #tpu.memory_space<vmem>>
      %dma_wait3A_2869 = arith.constant 0 : i32
      %dma_wait3A_2870 = arith.constant 0 : i32
      %dma_wait3A_2871 = tpu.memref_slice %arg5[%dma_wait3A_2869, %dma_wait3A_2870] : memref<16x1000000xf32, #tpu.memory_space<hbm>> -> memref<16x128xf32, #tpu.memory_space<hbm>>
      %dma_wait3A_2872 = arith.constant 0 : i32
      %dma_wait3A_2873 = arith.constant 0 : i32
      %dma_wait3A_2874 = tpu.memref_slice %arg10[%dma_wait3A_2863, %dma_wait3A_2864, %dma_wait3A_2872, %dma_wait3A_2873] : memref<4x4x16x128xf32, #tpu.memory_space<vmem>> -> memref<1x1x16x128xf32, #tpu.memory_space<vmem>>
      %dma_wait3A_2875 = tpu.memref_squeeze %dma_wait3A_2874 : memref<1x1x16x128xf32, #tpu.memory_space<vmem>> -> memref<16x128xf32, #tpu.memory_space<vmem>>
      %dma_wait3A_2876 = arith.constant 0 : i32
      %dma_wait3A_2877 = arith.constant 0 : i32
      %dma_wait3A_2878 = tpu.memref_slice %arg5[%dma_wait3A_2876, %dma_wait3A_2877] : memref<16x1000000xf32, #tpu.memory_space<hbm>> -> memref<16x128xf32, #tpu.memory_space<hbm>>
      tpu.wait_dma2 semaphore(%arg19 : memref<!tpu.dma_semaphore, #tpu.memory_space<semaphore_mem>>) src(%dma_wait3A_2878 : memref<16x128xf32, #tpu.memory_space<hbm>>) dst(%dma_wait3A_2875 : memref<16x128xf32, #tpu.memory_space<vmem>>)
      %dma_wait3A_2879 = arith.constant 3 : i32
      %dma_wait3A_2880 = arith.constant 3 : i32
      %dma_wait3A_2881 = arith.constant 0 : i32
      %dma_wait3A_2882 = arith.constant 0 : i32
      %dma_wait3A_2883 = tpu.memref_slice %arg9[%dma_wait3A_2879, %dma_wait3A_2880, %dma_wait3A_2881, %dma_wait3A_2882] : memref<4x4x16x128xf32, #tpu.memory_space<vmem>> -> memref<1x1x16x128xf32, #tpu.memory_space<vmem>>
      %dma_wait3A_2884 = tpu.memref_squeeze %dma_wait3A_2883 : memref<1x1x16x128xf32, #tpu.memory_space<vmem>> -> memref<16x128xf32, #tpu.memory_space<vmem>>
      %dma_wait3A_2885 = arith.constant 0 : i32
      %dma_wait3A_2886 = arith.constant 0 : i32
      %dma_wait3A_2887 = tpu.memref_slice %arg4[%dma_wait3A_2885, %dma_wait3A_2886] : memref<16x1000000xf32, #tpu.memory_space<hbm>> -> memref<16x128xf32, #tpu.memory_space<hbm>>
      %dma_wait3A_2888 = arith.constant 0 : i32
      %dma_wait3A_2889 = arith.constant 0 : i32
      %dma_wait3A_2890 = tpu.memref_slice %arg9[%dma_wait3A_2879, %dma_wait3A_2880, %dma_wait3A_2888, %dma_wait3A_2889] : memref<4x4x16x128xf32, #tpu.memory_space<vmem>> -> memref<1x1x16x128xf32, #tpu.memory_space<vmem>>
      %dma_wait3A_2891 = tpu.memref_squeeze %dma_wait3A_2890 : memref<1x1x16x128xf32, #tpu.memory_space<vmem>> -> memref<16x128xf32, #tpu.memory_space<vmem>>
      %dma_wait3A_2892 = arith.constant 0 : i32
      %dma_wait3A_2893 = arith.constant 0 : i32
      %dma_wait3A_2894 = tpu.memref_slice %arg4[%dma_wait3A_2892, %dma_wait3A_2893] : memref<16x1000000xf32, #tpu.memory_space<hbm>> -> memref<16x128xf32, #tpu.memory_space<hbm>>
      tpu.wait_dma2 semaphore(%arg15 : memref<!tpu.dma_semaphore, #tpu.memory_space<semaphore_mem>>) src(%dma_wait3A_2894 : memref<16x128xf32, #tpu.memory_space<hbm>>) dst(%dma_wait3A_2891 : memref<16x128xf32, #tpu.memory_space<vmem>>)
      %dma_wait3A_2895 = arith.constant 3 : i32
      %dma_wait3A_2896 = arith.constant 3 : i32
      %dma_wait3A_2897 = arith.constant 0 : i32
      %dma_wait3A_2898 = arith.constant 0 : i32
      %dma_wait3A_2899 = tpu.memref_slice %arg10[%dma_wait3A_2895, %dma_wait3A_2896, %dma_wait3A_2897, %dma_wait3A_2898] : memref<4x4x16x128xf32, #tpu.memory_space<vmem>> -> memref<1x1x16x128xf32, #tpu.memory_space<vmem>>
      %dma_wait3A_2900 = tpu.memref_squeeze %dma_wait3A_2899 : memref<1x1x16x128xf32, #tpu.memory_space<vmem>> -> memref<16x128xf32, #tpu.memory_space<vmem>>
      %dma_wait3A_2901 = arith.constant 0 : i32
      %dma_wait3A_2902 = arith.constant 0 : i32
      %dma_wait3A_2903 = tpu.memref_slice %arg5[%dma_wait3A_2901, %dma_wait3A_2902] : memref<16x1000000xf32, #tpu.memory_space<hbm>> -> memref<16x128xf32, #tpu.memory_space<hbm>>
      %dma_wait3A_2904 = arith.constant 0 : i32
      %dma_wait3A_2905 = arith.constant 0 : i32
      %dma_wait3A_2906 = tpu.memref_slice %arg10[%dma_wait3A_2895, %dma_wait3A_2896, %dma_wait3A_2904, %dma_wait3A_2905] : memref<4x4x16x128xf32, #tpu.memory_space<vmem>> -> memref<1x1x16x128xf32, #tpu.memory_space<vmem>>
      %dma_wait3A_2907 = tpu.memref_squeeze %dma_wait3A_2906 : memref<1x1x16x128xf32, #tpu.memory_space<vmem>> -> memref<16x128xf32, #tpu.memory_space<vmem>>
      %dma_wait3A_2908 = arith.constant 0 : i32
      %dma_wait3A_2909 = arith.constant 0 : i32
      %dma_wait3A_2910 = tpu.memref_slice %arg5[%dma_wait3A_2908, %dma_wait3A_2909] : memref<16x1000000xf32, #tpu.memory_space<hbm>> -> memref<16x128xf32, #tpu.memory_space<hbm>>
      tpu.wait_dma2 semaphore(%arg19 : memref<!tpu.dma_semaphore, #tpu.memory_space<semaphore_mem>>) src(%dma_wait3A_2910 : memref<16x128xf32, #tpu.memory_space<hbm>>) dst(%dma_wait3A_2907 : memref<16x128xf32, #tpu.memory_space<vmem>>)
      %add3A_2911 = arith.constant 3 : i32
      %add3A_2912 = arith.addi %add3A_2782, %add3A_2911 : i32
      %min3A_2913 = arith.constant 127 : i32
      %min3A_2914 = arith.minsi %add3A_2912, %min3A_2913 : i32
      %mul3A_2915 = arith.constant 4 : i32
      %mul3A_2916 = arith.muli %min3A_2914, %mul3A_2915 : i32
      %get3A_2917 = arith.index_cast %mul3A_2916 : i32 to index
      %get3A_2918 = tpu.vector_load %arg7[%get3A_2917] {strides = array<i32>} : memref<528xi32, #tpu.memory_space<vmem>>, vector<16xi32>,
      %mul3A_2919 = arith.constant 4 : i32
      %mul3A_2920 = arith.muli %min3A_2914, %mul3A_2919 : i32
      %get3A_2921 = arith.index_cast %mul3A_2920 : i32 to index
      %get3A_2922 = tpu.vector_load %arg8[%get3A_2921] {strides = array<i32>} : memref<528xi32, #tpu.memory_space<vmem>>, vector<16xi32>,
      %shift_right_arithmetic3A_2923 = arith.constant 7 : i32
      %shift_right_arithmetic3A_2924 = vector.broadcast %shift_right_arithmetic3A_2923 : i32 to vector<16xi32>
      %shift_right_arithmetic3A_2925 = arith.shrsi %get3A_2918, %shift_right_arithmetic3A_2924 : vector<16xi32>
      %shift_left3A_2926 = arith.constant 7 : i32
      %shift_left3A_2927 = vector.broadcast %shift_left3A_2926 : i32 to vector<16xi32>
      %shift_left3A_2928 = arith.shli %shift_right_arithmetic3A_2925, %shift_left3A_2927 : vector<16xi32>
      %shift_right_arithmetic3A_2929 = arith.constant 7 : i32
      %shift_right_arithmetic3A_2930 = vector.broadcast %shift_right_arithmetic3A_2929 : i32 to vector<16xi32>
      %shift_right_arithmetic3A_2931 = arith.shrsi %get3A_2922, %shift_right_arithmetic3A_2930 : vector<16xi32>
      %shift_left3A_2932 = arith.constant 7 : i32
      %shift_left3A_2933 = vector.broadcast %shift_left3A_2932 : i32 to vector<16xi32>
      %shift_left3A_2934 = arith.shli %shift_right_arithmetic3A_2931, %shift_left3A_2933 : vector<16xi32>
      %slice3A_2935 = vector.extract_strided_slice %shift_left3A_2928 {offsets = [0], sizes = [1], strides = [1]} : vector<16xi32> to vector<1xi32>
      %squeeze3A_2936 = vector.extract %slice3A_2935[0] : i32 from vector<1xi32>
      %multiple_of3A_2937 = tpu.assume_multiple %squeeze3A_2936, 128 : i32
      %slice3A_2938 = vector.extract_strided_slice %shift_left3A_2934 {offsets = [0], sizes = [1], strides = [1]} : vector<16xi32> to vector<1xi32>
      %squeeze3A_2939 = vector.extract %slice3A_2938[0] : i32 from vector<1xi32>
      %multiple_of3A_2940 = tpu.assume_multiple %squeeze3A_2939, 128 : i32
      %dma_start3A_2941 = arith.constant 2 : i32
      %dma_start3A_2942 = arith.constant 0 : i32
      %dma_start3A_2943 = arith.constant 0 : i32
      %dma_start3A_2944 = arith.constant 0 : i32
      %dma_start3A_2945 = tpu.memref_slice %arg9[%dma_start3A_2941, %dma_start3A_2942, %dma_start3A_2943, %dma_start3A_2944] : memref<4x4x16x128xf32, #tpu.memory_space<vmem>> -> memref<1x1x8x128xf32, #tpu.memory_space<vmem>>
      %dma_start3A_2946 = tpu.memref_squeeze %dma_start3A_2945 : memref<1x1x8x128xf32, #tpu.memory_space<vmem>> -> memref<8x128xf32, #tpu.memory_space<vmem>>
      %dma_start3A_2947 = arith.constant 0 : i32
      %dma_start3A_2948 = tpu.memref_slice %arg4[%dma_start3A_2947, %multiple_of3A_2937] : memref<16x1000000xf32, #tpu.memory_space<hbm>> -> memref<8x128xf32, #tpu.memory_space<hbm>>
      %dma_start3A_2949 = arith.constant 0 : i32
      %dma_start3A_2950 = arith.constant 0 : i32
      %dma_start3A_2951 = tpu.memref_slice %arg9[%dma_start3A_2941, %dma_start3A_2942, %dma_start3A_2949, %dma_start3A_2950] : memref<4x4x16x128xf32, #tpu.memory_space<vmem>> -> memref<1x1x8x128xf32, #tpu.memory_space<vmem>>
      %dma_start3A_2952 = tpu.memref_squeeze %dma_start3A_2951 : memref<1x1x8x128xf32, #tpu.memory_space<vmem>> -> memref<8x128xf32, #tpu.memory_space<vmem>>
      %dma_start3A_2953 = arith.constant 0 : i32
      %dma_start3A_2954 = tpu.memref_slice %arg4[%dma_start3A_2953, %multiple_of3A_2937] : memref<16x1000000xf32, #tpu.memory_space<hbm>> -> memref<8x128xf32, #tpu.memory_space<hbm>>
      tpu.enqueue_dma source(%dma_start3A_2954 : memref<8x128xf32, #tpu.memory_space<hbm>>) target(%dma_start3A_2952 : memref<8x128xf32, #tpu.memory_space<vmem>>) target_semaphore(%arg14 : memref<!tpu.dma_semaphore, #tpu.memory_space<semaphore_mem>>)
      %dma_start3A_2955 = arith.constant 2 : i32
      %dma_start3A_2956 = arith.constant 0 : i32
      %dma_start3A_2957 = arith.constant 0 : i32
      %dma_start3A_2958 = arith.constant 0 : i32
      %dma_start3A_2959 = tpu.memref_slice %arg10[%dma_start3A_2955, %dma_start3A_2956, %dma_start3A_2957, %dma_start3A_2958] : memref<4x4x16x128xf32, #tpu.memory_space<vmem>> -> memref<1x1x8x128xf32, #tpu.memory_space<vmem>>
      %dma_start3A_2960 = tpu.memref_squeeze %dma_start3A_2959 : memref<1x1x8x128xf32, #tpu.memory_space<vmem>> -> memref<8x128xf32, #tpu.memory_space<vmem>>
      %dma_start3A_2961 = arith.constant 0 : i32
      %dma_start3A_2962 = tpu.memref_slice %arg5[%dma_start3A_2961, %multiple_of3A_2940] : memref<16x1000000xf32, #tpu.memory_space<hbm>> -> memref<8x128xf32, #tpu.memory_space<hbm>>
      %dma_start3A_2963 = arith.constant 0 : i32
      %dma_start3A_2964 = arith.constant 0 : i32
      %dma_start3A_2965 = tpu.memref_slice %arg10[%dma_start3A_2955, %dma_start3A_2956, %dma_start3A_2963, %dma_start3A_2964] : memref<4x4x16x128xf32, #tpu.memory_space<vmem>> -> memref<1x1x8x128xf32, #tpu.memory_space<vmem>>
      %dma_start3A_2966 = tpu.memref_squeeze %dma_start3A_2965 : memref<1x1x8x128xf32, #tpu.memory_space<vmem>> -> memref<8x128xf32, #tpu.memory_space<vmem>>
      %dma_start3A_2967 = arith.constant 0 : i32
      %dma_start3A_2968 = tpu.memref_slice %arg5[%dma_start3A_2967, %multiple_of3A_2940] : memref<16x1000000xf32, #tpu.memory_space<hbm>> -> memref<8x128xf32, #tpu.memory_space<hbm>>
      tpu.enqueue_dma source(%dma_start3A_2968 : memref<8x128xf32, #tpu.memory_space<hbm>>) target(%dma_start3A_2966 : memref<8x128xf32, #tpu.memory_space<vmem>>) target_semaphore(%arg18 : memref<!tpu.dma_semaphore, #tpu.memory_space<semaphore_mem>>)
      %dma_start3A_2969 = arith.constant 2 : i32
      %dma_start3A_2970 = arith.constant 0 : i32
      %dma_start3A_2971 = arith.constant 8 : i32
      %dma_start3A_2972 = arith.constant 0 : i32
      %dma_start3A_2973 = tpu.memref_slice %arg9[%dma_start3A_2969, %dma_start3A_2970, %dma_start3A_2971, %dma_start3A_2972] : memref<4x4x16x128xf32, #tpu.memory_space<vmem>> -> memref<1x1x8x128xf32, #tpu.memory_space<vmem>>
      %dma_start3A_2974 = tpu.memref_squeeze %dma_start3A_2973 : memref<1x1x8x128xf32, #tpu.memory_space<vmem>> -> memref<8x128xf32, #tpu.memory_space<vmem>>
      %dma_start3A_2975 = arith.constant 8 : i32
      %dma_start3A_2976 = tpu.memref_slice %arg4[%dma_start3A_2975, %multiple_of3A_2937] : memref<16x1000000xf32, #tpu.memory_space<hbm>> -> memref<8x128xf32, #tpu.memory_space<hbm>>
      %dma_start3A_2977 = arith.constant 8 : i32
      %dma_start3A_2978 = arith.constant 0 : i32
      %dma_start3A_2979 = tpu.memref_slice %arg9[%dma_start3A_2969, %dma_start3A_2970, %dma_start3A_2977, %dma_start3A_2978] : memref<4x4x16x128xf32, #tpu.memory_space<vmem>> -> memref<1x1x8x128xf32, #tpu.memory_space<vmem>>
      %dma_start3A_2980 = tpu.memref_squeeze %dma_start3A_2979 : memref<1x1x8x128xf32, #tpu.memory_space<vmem>> -> memref<8x128xf32, #tpu.memory_space<vmem>>
      %dma_start3A_2981 = arith.constant 8 : i32
      %dma_start3A_2982 = tpu.memref_slice %arg4[%dma_start3A_2981, %multiple_of3A_2937] : memref<16x1000000xf32, #tpu.memory_space<hbm>> -> memref<8x128xf32, #tpu.memory_space<hbm>>
      tpu.enqueue_dma source(%dma_start3A_2982 : memref<8x128xf32, #tpu.memory_space<hbm>>) target(%dma_start3A_2980 : memref<8x128xf32, #tpu.memory_space<vmem>>) target_semaphore(%arg14 : memref<!tpu.dma_semaphore, #tpu.memory_space<semaphore_mem>>)
      %dma_start3A_2983 = arith.constant 2 : i32
      %dma_start3A_2984 = arith.constant 0 : i32
      %dma_start3A_2985 = arith.constant 8 : i32
      %dma_start3A_2986 = arith.constant 0 : i32
      %dma_start3A_2987 = tpu.memref_slice %arg10[%dma_start3A_2983, %dma_start3A_2984, %dma_start3A_2985, %dma_start3A_2986] : memref<4x4x16x128xf32, #tpu.memory_space<vmem>> -> memref<1x1x8x128xf32, #tpu.memory_space<vmem>>
      %dma_start3A_2988 = tpu.memref_squeeze %dma_start3A_2987 : memref<1x1x8x128xf32, #tpu.memory_space<vmem>> -> memref<8x128xf32, #tpu.memory_space<vmem>>
      %dma_start3A_2989 = arith.constant 8 : i32
      %dma_start3A_2990 = tpu.memref_slice %arg5[%dma_start3A_2989, %multiple_of3A_2940] : memref<16x1000000xf32, #tpu.memory_space<hbm>> -> memref<8x128xf32, #tpu.memory_space<hbm>>
      %dma_start3A_2991 = arith.constant 8 : i32
      %dma_start3A_2992 = arith.constant 0 : i32
      %dma_start3A_2993 = tpu.memref_slice %arg10[%dma_start3A_2983, %dma_start3A_2984, %dma_start3A_2991, %dma_start3A_2992] : memref<4x4x16x128xf32, #tpu.memory_space<vmem>> -> memref<1x1x8x128xf32, #tpu.memory_space<vmem>>
      %dma_start3A_2994 = tpu.memref_squeeze %dma_start3A_2993 : memref<1x1x8x128xf32, #tpu.memory_space<vmem>> -> memref<8x128xf32, #tpu.memory_space<vmem>>
      %dma_start3A_2995 = arith.constant 8 : i32
      %dma_start3A_2996 = tpu.memref_slice %arg5[%dma_start3A_2995, %multiple_of3A_2940] : memref<16x1000000xf32, #tpu.memory_space<hbm>> -> memref<8x128xf32, #tpu.memory_space<hbm>>
      tpu.enqueue_dma source(%dma_start3A_2996 : memref<8x128xf32, #tpu.memory_space<hbm>>) target(%dma_start3A_2994 : memref<8x128xf32, #tpu.memory_space<vmem>>) target_semaphore(%arg18 : memref<!tpu.dma_semaphore, #tpu.memory_space<semaphore_mem>>)
      %slice3A_2997 = vector.extract_strided_slice %shift_left3A_2928 {offsets = [1], sizes = [1], strides = [1]} : vector<16xi32> to vector<1xi32>
      %squeeze3A_2998 = vector.extract %slice3A_2997[0] : i32 from vector<1xi32>
      %multiple_of3A_2999 = tpu.assume_multiple %squeeze3A_2998, 128 : i32
      %slice3A_3000 = vector.extract_strided_slice %shift_left3A_2934 {offsets = [1], sizes = [1], strides = [1]} : vector<16xi32> to vector<1xi32>
      %squeeze3A_3001 = vector.extract %slice3A_3000[0] : i32 from vector<1xi32>
      %multiple_of3A_3002 = tpu.assume_multiple %squeeze3A_3001, 128 : i32
      %dma_start3A_3003 = arith.constant 2 : i32
      %dma_start3A_3004 = arith.constant 1 : i32
      %dma_start3A_3005 = arith.constant 0 : i32
      %dma_start3A_3006 = arith.constant 0 : i32
      %dma_start3A_3007 = tpu.memref_slice %arg9[%dma_start3A_3003, %dma_start3A_3004, %dma_start3A_3005, %dma_start3A_3006] : memref<4x4x16x128xf32, #tpu.memory_space<vmem>> -> memref<1x1x8x128xf32, #tpu.memory_space<vmem>>
      %dma_start3A_3008 = tpu.memref_squeeze %dma_start3A_3007 : memref<1x1x8x128xf32, #tpu.memory_space<vmem>> -> memref<8x128xf32, #tpu.memory_space<vmem>>
      %dma_start3A_3009 = arith.constant 0 : i32
      %dma_start3A_3010 = tpu.memref_slice %arg4[%dma_start3A_3009, %multiple_of3A_2999] : memref<16x1000000xf32, #tpu.memory_space<hbm>> -> memref<8x128xf32, #tpu.memory_space<hbm>>
      %dma_start3A_3011 = arith.constant 0 : i32
      %dma_start3A_3012 = arith.constant 0 : i32
      %dma_start3A_3013 = tpu.memref_slice %arg9[%dma_start3A_3003, %dma_start3A_3004, %dma_start3A_3011, %dma_start3A_3012] : memref<4x4x16x128xf32, #tpu.memory_space<vmem>> -> memref<1x1x8x128xf32, #tpu.memory_space<vmem>>
      %dma_start3A_3014 = tpu.memref_squeeze %dma_start3A_3013 : memref<1x1x8x128xf32, #tpu.memory_space<vmem>> -> memref<8x128xf32, #tpu.memory_space<vmem>>
      %dma_start3A_3015 = arith.constant 0 : i32
      %dma_start3A_3016 = tpu.memref_slice %arg4[%dma_start3A_3015, %multiple_of3A_2999] : memref<16x1000000xf32, #tpu.memory_space<hbm>> -> memref<8x128xf32, #tpu.memory_space<hbm>>
      tpu.enqueue_dma source(%dma_start3A_3016 : memref<8x128xf32, #tpu.memory_space<hbm>>) target(%dma_start3A_3014 : memref<8x128xf32, #tpu.memory_space<vmem>>) target_semaphore(%arg14 : memref<!tpu.dma_semaphore, #tpu.memory_space<semaphore_mem>>)
      %dma_start3A_3017 = arith.constant 2 : i32
      %dma_start3A_3018 = arith.constant 1 : i32
      %dma_start3A_3019 = arith.constant 0 : i32
      %dma_start3A_3020 = arith.constant 0 : i32
      %dma_start3A_3021 = tpu.memref_slice %arg10[%dma_start3A_3017, %dma_start3A_3018, %dma_start3A_3019, %dma_start3A_3020] : memref<4x4x16x128xf32, #tpu.memory_space<vmem>> -> memref<1x1x8x128xf32, #tpu.memory_space<vmem>>
      %dma_start3A_3022 = tpu.memref_squeeze %dma_start3A_3021 : memref<1x1x8x128xf32, #tpu.memory_space<vmem>> -> memref<8x128xf32, #tpu.memory_space<vmem>>
      %dma_start3A_3023 = arith.constant 0 : i32
      %dma_start3A_3024 = tpu.memref_slice %arg5[%dma_start3A_3023, %multiple_of3A_3002] : memref<16x1000000xf32, #tpu.memory_space<hbm>> -> memref<8x128xf32, #tpu.memory_space<hbm>>
      %dma_start3A_3025 = arith.constant 0 : i32
      %dma_start3A_3026 = arith.constant 0 : i32
      %dma_start3A_3027 = tpu.memref_slice %arg10[%dma_start3A_3017, %dma_start3A_3018, %dma_start3A_3025, %dma_start3A_3026] : memref<4x4x16x128xf32, #tpu.memory_space<vmem>> -> memref<1x1x8x128xf32, #tpu.memory_space<vmem>>
      %dma_start3A_3028 = tpu.memref_squeeze %dma_start3A_3027 : memref<1x1x8x128xf32, #tpu.memory_space<vmem>> -> memref<8x128xf32, #tpu.memory_space<vmem>>
      %dma_start3A_3029 = arith.constant 0 : i32
      %dma_start3A_3030 = tpu.memref_slice %arg5[%dma_start3A_3029, %multiple_of3A_3002] : memref<16x1000000xf32, #tpu.memory_space<hbm>> -> memref<8x128xf32, #tpu.memory_space<hbm>>
      tpu.enqueue_dma source(%dma_start3A_3030 : memref<8x128xf32, #tpu.memory_space<hbm>>) target(%dma_start3A_3028 : memref<8x128xf32, #tpu.memory_space<vmem>>) target_semaphore(%arg18 : memref<!tpu.dma_semaphore, #tpu.memory_space<semaphore_mem>>)
      %dma_start3A_3031 = arith.constant 2 : i32
      %dma_start3A_3032 = arith.constant 1 : i32
      %dma_start3A_3033 = arith.constant 8 : i32
      %dma_start3A_3034 = arith.constant 0 : i32
      %dma_start3A_3035 = tpu.memref_slice %arg9[%dma_start3A_3031, %dma_start3A_3032, %dma_start3A_3033, %dma_start3A_3034] : memref<4x4x16x128xf32, #tpu.memory_space<vmem>> -> memref<1x1x8x128xf32, #tpu.memory_space<vmem>>
      %dma_start3A_3036 = tpu.memref_squeeze %dma_start3A_3035 : memref<1x1x8x128xf32, #tpu.memory_space<vmem>> -> memref<8x128xf32, #tpu.memory_space<vmem>>
      %dma_start3A_3037 = arith.constant 8 : i32
      %dma_start3A_3038 = tpu.memref_slice %arg4[%dma_start3A_3037, %multiple_of3A_2999] : memref<16x1000000xf32, #tpu.memory_space<hbm>> -> memref<8x128xf32, #tpu.memory_space<hbm>>
      %dma_start3A_3039 = arith.constant 8 : i32
      %dma_start3A_3040 = arith.constant 0 : i32
      %dma_start3A_3041 = tpu.memref_slice %arg9[%dma_start3A_3031, %dma_start3A_3032, %dma_start3A_3039, %dma_start3A_3040] : memref<4x4x16x128xf32, #tpu.memory_space<vmem>> -> memref<1x1x8x128xf32, #tpu.memory_space<vmem>>
      %dma_start3A_3042 = tpu.memref_squeeze %dma_start3A_3041 : memref<1x1x8x128xf32, #tpu.memory_space<vmem>> -> memref<8x128xf32, #tpu.memory_space<vmem>>
      %dma_start3A_3043 = arith.constant 8 : i32
      %dma_start3A_3044 = tpu.memref_slice %arg4[%dma_start3A_3043, %multiple_of3A_2999] : memref<16x1000000xf32, #tpu.memory_space<hbm>> -> memref<8x128xf32, #tpu.memory_space<hbm>>
      tpu.enqueue_dma source(%dma_start3A_3044 : memref<8x128xf32, #tpu.memory_space<hbm>>) target(%dma_start3A_3042 : memref<8x128xf32, #tpu.memory_space<vmem>>) target_semaphore(%arg14 : memref<!tpu.dma_semaphore, #tpu.memory_space<semaphore_mem>>)
      %dma_start3A_3045 = arith.constant 2 : i32
      %dma_start3A_3046 = arith.constant 1 : i32
      %dma_start3A_3047 = arith.constant 8 : i32
      %dma_start3A_3048 = arith.constant 0 : i32
      %dma_start3A_3049 = tpu.memref_slice %arg10[%dma_start3A_3045, %dma_start3A_3046, %dma_start3A_3047, %dma_start3A_3048] : memref<4x4x16x128xf32, #tpu.memory_space<vmem>> -> memref<1x1x8x128xf32, #tpu.memory_space<vmem>>
      %dma_start3A_3050 = tpu.memref_squeeze %dma_start3A_3049 : memref<1x1x8x128xf32, #tpu.memory_space<vmem>> -> memref<8x128xf32, #tpu.memory_space<vmem>>
      %dma_start3A_3051 = arith.constant 8 : i32
      %dma_start3A_3052 = tpu.memref_slice %arg5[%dma_start3A_3051, %multiple_of3A_3002] : memref<16x1000000xf32, #tpu.memory_space<hbm>> -> memref<8x128xf32, #tpu.memory_space<hbm>>
      %dma_start3A_3053 = arith.constant 8 : i32
      %dma_start3A_3054 = arith.constant 0 : i32
      %dma_start3A_3055 = tpu.memref_slice %arg10[%dma_start3A_3045, %dma_start3A_3046, %dma_start3A_3053, %dma_start3A_3054] : memref<4x4x16x128xf32, #tpu.memory_space<vmem>> -> memref<1x1x8x128xf32, #tpu.memory_space<vmem>>
      %dma_start3A_3056 = tpu.memref_squeeze %dma_start3A_3055 : memref<1x1x8x128xf32, #tpu.memory_space<vmem>> -> memref<8x128xf32, #tpu.memory_space<vmem>>
      %dma_start3A_3057 = arith.constant 8 : i32
      %dma_start3A_3058 = tpu.memref_slice %arg5[%dma_start3A_3057, %multiple_of3A_3002] : memref<16x1000000xf32, #tpu.memory_space<hbm>> -> memref<8x128xf32, #tpu.memory_space<hbm>>
      tpu.enqueue_dma source(%dma_start3A_3058 : memref<8x128xf32, #tpu.memory_space<hbm>>) target(%dma_start3A_3056 : memref<8x128xf32, #tpu.memory_space<vmem>>) target_semaphore(%arg18 : memref<!tpu.dma_semaphore, #tpu.memory_space<semaphore_mem>>)
      %slice3A_3059 = vector.extract_strided_slice %shift_left3A_2928 {offsets = [2], sizes = [1], strides = [1]} : vector<16xi32> to vector<1xi32>
      %squeeze3A_3060 = vector.extract %slice3A_3059[0] : i32 from vector<1xi32>
      %multiple_of3A_3061 = tpu.assume_multiple %squeeze3A_3060, 128 : i32
      %slice3A_3062 = vector.extract_strided_slice %shift_left3A_2934 {offsets = [2], sizes = [1], strides = [1]} : vector<16xi32> to vector<1xi32>
      %squeeze3A_3063 = vector.extract %slice3A_3062[0] : i32 from vector<1xi32>
      %multiple_of3A_3064 = tpu.assume_multiple %squeeze3A_3063, 128 : i32
      %dma_start3A_3065 = arith.constant 2 : i32
      %dma_start3A_3066 = arith.constant 2 : i32
      %dma_start3A_3067 = arith.constant 0 : i32
      %dma_start3A_3068 = arith.constant 0 : i32
      %dma_start3A_3069 = tpu.memref_slice %arg9[%dma_start3A_3065, %dma_start3A_3066, %dma_start3A_3067, %dma_start3A_3068] : memref<4x4x16x128xf32, #tpu.memory_space<vmem>> -> memref<1x1x8x128xf32, #tpu.memory_space<vmem>>
      %dma_start3A_3070 = tpu.memref_squeeze %dma_start3A_3069 : memref<1x1x8x128xf32, #tpu.memory_space<vmem>> -> memref<8x128xf32, #tpu.memory_space<vmem>>
      %dma_start3A_3071 = arith.constant 0 : i32
      %dma_start3A_3072 = tpu.memref_slice %arg4[%dma_start3A_3071, %multiple_of3A_3061] : memref<16x1000000xf32, #tpu.memory_space<hbm>> -> memref<8x128xf32, #tpu.memory_space<hbm>>
      %dma_start3A_3073 = arith.constant 0 : i32
      %dma_start3A_3074 = arith.constant 0 : i32
      %dma_start3A_3075 = tpu.memref_slice %arg9[%dma_start3A_3065, %dma_start3A_3066, %dma_start3A_3073, %dma_start3A_3074] : memref<4x4x16x128xf32, #tpu.memory_space<vmem>> -> memref<1x1x8x128xf32, #tpu.memory_space<vmem>>
      %dma_start3A_3076 = tpu.memref_squeeze %dma_start3A_3075 : memref<1x1x8x128xf32, #tpu.memory_space<vmem>> -> memref<8x128xf32, #tpu.memory_space<vmem>>
      %dma_start3A_3077 = arith.constant 0 : i32
      %dma_start3A_3078 = tpu.memref_slice %arg4[%dma_start3A_3077, %multiple_of3A_3061] : memref<16x1000000xf32, #tpu.memory_space<hbm>> -> memref<8x128xf32, #tpu.memory_space<hbm>>
      tpu.enqueue_dma source(%dma_start3A_3078 : memref<8x128xf32, #tpu.memory_space<hbm>>) target(%dma_start3A_3076 : memref<8x128xf32, #tpu.memory_space<vmem>>) target_semaphore(%arg14 : memref<!tpu.dma_semaphore, #tpu.memory_space<semaphore_mem>>)
      %dma_start3A_3079 = arith.constant 2 : i32
      %dma_start3A_3080 = arith.constant 2 : i32
      %dma_start3A_3081 = arith.constant 0 : i32
      %dma_start3A_3082 = arith.constant 0 : i32
      %dma_start3A_3083 = tpu.memref_slice %arg10[%dma_start3A_3079, %dma_start3A_3080, %dma_start3A_3081, %dma_start3A_3082] : memref<4x4x16x128xf32, #tpu.memory_space<vmem>> -> memref<1x1x8x128xf32, #tpu.memory_space<vmem>>
      %dma_start3A_3084 = tpu.memref_squeeze %dma_start3A_3083 : memref<1x1x8x128xf32, #tpu.memory_space<vmem>> -> memref<8x128xf32, #tpu.memory_space<vmem>>
      %dma_start3A_3085 = arith.constant 0 : i32
      %dma_start3A_3086 = tpu.memref_slice %arg5[%dma_start3A_3085, %multiple_of3A_3064] : memref<16x1000000xf32, #tpu.memory_space<hbm>> -> memref<8x128xf32, #tpu.memory_space<hbm>>
      %dma_start3A_3087 = arith.constant 0 : i32
      %dma_start3A_3088 = arith.constant 0 : i32
      %dma_start3A_3089 = tpu.memref_slice %arg10[%dma_start3A_3079, %dma_start3A_3080, %dma_start3A_3087, %dma_start3A_3088] : memref<4x4x16x128xf32, #tpu.memory_space<vmem>> -> memref<1x1x8x128xf32, #tpu.memory_space<vmem>>
      %dma_start3A_3090 = tpu.memref_squeeze %dma_start3A_3089 : memref<1x1x8x128xf32, #tpu.memory_space<vmem>> -> memref<8x128xf32, #tpu.memory_space<vmem>>
      %dma_start3A_3091 = arith.constant 0 : i32
      %dma_start3A_3092 = tpu.memref_slice %arg5[%dma_start3A_3091, %multiple_of3A_3064] : memref<16x1000000xf32, #tpu.memory_space<hbm>> -> memref<8x128xf32, #tpu.memory_space<hbm>>
      tpu.enqueue_dma source(%dma_start3A_3092 : memref<8x128xf32, #tpu.memory_space<hbm>>) target(%dma_start3A_3090 : memref<8x128xf32, #tpu.memory_space<vmem>>) target_semaphore(%arg18 : memref<!tpu.dma_semaphore, #tpu.memory_space<semaphore_mem>>)
      %dma_start3A_3093 = arith.constant 2 : i32
      %dma_start3A_3094 = arith.constant 2 : i32
      %dma_start3A_3095 = arith.constant 8 : i32
      %dma_start3A_3096 = arith.constant 0 : i32
      %dma_start3A_3097 = tpu.memref_slice %arg9[%dma_start3A_3093, %dma_start3A_3094, %dma_start3A_3095, %dma_start3A_3096] : memref<4x4x16x128xf32, #tpu.memory_space<vmem>> -> memref<1x1x8x128xf32, #tpu.memory_space<vmem>>
      %dma_start3A_3098 = tpu.memref_squeeze %dma_start3A_3097 : memref<1x1x8x128xf32, #tpu.memory_space<vmem>> -> memref<8x128xf32, #tpu.memory_space<vmem>>
      %dma_start3A_3099 = arith.constant 8 : i32
      %dma_start3A_3100 = tpu.memref_slice %arg4[%dma_start3A_3099, %multiple_of3A_3061] : memref<16x1000000xf32, #tpu.memory_space<hbm>> -> memref<8x128xf32, #tpu.memory_space<hbm>>
      %dma_start3A_3101 = arith.constant 8 : i32
      %dma_start3A_3102 = arith.constant 0 : i32
      %dma_start3A_3103 = tpu.memref_slice %arg9[%dma_start3A_3093, %dma_start3A_3094, %dma_start3A_3101, %dma_start3A_3102] : memref<4x4x16x128xf32, #tpu.memory_space<vmem>> -> memref<1x1x8x128xf32, #tpu.memory_space<vmem>>
      %dma_start3A_3104 = tpu.memref_squeeze %dma_start3A_3103 : memref<1x1x8x128xf32, #tpu.memory_space<vmem>> -> memref<8x128xf32, #tpu.memory_space<vmem>>
      %dma_start3A_3105 = arith.constant 8 : i32
      %dma_start3A_3106 = tpu.memref_slice %arg4[%dma_start3A_3105, %multiple_of3A_3061] : memref<16x1000000xf32, #tpu.memory_space<hbm>> -> memref<8x128xf32, #tpu.memory_space<hbm>>
      tpu.enqueue_dma source(%dma_start3A_3106 : memref<8x128xf32, #tpu.memory_space<hbm>>) target(%dma_start3A_3104 : memref<8x128xf32, #tpu.memory_space<vmem>>) target_semaphore(%arg14 : memref<!tpu.dma_semaphore, #tpu.memory_space<semaphore_mem>>)
      %dma_start3A_3107 = arith.constant 2 : i32
      %dma_start3A_3108 = arith.constant 2 : i32
      %dma_start3A_3109 = arith.constant 8 : i32
      %dma_start3A_3110 = arith.constant 0 : i32
      %dma_start3A_3111 = tpu.memref_slice %arg10[%dma_start3A_3107, %dma_start3A_3108, %dma_start3A_3109, %dma_start3A_3110] : memref<4x4x16x128xf32, #tpu.memory_space<vmem>> -> memref<1x1x8x128xf32, #tpu.memory_space<vmem>>
      %dma_start3A_3112 = tpu.memref_squeeze %dma_start3A_3111 : memref<1x1x8x128xf32, #tpu.memory_space<vmem>> -> memref<8x128xf32, #tpu.memory_space<vmem>>
      %dma_start3A_3113 = arith.constant 8 : i32
      %dma_start3A_3114 = tpu.memref_slice %arg5[%dma_start3A_3113, %multiple_of3A_3064] : memref<16x1000000xf32, #tpu.memory_space<hbm>> -> memref<8x128xf32, #tpu.memory_space<hbm>>
      %dma_start3A_3115 = arith.constant 8 : i32
      %dma_start3A_3116 = arith.constant 0 : i32
      %dma_start3A_3117 = tpu.memref_slice %arg10[%dma_start3A_3107, %dma_start3A_3108, %dma_start3A_3115, %dma_start3A_3116] : memref<4x4x16x128xf32, #tpu.memory_space<vmem>> -> memref<1x1x8x128xf32, #tpu.memory_space<vmem>>
      %dma_start3A_3118 = tpu.memref_squeeze %dma_start3A_3117 : memref<1x1x8x128xf32, #tpu.memory_space<vmem>> -> memref<8x128xf32, #tpu.memory_space<vmem>>
      %dma_start3A_3119 = arith.constant 8 : i32
      %dma_start3A_3120 = tpu.memref_slice %arg5[%dma_start3A_3119, %multiple_of3A_3064] : memref<16x1000000xf32, #tpu.memory_space<hbm>> -> memref<8x128xf32, #tpu.memory_space<hbm>>
      tpu.enqueue_dma source(%dma_start3A_3120 : memref<8x128xf32, #tpu.memory_space<hbm>>) target(%dma_start3A_3118 : memref<8x128xf32, #tpu.memory_space<vmem>>) target_semaphore(%arg18 : memref<!tpu.dma_semaphore, #tpu.memory_space<semaphore_mem>>)
      %slice3A_3121 = vector.extract_strided_slice %shift_left3A_2928 {offsets = [3], sizes = [1], strides = [1]} : vector<16xi32> to vector<1xi32>
      %squeeze3A_3122 = vector.extract %slice3A_3121[0] : i32 from vector<1xi32>
      %multiple_of3A_3123 = tpu.assume_multiple %squeeze3A_3122, 128 : i32
      %slice3A_3124 = vector.extract_strided_slice %shift_left3A_2934 {offsets = [3], sizes = [1], strides = [1]} : vector<16xi32> to vector<1xi32>
      %squeeze3A_3125 = vector.extract %slice3A_3124[0] : i32 from vector<1xi32>
      %multiple_of3A_3126 = tpu.assume_multiple %squeeze3A_3125, 128 : i32
      %dma_start3A_3127 = arith.constant 2 : i32
      %dma_start3A_3128 = arith.constant 3 : i32
      %dma_start3A_3129 = arith.constant 0 : i32
      %dma_start3A_3130 = arith.constant 0 : i32
      %dma_start3A_3131 = tpu.memref_slice %arg9[%dma_start3A_3127, %dma_start3A_3128, %dma_start3A_3129, %dma_start3A_3130] : memref<4x4x16x128xf32, #tpu.memory_space<vmem>> -> memref<1x1x8x128xf32, #tpu.memory_space<vmem>>
      %dma_start3A_3132 = tpu.memref_squeeze %dma_start3A_3131 : memref<1x1x8x128xf32, #tpu.memory_space<vmem>> -> memref<8x128xf32, #tpu.memory_space<vmem>>
      %dma_start3A_3133 = arith.constant 0 : i32
      %dma_start3A_3134 = tpu.memref_slice %arg4[%dma_start3A_3133, %multiple_of3A_3123] : memref<16x1000000xf32, #tpu.memory_space<hbm>> -> memref<8x128xf32, #tpu.memory_space<hbm>>
      %dma_start3A_3135 = arith.constant 0 : i32
      %dma_start3A_3136 = arith.constant 0 : i32
      %dma_start3A_3137 = tpu.memref_slice %arg9[%dma_start3A_3127, %dma_start3A_3128, %dma_start3A_3135, %dma_start3A_3136] : memref<4x4x16x128xf32, #tpu.memory_space<vmem>> -> memref<1x1x8x128xf32, #tpu.memory_space<vmem>>
      %dma_start3A_3138 = tpu.memref_squeeze %dma_start3A_3137 : memref<1x1x8x128xf32, #tpu.memory_space<vmem>> -> memref<8x128xf32, #tpu.memory_space<vmem>>
      %dma_start3A_3139 = arith.constant 0 : i32
      %dma_start3A_3140 = tpu.memref_slice %arg4[%dma_start3A_3139, %multiple_of3A_3123] : memref<16x1000000xf32, #tpu.memory_space<hbm>> -> memref<8x128xf32, #tpu.memory_space<hbm>>
      tpu.enqueue_dma source(%dma_start3A_3140 : memref<8x128xf32, #tpu.memory_space<hbm>>) target(%dma_start3A_3138 : memref<8x128xf32, #tpu.memory_space<vmem>>) target_semaphore(%arg14 : memref<!tpu.dma_semaphore, #tpu.memory_space<semaphore_mem>>)
      %dma_start3A_3141 = arith.constant 2 : i32
      %dma_start3A_3142 = arith.constant 3 : i32
      %dma_start3A_3143 = arith.constant 0 : i32
      %dma_start3A_3144 = arith.constant 0 : i32
      %dma_start3A_3145 = tpu.memref_slice %arg10[%dma_start3A_3141, %dma_start3A_3142, %dma_start3A_3143, %dma_start3A_3144] : memref<4x4x16x128xf32, #tpu.memory_space<vmem>> -> memref<1x1x8x128xf32, #tpu.memory_space<vmem>>
      %dma_start3A_3146 = tpu.memref_squeeze %dma_start3A_3145 : memref<1x1x8x128xf32, #tpu.memory_space<vmem>> -> memref<8x128xf32, #tpu.memory_space<vmem>>
      %dma_start3A_3147 = arith.constant 0 : i32
      %dma_start3A_3148 = tpu.memref_slice %arg5[%dma_start3A_3147, %multiple_of3A_3126] : memref<16x1000000xf32, #tpu.memory_space<hbm>> -> memref<8x128xf32, #tpu.memory_space<hbm>>
      %dma_start3A_3149 = arith.constant 0 : i32
      %dma_start3A_3150 = arith.constant 0 : i32
      %dma_start3A_3151 = tpu.memref_slice %arg10[%dma_start3A_3141, %dma_start3A_3142, %dma_start3A_3149, %dma_start3A_3150] : memref<4x4x16x128xf32, #tpu.memory_space<vmem>> -> memref<1x1x8x128xf32, #tpu.memory_space<vmem>>
      %dma_start3A_3152 = tpu.memref_squeeze %dma_start3A_3151 : memref<1x1x8x128xf32, #tpu.memory_space<vmem>> -> memref<8x128xf32, #tpu.memory_space<vmem>>
      %dma_start3A_3153 = arith.constant 0 : i32
      %dma_start3A_3154 = tpu.memref_slice %arg5[%dma_start3A_3153, %multiple_of3A_3126] : memref<16x1000000xf32, #tpu.memory_space<hbm>> -> memref<8x128xf32, #tpu.memory_space<hbm>>
      tpu.enqueue_dma source(%dma_start3A_3154 : memref<8x128xf32, #tpu.memory_space<hbm>>) target(%dma_start3A_3152 : memref<8x128xf32, #tpu.memory_space<vmem>>) target_semaphore(%arg18 : memref<!tpu.dma_semaphore, #tpu.memory_space<semaphore_mem>>)
      %dma_start3A_3155 = arith.constant 2 : i32
      %dma_start3A_3156 = arith.constant 3 : i32
      %dma_start3A_3157 = arith.constant 8 : i32
      %dma_start3A_3158 = arith.constant 0 : i32
      %dma_start3A_3159 = tpu.memref_slice %arg9[%dma_start3A_3155, %dma_start3A_3156, %dma_start3A_3157, %dma_start3A_3158] : memref<4x4x16x128xf32, #tpu.memory_space<vmem>> -> memref<1x1x8x128xf32, #tpu.memory_space<vmem>>
      %dma_start3A_3160 = tpu.memref_squeeze %dma_start3A_3159 : memref<1x1x8x128xf32, #tpu.memory_space<vmem>> -> memref<8x128xf32, #tpu.memory_space<vmem>>
      %dma_start3A_3161 = arith.constant 8 : i32
      %dma_start3A_3162 = tpu.memref_slice %arg4[%dma_start3A_3161, %multiple_of3A_3123] : memref<16x1000000xf32, #tpu.memory_space<hbm>> -> memref<8x128xf32, #tpu.memory_space<hbm>>
      %dma_start3A_3163 = arith.constant 8 : i32
      %dma_start3A_3164 = arith.constant 0 : i32
      %dma_start3A_3165 = tpu.memref_slice %arg9[%dma_start3A_3155, %dma_start3A_3156, %dma_start3A_3163, %dma_start3A_3164] : memref<4x4x16x128xf32, #tpu.memory_space<vmem>> -> memref<1x1x8x128xf32, #tpu.memory_space<vmem>>
      %dma_start3A_3166 = tpu.memref_squeeze %dma_start3A_3165 : memref<1x1x8x128xf32, #tpu.memory_space<vmem>> -> memref<8x128xf32, #tpu.memory_space<vmem>>
      %dma_start3A_3167 = arith.constant 8 : i32
      %dma_start3A_3168 = tpu.memref_slice %arg4[%dma_start3A_3167, %multiple_of3A_3123] : memref<16x1000000xf32, #tpu.memory_space<hbm>> -> memref<8x128xf32, #tpu.memory_space<hbm>>
      tpu.enqueue_dma source(%dma_start3A_3168 : memref<8x128xf32, #tpu.memory_space<hbm>>) target(%dma_start3A_3166 : memref<8x128xf32, #tpu.memory_space<vmem>>) target_semaphore(%arg14 : memref<!tpu.dma_semaphore, #tpu.memory_space<semaphore_mem>>)
      %dma_start3A_3169 = arith.constant 2 : i32
      %dma_start3A_3170 = arith.constant 3 : i32
      %dma_start3A_3171 = arith.constant 8 : i32
      %dma_start3A_3172 = arith.constant 0 : i32
      %dma_start3A_3173 = tpu.memref_slice %arg10[%dma_start3A_3169, %dma_start3A_3170, %dma_start3A_3171, %dma_start3A_3172] : memref<4x4x16x128xf32, #tpu.memory_space<vmem>> -> memref<1x1x8x128xf32, #tpu.memory_space<vmem>>
      %dma_start3A_3174 = tpu.memref_squeeze %dma_start3A_3173 : memref<1x1x8x128xf32, #tpu.memory_space<vmem>> -> memref<8x128xf32, #tpu.memory_space<vmem>>
      %dma_start3A_3175 = arith.constant 8 : i32
      %dma_start3A_3176 = tpu.memref_slice %arg5[%dma_start3A_3175, %multiple_of3A_3126] : memref<16x1000000xf32, #tpu.memory_space<hbm>> -> memref<8x128xf32, #tpu.memory_space<hbm>>
      %dma_start3A_3177 = arith.constant 8 : i32
      %dma_start3A_3178 = arith.constant 0 : i32
      %dma_start3A_3179 = tpu.memref_slice %arg10[%dma_start3A_3169, %dma_start3A_3170, %dma_start3A_3177, %dma_start3A_3178] : memref<4x4x16x128xf32, #tpu.memory_space<vmem>> -> memref<1x1x8x128xf32, #tpu.memory_space<vmem>>
      %dma_start3A_3180 = tpu.memref_squeeze %dma_start3A_3179 : memref<1x1x8x128xf32, #tpu.memory_space<vmem>> -> memref<8x128xf32, #tpu.memory_space<vmem>>
      %dma_start3A_3181 = arith.constant 8 : i32
      %dma_start3A_3182 = tpu.memref_slice %arg5[%dma_start3A_3181, %multiple_of3A_3126] : memref<16x1000000xf32, #tpu.memory_space<hbm>> -> memref<8x128xf32, #tpu.memory_space<hbm>>
      tpu.enqueue_dma source(%dma_start3A_3182 : memref<8x128xf32, #tpu.memory_space<hbm>>) target(%dma_start3A_3180 : memref<8x128xf32, #tpu.memory_space<vmem>>) target_semaphore(%arg18 : memref<!tpu.dma_semaphore, #tpu.memory_space<semaphore_mem>>)
      %slice3A_3183 = vector.extract_strided_slice %and3A_1207 {offsets = [12], sizes = [1], strides = [1]} : vector<16xi32> to vector<1xi32>
      %squeeze3A_3184 = vector.extract %slice3A_3183[0] : i32 from vector<1xi32>
      %broadcast_in_dim3A_3185 = vector.broadcast %squeeze3A_3184 : i32 to vector<16xi32>
      %slice3A_3186 = vector.extract_strided_slice %and3A_1210 {offsets = [12], sizes = [1], strides = [1]} : vector<16xi32> to vector<1xi32>
      %squeeze3A_3187 = vector.extract %slice3A_3186[0] : i32 from vector<1xi32>
      %broadcast_in_dim3A_3188 = vector.broadcast %squeeze3A_3187 : i32 to vector<16xi32>
      %gather3A_3189 = arith.constant 3 : i32
      %gather3A_3190 = arith.constant 0 : i32
      %gather3A_3191 = arith.constant 0 : i32
      %gather3A_3192 = arith.constant 0 : i32
      %gather3A_3193 = tpu.memref_slice %arg9[%gather3A_3189, %gather3A_3190, %gather3A_3191, %gather3A_3192] : memref<4x4x16x128xf32, #tpu.memory_space<vmem>> -> memref<1x1x16x128xf32, #tpu.memory_space<vmem>>
      %gather3A_3194 = tpu.memref_squeeze %gather3A_3193 : memref<1x1x16x128xf32, #tpu.memory_space<vmem>> -> memref<16x128xf32, #tpu.memory_space<vmem>>
      %gather3A_3195 = tpu.vector_load_idx %gather3A_3194[%iota3A, %broadcast_in_dim3A_3185] : memref<16x128xf32, #tpu.memory_space<vmem>>[vector<16xi32>, vector<16xi32>], vector<16xf32>,
      %gather3A_3196 = arith.constant 3 : i32
      %gather3A_3197 = arith.constant 0 : i32
      %gather3A_3198 = arith.constant 0 : i32
      %gather3A_3199 = arith.constant 0 : i32
      %gather3A_3200 = tpu.memref_slice %arg10[%gather3A_3196, %gather3A_3197, %gather3A_3198, %gather3A_3199] : memref<4x4x16x128xf32, #tpu.memory_space<vmem>> -> memref<1x1x16x128xf32, #tpu.memory_space<vmem>>
      %gather3A_3201 = tpu.memref_squeeze %gather3A_3200 : memref<1x1x16x128xf32, #tpu.memory_space<vmem>> -> memref<16x128xf32, #tpu.memory_space<vmem>>
      %gather3A_3202 = tpu.vector_load_idx %gather3A_3201[%iota3A, %broadcast_in_dim3A_3188] : memref<16x128xf32, #tpu.memory_space<vmem>>[vector<16xi32>, vector<16xi32>], vector<16xf32>,
      %mul3A_3203 = arith.mulf %gather3A_3195, %gather3A_3202 : vector<16xf32>
      %reduce_sum3A_3204 = arith.constant true
      %reduce_sum3A_3205 = vector.broadcast %reduce_sum3A_3204 : i1 to vector<16xi1>
      %reduce_sum3A_3206 = tpu.scan <sum>, %mul3A_3203 masked %reduce_sum3A_3205 : vector<16xf32>, vector<16xi1> -> vector<16xf32>
      %reduce_sum3A_3207 = vector.extract %reduce_sum3A_3206[15] : f32 from vector<16xf32>
      %eq3A_3208 = arith.constant 12 : i32
      %eq3A_3209 = vector.broadcast %eq3A_3208 : i32 to vector<16xi32>
      %eq3A_3210 = arith.cmpi eq, %iota3A, %eq3A_3209 : vector<16xi32>
      %broadcast_in_dim3A_3211 = vector.broadcast %reduce_sum3A_3207 : f32 to vector<16xf32>
      %select_n3A_3212 = arith.select %eq3A_3210, %broadcast_in_dim3A_3211, %select_n3A_2778 : vector<16xi1>, vector<16xf32>
      %slice3A_3213 = vector.extract_strided_slice %and3A_1207 {offsets = [13], sizes = [1], strides = [1]} : vector<16xi32> to vector<1xi32>
      %squeeze3A_3214 = vector.extract %slice3A_3213[0] : i32 from vector<1xi32>
      %broadcast_in_dim3A_3215 = vector.broadcast %squeeze3A_3214 : i32 to vector<16xi32>
      %slice3A_3216 = vector.extract_strided_slice %and3A_1210 {offsets = [13], sizes = [1], strides = [1]} : vector<16xi32> to vector<1xi32>
      %squeeze3A_3217 = vector.extract %slice3A_3216[0] : i32 from vector<1xi32>
      %broadcast_in_dim3A_3218 = vector.broadcast %squeeze3A_3217 : i32 to vector<16xi32>
      %gather3A_3219 = arith.constant 3 : i32
      %gather3A_3220 = arith.constant 1 : i32
      %gather3A_3221 = arith.constant 0 : i32
      %gather3A_3222 = arith.constant 0 : i32
      %gather3A_3223 = tpu.memref_slice %arg9[%gather3A_3219, %gather3A_3220, %gather3A_3221, %gather3A_3222] : memref<4x4x16x128xf32, #tpu.memory_space<vmem>> -> memref<1x1x16x128xf32, #tpu.memory_space<vmem>>
      %gather3A_3224 = tpu.memref_squeeze %gather3A_3223 : memref<1x1x16x128xf32, #tpu.memory_space<vmem>> -> memref<16x128xf32, #tpu.memory_space<vmem>>
      %gather3A_3225 = tpu.vector_load_idx %gather3A_3224[%iota3A, %broadcast_in_dim3A_3215] : memref<16x128xf32, #tpu.memory_space<vmem>>[vector<16xi32>, vector<16xi32>], vector<16xf32>,
      %gather3A_3226 = arith.constant 3 : i32
      %gather3A_3227 = arith.constant 1 : i32
      %gather3A_3228 = arith.constant 0 : i32
      %gather3A_3229 = arith.constant 0 : i32
      %gather3A_3230 = tpu.memref_slice %arg10[%gather3A_3226, %gather3A_3227, %gather3A_3228, %gather3A_3229] : memref<4x4x16x128xf32, #tpu.memory_space<vmem>> -> memref<1x1x16x128xf32, #tpu.memory_space<vmem>>
      %gather3A_3231 = tpu.memref_squeeze %gather3A_3230 : memref<1x1x16x128xf32, #tpu.memory_space<vmem>> -> memref<16x128xf32, #tpu.memory_space<vmem>>
      %gather3A_3232 = tpu.vector_load_idx %gather3A_3231[%iota3A, %broadcast_in_dim3A_3218] : memref<16x128xf32, #tpu.memory_space<vmem>>[vector<16xi32>, vector<16xi32>], vector<16xf32>,
      %mul3A_3233 = arith.mulf %gather3A_3225, %gather3A_3232 : vector<16xf32>
      %reduce_sum3A_3234 = arith.constant true
      %reduce_sum3A_3235 = vector.broadcast %reduce_sum3A_3234 : i1 to vector<16xi1>
      %reduce_sum3A_3236 = tpu.scan <sum>, %mul3A_3233 masked %reduce_sum3A_3235 : vector<16xf32>, vector<16xi1> -> vector<16xf32>
      %reduce_sum3A_3237 = vector.extract %reduce_sum3A_3236[15] : f32 from vector<16xf32>
      %eq3A_3238 = arith.constant 13 : i32
      %eq3A_3239 = vector.broadcast %eq3A_3238 : i32 to vector<16xi32>
      %eq3A_3240 = arith.cmpi eq, %iota3A, %eq3A_3239 : vector<16xi32>
      %broadcast_in_dim3A_3241 = vector.broadcast %reduce_sum3A_3237 : f32 to vector<16xf32>
      %select_n3A_3242 = arith.select %eq3A_3240, %broadcast_in_dim3A_3241, %select_n3A_3212 : vector<16xi1>, vector<16xf32>
      %slice3A_3243 = vector.extract_strided_slice %and3A_1207 {offsets = [14], sizes = [1], strides = [1]} : vector<16xi32> to vector<1xi32>
      %squeeze3A_3244 = vector.extract %slice3A_3243[0] : i32 from vector<1xi32>
      %broadcast_in_dim3A_3245 = vector.broadcast %squeeze3A_3244 : i32 to vector<16xi32>
      %slice3A_3246 = vector.extract_strided_slice %and3A_1210 {offsets = [14], sizes = [1], strides = [1]} : vector<16xi32> to vector<1xi32>
      %squeeze3A_3247 = vector.extract %slice3A_3246[0] : i32 from vector<1xi32>
      %broadcast_in_dim3A_3248 = vector.broadcast %squeeze3A_3247 : i32 to vector<16xi32>
      %gather3A_3249 = arith.constant 3 : i32
      %gather3A_3250 = arith.constant 2 : i32
      %gather3A_3251 = arith.constant 0 : i32
      %gather3A_3252 = arith.constant 0 : i32
      %gather3A_3253 = tpu.memref_slice %arg9[%gather3A_3249, %gather3A_3250, %gather3A_3251, %gather3A_3252] : memref<4x4x16x128xf32, #tpu.memory_space<vmem>> -> memref<1x1x16x128xf32, #tpu.memory_space<vmem>>
      %gather3A_3254 = tpu.memref_squeeze %gather3A_3253 : memref<1x1x16x128xf32, #tpu.memory_space<vmem>> -> memref<16x128xf32, #tpu.memory_space<vmem>>
      %gather3A_3255 = tpu.vector_load_idx %gather3A_3254[%iota3A, %broadcast_in_dim3A_3245] : memref<16x128xf32, #tpu.memory_space<vmem>>[vector<16xi32>, vector<16xi32>], vector<16xf32>,
      %gather3A_3256 = arith.constant 3 : i32
      %gather3A_3257 = arith.constant 2 : i32
      %gather3A_3258 = arith.constant 0 : i32
      %gather3A_3259 = arith.constant 0 : i32
      %gather3A_3260 = tpu.memref_slice %arg10[%gather3A_3256, %gather3A_3257, %gather3A_3258, %gather3A_3259] : memref<4x4x16x128xf32, #tpu.memory_space<vmem>> -> memref<1x1x16x128xf32, #tpu.memory_space<vmem>>
      %gather3A_3261 = tpu.memref_squeeze %gather3A_3260 : memref<1x1x16x128xf32, #tpu.memory_space<vmem>> -> memref<16x128xf32, #tpu.memory_space<vmem>>
      %gather3A_3262 = tpu.vector_load_idx %gather3A_3261[%iota3A, %broadcast_in_dim3A_3248] : memref<16x128xf32, #tpu.memory_space<vmem>>[vector<16xi32>, vector<16xi32>], vector<16xf32>,
      %mul3A_3263 = arith.mulf %gather3A_3255, %gather3A_3262 : vector<16xf32>
      %reduce_sum3A_3264 = arith.constant true
      %reduce_sum3A_3265 = vector.broadcast %reduce_sum3A_3264 : i1 to vector<16xi1>
      %reduce_sum3A_3266 = tpu.scan <sum>, %mul3A_3263 masked %reduce_sum3A_3265 : vector<16xf32>, vector<16xi1> -> vector<16xf32>
      %reduce_sum3A_3267 = vector.extract %reduce_sum3A_3266[15] : f32 from vector<16xf32>
      %eq3A_3268 = arith.constant 14 : i32
      %eq3A_3269 = vector.broadcast %eq3A_3268 : i32 to vector<16xi32>
      %eq3A_3270 = arith.cmpi eq, %iota3A, %eq3A_3269 : vector<16xi32>
      %broadcast_in_dim3A_3271 = vector.broadcast %reduce_sum3A_3267 : f32 to vector<16xf32>
      %select_n3A_3272 = arith.select %eq3A_3270, %broadcast_in_dim3A_3271, %select_n3A_3242 : vector<16xi1>, vector<16xf32>
      %slice3A_3273 = vector.extract_strided_slice %and3A_1207 {offsets = [15], sizes = [1], strides = [1]} : vector<16xi32> to vector<1xi32>
      %squeeze3A_3274 = vector.extract %slice3A_3273[0] : i32 from vector<1xi32>
      %broadcast_in_dim3A_3275 = vector.broadcast %squeeze3A_3274 : i32 to vector<16xi32>
      %slice3A_3276 = vector.extract_strided_slice %and3A_1210 {offsets = [15], sizes = [1], strides = [1]} : vector<16xi32> to vector<1xi32>
      %squeeze3A_3277 = vector.extract %slice3A_3276[0] : i32 from vector<1xi32>
      %broadcast_in_dim3A_3278 = vector.broadcast %squeeze3A_3277 : i32 to vector<16xi32>
      %gather3A_3279 = arith.constant 3 : i32
      %gather3A_3280 = arith.constant 3 : i32
      %gather3A_3281 = arith.constant 0 : i32
      %gather3A_3282 = arith.constant 0 : i32
      %gather3A_3283 = tpu.memref_slice %arg9[%gather3A_3279, %gather3A_3280, %gather3A_3281, %gather3A_3282] : memref<4x4x16x128xf32, #tpu.memory_space<vmem>> -> memref<1x1x16x128xf32, #tpu.memory_space<vmem>>
      %gather3A_3284 = tpu.memref_squeeze %gather3A_3283 : memref<1x1x16x128xf32, #tpu.memory_space<vmem>> -> memref<16x128xf32, #tpu.memory_space<vmem>>
      %gather3A_3285 = tpu.vector_load_idx %gather3A_3284[%iota3A, %broadcast_in_dim3A_3275] : memref<16x128xf32, #tpu.memory_space<vmem>>[vector<16xi32>, vector<16xi32>], vector<16xf32>,
      %gather3A_3286 = arith.constant 3 : i32
      %gather3A_3287 = arith.constant 3 : i32
      %gather3A_3288 = arith.constant 0 : i32
      %gather3A_3289 = arith.constant 0 : i32
      %gather3A_3290 = tpu.memref_slice %arg10[%gather3A_3286, %gather3A_3287, %gather3A_3288, %gather3A_3289] : memref<4x4x16x128xf32, #tpu.memory_space<vmem>> -> memref<1x1x16x128xf32, #tpu.memory_space<vmem>>
      %gather3A_3291 = tpu.memref_squeeze %gather3A_3290 : memref<1x1x16x128xf32, #tpu.memory_space<vmem>> -> memref<16x128xf32, #tpu.memory_space<vmem>>
      %gather3A_3292 = tpu.vector_load_idx %gather3A_3291[%iota3A, %broadcast_in_dim3A_3278] : memref<16x128xf32, #tpu.memory_space<vmem>>[vector<16xi32>, vector<16xi32>], vector<16xf32>,
      %mul3A_3293 = arith.mulf %gather3A_3285, %gather3A_3292 : vector<16xf32>
      %reduce_sum3A_3294 = arith.constant true
      %reduce_sum3A_3295 = vector.broadcast %reduce_sum3A_3294 : i1 to vector<16xi1>
      %reduce_sum3A_3296 = tpu.scan <sum>, %mul3A_3293 masked %reduce_sum3A_3295 : vector<16xf32>, vector<16xi1> -> vector<16xf32>
      %reduce_sum3A_3297 = vector.extract %reduce_sum3A_3296[15] : f32 from vector<16xf32>
      %eq3A_3298 = arith.constant 15 : i32
      %eq3A_3299 = vector.broadcast %eq3A_3298 : i32 to vector<16xi32>
      %eq3A_3300 = arith.cmpi eq, %iota3A, %eq3A_3299 : vector<16xi32>
      %broadcast_in_dim3A_3301 = vector.broadcast %reduce_sum3A_3297 : f32 to vector<16xf32>
      %select_n3A_3302 = arith.select %eq3A_3300, %broadcast_in_dim3A_3301, %select_n3A_3272 : vector<16xi1>, vector<16xf32>
      %neg3A = arith.constant 0.000000e+00 : f32
      %neg3A_3303 = vector.broadcast %neg3A : f32 to vector<16xf32>
      %neg3A_3304 = arith.subf %neg3A_3303, %select_n3A_3302 : vector<16xf32>
      %exp3A = math.exp %neg3A_3304 : vector<16xf32>
      %add3A_3305 = arith.constant 1.000000e+00 : f32
      %add3A_3306 = vector.broadcast %add3A_3305 : f32 to vector<16xf32>
      %add3A_3307 = arith.addf %add3A_3306, %exp3A : vector<16xf32>
      %div3A = arith.constant 1.000000e+00 : f32
      %div3A_3308 = vector.broadcast %div3A : f32 to vector<16xf32>
      %div3A_3309 = arith.divf %div3A_3308, %add3A_3307 : vector<16xf32>
      %mul3A_3310 = arith.constant 16 : i32
      %mul3A_3311 = arith.muli %scan3A_1196, %mul3A_3310 : i32
      %swap3A = arith.index_cast %mul3A_3311 : i32 to index
      %swap3A_3312 = tpu.vector_load %arg11[%swap3A] {strides = array<i32>} : memref<512xf32, #tpu.memory_space<vmem>>, vector<16xf32>,
      tpu.vector_store %arg11[%swap3A], %div3A_3309 {strides = array<i32>} : memref<512xf32, #tpu.memory_space<vmem>>, vector<16xf32>,
    }
    %scan3A_812 = arith.constant 32 : i32
    %dma_wait3A = arith.constant 0 : i32
    %dma_wait3A_813 = arith.constant 0 : i32
    %dma_wait3A_814 = arith.constant 0 : i32
    %dma_wait3A_815 = arith.constant 0 : i32
    %dma_wait3A_816 = tpu.memref_slice %arg9[%dma_wait3A, %dma_wait3A_813, %dma_wait3A_814, %dma_wait3A_815] : memref<4x4x16x128xf32, #tpu.memory_space<vmem>> -> memref<1x1x16x128xf32, #tpu.memory_space<vmem>>
    %dma_wait3A_817 = tpu.memref_squeeze %dma_wait3A_816 : memref<1x1x16x128xf32, #tpu.memory_space<vmem>> -> memref<16x128xf32, #tpu.memory_space<vmem>>
    %dma_wait3A_818 = arith.constant 0 : i32
    %dma_wait3A_819 = arith.constant 0 : i32
    %dma_wait3A_820 = tpu.memref_slice %arg4[%dma_wait3A_818, %dma_wait3A_819] : memref<16x1000000xf32, #tpu.memory_space<hbm>> -> memref<16x128xf32, #tpu.memory_space<hbm>>
    %dma_wait3A_821 = arith.constant 0 : i32
    %dma_wait3A_822 = arith.constant 0 : i32
    %dma_wait3A_823 = tpu.memref_slice %arg9[%dma_wait3A, %dma_wait3A_813, %dma_wait3A_821, %dma_wait3A_822] : memref<4x4x16x128xf32, #tpu.memory_space<vmem>> -> memref<1x1x16x128xf32, #tpu.memory_space<vmem>>
    %dma_wait3A_824 = tpu.memref_squeeze %dma_wait3A_823 : memref<1x1x16x128xf32, #tpu.memory_space<vmem>> -> memref<16x128xf32, #tpu.memory_space<vmem>>
    %dma_wait3A_825 = arith.constant 0 : i32
    %dma_wait3A_826 = arith.constant 0 : i32
    %dma_wait3A_827 = tpu.memref_slice %arg4[%dma_wait3A_825, %dma_wait3A_826] : memref<16x1000000xf32, #tpu.memory_space<hbm>> -> memref<16x128xf32, #tpu.memory_space<hbm>>
    tpu.wait_dma2 semaphore(%arg12 : memref<!tpu.dma_semaphore, #tpu.memory_space<semaphore_mem>>) src(%dma_wait3A_827 : memref<16x128xf32, #tpu.memory_space<hbm>>) dst(%dma_wait3A_824 : memref<16x128xf32, #tpu.memory_space<vmem>>)
    %dma_wait3A_828 = arith.constant 0 : i32
    %dma_wait3A_829 = arith.constant 0 : i32
    %dma_wait3A_830 = arith.constant 0 : i32
    %dma_wait3A_831 = arith.constant 0 : i32
    %dma_wait3A_832 = tpu.memref_slice %arg10[%dma_wait3A_828, %dma_wait3A_829, %dma_wait3A_830, %dma_wait3A_831] : memref<4x4x16x128xf32, #tpu.memory_space<vmem>> -> memref<1x1x16x128xf32, #tpu.memory_space<vmem>>
    %dma_wait3A_833 = tpu.memref_squeeze %dma_wait3A_832 : memref<1x1x16x128xf32, #tpu.memory_space<vmem>> -> memref<16x128xf32, #tpu.memory_space<vmem>>
    %dma_wait3A_834 = arith.constant 0 : i32
    %dma_wait3A_835 = arith.constant 0 : i32
    %dma_wait3A_836 = tpu.memref_slice %arg5[%dma_wait3A_834, %dma_wait3A_835] : memref<16x1000000xf32, #tpu.memory_space<hbm>> -> memref<16x128xf32, #tpu.memory_space<hbm>>
    %dma_wait3A_837 = arith.constant 0 : i32
    %dma_wait3A_838 = arith.constant 0 : i32
    %dma_wait3A_839 = tpu.memref_slice %arg10[%dma_wait3A_828, %dma_wait3A_829, %dma_wait3A_837, %dma_wait3A_838] : memref<4x4x16x128xf32, #tpu.memory_space<vmem>> -> memref<1x1x16x128xf32, #tpu.memory_space<vmem>>
    %dma_wait3A_840 = tpu.memref_squeeze %dma_wait3A_839 : memref<1x1x16x128xf32, #tpu.memory_space<vmem>> -> memref<16x128xf32, #tpu.memory_space<vmem>>
    %dma_wait3A_841 = arith.constant 0 : i32
    %dma_wait3A_842 = arith.constant 0 : i32
    %dma_wait3A_843 = tpu.memref_slice %arg5[%dma_wait3A_841, %dma_wait3A_842] : memref<16x1000000xf32, #tpu.memory_space<hbm>> -> memref<16x128xf32, #tpu.memory_space<hbm>>
    tpu.wait_dma2 semaphore(%arg16 : memref<!tpu.dma_semaphore, #tpu.memory_space<semaphore_mem>>) src(%dma_wait3A_843 : memref<16x128xf32, #tpu.memory_space<hbm>>) dst(%dma_wait3A_840 : memref<16x128xf32, #tpu.memory_space<vmem>>)
    %dma_wait3A_844 = arith.constant 0 : i32
    %dma_wait3A_845 = arith.constant 1 : i32
    %dma_wait3A_846 = arith.constant 0 : i32
    %dma_wait3A_847 = arith.constant 0 : i32
    %dma_wait3A_848 = tpu.memref_slice %arg9[%dma_wait3A_844, %dma_wait3A_845, %dma_wait3A_846, %dma_wait3A_847] : memref<4x4x16x128xf32, #tpu.memory_space<vmem>> -> memref<1x1x16x128xf32, #tpu.memory_space<vmem>>
    %dma_wait3A_849 = tpu.memref_squeeze %dma_wait3A_848 : memref<1x1x16x128xf32, #tpu.memory_space<vmem>> -> memref<16x128xf32, #tpu.memory_space<vmem>>
    %dma_wait3A_850 = arith.constant 0 : i32
    %dma_wait3A_851 = arith.constant 0 : i32
    %dma_wait3A_852 = tpu.memref_slice %arg4[%dma_wait3A_850, %dma_wait3A_851] : memref<16x1000000xf32, #tpu.memory_space<hbm>> -> memref<16x128xf32, #tpu.memory_space<hbm>>
    %dma_wait3A_853 = arith.constant 0 : i32
    %dma_wait3A_854 = arith.constant 0 : i32
    %dma_wait3A_855 = tpu.memref_slice %arg9[%dma_wait3A_844, %dma_wait3A_845, %dma_wait3A_853, %dma_wait3A_854] : memref<4x4x16x128xf32, #tpu.memory_space<vmem>> -> memref<1x1x16x128xf32, #tpu.memory_space<vmem>>
    %dma_wait3A_856 = tpu.memref_squeeze %dma_wait3A_855 : memref<1x1x16x128xf32, #tpu.memory_space<vmem>> -> memref<16x128xf32, #tpu.memory_space<vmem>>
    %dma_wait3A_857 = arith.constant 0 : i32
    %dma_wait3A_858 = arith.constant 0 : i32
    %dma_wait3A_859 = tpu.memref_slice %arg4[%dma_wait3A_857, %dma_wait3A_858] : memref<16x1000000xf32, #tpu.memory_space<hbm>> -> memref<16x128xf32, #tpu.memory_space<hbm>>
    tpu.wait_dma2 semaphore(%arg12 : memref<!tpu.dma_semaphore, #tpu.memory_space<semaphore_mem>>) src(%dma_wait3A_859 : memref<16x128xf32, #tpu.memory_space<hbm>>) dst(%dma_wait3A_856 : memref<16x128xf32, #tpu.memory_space<vmem>>)
    %dma_wait3A_860 = arith.constant 0 : i32
    %dma_wait3A_861 = arith.constant 1 : i32
    %dma_wait3A_862 = arith.constant 0 : i32
    %dma_wait3A_863 = arith.constant 0 : i32
    %dma_wait3A_864 = tpu.memref_slice %arg10[%dma_wait3A_860, %dma_wait3A_861, %dma_wait3A_862, %dma_wait3A_863] : memref<4x4x16x128xf32, #tpu.memory_space<vmem>> -> memref<1x1x16x128xf32, #tpu.memory_space<vmem>>
    %dma_wait3A_865 = tpu.memref_squeeze %dma_wait3A_864 : memref<1x1x16x128xf32, #tpu.memory_space<vmem>> -> memref<16x128xf32, #tpu.memory_space<vmem>>
    %dma_wait3A_866 = arith.constant 0 : i32
    %dma_wait3A_867 = arith.constant 0 : i32
    %dma_wait3A_868 = tpu.memref_slice %arg5[%dma_wait3A_866, %dma_wait3A_867] : memref<16x1000000xf32, #tpu.memory_space<hbm>> -> memref<16x128xf32, #tpu.memory_space<hbm>>
    %dma_wait3A_869 = arith.constant 0 : i32
    %dma_wait3A_870 = arith.constant 0 : i32
    %dma_wait3A_871 = tpu.memref_slice %arg10[%dma_wait3A_860, %dma_wait3A_861, %dma_wait3A_869, %dma_wait3A_870] : memref<4x4x16x128xf32, #tpu.memory_space<vmem>> -> memref<1x1x16x128xf32, #tpu.memory_space<vmem>>
    %dma_wait3A_872 = tpu.memref_squeeze %dma_wait3A_871 : memref<1x1x16x128xf32, #tpu.memory_space<vmem>> -> memref<16x128xf32, #tpu.memory_space<vmem>>
    %dma_wait3A_873 = arith.constant 0 : i32
    %dma_wait3A_874 = arith.constant 0 : i32
    %dma_wait3A_875 = tpu.memref_slice %arg5[%dma_wait3A_873, %dma_wait3A_874] : memref<16x1000000xf32, #tpu.memory_space<hbm>> -> memref<16x128xf32, #tpu.memory_space<hbm>>
    tpu.wait_dma2 semaphore(%arg16 : memref<!tpu.dma_semaphore, #tpu.memory_space<semaphore_mem>>) src(%dma_wait3A_875 : memref<16x128xf32, #tpu.memory_space<hbm>>) dst(%dma_wait3A_872 : memref<16x128xf32, #tpu.memory_space<vmem>>)
    %dma_wait3A_876 = arith.constant 0 : i32
    %dma_wait3A_877 = arith.constant 2 : i32
    %dma_wait3A_878 = arith.constant 0 : i32
    %dma_wait3A_879 = arith.constant 0 : i32
    %dma_wait3A_880 = tpu.memref_slice %arg9[%dma_wait3A_876, %dma_wait3A_877, %dma_wait3A_878, %dma_wait3A_879] : memref<4x4x16x128xf32, #tpu.memory_space<vmem>> -> memref<1x1x16x128xf32, #tpu.memory_space<vmem>>
    %dma_wait3A_881 = tpu.memref_squeeze %dma_wait3A_880 : memref<1x1x16x128xf32, #tpu.memory_space<vmem>> -> memref<16x128xf32, #tpu.memory_space<vmem>>
    %dma_wait3A_882 = arith.constant 0 : i32
    %dma_wait3A_883 = arith.constant 0 : i32
    %dma_wait3A_884 = tpu.memref_slice %arg4[%dma_wait3A_882, %dma_wait3A_883] : memref<16x1000000xf32, #tpu.memory_space<hbm>> -> memref<16x128xf32, #tpu.memory_space<hbm>>
    %dma_wait3A_885 = arith.constant 0 : i32
    %dma_wait3A_886 = arith.constant 0 : i32
    %dma_wait3A_887 = tpu.memref_slice %arg9[%dma_wait3A_876, %dma_wait3A_877, %dma_wait3A_885, %dma_wait3A_886] : memref<4x4x16x128xf32, #tpu.memory_space<vmem>> -> memref<1x1x16x128xf32, #tpu.memory_space<vmem>>
    %dma_wait3A_888 = tpu.memref_squeeze %dma_wait3A_887 : memref<1x1x16x128xf32, #tpu.memory_space<vmem>> -> memref<16x128xf32, #tpu.memory_space<vmem>>
    %dma_wait3A_889 = arith.constant 0 : i32
    %dma_wait3A_890 = arith.constant 0 : i32
    %dma_wait3A_891 = tpu.memref_slice %arg4[%dma_wait3A_889, %dma_wait3A_890] : memref<16x1000000xf32, #tpu.memory_space<hbm>> -> memref<16x128xf32, #tpu.memory_space<hbm>>
    tpu.wait_dma2 semaphore(%arg12 : memref<!tpu.dma_semaphore, #tpu.memory_space<semaphore_mem>>) src(%dma_wait3A_891 : memref<16x128xf32, #tpu.memory_space<hbm>>) dst(%dma_wait3A_888 : memref<16x128xf32, #tpu.memory_space<vmem>>)
    %dma_wait3A_892 = arith.constant 0 : i32
    %dma_wait3A_893 = arith.constant 2 : i32
    %dma_wait3A_894 = arith.constant 0 : i32
    %dma_wait3A_895 = arith.constant 0 : i32
    %dma_wait3A_896 = tpu.memref_slice %arg10[%dma_wait3A_892, %dma_wait3A_893, %dma_wait3A_894, %dma_wait3A_895] : memref<4x4x16x128xf32, #tpu.memory_space<vmem>> -> memref<1x1x16x128xf32, #tpu.memory_space<vmem>>
    %dma_wait3A_897 = tpu.memref_squeeze %dma_wait3A_896 : memref<1x1x16x128xf32, #tpu.memory_space<vmem>> -> memref<16x128xf32, #tpu.memory_space<vmem>>
    %dma_wait3A_898 = arith.constant 0 : i32
    %dma_wait3A_899 = arith.constant 0 : i32
    %dma_wait3A_900 = tpu.memref_slice %arg5[%dma_wait3A_898, %dma_wait3A_899] : memref<16x1000000xf32, #tpu.memory_space<hbm>> -> memref<16x128xf32, #tpu.memory_space<hbm>>
    %dma_wait3A_901 = arith.constant 0 : i32
    %dma_wait3A_902 = arith.constant 0 : i32
    %dma_wait3A_903 = tpu.memref_slice %arg10[%dma_wait3A_892, %dma_wait3A_893, %dma_wait3A_901, %dma_wait3A_902] : memref<4x4x16x128xf32, #tpu.memory_space<vmem>> -> memref<1x1x16x128xf32, #tpu.memory_space<vmem>>
    %dma_wait3A_904 = tpu.memref_squeeze %dma_wait3A_903 : memref<1x1x16x128xf32, #tpu.memory_space<vmem>> -> memref<16x128xf32, #tpu.memory_space<vmem>>
    %dma_wait3A_905 = arith.constant 0 : i32
    %dma_wait3A_906 = arith.constant 0 : i32
    %dma_wait3A_907 = tpu.memref_slice %arg5[%dma_wait3A_905, %dma_wait3A_906] : memref<16x1000000xf32, #tpu.memory_space<hbm>> -> memref<16x128xf32, #tpu.memory_space<hbm>>
    tpu.wait_dma2 semaphore(%arg16 : memref<!tpu.dma_semaphore, #tpu.memory_space<semaphore_mem>>) src(%dma_wait3A_907 : memref<16x128xf32, #tpu.memory_space<hbm>>) dst(%dma_wait3A_904 : memref<16x128xf32, #tpu.memory_space<vmem>>)
    %dma_wait3A_908 = arith.constant 0 : i32
    %dma_wait3A_909 = arith.constant 3 : i32
    %dma_wait3A_910 = arith.constant 0 : i32
    %dma_wait3A_911 = arith.constant 0 : i32
    %dma_wait3A_912 = tpu.memref_slice %arg9[%dma_wait3A_908, %dma_wait3A_909, %dma_wait3A_910, %dma_wait3A_911] : memref<4x4x16x128xf32, #tpu.memory_space<vmem>> -> memref<1x1x16x128xf32, #tpu.memory_space<vmem>>
    %dma_wait3A_913 = tpu.memref_squeeze %dma_wait3A_912 : memref<1x1x16x128xf32, #tpu.memory_space<vmem>> -> memref<16x128xf32, #tpu.memory_space<vmem>>
    %dma_wait3A_914 = arith.constant 0 : i32
    %dma_wait3A_915 = arith.constant 0 : i32
    %dma_wait3A_916 = tpu.memref_slice %arg4[%dma_wait3A_914, %dma_wait3A_915] : memref<16x1000000xf32, #tpu.memory_space<hbm>> -> memref<16x128xf32, #tpu.memory_space<hbm>>
    %dma_wait3A_917 = arith.constant 0 : i32
    %dma_wait3A_918 = arith.constant 0 : i32
    %dma_wait3A_919 = tpu.memref_slice %arg9[%dma_wait3A_908, %dma_wait3A_909, %dma_wait3A_917, %dma_wait3A_918] : memref<4x4x16x128xf32, #tpu.memory_space<vmem>> -> memref<1x1x16x128xf32, #tpu.memory_space<vmem>>
    %dma_wait3A_920 = tpu.memref_squeeze %dma_wait3A_919 : memref<1x1x16x128xf32, #tpu.memory_space<vmem>> -> memref<16x128xf32, #tpu.memory_space<vmem>>
    %dma_wait3A_921 = arith.constant 0 : i32
    %dma_wait3A_922 = arith.constant 0 : i32
    %dma_wait3A_923 = tpu.memref_slice %arg4[%dma_wait3A_921, %dma_wait3A_922] : memref<16x1000000xf32, #tpu.memory_space<hbm>> -> memref<16x128xf32, #tpu.memory_space<hbm>>
    tpu.wait_dma2 semaphore(%arg12 : memref<!tpu.dma_semaphore, #tpu.memory_space<semaphore_mem>>) src(%dma_wait3A_923 : memref<16x128xf32, #tpu.memory_space<hbm>>) dst(%dma_wait3A_920 : memref<16x128xf32, #tpu.memory_space<vmem>>)
    %dma_wait3A_924 = arith.constant 0 : i32
    %dma_wait3A_925 = arith.constant 3 : i32
    %dma_wait3A_926 = arith.constant 0 : i32
    %dma_wait3A_927 = arith.constant 0 : i32
    %dma_wait3A_928 = tpu.memref_slice %arg10[%dma_wait3A_924, %dma_wait3A_925, %dma_wait3A_926, %dma_wait3A_927] : memref<4x4x16x128xf32, #tpu.memory_space<vmem>> -> memref<1x1x16x128xf32, #tpu.memory_space<vmem>>
    %dma_wait3A_929 = tpu.memref_squeeze %dma_wait3A_928 : memref<1x1x16x128xf32, #tpu.memory_space<vmem>> -> memref<16x128xf32, #tpu.memory_space<vmem>>
    %dma_wait3A_930 = arith.constant 0 : i32
    %dma_wait3A_931 = arith.constant 0 : i32
    %dma_wait3A_932 = tpu.memref_slice %arg5[%dma_wait3A_930, %dma_wait3A_931] : memref<16x1000000xf32, #tpu.memory_space<hbm>> -> memref<16x128xf32, #tpu.memory_space<hbm>>
    %dma_wait3A_933 = arith.constant 0 : i32
    %dma_wait3A_934 = arith.constant 0 : i32
    %dma_wait3A_935 = tpu.memref_slice %arg10[%dma_wait3A_924, %dma_wait3A_925, %dma_wait3A_933, %dma_wait3A_934] : memref<4x4x16x128xf32, #tpu.memory_space<vmem>> -> memref<1x1x16x128xf32, #tpu.memory_space<vmem>>
    %dma_wait3A_936 = tpu.memref_squeeze %dma_wait3A_935 : memref<1x1x16x128xf32, #tpu.memory_space<vmem>> -> memref<16x128xf32, #tpu.memory_space<vmem>>
    %dma_wait3A_937 = arith.constant 0 : i32
    %dma_wait3A_938 = arith.constant 0 : i32
    %dma_wait3A_939 = tpu.memref_slice %arg5[%dma_wait3A_937, %dma_wait3A_938] : memref<16x1000000xf32, #tpu.memory_space<hbm>> -> memref<16x128xf32, #tpu.memory_space<hbm>>
    tpu.wait_dma2 semaphore(%arg16 : memref<!tpu.dma_semaphore, #tpu.memory_space<semaphore_mem>>) src(%dma_wait3A_939 : memref<16x128xf32, #tpu.memory_space<hbm>>) dst(%dma_wait3A_936 : memref<16x128xf32, #tpu.memory_space<vmem>>)
    %dma_wait3A_940 = arith.constant 1 : i32
    %dma_wait3A_941 = arith.constant 0 : i32
    %dma_wait3A_942 = arith.constant 0 : i32
    %dma_wait3A_943 = arith.constant 0 : i32
    %dma_wait3A_944 = tpu.memref_slice %arg9[%dma_wait3A_940, %dma_wait3A_941, %dma_wait3A_942, %dma_wait3A_943] : memref<4x4x16x128xf32, #tpu.memory_space<vmem>> -> memref<1x1x16x128xf32, #tpu.memory_space<vmem>>
    %dma_wait3A_945 = tpu.memref_squeeze %dma_wait3A_944 : memref<1x1x16x128xf32, #tpu.memory_space<vmem>> -> memref<16x128xf32, #tpu.memory_space<vmem>>
    %dma_wait3A_946 = arith.constant 0 : i32
    %dma_wait3A_947 = arith.constant 0 : i32
    %dma_wait3A_948 = tpu.memref_slice %arg4[%dma_wait3A_946, %dma_wait3A_947] : memref<16x1000000xf32, #tpu.memory_space<hbm>> -> memref<16x128xf32, #tpu.memory_space<hbm>>
    %dma_wait3A_949 = arith.constant 0 : i32
    %dma_wait3A_950 = arith.constant 0 : i32
    %dma_wait3A_951 = tpu.memref_slice %arg9[%dma_wait3A_940, %dma_wait3A_941, %dma_wait3A_949, %dma_wait3A_950] : memref<4x4x16x128xf32, #tpu.memory_space<vmem>> -> memref<1x1x16x128xf32, #tpu.memory_space<vmem>>
    %dma_wait3A_952 = tpu.memref_squeeze %dma_wait3A_951 : memref<1x1x16x128xf32, #tpu.memory_space<vmem>> -> memref<16x128xf32, #tpu.memory_space<vmem>>
    %dma_wait3A_953 = arith.constant 0 : i32
    %dma_wait3A_954 = arith.constant 0 : i32
    %dma_wait3A_955 = tpu.memref_slice %arg4[%dma_wait3A_953, %dma_wait3A_954] : memref<16x1000000xf32, #tpu.memory_space<hbm>> -> memref<16x128xf32, #tpu.memory_space<hbm>>
    tpu.wait_dma2 semaphore(%arg13 : memref<!tpu.dma_semaphore, #tpu.memory_space<semaphore_mem>>) src(%dma_wait3A_955 : memref<16x128xf32, #tpu.memory_space<hbm>>) dst(%dma_wait3A_952 : memref<16x128xf32, #tpu.memory_space<vmem>>)
    %dma_wait3A_956 = arith.constant 1 : i32
    %dma_wait3A_957 = arith.constant 0 : i32
    %dma_wait3A_958 = arith.constant 0 : i32
    %dma_wait3A_959 = arith.constant 0 : i32
    %dma_wait3A_960 = tpu.memref_slice %arg10[%dma_wait3A_956, %dma_wait3A_957, %dma_wait3A_958, %dma_wait3A_959] : memref<4x4x16x128xf32, #tpu.memory_space<vmem>> -> memref<1x1x16x128xf32, #tpu.memory_space<vmem>>
    %dma_wait3A_961 = tpu.memref_squeeze %dma_wait3A_960 : memref<1x1x16x128xf32, #tpu.memory_space<vmem>> -> memref<16x128xf32, #tpu.memory_space<vmem>>
    %dma_wait3A_962 = arith.constant 0 : i32
    %dma_wait3A_963 = arith.constant 0 : i32
    %dma_wait3A_964 = tpu.memref_slice %arg5[%dma_wait3A_962, %dma_wait3A_963] : memref<16x1000000xf32, #tpu.memory_space<hbm>> -> memref<16x128xf32, #tpu.memory_space<hbm>>
    %dma_wait3A_965 = arith.constant 0 : i32
    %dma_wait3A_966 = arith.constant 0 : i32
    %dma_wait3A_967 = tpu.memref_slice %arg10[%dma_wait3A_956, %dma_wait3A_957, %dma_wait3A_965, %dma_wait3A_966] : memref<4x4x16x128xf32, #tpu.memory_space<vmem>> -> memref<1x1x16x128xf32, #tpu.memory_space<vmem>>
    %dma_wait3A_968 = tpu.memref_squeeze %dma_wait3A_967 : memref<1x1x16x128xf32, #tpu.memory_space<vmem>> -> memref<16x128xf32, #tpu.memory_space<vmem>>
    %dma_wait3A_969 = arith.constant 0 : i32
    %dma_wait3A_970 = arith.constant 0 : i32
    %dma_wait3A_971 = tpu.memref_slice %arg5[%dma_wait3A_969, %dma_wait3A_970] : memref<16x1000000xf32, #tpu.memory_space<hbm>> -> memref<16x128xf32, #tpu.memory_space<hbm>>
    tpu.wait_dma2 semaphore(%arg17 : memref<!tpu.dma_semaphore, #tpu.memory_space<semaphore_mem>>) src(%dma_wait3A_971 : memref<16x128xf32, #tpu.memory_space<hbm>>) dst(%dma_wait3A_968 : memref<16x128xf32, #tpu.memory_space<vmem>>)
    %dma_wait3A_972 = arith.constant 1 : i32
    %dma_wait3A_973 = arith.constant 1 : i32
    %dma_wait3A_974 = arith.constant 0 : i32
    %dma_wait3A_975 = arith.constant 0 : i32
    %dma_wait3A_976 = tpu.memref_slice %arg9[%dma_wait3A_972, %dma_wait3A_973, %dma_wait3A_974, %dma_wait3A_975] : memref<4x4x16x128xf32, #tpu.memory_space<vmem>> -> memref<1x1x16x128xf32, #tpu.memory_space<vmem>>
    %dma_wait3A_977 = tpu.memref_squeeze %dma_wait3A_976 : memref<1x1x16x128xf32, #tpu.memory_space<vmem>> -> memref<16x128xf32, #tpu.memory_space<vmem>>
    %dma_wait3A_978 = arith.constant 0 : i32
    %dma_wait3A_979 = arith.constant 0 : i32
    %dma_wait3A_980 = tpu.memref_slice %arg4[%dma_wait3A_978, %dma_wait3A_979] : memref<16x1000000xf32, #tpu.memory_space<hbm>> -> memref<16x128xf32, #tpu.memory_space<hbm>>
    %dma_wait3A_981 = arith.constant 0 : i32
    %dma_wait3A_982 = arith.constant 0 : i32
    %dma_wait3A_983 = tpu.memref_slice %arg9[%dma_wait3A_972, %dma_wait3A_973, %dma_wait3A_981, %dma_wait3A_982] : memref<4x4x16x128xf32, #tpu.memory_space<vmem>> -> memref<1x1x16x128xf32, #tpu.memory_space<vmem>>
    %dma_wait3A_984 = tpu.memref_squeeze %dma_wait3A_983 : memref<1x1x16x128xf32, #tpu.memory_space<vmem>> -> memref<16x128xf32, #tpu.memory_space<vmem>>
    %dma_wait3A_985 = arith.constant 0 : i32
    %dma_wait3A_986 = arith.constant 0 : i32
    %dma_wait3A_987 = tpu.memref_slice %arg4[%dma_wait3A_985, %dma_wait3A_986] : memref<16x1000000xf32, #tpu.memory_space<hbm>> -> memref<16x128xf32, #tpu.memory_space<hbm>>
    tpu.wait_dma2 semaphore(%arg13 : memref<!tpu.dma_semaphore, #tpu.memory_space<semaphore_mem>>) src(%dma_wait3A_987 : memref<16x128xf32, #tpu.memory_space<hbm>>) dst(%dma_wait3A_984 : memref<16x128xf32, #tpu.memory_space<vmem>>)
    %dma_wait3A_988 = arith.constant 1 : i32
    %dma_wait3A_989 = arith.constant 1 : i32
    %dma_wait3A_990 = arith.constant 0 : i32
    %dma_wait3A_991 = arith.constant 0 : i32
    %dma_wait3A_992 = tpu.memref_slice %arg10[%dma_wait3A_988, %dma_wait3A_989, %dma_wait3A_990, %dma_wait3A_991] : memref<4x4x16x128xf32, #tpu.memory_space<vmem>> -> memref<1x1x16x128xf32, #tpu.memory_space<vmem>>
    %dma_wait3A_993 = tpu.memref_squeeze %dma_wait3A_992 : memref<1x1x16x128xf32, #tpu.memory_space<vmem>> -> memref<16x128xf32, #tpu.memory_space<vmem>>
    %dma_wait3A_994 = arith.constant 0 : i32
    %dma_wait3A_995 = arith.constant 0 : i32
    %dma_wait3A_996 = tpu.memref_slice %arg5[%dma_wait3A_994, %dma_wait3A_995] : memref<16x1000000xf32, #tpu.memory_space<hbm>> -> memref<16x128xf32, #tpu.memory_space<hbm>>
    %dma_wait3A_997 = arith.constant 0 : i32
    %dma_wait3A_998 = arith.constant 0 : i32
    %dma_wait3A_999 = tpu.memref_slice %arg10[%dma_wait3A_988, %dma_wait3A_989, %dma_wait3A_997, %dma_wait3A_998] : memref<4x4x16x128xf32, #tpu.memory_space<vmem>> -> memref<1x1x16x128xf32, #tpu.memory_space<vmem>>
    %dma_wait3A_1000 = tpu.memref_squeeze %dma_wait3A_999 : memref<1x1x16x128xf32, #tpu.memory_space<vmem>> -> memref<16x128xf32, #tpu.memory_space<vmem>>
    %dma_wait3A_1001 = arith.constant 0 : i32
    %dma_wait3A_1002 = arith.constant 0 : i32
    %dma_wait3A_1003 = tpu.memref_slice %arg5[%dma_wait3A_1001, %dma_wait3A_1002] : memref<16x1000000xf32, #tpu.memory_space<hbm>> -> memref<16x128xf32, #tpu.memory_space<hbm>>
    tpu.wait_dma2 semaphore(%arg17 : memref<!tpu.dma_semaphore, #tpu.memory_space<semaphore_mem>>) src(%dma_wait3A_1003 : memref<16x128xf32, #tpu.memory_space<hbm>>) dst(%dma_wait3A_1000 : memref<16x128xf32, #tpu.memory_space<vmem>>)
    %dma_wait3A_1004 = arith.constant 1 : i32
    %dma_wait3A_1005 = arith.constant 2 : i32
    %dma_wait3A_1006 = arith.constant 0 : i32
    %dma_wait3A_1007 = arith.constant 0 : i32
    %dma_wait3A_1008 = tpu.memref_slice %arg9[%dma_wait3A_1004, %dma_wait3A_1005, %dma_wait3A_1006, %dma_wait3A_1007] : memref<4x4x16x128xf32, #tpu.memory_space<vmem>> -> memref<1x1x16x128xf32, #tpu.memory_space<vmem>>
    %dma_wait3A_1009 = tpu.memref_squeeze %dma_wait3A_1008 : memref<1x1x16x128xf32, #tpu.memory_space<vmem>> -> memref<16x128xf32, #tpu.memory_space<vmem>>
    %dma_wait3A_1010 = arith.constant 0 : i32
    %dma_wait3A_1011 = arith.constant 0 : i32
    %dma_wait3A_1012 = tpu.memref_slice %arg4[%dma_wait3A_1010, %dma_wait3A_1011] : memref<16x1000000xf32, #tpu.memory_space<hbm>> -> memref<16x128xf32, #tpu.memory_space<hbm>>
    %dma_wait3A_1013 = arith.constant 0 : i32
    %dma_wait3A_1014 = arith.constant 0 : i32
    %dma_wait3A_1015 = tpu.memref_slice %arg9[%dma_wait3A_1004, %dma_wait3A_1005, %dma_wait3A_1013, %dma_wait3A_1014] : memref<4x4x16x128xf32, #tpu.memory_space<vmem>> -> memref<1x1x16x128xf32, #tpu.memory_space<vmem>>
    %dma_wait3A_1016 = tpu.memref_squeeze %dma_wait3A_1015 : memref<1x1x16x128xf32, #tpu.memory_space<vmem>> -> memref<16x128xf32, #tpu.memory_space<vmem>>
    %dma_wait3A_1017 = arith.constant 0 : i32
    %dma_wait3A_1018 = arith.constant 0 : i32
    %dma_wait3A_1019 = tpu.memref_slice %arg4[%dma_wait3A_1017, %dma_wait3A_1018] : memref<16x1000000xf32, #tpu.memory_space<hbm>> -> memref<16x128xf32, #tpu.memory_space<hbm>>
    tpu.wait_dma2 semaphore(%arg13 : memref<!tpu.dma_semaphore, #tpu.memory_space<semaphore_mem>>) src(%dma_wait3A_1019 : memref<16x128xf32, #tpu.memory_space<hbm>>) dst(%dma_wait3A_1016 : memref<16x128xf32, #tpu.memory_space<vmem>>)
    %dma_wait3A_1020 = arith.constant 1 : i32
    %dma_wait3A_1021 = arith.constant 2 : i32
    %dma_wait3A_1022 = arith.constant 0 : i32
    %dma_wait3A_1023 = arith.constant 0 : i32
    %dma_wait3A_1024 = tpu.memref_slice %arg10[%dma_wait3A_1020, %dma_wait3A_1021, %dma_wait3A_1022, %dma_wait3A_1023] : memref<4x4x16x128xf32, #tpu.memory_space<vmem>> -> memref<1x1x16x128xf32, #tpu.memory_space<vmem>>
    %dma_wait3A_1025 = tpu.memref_squeeze %dma_wait3A_1024 : memref<1x1x16x128xf32, #tpu.memory_space<vmem>> -> memref<16x128xf32, #tpu.memory_space<vmem>>
    %dma_wait3A_1026 = arith.constant 0 : i32
    %dma_wait3A_1027 = arith.constant 0 : i32
    %dma_wait3A_1028 = tpu.memref_slice %arg5[%dma_wait3A_1026, %dma_wait3A_1027] : memref<16x1000000xf32, #tpu.memory_space<hbm>> -> memref<16x128xf32, #tpu.memory_space<hbm>>
    %dma_wait3A_1029 = arith.constant 0 : i32
    %dma_wait3A_1030 = arith.constant 0 : i32
    %dma_wait3A_1031 = tpu.memref_slice %arg10[%dma_wait3A_1020, %dma_wait3A_1021, %dma_wait3A_1029, %dma_wait3A_1030] : memref<4x4x16x128xf32, #tpu.memory_space<vmem>> -> memref<1x1x16x128xf32, #tpu.memory_space<vmem>>
    %dma_wait3A_1032 = tpu.memref_squeeze %dma_wait3A_1031 : memref<1x1x16x128xf32, #tpu.memory_space<vmem>> -> memref<16x128xf32, #tpu.memory_space<vmem>>
    %dma_wait3A_1033 = arith.constant 0 : i32
    %dma_wait3A_1034 = arith.constant 0 : i32
    %dma_wait3A_1035 = tpu.memref_slice %arg5[%dma_wait3A_1033, %dma_wait3A_1034] : memref<16x1000000xf32, #tpu.memory_space<hbm>> -> memref<16x128xf32, #tpu.memory_space<hbm>>
    tpu.wait_dma2 semaphore(%arg17 : memref<!tpu.dma_semaphore, #tpu.memory_space<semaphore_mem>>) src(%dma_wait3A_1035 : memref<16x128xf32, #tpu.memory_space<hbm>>) dst(%dma_wait3A_1032 : memref<16x128xf32, #tpu.memory_space<vmem>>)
    %dma_wait3A_1036 = arith.constant 1 : i32
    %dma_wait3A_1037 = arith.constant 3 : i32
    %dma_wait3A_1038 = arith.constant 0 : i32
    %dma_wait3A_1039 = arith.constant 0 : i32
    %dma_wait3A_1040 = tpu.memref_slice %arg9[%dma_wait3A_1036, %dma_wait3A_1037, %dma_wait3A_1038, %dma_wait3A_1039] : memref<4x4x16x128xf32, #tpu.memory_space<vmem>> -> memref<1x1x16x128xf32, #tpu.memory_space<vmem>>
    %dma_wait3A_1041 = tpu.memref_squeeze %dma_wait3A_1040 : memref<1x1x16x128xf32, #tpu.memory_space<vmem>> -> memref<16x128xf32, #tpu.memory_space<vmem>>
    %dma_wait3A_1042 = arith.constant 0 : i32
    %dma_wait3A_1043 = arith.constant 0 : i32
    %dma_wait3A_1044 = tpu.memref_slice %arg4[%dma_wait3A_1042, %dma_wait3A_1043] : memref<16x1000000xf32, #tpu.memory_space<hbm>> -> memref<16x128xf32, #tpu.memory_space<hbm>>
    %dma_wait3A_1045 = arith.constant 0 : i32
    %dma_wait3A_1046 = arith.constant 0 : i32
    %dma_wait3A_1047 = tpu.memref_slice %arg9[%dma_wait3A_1036, %dma_wait3A_1037, %dma_wait3A_1045, %dma_wait3A_1046] : memref<4x4x16x128xf32, #tpu.memory_space<vmem>> -> memref<1x1x16x128xf32, #tpu.memory_space<vmem>>
    %dma_wait3A_1048 = tpu.memref_squeeze %dma_wait3A_1047 : memref<1x1x16x128xf32, #tpu.memory_space<vmem>> -> memref<16x128xf32, #tpu.memory_space<vmem>>
    %dma_wait3A_1049 = arith.constant 0 : i32
    %dma_wait3A_1050 = arith.constant 0 : i32
    %dma_wait3A_1051 = tpu.memref_slice %arg4[%dma_wait3A_1049, %dma_wait3A_1050] : memref<16x1000000xf32, #tpu.memory_space<hbm>> -> memref<16x128xf32, #tpu.memory_space<hbm>>
    tpu.wait_dma2 semaphore(%arg13 : memref<!tpu.dma_semaphore, #tpu.memory_space<semaphore_mem>>) src(%dma_wait3A_1051 : memref<16x128xf32, #tpu.memory_space<hbm>>) dst(%dma_wait3A_1048 : memref<16x128xf32, #tpu.memory_space<vmem>>)
    %dma_wait3A_1052 = arith.constant 1 : i32
    %dma_wait3A_1053 = arith.constant 3 : i32
    %dma_wait3A_1054 = arith.constant 0 : i32
    %dma_wait3A_1055 = arith.constant 0 : i32
    %dma_wait3A_1056 = tpu.memref_slice %arg10[%dma_wait3A_1052, %dma_wait3A_1053, %dma_wait3A_1054, %dma_wait3A_1055] : memref<4x4x16x128xf32, #tpu.memory_space<vmem>> -> memref<1x1x16x128xf32, #tpu.memory_space<vmem>>
    %dma_wait3A_1057 = tpu.memref_squeeze %dma_wait3A_1056 : memref<1x1x16x128xf32, #tpu.memory_space<vmem>> -> memref<16x128xf32, #tpu.memory_space<vmem>>
    %dma_wait3A_1058 = arith.constant 0 : i32
    %dma_wait3A_1059 = arith.constant 0 : i32
    %dma_wait3A_1060 = tpu.memref_slice %arg5[%dma_wait3A_1058, %dma_wait3A_1059] : memref<16x1000000xf32, #tpu.memory_space<hbm>> -> memref<16x128xf32, #tpu.memory_space<hbm>>
    %dma_wait3A_1061 = arith.constant 0 : i32
    %dma_wait3A_1062 = arith.constant 0 : i32
    %dma_wait3A_1063 = tpu.memref_slice %arg10[%dma_wait3A_1052, %dma_wait3A_1053, %dma_wait3A_1061, %dma_wait3A_1062] : memref<4x4x16x128xf32, #tpu.memory_space<vmem>> -> memref<1x1x16x128xf32, #tpu.memory_space<vmem>>
    %dma_wait3A_1064 = tpu.memref_squeeze %dma_wait3A_1063 : memref<1x1x16x128xf32, #tpu.memory_space<vmem>> -> memref<16x128xf32, #tpu.memory_space<vmem>>
    %dma_wait3A_1065 = arith.constant 0 : i32
    %dma_wait3A_1066 = arith.constant 0 : i32
    %dma_wait3A_1067 = tpu.memref_slice %arg5[%dma_wait3A_1065, %dma_wait3A_1066] : memref<16x1000000xf32, #tpu.memory_space<hbm>> -> memref<16x128xf32, #tpu.memory_space<hbm>>
    tpu.wait_dma2 semaphore(%arg17 : memref<!tpu.dma_semaphore, #tpu.memory_space<semaphore_mem>>) src(%dma_wait3A_1067 : memref<16x128xf32, #tpu.memory_space<hbm>>) dst(%dma_wait3A_1064 : memref<16x128xf32, #tpu.memory_space<vmem>>)
    %dma_wait3A_1068 = arith.constant 2 : i32
    %dma_wait3A_1069 = arith.constant 0 : i32
    %dma_wait3A_1070 = arith.constant 0 : i32
    %dma_wait3A_1071 = arith.constant 0 : i32
    %dma_wait3A_1072 = tpu.memref_slice %arg9[%dma_wait3A_1068, %dma_wait3A_1069, %dma_wait3A_1070, %dma_wait3A_1071] : memref<4x4x16x128xf32, #tpu.memory_space<vmem>> -> memref<1x1x16x128xf32, #tpu.memory_space<vmem>>
    %dma_wait3A_1073 = tpu.memref_squeeze %dma_wait3A_1072 : memref<1x1x16x128xf32, #tpu.memory_space<vmem>> -> memref<16x128xf32, #tpu.memory_space<vmem>>
    %dma_wait3A_1074 = arith.constant 0 : i32
    %dma_wait3A_1075 = arith.constant 0 : i32
    %dma_wait3A_1076 = tpu.memref_slice %arg4[%dma_wait3A_1074, %dma_wait3A_1075] : memref<16x1000000xf32, #tpu.memory_space<hbm>> -> memref<16x128xf32, #tpu.memory_space<hbm>>
    %dma_wait3A_1077 = arith.constant 0 : i32
    %dma_wait3A_1078 = arith.constant 0 : i32
    %dma_wait3A_1079 = tpu.memref_slice %arg9[%dma_wait3A_1068, %dma_wait3A_1069, %dma_wait3A_1077, %dma_wait3A_1078] : memref<4x4x16x128xf32, #tpu.memory_space<vmem>> -> memref<1x1x16x128xf32, #tpu.memory_space<vmem>>
    %dma_wait3A_1080 = tpu.memref_squeeze %dma_wait3A_1079 : memref<1x1x16x128xf32, #tpu.memory_space<vmem>> -> memref<16x128xf32, #tpu.memory_space<vmem>>
    %dma_wait3A_1081 = arith.constant 0 : i32
    %dma_wait3A_1082 = arith.constant 0 : i32
    %dma_wait3A_1083 = tpu.memref_slice %arg4[%dma_wait3A_1081, %dma_wait3A_1082] : memref<16x1000000xf32, #tpu.memory_space<hbm>> -> memref<16x128xf32, #tpu.memory_space<hbm>>
    tpu.wait_dma2 semaphore(%arg14 : memref<!tpu.dma_semaphore, #tpu.memory_space<semaphore_mem>>) src(%dma_wait3A_1083 : memref<16x128xf32, #tpu.memory_space<hbm>>) dst(%dma_wait3A_1080 : memref<16x128xf32, #tpu.memory_space<vmem>>)
    %dma_wait3A_1084 = arith.constant 2 : i32
    %dma_wait3A_1085 = arith.constant 0 : i32
    %dma_wait3A_1086 = arith.constant 0 : i32
    %dma_wait3A_1087 = arith.constant 0 : i32
    %dma_wait3A_1088 = tpu.memref_slice %arg10[%dma_wait3A_1084, %dma_wait3A_1085, %dma_wait3A_1086, %dma_wait3A_1087] : memref<4x4x16x128xf32, #tpu.memory_space<vmem>> -> memref<1x1x16x128xf32, #tpu.memory_space<vmem>>
    %dma_wait3A_1089 = tpu.memref_squeeze %dma_wait3A_1088 : memref<1x1x16x128xf32, #tpu.memory_space<vmem>> -> memref<16x128xf32, #tpu.memory_space<vmem>>
    %dma_wait3A_1090 = arith.constant 0 : i32
    %dma_wait3A_1091 = arith.constant 0 : i32
    %dma_wait3A_1092 = tpu.memref_slice %arg5[%dma_wait3A_1090, %dma_wait3A_1091] : memref<16x1000000xf32, #tpu.memory_space<hbm>> -> memref<16x128xf32, #tpu.memory_space<hbm>>
    %dma_wait3A_1093 = arith.constant 0 : i32
    %dma_wait3A_1094 = arith.constant 0 : i32
    %dma_wait3A_1095 = tpu.memref_slice %arg10[%dma_wait3A_1084, %dma_wait3A_1085, %dma_wait3A_1093, %dma_wait3A_1094] : memref<4x4x16x128xf32, #tpu.memory_space<vmem>> -> memref<1x1x16x128xf32, #tpu.memory_space<vmem>>
    %dma_wait3A_1096 = tpu.memref_squeeze %dma_wait3A_1095 : memref<1x1x16x128xf32, #tpu.memory_space<vmem>> -> memref<16x128xf32, #tpu.memory_space<vmem>>
    %dma_wait3A_1097 = arith.constant 0 : i32
    %dma_wait3A_1098 = arith.constant 0 : i32
    %dma_wait3A_1099 = tpu.memref_slice %arg5[%dma_wait3A_1097, %dma_wait3A_1098] : memref<16x1000000xf32, #tpu.memory_space<hbm>> -> memref<16x128xf32, #tpu.memory_space<hbm>>
    tpu.wait_dma2 semaphore(%arg18 : memref<!tpu.dma_semaphore, #tpu.memory_space<semaphore_mem>>) src(%dma_wait3A_1099 : memref<16x128xf32, #tpu.memory_space<hbm>>) dst(%dma_wait3A_1096 : memref<16x128xf32, #tpu.memory_space<vmem>>)
    %dma_wait3A_1100 = arith.constant 2 : i32
    %dma_wait3A_1101 = arith.constant 1 : i32
    %dma_wait3A_1102 = arith.constant 0 : i32
    %dma_wait3A_1103 = arith.constant 0 : i32
    %dma_wait3A_1104 = tpu.memref_slice %arg9[%dma_wait3A_1100, %dma_wait3A_1101, %dma_wait3A_1102, %dma_wait3A_1103] : memref<4x4x16x128xf32, #tpu.memory_space<vmem>> -> memref<1x1x16x128xf32, #tpu.memory_space<vmem>>
    %dma_wait3A_1105 = tpu.memref_squeeze %dma_wait3A_1104 : memref<1x1x16x128xf32, #tpu.memory_space<vmem>> -> memref<16x128xf32, #tpu.memory_space<vmem>>
    %dma_wait3A_1106 = arith.constant 0 : i32
    %dma_wait3A_1107 = arith.constant 0 : i32
    %dma_wait3A_1108 = tpu.memref_slice %arg4[%dma_wait3A_1106, %dma_wait3A_1107] : memref<16x1000000xf32, #tpu.memory_space<hbm>> -> memref<16x128xf32, #tpu.memory_space<hbm>>
    %dma_wait3A_1109 = arith.constant 0 : i32
    %dma_wait3A_1110 = arith.constant 0 : i32
    %dma_wait3A_1111 = tpu.memref_slice %arg9[%dma_wait3A_1100, %dma_wait3A_1101, %dma_wait3A_1109, %dma_wait3A_1110] : memref<4x4x16x128xf32, #tpu.memory_space<vmem>> -> memref<1x1x16x128xf32, #tpu.memory_space<vmem>>
    %dma_wait3A_1112 = tpu.memref_squeeze %dma_wait3A_1111 : memref<1x1x16x128xf32, #tpu.memory_space<vmem>> -> memref<16x128xf32, #tpu.memory_space<vmem>>
    %dma_wait3A_1113 = arith.constant 0 : i32
    %dma_wait3A_1114 = arith.constant 0 : i32
    %dma_wait3A_1115 = tpu.memref_slice %arg4[%dma_wait3A_1113, %dma_wait3A_1114] : memref<16x1000000xf32, #tpu.memory_space<hbm>> -> memref<16x128xf32, #tpu.memory_space<hbm>>
    tpu.wait_dma2 semaphore(%arg14 : memref<!tpu.dma_semaphore, #tpu.memory_space<semaphore_mem>>) src(%dma_wait3A_1115 : memref<16x128xf32, #tpu.memory_space<hbm>>) dst(%dma_wait3A_1112 : memref<16x128xf32, #tpu.memory_space<vmem>>)
    %dma_wait3A_1116 = arith.constant 2 : i32
    %dma_wait3A_1117 = arith.constant 1 : i32
    %dma_wait3A_1118 = arith.constant 0 : i32
    %dma_wait3A_1119 = arith.constant 0 : i32
    %dma_wait3A_1120 = tpu.memref_slice %arg10[%dma_wait3A_1116, %dma_wait3A_1117, %dma_wait3A_1118, %dma_wait3A_1119] : memref<4x4x16x128xf32, #tpu.memory_space<vmem>> -> memref<1x1x16x128xf32, #tpu.memory_space<vmem>>
    %dma_wait3A_1121 = tpu.memref_squeeze %dma_wait3A_1120 : memref<1x1x16x128xf32, #tpu.memory_space<vmem>> -> memref<16x128xf32, #tpu.memory_space<vmem>>
    %dma_wait3A_1122 = arith.constant 0 : i32
    %dma_wait3A_1123 = arith.constant 0 : i32
    %dma_wait3A_1124 = tpu.memref_slice %arg5[%dma_wait3A_1122, %dma_wait3A_1123] : memref<16x1000000xf32, #tpu.memory_space<hbm>> -> memref<16x128xf32, #tpu.memory_space<hbm>>
    %dma_wait3A_1125 = arith.constant 0 : i32
    %dma_wait3A_1126 = arith.constant 0 : i32
    %dma_wait3A_1127 = tpu.memref_slice %arg10[%dma_wait3A_1116, %dma_wait3A_1117, %dma_wait3A_1125, %dma_wait3A_1126] : memref<4x4x16x128xf32, #tpu.memory_space<vmem>> -> memref<1x1x16x128xf32, #tpu.memory_space<vmem>>
    %dma_wait3A_1128 = tpu.memref_squeeze %dma_wait3A_1127 : memref<1x1x16x128xf32, #tpu.memory_space<vmem>> -> memref<16x128xf32, #tpu.memory_space<vmem>>
    %dma_wait3A_1129 = arith.constant 0 : i32
    %dma_wait3A_1130 = arith.constant 0 : i32
    %dma_wait3A_1131 = tpu.memref_slice %arg5[%dma_wait3A_1129, %dma_wait3A_1130] : memref<16x1000000xf32, #tpu.memory_space<hbm>> -> memref<16x128xf32, #tpu.memory_space<hbm>>
    tpu.wait_dma2 semaphore(%arg18 : memref<!tpu.dma_semaphore, #tpu.memory_space<semaphore_mem>>) src(%dma_wait3A_1131 : memref<16x128xf32, #tpu.memory_space<hbm>>) dst(%dma_wait3A_1128 : memref<16x128xf32, #tpu.memory_space<vmem>>)
    %dma_wait3A_1132 = arith.constant 2 : i32
    %dma_wait3A_1133 = arith.constant 2 : i32
    %dma_wait3A_1134 = arith.constant 0 : i32
    %dma_wait3A_1135 = arith.constant 0 : i32
    %dma_wait3A_1136 = tpu.memref_slice %arg9[%dma_wait3A_1132, %dma_wait3A_1133, %dma_wait3A_1134, %dma_wait3A_1135] : memref<4x4x16x128xf32, #tpu.memory_space<vmem>> -> memref<1x1x16x128xf32, #tpu.memory_space<vmem>>
    %dma_wait3A_1137 = tpu.memref_squeeze %dma_wait3A_1136 : memref<1x1x16x128xf32, #tpu.memory_space<vmem>> -> memref<16x128xf32, #tpu.memory_space<vmem>>
    %dma_wait3A_1138 = arith.constant 0 : i32
    %dma_wait3A_1139 = arith.constant 0 : i32
    %dma_wait3A_1140 = tpu.memref_slice %arg4[%dma_wait3A_1138, %dma_wait3A_1139] : memref<16x1000000xf32, #tpu.memory_space<hbm>> -> memref<16x128xf32, #tpu.memory_space<hbm>>
    %dma_wait3A_1141 = arith.constant 0 : i32
    %dma_wait3A_1142 = arith.constant 0 : i32
    %dma_wait3A_1143 = tpu.memref_slice %arg9[%dma_wait3A_1132, %dma_wait3A_1133, %dma_wait3A_1141, %dma_wait3A_1142] : memref<4x4x16x128xf32, #tpu.memory_space<vmem>> -> memref<1x1x16x128xf32, #tpu.memory_space<vmem>>
    %dma_wait3A_1144 = tpu.memref_squeeze %dma_wait3A_1143 : memref<1x1x16x128xf32, #tpu.memory_space<vmem>> -> memref<16x128xf32, #tpu.memory_space<vmem>>
    %dma_wait3A_1145 = arith.constant 0 : i32
    %dma_wait3A_1146 = arith.constant 0 : i32
    %dma_wait3A_1147 = tpu.memref_slice %arg4[%dma_wait3A_1145, %dma_wait3A_1146] : memref<16x1000000xf32, #tpu.memory_space<hbm>> -> memref<16x128xf32, #tpu.memory_space<hbm>>
    tpu.wait_dma2 semaphore(%arg14 : memref<!tpu.dma_semaphore, #tpu.memory_space<semaphore_mem>>) src(%dma_wait3A_1147 : memref<16x128xf32, #tpu.memory_space<hbm>>) dst(%dma_wait3A_1144 : memref<16x128xf32, #tpu.memory_space<vmem>>)
    %dma_wait3A_1148 = arith.constant 2 : i32
    %dma_wait3A_1149 = arith.constant 2 : i32
    %dma_wait3A_1150 = arith.constant 0 : i32
    %dma_wait3A_1151 = arith.constant 0 : i32
    %dma_wait3A_1152 = tpu.memref_slice %arg10[%dma_wait3A_1148, %dma_wait3A_1149, %dma_wait3A_1150, %dma_wait3A_1151] : memref<4x4x16x128xf32, #tpu.memory_space<vmem>> -> memref<1x1x16x128xf32, #tpu.memory_space<vmem>>
    %dma_wait3A_1153 = tpu.memref_squeeze %dma_wait3A_1152 : memref<1x1x16x128xf32, #tpu.memory_space<vmem>> -> memref<16x128xf32, #tpu.memory_space<vmem>>
    %dma_wait3A_1154 = arith.constant 0 : i32
    %dma_wait3A_1155 = arith.constant 0 : i32
    %dma_wait3A_1156 = tpu.memref_slice %arg5[%dma_wait3A_1154, %dma_wait3A_1155] : memref<16x1000000xf32, #tpu.memory_space<hbm>> -> memref<16x128xf32, #tpu.memory_space<hbm>>
    %dma_wait3A_1157 = arith.constant 0 : i32
    %dma_wait3A_1158 = arith.constant 0 : i32
    %dma_wait3A_1159 = tpu.memref_slice %arg10[%dma_wait3A_1148, %dma_wait3A_1149, %dma_wait3A_1157, %dma_wait3A_1158] : memref<4x4x16x128xf32, #tpu.memory_space<vmem>> -> memref<1x1x16x128xf32, #tpu.memory_space<vmem>>
    %dma_wait3A_1160 = tpu.memref_squeeze %dma_wait3A_1159 : memref<1x1x16x128xf32, #tpu.memory_space<vmem>> -> memref<16x128xf32, #tpu.memory_space<vmem>>
    %dma_wait3A_1161 = arith.constant 0 : i32
    %dma_wait3A_1162 = arith.constant 0 : i32
    %dma_wait3A_1163 = tpu.memref_slice %arg5[%dma_wait3A_1161, %dma_wait3A_1162] : memref<16x1000000xf32, #tpu.memory_space<hbm>> -> memref<16x128xf32, #tpu.memory_space<hbm>>
    tpu.wait_dma2 semaphore(%arg18 : memref<!tpu.dma_semaphore, #tpu.memory_space<semaphore_mem>>) src(%dma_wait3A_1163 : memref<16x128xf32, #tpu.memory_space<hbm>>) dst(%dma_wait3A_1160 : memref<16x128xf32, #tpu.memory_space<vmem>>)
    %dma_wait3A_1164 = arith.constant 2 : i32
    %dma_wait3A_1165 = arith.constant 3 : i32
    %dma_wait3A_1166 = arith.constant 0 : i32
    %dma_wait3A_1167 = arith.constant 0 : i32
    %dma_wait3A_1168 = tpu.memref_slice %arg9[%dma_wait3A_1164, %dma_wait3A_1165, %dma_wait3A_1166, %dma_wait3A_1167] : memref<4x4x16x128xf32, #tpu.memory_space<vmem>> -> memref<1x1x16x128xf32, #tpu.memory_space<vmem>>
    %dma_wait3A_1169 = tpu.memref_squeeze %dma_wait3A_1168 : memref<1x1x16x128xf32, #tpu.memory_space<vmem>> -> memref<16x128xf32, #tpu.memory_space<vmem>>
    %dma_wait3A_1170 = arith.constant 0 : i32
    %dma_wait3A_1171 = arith.constant 0 : i32
    %dma_wait3A_1172 = tpu.memref_slice %arg4[%dma_wait3A_1170, %dma_wait3A_1171] : memref<16x1000000xf32, #tpu.memory_space<hbm>> -> memref<16x128xf32, #tpu.memory_space<hbm>>
    %dma_wait3A_1173 = arith.constant 0 : i32
    %dma_wait3A_1174 = arith.constant 0 : i32
    %dma_wait3A_1175 = tpu.memref_slice %arg9[%dma_wait3A_1164, %dma_wait3A_1165, %dma_wait3A_1173, %dma_wait3A_1174] : memref<4x4x16x128xf32, #tpu.memory_space<vmem>> -> memref<1x1x16x128xf32, #tpu.memory_space<vmem>>
    %dma_wait3A_1176 = tpu.memref_squeeze %dma_wait3A_1175 : memref<1x1x16x128xf32, #tpu.memory_space<vmem>> -> memref<16x128xf32, #tpu.memory_space<vmem>>
    %dma_wait3A_1177 = arith.constant 0 : i32
    %dma_wait3A_1178 = arith.constant 0 : i32
    %dma_wait3A_1179 = tpu.memref_slice %arg4[%dma_wait3A_1177, %dma_wait3A_1178] : memref<16x1000000xf32, #tpu.memory_space<hbm>> -> memref<16x128xf32, #tpu.memory_space<hbm>>
    tpu.wait_dma2 semaphore(%arg14 : memref<!tpu.dma_semaphore, #tpu.memory_space<semaphore_mem>>) src(%dma_wait3A_1179 : memref<16x128xf32, #tpu.memory_space<hbm>>) dst(%dma_wait3A_1176 : memref<16x128xf32, #tpu.memory_space<vmem>>)
    %dma_wait3A_1180 = arith.constant 2 : i32
    %dma_wait3A_1181 = arith.constant 3 : i32
    %dma_wait3A_1182 = arith.constant 0 : i32
    %dma_wait3A_1183 = arith.constant 0 : i32
    %dma_wait3A_1184 = tpu.memref_slice %arg10[%dma_wait3A_1180, %dma_wait3A_1181, %dma_wait3A_1182, %dma_wait3A_1183] : memref<4x4x16x128xf32, #tpu.memory_space<vmem>> -> memref<1x1x16x128xf32, #tpu.memory_space<vmem>>
    %dma_wait3A_1185 = tpu.memref_squeeze %dma_wait3A_1184 : memref<1x1x16x128xf32, #tpu.memory_space<vmem>> -> memref<16x128xf32, #tpu.memory_space<vmem>>
    %dma_wait3A_1186 = arith.constant 0 : i32
    %dma_wait3A_1187 = arith.constant 0 : i32
    %dma_wait3A_1188 = tpu.memref_slice %arg5[%dma_wait3A_1186, %dma_wait3A_1187] : memref<16x1000000xf32, #tpu.memory_space<hbm>> -> memref<16x128xf32, #tpu.memory_space<hbm>>
    %dma_wait3A_1189 = arith.constant 0 : i32
    %dma_wait3A_1190 = arith.constant 0 : i32
    %dma_wait3A_1191 = tpu.memref_slice %arg10[%dma_wait3A_1180, %dma_wait3A_1181, %dma_wait3A_1189, %dma_wait3A_1190] : memref<4x4x16x128xf32, #tpu.memory_space<vmem>> -> memref<1x1x16x128xf32, #tpu.memory_space<vmem>>
    %dma_wait3A_1192 = tpu.memref_squeeze %dma_wait3A_1191 : memref<1x1x16x128xf32, #tpu.memory_space<vmem>> -> memref<16x128xf32, #tpu.memory_space<vmem>>
    %dma_wait3A_1193 = arith.constant 0 : i32
    %dma_wait3A_1194 = arith.constant 0 : i32
    %dma_wait3A_1195 = tpu.memref_slice %arg5[%dma_wait3A_1193, %dma_wait3A_1194] : memref<16x1000000xf32, #tpu.memory_space<hbm>> -> memref<16x128xf32, #tpu.memory_space<hbm>>
    tpu.wait_dma2 semaphore(%arg18 : memref<!tpu.dma_semaphore, #tpu.memory_space<semaphore_mem>>) src(%dma_wait3A_1195 : memref<16x128xf32, #tpu.memory_space<hbm>>) dst(%dma_wait3A_1192 : memref<16x128xf32, #tpu.memory_space<vmem>>)
    "tpu.region"() ({
      %run_scoped3A = tpu.sem_alloc : memref<!tpu.dma_semaphore, #tpu.memory_space<semaphore_mem>>
      %dma_start3A_1196 = tpu.memref_slice %arg6[%mul3A_2] : memref<16384xf32, #tpu.memory_space<hbm>> -> memref<512xf32, #tpu.memory_space<hbm>>
      %dma_start3A_1197 = tpu.memref_slice %arg6[%mul3A_2] : memref<16384xf32, #tpu.memory_space<hbm>> -> memref<512xf32, #tpu.memory_space<hbm>>
      tpu.enqueue_dma source(%arg11 : memref<512xf32, #tpu.memory_space<vmem>>) target(%dma_start3A_1197 : memref<512xf32, #tpu.memory_space<hbm>>) target_semaphore(%run_scoped3A : memref<!tpu.dma_semaphore, #tpu.memory_space<semaphore_mem>>)
      %dma_wait3A_1198 = tpu.memref_slice %arg6[%mul3A_2] : memref<16384xf32, #tpu.memory_space<hbm>> -> memref<512xf32, #tpu.memory_space<hbm>>
      %dma_wait3A_1199 = tpu.memref_slice %arg6[%mul3A_2] : memref<16384xf32, #tpu.memory_space<hbm>> -> memref<512xf32, #tpu.memory_space<hbm>>
      tpu.wait_dma2 semaphore(%run_scoped3A : memref<!tpu.dma_semaphore, #tpu.memory_space<semaphore_mem>>) src(%arg11 : memref<512xf32, #tpu.memory_space<vmem>>) dst(%dma_wait3A_1199 : memref<512xf32, #tpu.memory_space<hbm>>)
      tpu.yield
    }) : () -> ()
    return
  }
}

</mosaic_0001>

<sc_bundles>
// kernel: kernel.3.cloned.1.call-start
scs
__scs_entry_jumppad:
0x0: {  	(pc) =	sbr.rel $0x88, $3  }
0x1: {  	(tag) =	ssettag $0x0;
	lr =	simm.s32 $0x1  }
0x2: {  	[smem:$0x3F9D] =	sst lr;
	_ =	strace $0xD0000000  }
0x3: {  	_ = 	snop  }
0x4: {  	_ = 	snop  }
0x5: {  	_ = 	snop  }
0x6: {  	_ = 	snop  }
0x7: {  	_ = 	snop  }
__scs_overlays_trampoline_lowered:
0x8: {  	[smem:$0x3FAC] =	sst s0  }
0x9: {  	[smem:$0x3FAD] =	sst s1  }
0xa: {  	[smem:$0x3FAE] =	sst s2  }
0xb: {  	[smem:$0x3FAF] =	sst s3  }
0xc: {  	[smem:$0x3FB0] =	sst s4  }
0xd: {  	[smem:$0x3FB1] =	sst s5  }
0xe: {  	[smem:$0x3FB2] =	sst s6  }
0xf: {  	[smem:$0x3FB3] =	sst s7  }
0x10: {  	[smem:$0x3FB4] =	sst s8  }
0x11: {  	[smem:$0x3FB5] =	sst s9;
	s0 =	simm.s32 @!p0 $0x0  }
0x12: {  	s1 =	sld [smem:$0x3F9B];
	s0 =	simm.s32 @p0 $0x1  }
0x13: {  	[smem:$0x3FB6] =	sst s0;
	s0 =	simm.s32 @!p1 $0x0  }
0x14: {  	s2 =	sld [smem:$0x3F9A];
	s0 =	simm.s32 @p1 $0x1  }
0x15: {  	[smem:$0x3FB7] =	sst s0;
	s0 =	simm.s32 @!p2 $0x0  }
0x16: {  	s3 =	sld [smem:$0x3FDB];
	s0 =	simm.s32 @p2 $0x1  }
0x17: {  	s4 =	simm.s32 $0x1BF5;
	[smem:$0x3FB9] =	sst s0  }
0x18: {  	s0 =	sld [smem:$0x3F9C];
	_ =	swait.ge [sflag:s4], $0x0  }
0x19: {  	s7 =	sld [smem:$0x3F9D]  }
0x1a: {  	s8 =	sadd.s32 $0xFFFFE003, lr  }
0x1b: {  	s9 =	sadd.s32 $0xFFFFFEF7, lr;
	s5 =	simm.s32 $0xFFFFFFFF;
	p2 =	slt.u32 s8, $0xFFFFF086  }
0x1c: {  	p1 =	slt.u32 s9, $0xF7A;
	s5 =	simm.s32 @!p2 $0x0  }
0x1d: {  	s5 =	simm.s32 @p1 $0x1;
	p0 =	seq.s32 s7, s2  }
0x1e: {  	s7 =	smul.u32 @!p0 $0xF7A, s2;
	p2 =	seq.s32 @!p0 s5, $0x0  }
0x1f: {  	s9 =	smul.u32 $0xF7A, s1;
	s8 =	simm.s32 @!p0 $0x1BF5;
	p2 =	por !p2, p0  }
0x20: {  	[sflag:s8] =	ssyncset.s32 @!p0 $0xFFFFF086;
	s6 =	sadd.s32 @!p0 s3, s7;
	s7 =	simm.s32 @!p0 $0x108  }
0x21: {  	s3 =	sadd.s32 s3, s9;
	s6 =	sadd.s32 @!p0 $0x88, s6;
	s7 =	simm.s32 @p2 $0x1082  }
0x22: {  	[simem:s7], [sflag:s8] =	dma.local @!p0 [hbm:s6], $0xF7A  }
0x23: {  	s9 =	sor.u32 $0xD0000000, s2;
	s6 =	simm.s32 $0x108;
	_ =	swait.ge @!p0 [sflag:s8], $0x0  }
0x24: {  	s3 =	sadd.s32 $0x88, s3;
	s6 =	simm.s32 @!p1 $0x1082;
	[sflag:s4] =	ssyncset.s32 $0xFFFFF086  }
0x25: {  	[simem:s6], [sflag:s4] =	dma.local [hbm:s3], $0xF7A  }
0x26: {  	[smem:$0x3F9D] =	sst s1;
	(tag) =	ssettag s2;
	_ =	strace s9  }
0x27: {  	s1 =	sld [smem:$0x3FAD]  }
0x28: {  	s2 =	sld [smem:$0x3FAE]  }
0x29: {  	s4 =	sld [smem:$0x3FB0]  }
0x2a: {  	p0 =	seq.s32 s5, $0x0;
	s5 =	sld [smem:$0x3FB1]  }
0x2b: {  	s6 =	sld [smem:$0x3FB2]  }
0x2c: {  	s7 =	sld [smem:$0x3FB3]  }
0x2d: {  	s3 =	simm.s32 $0x108;
	s8 =	sld [smem:$0x3FB4]  }
0x2e: {  	s3 =	simm.s32 @!p0 $0x1082;
	s9 =	sld [smem:$0x3FB5]  }
0x2f: {  	lr =	sadd.s32 s0, s3;
	s0 =	sld [smem:$0x3FAC]  }
0x30: {  	s3 =	sld [smem:$0x3FAF]  }
0x31: {  	[smem:$0x3FB8] =	sst s10  }
0x32: {  	s10 =	sld [smem:$0x3FB6];
	_ =	sdelay $0x3  }
0x33: {  	p0 =	seq.s32 s10, $0x1;
	s10 =	sld [smem:$0x3FB8];
	_ =	sdelay $0x3  }
0x34: {  	[smem:$0x3FB8] =	sst s10  }
0x35: {  	s10 =	sld [smem:$0x3FB7];
	_ =	sdelay $0x3  }
0x36: {  	p1 =	seq.s32 s10, $0x1;
	s10 =	sld [smem:$0x3FB8];
	_ =	sdelay $0x3  }
0x37: {  	[smem:$0x3FB8] =	sst s10  }
0x38: {  	s10 =	sld [smem:$0x3FB9]  }
0x39: {  	_ = 	snop;
	(pc) =	sbr.ind lr, $3  }
0x3a: {  	_ = 	snop  }
0x3b: {  	_ = 	snop  }
0x3c: {  	p2 =	seq.s32 s10, $0x1;
	s10 =	sld [smem:$0x3FB8]  }
0x3d: {  	_ =	shalt  }
0x3e: {  	_ =	shalt  }
0x3f: {  	_ =	shalt  }
0x40: {  	_ =	shalt  }
0x41: {  	_ =	shalt  }
0x42: {  	_ =	shalt  }
0x43: {  	_ =	shalt  }
0x44: {  	_ =	shalt  }
0x45: {  	_ =	shalt  }
0x46: {  	_ =	shalt  }
0x47: {  	_ =	shalt  }
0x48: {  	_ =	shalt  }
0x49: {  	_ =	shalt  }
0x4a: {  	_ =	shalt  }
0x4b: {  	_ =	shalt  }
0x4c: {  	_ =	shalt  }
0x4d: {  	_ =	shalt  }
0x4e: {  	_ =	shalt  }
0x4f: {  	_ =	shalt  }
0x50: {  	_ =	shalt  }
0x51: {  	_ =	shalt  }
0x52: {  	_ =	shalt  }
0x53: {  	_ =	shalt  }
0x54: {  	_ =	shalt  }
0x55: {  	_ =	shalt  }
0x56: {  	_ =	shalt  }
0x57: {  	_ =	shalt  }
0x58: {  	_ =	shalt  }
0x59: {  	_ =	shalt  }
0x5a: {  	_ =	shalt  }
0x5b: {  	_ =	shalt  }
0x5c: {  	_ =	shalt  }
0x5d: {  	_ =	shalt  }
0x5e: {  	_ =	shalt  }
0x5f: {  	_ =	shalt  }
0x60: {  	_ =	shalt  }
0x61: {  	_ =	shalt  }
0x62: {  	_ =	shalt  }
0x63: {  	_ =	shalt  }
0x64: {  	_ =	shalt  }
0x65: {  	_ =	shalt  }
0x66: {  	_ =	shalt  }
0x67: {  	_ =	shalt  }
0x68: {  	_ =	shalt  }
0x69: {  	_ =	shalt  }
0x6a: {  	_ =	shalt  }
0x6b: {  	_ =	shalt  }
0x6c: {  	_ =	shalt  }
0x6d: {  	_ =	shalt  }
0x6e: {  	_ =	shalt  }
0x6f: {  	_ =	shalt  }
0x70: {  	_ =	shalt  }
0x71: {  	_ =	shalt  }
0x72: {  	_ =	shalt  }
0x73: {  	_ =	shalt  }
0x74: {  	_ =	shalt  }
0x75: {  	_ =	shalt  }
0x76: {  	_ =	shalt  }
0x77: {  	_ =	shalt  }
0x78: {  	_ =	shalt  }
0x79: {  	_ =	shalt  }
0x7a: {  	_ =	shalt  }
0x7b: {  	_ =	shalt  }
0x7c: {  	_ =	shalt  }
0x7d: {  	_ =	shalt  }
0x7e: {  	_ =	shalt  }
0x7f: {  	_ =	shalt  }
0x80: {  	_ =	shalt  }
0x81: {  	_ =	shalt  }
0x82: {  	_ =	shalt  }
0x83: {  	_ =	shalt  }
0x84: {  	_ =	shalt  }
0x85: {  	_ =	shalt  }
0x86: {  	_ =	shalt  }
0x87: {  	_ =	shalt  }
.Lfunc_end0:
.L_simem_size_0:
called_computation_lowered:
.L_overlay_start_0:
0x88: {  	s2 =	sld [smem:$0x3FD9]  }
0x89: {  	s3 =	sld [smem:$0x3FFE];
	_ =	sdelay $0x1  }
0x8a: {  	s1 =	srdreg.scid  }
0x8b: {  	s0 =	sand.u32 $0x1, s1  }
0x8c: {  	s18 =	sshll.u32 s0, $0xA;
	s2 =	sadd.s32 s3, s2  }
0x8d: {  	s2 =	sadd.s32 s2, s18  }
0x8e: {  	[smem:$0x3FC4] =	sst s2  }
0x8f: {  	_ = 	snop  }
0x90: {  	s2 =	sld [smem:$0x3FC9]  }
0x91: {  	s19 =	sld [smem:$0x3FC8]  }
0x92: {  	s4 =	sld [smem:$0x3FC7]  }
0x93: {  	s5 =	sld [smem:$0x3FC6]  }
0x94: {  	s6 =	sld [smem:$0x3FD0];
	(tm) =	ssettm $0x1  }
0x95: {  	s7 =	sld [smem:$0x3FFB];
	_ =	sdelay $0x3  }
0x96: {  	_ =	strace s7  }
0x97: {  	s7 =	sld [smem:$0x3FFC];
	_ =	sdelay $0x3  }
0x98: {  	_ =	strace s7  }
0x99: {  	s7 =	sld [smem:$0x3FFD];
	_ =	sdelay $0x3  }
0x9a: {  	_ =	strace s7  }
0x9b: {  	_ =	strace $0x8FFFFFFF  }
0x9c: {  	s20 =	sld [smem:$0x3FDB];
	_ =	sdelay $0x1  }
0x9d: {  	s8 =	simm.s32 $_scs_section_size  }
0x9e: {  	s9 =	simm.s32 $_size__tile_overlayer_lowered;
	s10 =	simm.s32 $_tile_overlayer_lowered  }
0x9f: {  	s23 =	simm.s32 $0x1BFF;
	s22 =	sshll.u32 s10, $0x1;
	s7 =	sadd.s32 s8, s20  }
0xa0: {  	s11 =	simm.s32 $0x0;
	s21 =	sshll.u32 s9, $0x1;
	s9 =	sadd.s32 s22, s7  }
0xa1: {  	[timem:s11], [sflag:s23] =	dma.local [hbm:s9], s21  }
0xa2: {  	_ =	swait.ge [sflag:s23], s21  }
0xa3: {  	s8 =	ssub.s32 $0x0, s21;
	[sflag:s23] =	ssyncset.done $0x0  }
0xa4: {  	[sflag:s23] =	ssyncadd.s32 s8;
	_ =	sdelay $0x1  }
0xa5: {  	s24 =	simm.s32 $0x1B8B  }
0xa6: {  	_ =	swait.ge [sflag:s24], $0x1  }
0xa7: {  	[sflag:s24] =	ssyncset.done $0x0  }
0xa8: {  	s25 =	simm.s32 $0x1B8E;
	[sflag:s24] =	ssyncadd.s32 $0xFFFFFFFF  }
0xa9: {  	s26 =	simm.s32 $execute0_lowered;
	[smem:$0x3FD2] =	sst s25  }
0xaa: {  	s8 =	sshll.u32 s26, $0x1;
	_ =	strace $0x80000046;
	[dreg:$0x1] =	wrdreg $0xFFFFFFFF  }
0xab: {  	s28 =	simm.s32 $_size_execute0_lowered;
	s7 =	sadd.s32 s7, s8;
	[dreg:$0x0] =	wrdreg $0x0  }
0xac: {  	s8 =	sshll.u32 s28, $0x1;
	[dreg:$0x2] =	wrdreg s7  }
0xad: {  	[dreg:$0x3] =	wrdreg s8  }
0xae: {  	[dreg:$0x4] =	wrdreg $0xC0  }
0xaf: {  	_ =	task [dreg:s11], $0x5FFFF  }
0xb0: {  	[dreg:$0x1] =	wrdreg $0xFFFFFFFF  }
0xb1: {  	[dreg:$0x0] =	wrdreg $0x60  }
0xb2: {  	[dreg:$0x2] =	wrdreg s2  }
0xb3: {  	[dreg:$0x3] =	wrdreg s19  }
0xb4: {  	[dreg:$0x4] =	wrdreg s4  }
0xb5: {  	[dreg:$0x5] =	wrdreg s5  }
0xb6: {  	[dreg:$0x6] =	wrdreg s6  }
0xb7: {  	[dreg:$0x7] =	wrdreg $0x9  }
0xb8: {  	_ =	task.clear_ibuf [dreg:s11], $0x8FFFF;
	_ =	strace $0x90000046  }
0xb9: {  	s29 =	simm.s32 $0x9;
	_ =	strace $0x80000048  }
0xba: {  	_ =	swait.ge [sflag:s29], $0x1  }
0xbb: {  	[sflag:s29] =	ssyncadd.s32 $0xFFFFFFFF  }
0xbc: {  	_ =	strace $0x90000048  }
0xbd: {  	_ =	sfence  }
0xbe: {  	s30 =	sld [smem:$0x0];
	_ =	sdelay $0x2  }
0xbf: {  	s31 =	sshll.u32 s1, $0xD;
	s1 =	sshrl.u32 s1, $0x2  }
0xc0: {  	s3 =	sand.u32 $0x4000, s31;
	s1 =	sadd.s32 s1, s30  }
0xc1: {  	s0 =	sor.u32 s3, s0;
	s1 =	sshll.u32 s1, $0x11  }
0xc2: {  	s0 =	sor.u32 s1, s0  }
0xc3: {  	s0 =	sadd.s32 $0x8F2B, s0  }
0xc4: {  	[sflag:s0] =	ssyncadd.remote.s32 $0x1  }
0xc5: {  	_ =	sfence.sel $0xFFFF  }
0xc6: {  	[dreg:$0x0] =	wrdreg $0xFFFFFFFF;
	(pc) =	sbr.abs _section_cstart, $3  }
0xc7: {  	[dreg:$0x1] =	wrdreg $0xFFFFFFFF  }
0xc8: {  	_ =	task.clear_ibuf [dreg:s11], $0x2FFFF;
	_ =	strace $0x9FFFFFFF  }
0xc9: {  	(tm) =	ssettm $0x7FFFFFFF  }
tec
execute0_lowered:
.L_overlay_start_1:
0x0: {  	(tag) =	ssettag $0x1  }
0x1: {  	s0 =	rddreg [dreg:$0x0]  }
0x2: {  	s3 =	rddreg [dreg:$0x1]  }
0x3: {  	s1 =	rddreg [dreg:$0x2]  }
0x4: {  	s2 =	rddreg [dreg:$0x3]  }
0x5: {  	s5 =	rddreg [dreg:$0x4];
	s6 =	srdreg.scid;
	s4 =	simm.s32 $0x0  }
0x6: {  	s9 =	stileid.u32;
	s23 =	simm.s32 $0x500;
	s24 =	simm.s32 $0x8500  }
0x7: {  	s29 =	simm.s32 $0x900;
	s18 =	simm.s32 $0x6900;
	s19 =	simm.s32 $0xE900  }
0x8: {  	s20 =	simm.s32 $0x7100;
	s21 =	simm.s32 $0xF100;
	[smem:$0x7FF] =	sst s4  }
0x9: {  	s22 =	simm.s32 $0x7900;
	_ =	strace $0x80000047;
	[dreg:$0x6] =	wrdreg s18  }
0xa: {  	s25 =	simm.s32 $0xF900;
	s26 =	simm.s32 $0x8100;
	[dreg:$0x7] =	wrdreg s19  }
0xb: {  	s28 =	simm.s32 $0x10100;
	s30 =	simm.s32 $0x2;
	[dreg:$0x8] =	wrdreg s20  }
0xc: {  	s31 =	simm.s32 $0x6;
	s12 =	simm.s32 $0x3;
	[dreg:$0x9] =	wrdreg s21  }
0xd: {  	s11 =	simm.s32 $0x8;
	s13 =	simm.s32 $0x0;
	[dreg:$0xa] =	wrdreg s22  }
0xe: {  	s6 =	sand.u32 $0x1, s6;
	s9 =	sshll.u32 s9, $0x7;
	[dreg:$0xb] =	wrdreg s25  }
0xf: {  	s7 =	ssub.s32 $0x2, s6;
	s6 =	sshll.u32 s6, $0x6;
	[dreg:$0xc] =	wrdreg s26  }
0x10: {  	[dreg:$0xd] =	wrdreg s28;
	s8 =	sshrl.u32 s7, $0x1;
	s6 =	sor.u32 s6, s9  }
0x11: {  	v0 =	vlaneseq.u32;
	vm0 =	vmmov $0x1;
	s9 =	simm.s32 $0x9;
	s10 =	ssub.s32 s7, s8;
	s0 =	sadd.s32 s0, s6  }
0x12: {  	vm1 =	vmmov $0x3;
	vm2 =	vmmov $0x7;
	vm3 =	vmmov $0xf;
	s15 =	sadd.s32 s3, s6;
	s7 =	sadd.s32 $0xF4280, s1;
	[dreg:$0xe] =	wrdreg s0  }
0x13: {  	vm4 =	vmmov $0x1f;
	vm5 =	vmmov $0x3f;
	vm6 =	vmmov $0x7f;
	s8 =	sadd.s32 $0xF4280, s2;
	s16 =	sadd.s32 s5, s6;
	[dreg:$0xf] =	wrdreg s15  }
0x14: {  	vm7 =	vmmov $0xff;
	vm8 =	vmmov $0x1ff;
	vm9 =	vmmov $0x3ff;
	s3 =	simm.s32 $0x5;
	s5 =	simm.s32 $0x7;
	[dreg:$0x10] =	wrdreg s16  }
0x15: {  	vm10 =	vmmov $0x7ff;
	vm11 =	vmmov $0xfff;
	vm12 =	vmmov $0x1fff;
	s17 =	smax.u32 s10, $0x1;
	s0 =	simm.s32 $0x1;
	s10 =	simm.s32 $0x4  }
0x16: {  	vm13 =	vmmov $0x3fff;
	vm14 =	vmmov $0x7fff;
	v0 =	vmul.u32 $0x80, v0;
	s15 =	simm.s32 $0xFD00;
	[dreg:$0x11] =	wrdreg s17;
	s17 =	simm.s32 $0x7D00  }
.LBB2_1:
0x17: {  	[dreg:$0x12] =	wrdreg s13  }
0x18: {  	s6 =	rddreg [dreg:$0xe]  }
0x19: {  	[tilespmem:s4], [sflag:$0x9] =	stream.linear.gather [hbm4b:s6+s4], $0x200, $0x38;
	[tilespmem:$0x10700] =	vst v63  }
0x1a: {  	_ =	swait.ge [sflag:s9], $0x200  }
0x1b: {  	[sflag:s9] =	ssyncset.done $0x0  }
0x1c: {  	s14 =	simm.s32 $0x280;
	s13 =	rddreg [dreg:$0xf];
	[sflag:s9] =	ssyncadd.s32 $0xFFFFFE00  }
0x1d: {  	[tilespmem:s14], [sflag:$0x9] =	stream.linear.gather [hbm4b:s13+s4], $0x200, $0x38;
	[tilespmem:$0x10700] =	vst v63  }
0x1e: {  	_ =	swait.ge [sflag:s9], $0x200  }
0x1f: {  	[sflag:s9] =	ssyncset.done $0x0  }
0x20: {  	[sflag:s9] =	ssyncadd.s32 $0xFFFFFE00  }
0x21: {  	v1 =	vld [tilespmem:$0x0]  }
0x22: {  	v2 =	vld [tilespmem:$0x280];
	_ =	sdelay $0x3  }
0x23: {  	v1 =	vand.u32 $0xFFFFFF80, v1  }
0x24: {  	v2 =	vand.u32 $0xFFFFFF80, v2;
	(v2sf) =	vpush v1, $0x0  }
0x25: {  	(v2sf) =	vpush v2, $0x0;
	_ =	sdelay $0x5  }
0x26: {  	(v2sf) =	vpush v1, $0x1;
	_ =	sdelay $0x1  }
0x27: {  	(v2sf) =	vpush v2, $0x1;
	_ =	sdelay $0x5  }
0x28: {  	s19 =	spop (v2sf);
	(v2sf) =	vpush v1, $0x2  }
0x29: {  	s20 =	spop (v2sf);
	s28 =	sadd.s32 s1, s19  }
0x2a: {  	(v2sf) =	vpush v2, $0x2;
	[tilespmem:s23], [sflag:$0x1] =	stream.linear.gather [hbm4b:s28+s4], $0x400, $0x38;
	[tilespmem:$0x10700] =	vst v63  }
0x2b: {  	s28 =	sadd.s32 s2, s20  }
0x2c: {  	[tilespmem:s24], [sflag:$0x5] =	stream.linear.gather [hbm4b:s28+s4], $0x400, $0x38;
	[tilespmem:$0x10700] =	vst v63  }
0x2d: {  	s19 =	sadd.s32 s19, s7  }
0x2e: {  	[tilespmem:s29], [sflag:$0x1] =	stream.linear.gather [hbm4b:s19+s4], $0x400, $0x38;
	[tilespmem:$0x10700] =	vst v63  }
0x2f: {  	s18 =	simm.s32 $0x8900;
	s16 =	sadd.s32 s20, s8;
	s20 =	spop (v2sf)  }
0x30: {  	(v2sf) =	vpush v1, $0x3;
	[tilespmem:s18], [sflag:$0x5] =	stream.linear.gather [hbm4b:s16+s4], $0x400, $0x38;
	[tilespmem:$0x10700] =	vst v63  }
0x31: {  	s22 =	simm.s32 $0xD00;
	s21 =	spop (v2sf);
	s28 =	sadd.s32 s1, s20  }
0x32: {  	(v2sf) =	vpush v2, $0x3;
	[tilespmem:s22], [sflag:$0x1] =	stream.linear.gather [hbm4b:s28+s4], $0x400, $0x38;
	[tilespmem:$0x10700] =	vst v63  }
0x33: {  	s23 =	simm.s32 $0x8D00;
	s28 =	sadd.s32 s2, s21  }
0x34: {  	[tilespmem:s23], [sflag:$0x5] =	stream.linear.gather [hbm4b:s28+s4], $0x400, $0x38;
	[tilespmem:$0x10700] =	vst v63  }
0x35: {  	s24 =	simm.s32 $0x1100;
	s19 =	sadd.s32 s20, s7  }
0x36: {  	[tilespmem:s24], [sflag:$0x1] =	stream.linear.gather [hbm4b:s19+s4], $0x400, $0x38;
	[tilespmem:$0x10700] =	vst v63  }
0x37: {  	s26 =	simm.s32 $0x9100;
	s25 =	sadd.s32 s21, s8;
	s9 =	spop (v2sf)  }
0x38: {  	[tilespmem:s26], [sflag:$0x5] =	stream.linear.gather [hbm4b:s25+s4], $0x400, $0x38;
	[tilespmem:$0x10700] =	vst v63  }
0x39: {  	s14 =	simm.s32 $0x1500;
	s13 =	spop (v2sf);
	s28 =	sadd.s32 s1, s9  }
0x3a: {  	[tilespmem:s14], [sflag:$0x1] =	stream.linear.gather [hbm4b:s28+s4], $0x400, $0x38;
	[tilespmem:$0x10700] =	vst v63  }
0x3b: {  	s16 =	simm.s32 $0x9500;
	s28 =	sadd.s32 s2, s13  }
0x3c: {  	[tilespmem:s16], [sflag:$0x5] =	stream.linear.gather [hbm4b:s28+s4], $0x400, $0x38;
	[tilespmem:$0x10700] =	vst v63  }
0x3d: {  	s18 =	simm.s32 $0x1900;
	s19 =	sadd.s32 s9, s7  }
0x3e: {  	[tilespmem:s18], [sflag:$0x1] =	stream.linear.gather [hbm4b:s19+s4], $0x400, $0x38;
	[tilespmem:$0x10700] =	vst v63  }
0x3f: {  	s21 =	simm.s32 $0x9900;
	s20 =	sadd.s32 s13, s8;
	s22 =	spop (v2sf)  }
0x40: {  	[tilespmem:s21], [sflag:$0x5] =	stream.linear.gather [hbm4b:s20+s4], $0x400, $0x38;
	[tilespmem:$0x10700] =	vst v63  }
0x41: {  	s24 =	simm.s32 $0x1D00;
	s23 =	spop (v2sf);
	s28 =	sadd.s32 s1, s22  }
0x42: {  	[tilespmem:s24], [sflag:$0x1] =	stream.linear.gather [hbm4b:s28+s4], $0x400, $0x38;
	[tilespmem:$0x10700] =	vst v63  }
0x43: {  	s25 =	simm.s32 $0x9D00;
	s28 =	sadd.s32 s2, s23  }
0x44: {  	[tilespmem:s25], [sflag:$0x5] =	stream.linear.gather [hbm4b:s28+s4], $0x400, $0x38;
	[tilespmem:$0x10700] =	vst v63  }
0x45: {  	s26 =	simm.s32 $0x2100;
	s19 =	sadd.s32 s22, s7  }
0x46: {  	[tilespmem:s26], [sflag:$0x1] =	stream.linear.gather [hbm4b:s19+s4], $0x400, $0x38;
	[tilespmem:$0x10700] =	vst v63  }
0x47: {  	s13 =	simm.s32 $0xA100;
	s9 =	sadd.s32 s23, s8  }
0x48: {  	[tilespmem:s13], [sflag:$0x5] =	stream.linear.gather [hbm4b:s9+s4], $0x400, $0x38;
	[tilespmem:$0x10700] =	vst v63  }
0x49: {  	v1 =	vld [tilespmem:$0x4]  }
0x4a: {  	v2 =	vld [tilespmem:$0x284];
	_ =	sdelay $0x3  }
0x4b: {  	v1 =	vand.u32 $0xFFFFFF80, v1  }
0x4c: {  	v2 =	vand.u32 $0xFFFFFF80, v2;
	(v2sf) =	vpush v1, $0x0  }
0x4d: {  	(v2sf) =	vpush v2, $0x0;
	_ =	sdelay $0x5  }
0x4e: {  	(v2sf) =	vpush v1, $0x1;
	_ =	sdelay $0x1  }
0x4f: {  	(v2sf) =	vpush v2, $0x1;
	_ =	sdelay $0x5  }
0x50: {  	s14 =	spop (v2sf);
	(v2sf) =	vpush v1, $0x2  }
0x51: {  	s18 =	simm.s32 $0x2500;
	s16 =	spop (v2sf);
	s28 =	sadd.s32 s1, s14  }
0x52: {  	(v2sf) =	vpush v2, $0x2;
	[tilespmem:s18], [sflag:$0x2] =	stream.linear.gather [hbm4b:s28+s4], $0x400, $0x38;
	[tilespmem:$0x10700] =	vst v63  }
0x53: {  	s21 =	simm.s32 $0xA500;
	s28 =	sadd.s32 s2, s16  }
0x54: {  	[tilespmem:s21], [sflag:$0x6] =	stream.linear.gather [hbm4b:s28+s4], $0x400, $0x38;
	[tilespmem:$0x10700] =	vst v63  }
0x55: {  	s22 =	simm.s32 $0x2900;
	s19 =	sadd.s32 s14, s7  }
0x56: {  	[tilespmem:s22], [sflag:$0x2] =	stream.linear.gather [hbm4b:s19+s4], $0x400, $0x38;
	[tilespmem:$0x10700] =	vst v63  }
0x57: {  	s24 =	simm.s32 $0xA900;
	s23 =	sadd.s32 s16, s8;
	s25 =	spop (v2sf)  }
0x58: {  	(v2sf) =	vpush v1, $0x3;
	[tilespmem:s24], [sflag:$0x6] =	stream.linear.gather [hbm4b:s23+s4], $0x400, $0x38;
	[tilespmem:$0x10700] =	vst v63  }
0x59: {  	s9 =	simm.s32 $0x2D00;
	s26 =	spop (v2sf);
	s28 =	sadd.s32 s1, s25  }
0x5a: {  	(v2sf) =	vpush v2, $0x3;
	[tilespmem:s9], [sflag:$0x2] =	stream.linear.gather [hbm4b:s28+s4], $0x400, $0x38;
	[tilespmem:$0x10700] =	vst v63  }
0x5b: {  	s13 =	simm.s32 $0xAD00;
	s28 =	sadd.s32 s2, s26  }
0x5c: {  	[tilespmem:s13], [sflag:$0x6] =	stream.linear.gather [hbm4b:s28+s4], $0x400, $0x38;
	[tilespmem:$0x10700] =	vst v63  }
0x5d: {  	s14 =	simm.s32 $0x3100;
	s19 =	sadd.s32 s25, s7  }
0x5e: {  	[tilespmem:s14], [sflag:$0x2] =	stream.linear.gather [hbm4b:s19+s4], $0x400, $0x38;
	[tilespmem:$0x10700] =	vst v63  }
0x5f: {  	s18 =	simm.s32 $0xB100;
	s16 =	sadd.s32 s26, s8;
	s20 =	spop (v2sf)  }
0x60: {  	[tilespmem:s18], [sflag:$0x6] =	stream.linear.gather [hbm4b:s16+s4], $0x400, $0x38;
	[tilespmem:$0x10700] =	vst v63  }
0x61: {  	s22 =	simm.s32 $0x3500;
	s21 =	spop (v2sf);
	s28 =	sadd.s32 s1, s20  }
0x62: {  	[tilespmem:s22], [sflag:$0x2] =	stream.linear.gather [hbm4b:s28+s4], $0x400, $0x38;
	[tilespmem:$0x10700] =	vst v63  }
0x63: {  	s23 =	simm.s32 $0xB500;
	s28 =	sadd.s32 s2, s21  }
0x64: {  	[tilespmem:s23], [sflag:$0x6] =	stream.linear.gather [hbm4b:s28+s4], $0x400, $0x38;
	[tilespmem:$0x10700] =	vst v63  }
0x65: {  	s24 =	simm.s32 $0x3900;
	s19 =	sadd.s32 s20, s7  }
0x66: {  	[tilespmem:s24], [sflag:$0x2] =	stream.linear.gather [hbm4b:s19+s4], $0x400, $0x38;
	[tilespmem:$0x10700] =	vst v63  }
0x67: {  	s26 =	simm.s32 $0xB900;
	s25 =	sadd.s32 s21, s8;
	s9 =	spop (v2sf)  }
0x68: {  	[tilespmem:s26], [sflag:$0x6] =	stream.linear.gather [hbm4b:s25+s4], $0x400, $0x38;
	[tilespmem:$0x10700] =	vst v63  }
0x69: {  	s14 =	simm.s32 $0x3D00;
	s13 =	spop (v2sf);
	s28 =	sadd.s32 s1, s9  }
0x6a: {  	[tilespmem:s14], [sflag:$0x2] =	stream.linear.gather [hbm4b:s28+s4], $0x400, $0x38;
	[tilespmem:$0x10700] =	vst v63  }
0x6b: {  	s16 =	simm.s32 $0xBD00;
	s28 =	sadd.s32 s2, s13  }
0x6c: {  	[tilespmem:s16], [sflag:$0x6] =	stream.linear.gather [hbm4b:s28+s4], $0x400, $0x38;
	[tilespmem:$0x10700] =	vst v63  }
0x6d: {  	s18 =	simm.s32 $0x4100;
	s19 =	sadd.s32 s9, s7  }
0x6e: {  	[tilespmem:s18], [sflag:$0x2] =	stream.linear.gather [hbm4b:s19+s4], $0x400, $0x38;
	[tilespmem:$0x10700] =	vst v63  }
0x6f: {  	s22 =	simm.s32 $0xC100;
	s21 =	sadd.s32 s13, s8  }
0x70: {  	[tilespmem:s22], [sflag:$0x6] =	stream.linear.gather [hbm4b:s21+s4], $0x400, $0x38;
	[tilespmem:$0x10700] =	vst v63  }
0x71: {  	v1 =	vld [tilespmem:$0x8]  }
0x72: {  	v2 =	vld [tilespmem:$0x288];
	_ =	sdelay $0x3  }
0x73: {  	v1 =	vand.u32 $0xFFFFFF80, v1  }
0x74: {  	v2 =	vand.u32 $0xFFFFFF80, v2;
	(v2sf) =	vpush v1, $0x0  }
0x75: {  	(v2sf) =	vpush v2, $0x0;
	_ =	sdelay $0x5  }
0x76: {  	(v2sf) =	vpush v1, $0x1;
	_ =	sdelay $0x1  }
0x77: {  	(v2sf) =	vpush v2, $0x1;
	_ =	sdelay $0x5  }
0x78: {  	s23 =	spop (v2sf);
	(v2sf) =	vpush v1, $0x2  }
0x79: {  	s25 =	simm.s32 $0x4500;
	s24 =	spop (v2sf);
	s28 =	sadd.s32 s1, s23  }
0x7a: {  	(v2sf) =	vpush v2, $0x2;
	[tilespmem:s25], [sflag:$0x3] =	stream.linear.gather [hbm4b:s28+s4], $0x400, $0x38;
	[tilespmem:$0x10700] =	vst v63  }
0x7b: {  	s26 =	simm.s32 $0xC500;
	s28 =	sadd.s32 s2, s24  }
0x7c: {  	[tilespmem:s26], [sflag:$0x7] =	stream.linear.gather [hbm4b:s28+s4], $0x400, $0x38;
	[tilespmem:$0x10700] =	vst v63  }
0x7d: {  	s9 =	simm.s32 $0x4900;
	s19 =	sadd.s32 s23, s7  }
0x7e: {  	[tilespmem:s9], [sflag:$0x3] =	stream.linear.gather [hbm4b:s19+s4], $0x400, $0x38;
	[tilespmem:$0x10700] =	vst v63  }
0x7f: {  	s14 =	simm.s32 $0xC900;
	s13 =	sadd.s32 s24, s8;
	s16 =	spop (v2sf)  }
0x80: {  	(v2sf) =	vpush v1, $0x3;
	[tilespmem:s14], [sflag:$0x7] =	stream.linear.gather [hbm4b:s13+s4], $0x400, $0x38;
	[tilespmem:$0x10700] =	vst v63  }
0x81: {  	s21 =	simm.s32 $0x4D00;
	s18 =	spop (v2sf);
	s28 =	sadd.s32 s1, s16  }
0x82: {  	(v2sf) =	vpush v2, $0x3;
	[tilespmem:s21], [sflag:$0x3] =	stream.linear.gather [hbm4b:s28+s4], $0x400, $0x38;
	[tilespmem:$0x10700] =	vst v63  }
0x83: {  	s22 =	simm.s32 $0xCD00;
	s28 =	sadd.s32 s2, s18  }
0x84: {  	[tilespmem:s22], [sflag:$0x7] =	stream.linear.gather [hbm4b:s28+s4], $0x400, $0x38;
	[tilespmem:$0x10700] =	vst v63  }
0x85: {  	s23 =	simm.s32 $0x5100;
	s19 =	sadd.s32 s16, s7  }
0x86: {  	[tilespmem:s23], [sflag:$0x3] =	stream.linear.gather [hbm4b:s19+s4], $0x400, $0x38;
	[tilespmem:$0x10700] =	vst v63  }
0x87: {  	s25 =	simm.s32 $0xD100;
	s20 =	sadd.s32 s18, s8;
	s24 =	spop (v2sf)  }
0x88: {  	[tilespmem:s25], [sflag:$0x7] =	stream.linear.gather [hbm4b:s20+s4], $0x400, $0x38;
	[tilespmem:$0x10700] =	vst v63  }
0x89: {  	s9 =	simm.s32 $0x5500;
	s26 =	spop (v2sf);
	s28 =	sadd.s32 s1, s24  }
0x8a: {  	[tilespmem:s9], [sflag:$0x3] =	stream.linear.gather [hbm4b:s28+s4], $0x400, $0x38;
	[tilespmem:$0x10700] =	vst v63  }
0x8b: {  	s13 =	simm.s32 $0xD500;
	s28 =	sadd.s32 s2, s26  }
0x8c: {  	[tilespmem:s13], [sflag:$0x7] =	stream.linear.gather [hbm4b:s28+s4], $0x400, $0x38;
	[tilespmem:$0x10700] =	vst v63  }
0x8d: {  	s29 =	simm.s32 $0x0;
	s14 =	simm.s32 $0x5900;
	s19 =	sadd.s32 s24, s7  }
0x8e: {  	[tilespmem:s14], [sflag:$0x3] =	stream.linear.gather [hbm4b:s19+s4], $0x400, $0x38;
	[tilespmem:$0x10700] =	vst v63  }
0x8f: {  	s18 =	simm.s32 $0xD900;
	s16 =	spop (v2sf);
	s20 =	sadd.s32 s26, s8  }
0x90: {  	[tilespmem:s18], [sflag:$0x7] =	stream.linear.gather [hbm4b:s20+s4], $0x400, $0x38;
	[tilespmem:$0x10700] =	vst v63  }
0x91: {  	s22 =	simm.s32 $0x5D00;
	s21 =	spop (v2sf);
	s28 =	sadd.s32 s1, s16  }
0x92: {  	[tilespmem:s22], [sflag:$0x3] =	stream.linear.gather [hbm4b:s28+s4], $0x400, $0x38;
	[tilespmem:$0x10700] =	vst v63  }
0x93: {  	s23 =	simm.s32 $0xDD00;
	s24 =	simm.s32 $0x6100;
	s28 =	sadd.s32 s2, s21  }
0x94: {  	[tilespmem:s23], [sflag:$0x7] =	stream.linear.gather [hbm4b:s28+s4], $0x400, $0x38;
	[tilespmem:$0x10700] =	vst v63  }
0x95: {  	s26 =	simm.s32 $0xE100;
	s25 =	sadd.s32 s21, s8;
	s19 =	sadd.s32 s16, s7  }
0x96: {  	[tilespmem:s24], [sflag:$0x3] =	stream.linear.gather [hbm4b:s19+s4], $0x400, $0x38;
	[tilespmem:$0x10700] =	vst v63  }
0x97: {  	s20 =	simm.s32 $0xC;
	s28 =	simm.s32 $0x10500;
	s19 =	simm.s32 $0x28C  }
0x98: {  	[tilespmem:s26], [sflag:$0x7] =	stream.linear.gather [hbm4b:s25+s4], $0x400, $0x38;
	[tilespmem:$0x10700] =	vst v63  }
.LBB2_2:
0x99: {  	v1 =	vld [tilespmem:s20+$0xFFFFFFF4]  }
0x9a: {  	v2 =	vld [tilespmem:s19+$0xFFFFFFF4];
	_ =	swait.ge [sflag:s0], $0x800  }
0x9b: {  	[sflag:s0] =	ssyncset.done $0x0  }
0x9c: {  	[sflag:s0] =	ssyncadd.s32 $0xFFFFF800  }
0x9d: {  	_ =	swait.ge [sflag:s3], $0x800  }
0x9e: {  	[sflag:s3] =	ssyncset.done $0x0  }
0x9f: {  	[sflag:s3] =	ssyncadd.s32 $0xFFFFF800  }
0xa0: {  	_ =	swait.ge [sflag:s0], $0x800  }
0xa1: {  	[sflag:s0] =	ssyncset.done $0x0  }
0xa2: {  	[sflag:s0] =	ssyncadd.s32 $0xFFFFF800  }
0xa3: {  	_ =	swait.ge [sflag:s3], $0x800  }
0xa4: {  	[sflag:s3] =	ssyncset.done $0x0  }
0xa5: {  	[sflag:s3] =	ssyncadd.s32 $0xFFFFF800  }
0xa6: {  	_ =	swait.ge [sflag:s0], $0x800  }
0xa7: {  	[sflag:s0] =	ssyncset.done $0x0  }
0xa8: {  	[sflag:s0] =	ssyncadd.s32 $0xFFFFF800  }
0xa9: {  	_ =	swait.ge [sflag:s3], $0x800  }
0xaa: {  	[sflag:s3] =	ssyncset.done $0x0  }
0xab: {  	[sflag:s3] =	ssyncadd.s32 $0xFFFFF800  }
0xac: {  	_ =	swait.ge [sflag:s0], $0x800  }
0xad: {  	[sflag:s0] =	ssyncset.done $0x0  }
0xae: {  	[sflag:s0] =	ssyncadd.s32 $0xFFFFF800  }
0xaf: {  	_ =	swait.ge [sflag:s3], $0x800  }
0xb0: {  	[sflag:s3] =	ssyncset.done $0x0  }
0xb1: {  	[sflag:s3] =	ssyncadd.s32 $0xFFFFF800  }
0xb2: {  	v3 =	vld [tilespmem:s20+$0x0]  }
0xb3: {  	v4 =	vld [tilespmem:s19+$0x0];
	_ =	sdelay $0x3  }
0xb4: {  	v3 =	vand.u32 $0xFFFFFF80, v3  }
0xb5: {  	v4 =	vand.u32 $0xFFFFFF80, v4;
	(v2sf) =	vpush v3, $0x0  }
0xb6: {  	(v2sf) =	vpush v4, $0x0;
	_ =	sdelay $0x5  }
0xb7: {  	(v2sf) =	vpush v3, $0x1;
	_ =	sdelay $0x1  }
0xb8: {  	(v2sf) =	vpush v4, $0x1;
	_ =	sdelay $0x5  }
0xb9: {  	s6 =	spop (v2sf);
	(v2sf) =	vpush v3, $0x2  }
0xba: {  	s14 =	simm.s32 $0x6500;
	s9 =	spop (v2sf);
	s13 =	sadd.s32 s1, s6  }
0xbb: {  	(v2sf) =	vpush v4, $0x2;
	[tilespmem:s14], [sflag:$0x4] =	stream.linear.gather [hbm4b:s13+s4], $0x400, $0x38;
	[tilespmem:$0x10700] =	vst v63  }
0xbc: {  	s26 =	simm.s32 $0xE500;
	s25 =	sadd.s32 s2, s9  }
0xbd: {  	[tilespmem:s26], [sflag:$0x8] =	stream.linear.gather [hbm4b:s25+s4], $0x400, $0x38;
	[tilespmem:$0x10700] =	vst v63  }
0xbe: {  	s23 =	rddreg [dreg:$0x6];
	s6 =	sadd.s32 s6, s7  }
0xbf: {  	[tilespmem:s23], [sflag:$0x4] =	stream.linear.gather [hbm4b:s6+s4], $0x400, $0x38;
	[tilespmem:$0x10700] =	vst v63  }
0xc0: {  	s14 =	rddreg [dreg:$0x7];
	s16 =	sadd.s32 s9, s8;
	s18 =	spop (v2sf)  }
0xc1: {  	(v2sf) =	vpush v3, $0x3;
	[tilespmem:s14], [sflag:$0x8] =	stream.linear.gather [hbm4b:s16+s4], $0x400, $0x38;
	[tilespmem:$0x10700] =	vst v63  }
0xc2: {  	s21 =	spop (v2sf);
	s22 =	sadd.s32 s1, s18;
	s23 =	simm.s32 $0x6D00  }
0xc3: {  	(v2sf) =	vpush v4, $0x3;
	[tilespmem:s23], [sflag:$0x4] =	stream.linear.gather [hbm4b:s22+s4], $0x400, $0x38;
	[tilespmem:$0x10700] =	vst v63  }
0xc4: {  	s24 =	sadd.s32 s2, s21;
	s26 =	simm.s32 $0xED00  }
0xc5: {  	[tilespmem:s26], [sflag:$0x8] =	stream.linear.gather [hbm4b:s24+s4], $0x400, $0x38;
	[tilespmem:$0x10700] =	vst v63  }
0xc6: {  	s25 =	rddreg [dreg:$0x8];
	s6 =	sadd.s32 s18, s7  }
0xc7: {  	[tilespmem:s25], [sflag:$0x4] =	stream.linear.gather [hbm4b:s6+s4], $0x400, $0x38;
	[tilespmem:$0x10700] =	vst v63  }
0xc8: {  	s14 =	rddreg [dreg:$0x9];
	s16 =	sadd.s32 s21, s8;
	s18 =	spop (v2sf)  }
0xc9: {  	[tilespmem:s14], [sflag:$0x8] =	stream.linear.gather [hbm4b:s16+s4], $0x400, $0x38;
	[tilespmem:$0x10700] =	vst v63  }
0xca: {  	s23 =	simm.s32 $0x7500;
	s21 =	spop (v2sf);
	s22 =	sadd.s32 s1, s18  }
0xcb: {  	[tilespmem:s23], [sflag:$0x4] =	stream.linear.gather [hbm4b:s22+s4], $0x400, $0x38;
	[tilespmem:$0x10700] =	vst v63  }
0xcc: {  	s26 =	simm.s32 $0xF500;
	s24 =	sadd.s32 s2, s21  }
0xcd: {  	[tilespmem:s26], [sflag:$0x8] =	stream.linear.gather [hbm4b:s24+s4], $0x400, $0x38;
	[tilespmem:$0x10700] =	vst v63  }
0xce: {  	s25 =	rddreg [dreg:$0xa];
	s6 =	sadd.s32 s18, s7  }
0xcf: {  	[tilespmem:s25], [sflag:$0x4] =	stream.linear.gather [hbm4b:s6+s4], $0x400, $0x38;
	[tilespmem:$0x10700] =	vst v63  }
0xd0: {  	s16 =	rddreg [dreg:$0xb];
	s18 =	sadd.s32 s21, s8;
	s21 =	spop (v2sf)  }
0xd1: {  	[tilespmem:s16], [sflag:$0x8] =	stream.linear.gather [hbm4b:s18+s4], $0x400, $0x38;
	[tilespmem:$0x10700] =	vst v63  }
0xd2: {  	v1 =	vand.u32 $0x7F, v1;
	s22 =	spop (v2sf);
	s23 =	sadd.s32 s1, s21  }
0xd3: {  	v2 =	vand.u32 $0x7F, v2;
	v3 =	vbroadcast v1, $0x0;
	[tilespmem:s17], [sflag:$0x4] =	stream.linear.gather [hbm4b:s23+s4], $0x400, $0x38;
	[tilespmem:$0x10700] =	vst v63  }
0xd4: {  	v60 =	vbroadcast v2, $0x0;
	s24 =	sadd.s32 s2, s22  }
0xd5: {  	v5 =	vbroadcast v1, $0x1;
	v3 =	vor.u32 v0, v3;
	[tilespmem:s15], [sflag:$0x8] =	stream.linear.gather [hbm4b:s24+s4], $0x400, $0x38;
	[tilespmem:$0x10700] =	vst v63  }
0xd6: {  	v6 =	vbroadcast v2, $0x1;
	v4 =	vor.u32 v0, v60;
	s25 =	rddreg [dreg:$0xc];
	s6 =	sadd.s32 s21, s7  }
0xd7: {  	v7 =	vbroadcast v1, $0x2;
	v5 =	vor.u32 v0, v5;
	[tilespmem:s25], [sflag:$0x4] =	stream.linear.gather [hbm4b:s6+s4], $0x400, $0x38;
	[tilespmem:$0x10700] =	vst v63  }
0xd8: {  	v8 =	vbroadcast v2, $0x2;
	v6 =	vor.u32 v0, v6;
	s9 =	sadd.s32 s22, s8;
	s26 =	rddreg [dreg:$0xd];
	s23 =	simm.s32 $0x500  }
0xd9: {  	v9 =	vbroadcast v1, $0x3;
	v7 =	vor.u32 v0, v7;
	[tilespmem:s26], [sflag:$0x8] =	stream.linear.gather [hbm4b:s9+s4], $0x400, $0x38;
	[tilespmem:$0x10700] =	vst v63  }
0xda: {  	v10 =	vbroadcast v2, $0x3;
	v8 =	vor.u32 v0, v8;
	s14 =	simm.s32 $0x8500;
	v3 =	vld.idx.msk [tilespmem:v3+s23+$0x0], $0xffff  }
0xdb: {  	v9 =	vor.u32 v0, v9;
	s24 =	simm.s32 $0xD00;
	v4 =	vld.idx.msk [tilespmem:v4+s14+$0x0], $0xffff  }
0xdc: {  	v10 =	vor.u32 v0, v10;
	s18 =	simm.s32 $0x8D00;
	v5 =	vld.idx.msk [tilespmem:v5+s24+$0x0], $0xffff  }
0xdd: {  	s16 =	simm.s32 $0x1500;
	v6 =	vld.idx.msk [tilespmem:v6+s18+$0x0], $0xffff  }
0xde: {  	s21 =	simm.s32 $0x9500;
	v7 =	vld.idx.msk [tilespmem:v7+s16+$0x0], $0xffff  }
0xdf: {  	s22 =	simm.s32 $0x1D00;
	v8 =	vld.idx.msk [tilespmem:v8+s21+$0x0], $0xffff  }
0xe0: {  	s25 =	simm.s32 $0x9D00;
	v9 =	vld.idx.msk [tilespmem:v9+s22+$0x0], $0xffff  }
0xe1: {  	v10 =	vld.idx.msk [tilespmem:v10+s25+$0x0], $0xffff;
	_ =	sdelay $0x1  }
0xe2: {  	v3 =	vmul.f32 v4, v3  }
0xe3: {  	v61 =	vmul.f32 v6, v5  }
0xe4: {  	(xrf2) =	vadd.scan.msk.f32 $0xffff, v3;
	v3 =	vmul.f32 v8, v7  }
0xe5: {  	v62 =	vmul.f32 v10, v9;
	(xrf2) =	vadd.scan.msk.f32 $0xffff, v61  }
0xe6: {  	(xrf2) =	vadd.scan.msk.f32 $0xffff, v3  }
0xe7: {  	(xrf2) =	vadd.scan.msk.f32 $0xffff, v62;
	_ =	sdelay $0x6  }
0xe8: {  	v63, _, _ =	vpop (xrf2)  }
0xe9: {  	v24, _, _ =	vpop (xrf2)  }
0xea: {  	v25, _, _ =	vpop (xrf2)  }
0xeb: {  	v3, _, _ =	vpop (xrf2)  }
0xec: {  	_ =	swait.ge [sflag:s30], $0x800  }
0xed: {  	[sflag:s30] =	ssyncset.done $0x0  }
0xee: {  	[sflag:s30] =	ssyncadd.s32 $0xFFFFF800  }
0xef: {  	_ =	swait.ge [sflag:s31], $0x800  }
0xf0: {  	[sflag:s31] =	ssyncset.done $0x0  }
0xf1: {  	[sflag:s31] =	ssyncadd.s32 $0xFFFFF800  }
0xf2: {  	_ =	swait.ge [sflag:s30], $0x800  }
0xf3: {  	[sflag:s30] =	ssyncset.done $0x0  }
0xf4: {  	[sflag:s30] =	ssyncadd.s32 $0xFFFFF800  }
0xf5: {  	_ =	swait.ge [sflag:s31], $0x800  }
0xf6: {  	[sflag:s31] =	ssyncset.done $0x0  }
0xf7: {  	[sflag:s31] =	ssyncadd.s32 $0xFFFFF800  }
0xf8: {  	_ =	swait.ge [sflag:s30], $0x800  }
0xf9: {  	[sflag:s30] =	ssyncset.done $0x0  }
0xfa: {  	[sflag:s30] =	ssyncadd.s32 $0xFFFFF800  }
0xfb: {  	_ =	swait.ge [sflag:s31], $0x800  }
0xfc: {  	[sflag:s31] =	ssyncset.done $0x0  }
0xfd: {  	[sflag:s31] =	ssyncadd.s32 $0xFFFFF800  }
0xfe: {  	_ =	swait.ge [sflag:s30], $0x800  }
0xff: {  	[sflag:s30] =	ssyncset.done $0x0  }
0x100: {  	[sflag:s30] =	ssyncadd.s32 $0xFFFFF800  }
0x101: {  	_ =	swait.ge [sflag:s31], $0x800  }
0x102: {  	s13 =	smin.u32 s29, $0x7B;
	[sflag:s31] =	ssyncset.done $0x0  }
0x103: {  	s6 =	sshll.u32 s13, $0x2;
	[sflag:s31] =	ssyncadd.s32 $0xFFFFF800  }
0x104: {  	v26 =	vld [tilespmem:s6+$0x10]  }
0x105: {  	v27 =	vld [tilespmem:s6+$0x290];
	_ =	sdelay $0x3  }
0x106: {  	v7 =	vand.u32 $0xFFFFFF80, v26  }
0x107: {  	v8 =	vand.u32 $0xFFFFFF80, v27;
	(v2sf) =	vpush v7, $0x0  }
0x108: {  	(v2sf) =	vpush v8, $0x0;
	_ =	sdelay $0x5  }
0x109: {  	(v2sf) =	vpush v7, $0x1;
	_ =	sdelay $0x1  }
0x10a: {  	(v2sf) =	vpush v8, $0x1;
	_ =	sdelay $0x5  }
0x10b: {  	s6 =	spop (v2sf);
	(v2sf) =	vpush v7, $0x2  }
0x10c: {  	s9 =	spop (v2sf);
	s26 =	sadd.s32 s1, s6  }
0x10d: {  	(v2sf) =	vpush v8, $0x2;
	[tilespmem:s23], [sflag:$0x1] =	stream.linear.gather [hbm4b:s26+s4], $0x400, $0x38;
	[tilespmem:$0x10700] =	vst v63  }
0x10e: {  	s26 =	sadd.s32 s2, s9  }
0x10f: {  	[tilespmem:s14], [sflag:$0x5] =	stream.linear.gather [hbm4b:s26+s4], $0x400, $0x38;
	[tilespmem:$0x10700] =	vst v63  }
0x110: {  	s6 =	sadd.s32 s6, s7;
	s26 =	simm.s32 $0x900  }
0x111: {  	[tilespmem:s26], [sflag:$0x1] =	stream.linear.gather [hbm4b:s6+s4], $0x400, $0x38;
	[tilespmem:$0x10700] =	vst v63  }
0x112: {  	s13 =	sadd.s32 s9, s8;
	s14 =	simm.s32 $0x8900;
	s6 =	spop (v2sf)  }
0x113: {  	(v2sf) =	vpush v7, $0x3;
	[tilespmem:s14], [sflag:$0x5] =	stream.linear.gather [hbm4b:s13+s4], $0x400, $0x38;
	[tilespmem:$0x10700] =	vst v63  }
0x114: {  	s9 =	spop (v2sf);
	s26 =	sadd.s32 s1, s6  }
0x115: {  	(v2sf) =	vpush v8, $0x3;
	[tilespmem:s24], [sflag:$0x1] =	stream.linear.gather [hbm4b:s26+s4], $0x400, $0x38;
	[tilespmem:$0x10700] =	vst v63  }
0x116: {  	s14 =	sadd.s32 s2, s9  }
0x117: {  	[tilespmem:s18], [sflag:$0x5] =	stream.linear.gather [hbm4b:s14+s4], $0x400, $0x38;
	[tilespmem:$0x10700] =	vst v63  }
0x118: {  	s6 =	sadd.s32 s6, s7;
	s18 =	simm.s32 $0x1100  }
0x119: {  	[tilespmem:s18], [sflag:$0x1] =	stream.linear.gather [hbm4b:s6+s4], $0x400, $0x38;
	[tilespmem:$0x10700] =	vst v63  }
0x11a: {  	s24 =	sadd.s32 s9, s8;
	s26 =	simm.s32 $0x9100;
	s9 =	spop (v2sf)  }
0x11b: {  	[tilespmem:s26], [sflag:$0x5] =	stream.linear.gather [hbm4b:s24+s4], $0x400, $0x38;
	[tilespmem:$0x10700] =	vst v63  }
0x11c: {  	s14 =	spop (v2sf);
	s18 =	sadd.s32 s1, s9  }
0x11d: {  	[tilespmem:s16], [sflag:$0x1] =	stream.linear.gather [hbm4b:s18+s4], $0x400, $0x38;
	[tilespmem:$0x10700] =	vst v63  }
0x11e: {  	s24 =	sadd.s32 s2, s14  }
0x11f: {  	[tilespmem:s21], [sflag:$0x5] =	stream.linear.gather [hbm4b:s24+s4], $0x400, $0x38;
	[tilespmem:$0x10700] =	vst v63  }
0x120: {  	s6 =	sadd.s32 s9, s7;
	s26 =	simm.s32 $0x1900  }
0x121: {  	[tilespmem:s26], [sflag:$0x1] =	stream.linear.gather [hbm4b:s6+s4], $0x400, $0x38;
	[tilespmem:$0x10700] =	vst v63  }
0x122: {  	s13 =	sadd.s32 s14, s8;
	s14 =	simm.s32 $0x9900;
	s16 =	spop (v2sf)  }
0x123: {  	[tilespmem:s14], [sflag:$0x5] =	stream.linear.gather [hbm4b:s13+s4], $0x400, $0x38;
	[tilespmem:$0x10700] =	vst v63  }
0x124: {  	s18 =	spop (v2sf);
	s21 =	sadd.s32 s1, s16  }
0x125: {  	v28 =	vbroadcast v1, $0x4;
	[tilespmem:s22], [sflag:$0x1] =	stream.linear.gather [hbm4b:s21+s4], $0x400, $0x38;
	[tilespmem:$0x10700] =	vst v63  }
0x126: {  	v29 =	vbroadcast v2, $0x4;
	s22 =	sadd.s32 s2, s18  }
0x127: {  	v30 =	vbroadcast v1, $0x5;
	v7 =	vor.u32 v0, v28;
	[tilespmem:s25], [sflag:$0x5] =	stream.linear.gather [hbm4b:s22+s4], $0x400, $0x38;
	[tilespmem:$0x10700] =	vst v63  }
0x128: {  	v31 =	vbroadcast v2, $0x5;
	v8 =	vor.u32 v0, v29;
	s24 =	simm.s32 $0x2100;
	s6 =	sadd.s32 s16, s7  }
0x129: {  	v11 =	vbroadcast v1, $0x6;
	v9 =	vor.u32 v0, v30;
	[tilespmem:s24], [sflag:$0x1] =	stream.linear.gather [hbm4b:s6+s4], $0x400, $0x38;
	[tilespmem:$0x10700] =	vst v63  }
0x12a: {  	v12 =	vbroadcast v2, $0x6;
	v10 =	vor.u32 v0, v31;
	s26 =	simm.s32 $0xA100;
	s16 =	simm.s32 $0x2500;
	s25 =	sadd.s32 s18, s8  }
0x12b: {  	v13 =	vbroadcast v1, $0x7;
	v11 =	vor.u32 v0, v11;
	[tilespmem:s26], [sflag:$0x5] =	stream.linear.gather [hbm4b:s25+s4], $0x400, $0x38;
	[tilespmem:$0x10700] =	vst v63  }
0x12c: {  	v14 =	vbroadcast v2, $0x7;
	v12 =	vor.u32 v0, v12;
	s18 =	simm.s32 $0xA500;
	v7 =	vld.idx.msk [tilespmem:v7+s16+$0x0], $0xffff  }
0x12d: {  	v13 =	vor.u32 v0, v13;
	s21 =	simm.s32 $0x2D00;
	v8 =	vld.idx.msk [tilespmem:v8+s18+$0x0], $0xffff  }
0x12e: {  	v14 =	vor.u32 v0, v14;
	s22 =	simm.s32 $0xAD00;
	v9 =	vld.idx.msk [tilespmem:v9+s21+$0x0], $0xffff  }
0x12f: {  	s24 =	simm.s32 $0x3500;
	v10 =	vld.idx.msk [tilespmem:v10+s22+$0x0], $0xffff  }
0x130: {  	s25 =	simm.s32 $0xB500;
	v11 =	vld.idx.msk [tilespmem:v11+s24+$0x0], $0xffff  }
0x131: {  	s26 =	simm.s32 $0x3D00;
	v12 =	vld.idx.msk [tilespmem:v12+s25+$0x0], $0xffff  }
0x132: {  	s14 =	simm.s32 $0xBD00;
	v13 =	vld.idx.msk [tilespmem:v13+s26+$0x0], $0xffff  }
0x133: {  	v14 =	vld.idx.msk [tilespmem:v14+s14+$0x0], $0xffff;
	_ =	sdelay $0x1  }
0x134: {  	v7 =	vmul.f32 v8, v7  }
0x135: {  	v32 =	vmul.f32 v10, v9  }
0x136: {  	v33 =	vmul.f32 v12, v11;
	(xrf2) =	vadd.scan.msk.f32 $0xffff, v7  }
0x137: {  	v34 =	vmul.f32 v14, v13;
	(xrf2) =	vadd.scan.msk.f32 $0xffff, v32  }
0x138: {  	(xrf2) =	vadd.scan.msk.f32 $0xffff, v33  }
0x139: {  	(xrf2) =	vadd.scan.msk.f32 $0xffff, v34;
	_ =	sdelay $0x6  }
0x13a: {  	v35, _, _ =	vpop (xrf2)  }
0x13b: {  	v36, _, _ =	vpop (xrf2)  }
0x13c: {  	v37, _, _ =	vpop (xrf2)  }
0x13d: {  	v38, _, _ =	vpop (xrf2)  }
0x13e: {  	_ =	swait.ge [sflag:s12], $0x800  }
0x13f: {  	[sflag:s12] =	ssyncset.done $0x0  }
0x140: {  	[sflag:s12] =	ssyncadd.s32 $0xFFFFF800  }
0x141: {  	_ =	swait.ge [sflag:s5], $0x800  }
0x142: {  	[sflag:s5] =	ssyncset.done $0x0  }
0x143: {  	[sflag:s5] =	ssyncadd.s32 $0xFFFFF800  }
0x144: {  	_ =	swait.ge [sflag:s12], $0x800  }
0x145: {  	[sflag:s12] =	ssyncset.done $0x0  }
0x146: {  	[sflag:s12] =	ssyncadd.s32 $0xFFFFF800  }
0x147: {  	_ =	swait.ge [sflag:s5], $0x800  }
0x148: {  	[sflag:s5] =	ssyncset.done $0x0  }
0x149: {  	[sflag:s5] =	ssyncadd.s32 $0xFFFFF800  }
0x14a: {  	_ =	swait.ge [sflag:s12], $0x800  }
0x14b: {  	[sflag:s12] =	ssyncset.done $0x0  }
0x14c: {  	[sflag:s12] =	ssyncadd.s32 $0xFFFFF800  }
0x14d: {  	_ =	swait.ge [sflag:s5], $0x800  }
0x14e: {  	[sflag:s5] =	ssyncset.done $0x0  }
0x14f: {  	[sflag:s5] =	ssyncadd.s32 $0xFFFFF800  }
0x150: {  	_ =	swait.ge [sflag:s12], $0x800  }
0x151: {  	[sflag:s12] =	ssyncset.done $0x0  }
0x152: {  	[sflag:s12] =	ssyncadd.s32 $0xFFFFF800  }
0x153: {  	_ =	swait.ge [sflag:s5], $0x800  }
0x154: {  	s13 =	smin.u32 s29, $0x7A;
	[sflag:s5] =	ssyncset.done $0x0  }
0x155: {  	s6 =	sshll.u32 s13, $0x2;
	[sflag:s5] =	ssyncadd.s32 $0xFFFFF800  }
0x156: {  	v39 =	vld [tilespmem:s6+$0x14]  }
0x157: {  	v40 =	vld [tilespmem:s6+$0x294];
	_ =	sdelay $0x3  }
0x158: {  	v11 =	vand.u32 $0xFFFFFF80, v39  }
0x159: {  	v12 =	vand.u32 $0xFFFFFF80, v40;
	(v2sf) =	vpush v11, $0x0  }
0x15a: {  	(v2sf) =	vpush v12, $0x0;
	_ =	sdelay $0x5  }
0x15b: {  	(v2sf) =	vpush v11, $0x1;
	_ =	sdelay $0x1  }
0x15c: {  	(v2sf) =	vpush v12, $0x1;
	_ =	sdelay $0x5  }
0x15d: {  	s6 =	spop (v2sf);
	(v2sf) =	vpush v11, $0x2  }
0x15e: {  	s9 =	spop (v2sf);
	s13 =	sadd.s32 s1, s6  }
0x15f: {  	(v2sf) =	vpush v12, $0x2;
	[tilespmem:s16], [sflag:$0x2] =	stream.linear.gather [hbm4b:s13+s4], $0x400, $0x38;
	[tilespmem:$0x10700] =	vst v63  }
0x160: {  	s16 =	sadd.s32 s2, s9  }
0x161: {  	[tilespmem:s18], [sflag:$0x6] =	stream.linear.gather [hbm4b:s16+s4], $0x400, $0x38;
	[tilespmem:$0x10700] =	vst v63  }
0x162: {  	s6 =	sadd.s32 s6, s7;
	s18 =	simm.s32 $0x2900  }
0x163: {  	[tilespmem:s18], [sflag:$0x2] =	stream.linear.gather [hbm4b:s6+s4], $0x400, $0x38;
	[tilespmem:$0x10700] =	vst v63  }
0x164: {  	s16 =	sadd.s32 s9, s8;
	s9 =	spop (v2sf);
	s18 =	simm.s32 $0xA900  }
0x165: {  	(v2sf) =	vpush v11, $0x3;
	[tilespmem:s18], [sflag:$0x6] =	stream.linear.gather [hbm4b:s16+s4], $0x400, $0x38;
	[tilespmem:$0x10700] =	vst v63  }
0x166: {  	s16 =	spop (v2sf);
	s18 =	sadd.s32 s1, s9  }
0x167: {  	(v2sf) =	vpush v12, $0x3;
	[tilespmem:s21], [sflag:$0x2] =	stream.linear.gather [hbm4b:s18+s4], $0x400, $0x38;
	[tilespmem:$0x10700] =	vst v63  }
0x168: {  	s21 =	sadd.s32 s2, s16  }
0x169: {  	[tilespmem:s22], [sflag:$0x6] =	stream.linear.gather [hbm4b:s21+s4], $0x400, $0x38;
	[tilespmem:$0x10700] =	vst v63  }
0x16a: {  	s6 =	sadd.s32 s9, s7;
	s22 =	simm.s32 $0x3100  }
0x16b: {  	[tilespmem:s22], [sflag:$0x2] =	stream.linear.gather [hbm4b:s6+s4], $0x400, $0x38;
	[tilespmem:$0x10700] =	vst v63  }
0x16c: {  	s13 =	sadd.s32 s16, s8;
	s16 =	simm.s32 $0xB100;
	s18 =	spop (v2sf)  }
0x16d: {  	[tilespmem:s16], [sflag:$0x6] =	stream.linear.gather [hbm4b:s13+s4], $0x400, $0x38;
	[tilespmem:$0x10700] =	vst v63  }
0x16e: {  	s21 =	spop (v2sf);
	s22 =	sadd.s32 s1, s18  }
0x16f: {  	[tilespmem:s24], [sflag:$0x2] =	stream.linear.gather [hbm4b:s22+s4], $0x400, $0x38;
	[tilespmem:$0x10700] =	vst v63  }
0x170: {  	s24 =	sadd.s32 s2, s21  }
0x171: {  	[tilespmem:s25], [sflag:$0x6] =	stream.linear.gather [hbm4b:s24+s4], $0x400, $0x38;
	[tilespmem:$0x10700] =	vst v63  }
0x172: {  	s6 =	sadd.s32 s18, s7;
	s25 =	simm.s32 $0x3900  }
0x173: {  	[tilespmem:s25], [sflag:$0x2] =	stream.linear.gather [hbm4b:s6+s4], $0x400, $0x38;
	[tilespmem:$0x10700] =	vst v63  }
0x174: {  	s13 =	simm.s32 $0xB900;
	s9 =	sadd.s32 s21, s8;
	s16 =	spop (v2sf)  }
0x175: {  	[tilespmem:s13], [sflag:$0x6] =	stream.linear.gather [hbm4b:s9+s4], $0x400, $0x38;
	[tilespmem:$0x10700] =	vst v63  }
0x176: {  	s21 =	sadd.s32 s1, s16;
	s18 =	spop (v2sf)  }
0x177: {  	v41 =	vbroadcast v1, $0x8;
	[tilespmem:s26], [sflag:$0x2] =	stream.linear.gather [hbm4b:s21+s4], $0x400, $0x38;
	[tilespmem:$0x10700] =	vst v63  }
0x178: {  	v42 =	vbroadcast v2, $0x8;
	s22 =	sadd.s32 s2, s18  }
0x179: {  	v43 =	vbroadcast v1, $0x9;
	v11 =	vor.u32 v0, v41;
	[tilespmem:s14], [sflag:$0x6] =	stream.linear.gather [hbm4b:s22+s4], $0x400, $0x38;
	[tilespmem:$0x10700] =	vst v63  }
0x17a: {  	v44 =	vbroadcast v2, $0x9;
	v12 =	vor.u32 v0, v42;
	s24 =	simm.s32 $0x4100;
	s6 =	sadd.s32 s16, s7  }
0x17b: {  	v15 =	vbroadcast v1, $0xA;
	v13 =	vor.u32 v0, v43;
	[tilespmem:s24], [sflag:$0x2] =	stream.linear.gather [hbm4b:s6+s4], $0x400, $0x38;
	[tilespmem:$0x10700] =	vst v63  }
0x17c: {  	v16 =	vbroadcast v2, $0xA;
	v14 =	vor.u32 v0, v44;
	s25 =	sadd.s32 s18, s8;
	s26 =	simm.s32 $0xC100;
	s14 =	simm.s32 $0x4500  }
0x17d: {  	v17 =	vbroadcast v1, $0xB;
	v15 =	vor.u32 v0, v15;
	[tilespmem:s26], [sflag:$0x6] =	stream.linear.gather [hbm4b:s25+s4], $0x400, $0x38;
	[tilespmem:$0x10700] =	vst v63  }
0x17e: {  	v18 =	vbroadcast v2, $0xB;
	v16 =	vor.u32 v0, v16;
	s16 =	simm.s32 $0xC500;
	v11 =	vld.idx.msk [tilespmem:v11+s14+$0x0], $0xffff  }
0x17f: {  	v17 =	vor.u32 v0, v17;
	s18 =	simm.s32 $0x4D00;
	v12 =	vld.idx.msk [tilespmem:v12+s16+$0x0], $0xffff  }
0x180: {  	v18 =	vor.u32 v0, v18;
	s21 =	simm.s32 $0xCD00;
	v13 =	vld.idx.msk [tilespmem:v13+s18+$0x0], $0xffff  }
0x181: {  	s22 =	simm.s32 $0x5500;
	v14 =	vld.idx.msk [tilespmem:v14+s21+$0x0], $0xffff  }
0x182: {  	s24 =	simm.s32 $0xD500;
	v15 =	vld.idx.msk [tilespmem:v15+s22+$0x0], $0xffff  }
0x183: {  	s25 =	simm.s32 $0x5D00;
	v16 =	vld.idx.msk [tilespmem:v16+s24+$0x0], $0xffff  }
0x184: {  	s26 =	simm.s32 $0xDD00;
	v17 =	vld.idx.msk [tilespmem:v17+s25+$0x0], $0xffff  }
0x185: {  	v18 =	vld.idx.msk [tilespmem:v18+s26+$0x0], $0xffff;
	_ =	sdelay $0x1  }
0x186: {  	v11 =	vmul.f32 v12, v11  }
0x187: {  	v45 =	vmul.f32 v14, v13  }
0x188: {  	v46 =	vmul.f32 v16, v15;
	(xrf2) =	vadd.scan.msk.f32 $0xffff, v11  }
0x189: {  	v47 =	vmul.f32 v18, v17;
	(xrf2) =	vadd.scan.msk.f32 $0xffff, v45  }
0x18a: {  	(xrf2) =	vadd.scan.msk.f32 $0xffff, v46  }
0x18b: {  	(xrf2) =	vadd.scan.msk.f32 $0xffff, v47;
	_ =	sdelay $0x6  }
0x18c: {  	v48, _, _ =	vpop (xrf2)  }
0x18d: {  	v49, _, _ =	vpop (xrf2)  }
0x18e: {  	v50, _, _ =	vpop (xrf2)  }
0x18f: {  	v51, _, _ =	vpop (xrf2)  }
0x190: {  	_ =	swait.ge [sflag:s10], $0x800  }
0x191: {  	[sflag:s10] =	ssyncset.done $0x0  }
0x192: {  	[sflag:s10] =	ssyncadd.s32 $0xFFFFF800  }
0x193: {  	_ =	swait.ge [sflag:s11], $0x800  }
0x194: {  	[sflag:s11] =	ssyncset.done $0x0  }
0x195: {  	[sflag:s11] =	ssyncadd.s32 $0xFFFFF800  }
0x196: {  	_ =	swait.ge [sflag:s10], $0x800  }
0x197: {  	[sflag:s10] =	ssyncset.done $0x0  }
0x198: {  	[sflag:s10] =	ssyncadd.s32 $0xFFFFF800  }
0x199: {  	_ =	swait.ge [sflag:s11], $0x800  }
0x19a: {  	[sflag:s11] =	ssyncset.done $0x0  }
0x19b: {  	[sflag:s11] =	ssyncadd.s32 $0xFFFFF800  }
0x19c: {  	_ =	swait.ge [sflag:s10], $0x800  }
0x19d: {  	[sflag:s10] =	ssyncset.done $0x0  }
0x19e: {  	[sflag:s10] =	ssyncadd.s32 $0xFFFFF800  }
0x19f: {  	_ =	swait.ge [sflag:s11], $0x800  }
0x1a0: {  	[sflag:s11] =	ssyncset.done $0x0  }
0x1a1: {  	[sflag:s11] =	ssyncadd.s32 $0xFFFFF800  }
0x1a2: {  	_ =	swait.ge [sflag:s10], $0x800  }
0x1a3: {  	[sflag:s10] =	ssyncset.done $0x0  }
0x1a4: {  	[sflag:s10] =	ssyncadd.s32 $0xFFFFF800  }
0x1a5: {  	_ =	swait.ge [sflag:s11], $0x800  }
0x1a6: {  	s13 =	smin.u32 s29, $0x79;
	[sflag:s11] =	ssyncset.done $0x0  }
0x1a7: {  	s6 =	sshll.u32 s13, $0x2;
	[sflag:s11] =	ssyncadd.s32 $0xFFFFF800  }
0x1a8: {  	v52 =	vld [tilespmem:s6+$0x18]  }
0x1a9: {  	v53 =	vld [tilespmem:s6+$0x298];
	_ =	sdelay $0x3  }
0x1aa: {  	v15 =	vand.u32 $0xFFFFFF80, v52  }
0x1ab: {  	v16 =	vand.u32 $0xFFFFFF80, v53;
	(v2sf) =	vpush v15, $0x0  }
0x1ac: {  	(v2sf) =	vpush v16, $0x0;
	_ =	sdelay $0x5  }
0x1ad: {  	(v2sf) =	vpush v15, $0x1;
	_ =	sdelay $0x1  }
0x1ae: {  	(v2sf) =	vpush v16, $0x1;
	_ =	sdelay $0x5  }
0x1af: {  	s6 =	spop (v2sf);
	(v2sf) =	vpush v15, $0x2  }
0x1b0: {  	s9 =	spop (v2sf);
	s13 =	sadd.s32 s1, s6  }
0x1b1: {  	(v2sf) =	vpush v16, $0x2;
	[tilespmem:s14], [sflag:$0x3] =	stream.linear.gather [hbm4b:s13+s4], $0x400, $0x38;
	[tilespmem:$0x10700] =	vst v63  }
0x1b2: {  	s14 =	sadd.s32 s2, s9  }
0x1b3: {  	[tilespmem:s16], [sflag:$0x7] =	stream.linear.gather [hbm4b:s14+s4], $0x400, $0x38;
	[tilespmem:$0x10700] =	vst v63  }
0x1b4: {  	s6 =	sadd.s32 s6, s7;
	s16 =	simm.s32 $0x4900  }
0x1b5: {  	[tilespmem:s16], [sflag:$0x3] =	stream.linear.gather [hbm4b:s6+s4], $0x400, $0x38;
	[tilespmem:$0x10700] =	vst v63  }
0x1b6: {  	s9 =	sadd.s32 s9, s8;
	s13 =	simm.s32 $0xC900;
	s14 =	spop (v2sf)  }
0x1b7: {  	(v2sf) =	vpush v15, $0x3;
	[tilespmem:s13], [sflag:$0x7] =	stream.linear.gather [hbm4b:s9+s4], $0x400, $0x38;
	[tilespmem:$0x10700] =	vst v63  }
0x1b8: {  	s16 =	sadd.s32 s1, s14;
	s9 =	spop (v2sf)  }
0x1b9: {  	(v2sf) =	vpush v16, $0x3;
	[tilespmem:s18], [sflag:$0x3] =	stream.linear.gather [hbm4b:s16+s4], $0x400, $0x38;
	[tilespmem:$0x10700] =	vst v63  }
0x1ba: {  	s18 =	sadd.s32 s2, s9  }
0x1bb: {  	[tilespmem:s21], [sflag:$0x7] =	stream.linear.gather [hbm4b:s18+s4], $0x400, $0x38;
	[tilespmem:$0x10700] =	vst v63  }
0x1bc: {  	s6 =	sadd.s32 s14, s7;
	s14 =	simm.s32 $0x5100  }
0x1bd: {  	[tilespmem:s14], [sflag:$0x3] =	stream.linear.gather [hbm4b:s6+s4], $0x400, $0x38;
	[tilespmem:$0x10700] =	vst v63  }
0x1be: {  	s9 =	sadd.s32 s9, s8;
	s18 =	simm.s32 $0xD100;
	s16 =	spop (v2sf)  }
0x1bf: {  	[tilespmem:s18], [sflag:$0x7] =	stream.linear.gather [hbm4b:s9+s4], $0x400, $0x38;
	[tilespmem:$0x10700] =	vst v63  }
0x1c0: {  	s9 =	spop (v2sf);
	s21 =	sadd.s32 s1, s16  }
0x1c1: {  	[tilespmem:s22], [sflag:$0x3] =	stream.linear.gather [hbm4b:s21+s4], $0x400, $0x38;
	[tilespmem:$0x10700] =	vst v63  }
0x1c2: {  	s14 =	sadd.s32 s2, s9  }
0x1c3: {  	[tilespmem:s24], [sflag:$0x7] =	stream.linear.gather [hbm4b:s14+s4], $0x400, $0x38;
	[tilespmem:$0x10700] =	vst v63  }
0x1c4: {  	s6 =	sadd.s32 s16, s7;
	s16 =	simm.s32 $0x5900  }
0x1c5: {  	[tilespmem:s16], [sflag:$0x3] =	stream.linear.gather [hbm4b:s6+s4], $0x400, $0x38;
	[tilespmem:$0x10700] =	vst v63  }
0x1c6: {  	s9 =	sadd.s32 s9, s8;
	s21 =	simm.s32 $0xD900;
	s18 =	spop (v2sf)  }
0x1c7: {  	[tilespmem:s21], [sflag:$0x7] =	stream.linear.gather [hbm4b:s9+s4], $0x400, $0x38;
	[tilespmem:$0x10700] =	vst v63  }
0x1c8: {  	s24 =	sadd.s32 s1, s18;
	s22 =	spop (v2sf)  }
0x1c9: {  	v54 =	vbroadcast v1, $0xC;
	[tilespmem:s25], [sflag:$0x3] =	stream.linear.gather [hbm4b:s24+s4], $0x400, $0x38;
	[tilespmem:$0x10700] =	vst v63  }
0x1ca: {  	v55 =	vbroadcast v2, $0xC;
	s25 =	sadd.s32 s2, s22  }
0x1cb: {  	v56 =	vbroadcast v1, $0xD;
	v15 =	vor.u32 v0, v54;
	[tilespmem:s26], [sflag:$0x7] =	stream.linear.gather [hbm4b:s25+s4], $0x400, $0x38;
	[tilespmem:$0x10700] =	vst v63  }
0x1cc: {  	v57 =	vbroadcast v2, $0xD;
	v16 =	vor.u32 v0, v55;
	s6 =	sadd.s32 s18, s7;
	s26 =	simm.s32 $0x6100  }
0x1cd: {  	v19 =	vbroadcast v1, $0xE;
	v17 =	vor.u32 v0, v56;
	[tilespmem:s26], [sflag:$0x3] =	stream.linear.gather [hbm4b:s6+s4], $0x400, $0x38;
	[tilespmem:$0x10700] =	vst v63  }
0x1ce: {  	v20 =	vbroadcast v2, $0xE;
	v18 =	vor.u32 v0, v57;
	s16 =	simm.s32 $0xE100;
	s18 =	simm.s32 $0x6500;
	s14 =	sadd.s32 s22, s8  }
0x1cf: {  	v19 =	vor.u32 v0, v19;
	[tilespmem:s16], [sflag:$0x7] =	stream.linear.gather [hbm4b:s14+s4], $0x400, $0x38;
	[tilespmem:$0x10700] =	vst v63  }
0x1d0: {  	v20 =	vor.u32 v0, v20;
	v1 =	vbroadcast v1, $0xF;
	s21 =	simm.s32 $0xE500;
	v15 =	vld.idx.msk [tilespmem:v15+s18+$0x0], $0xffff  }
0x1d1: {  	v2 =	vbroadcast v2, $0xF;
	s22 =	simm.s32 $0x6D00;
	v16 =	vld.idx.msk [tilespmem:v16+s21+$0x0], $0xffff  }
0x1d2: {  	v1 =	vor.u32 v0, v1;
	s24 =	simm.s32 $0xED00;
	v17 =	vld.idx.msk [tilespmem:v17+s22+$0x0], $0xffff  }
0x1d3: {  	v2 =	vor.u32 v0, v2;
	s25 =	simm.s32 $0x7500;
	v18 =	vld.idx.msk [tilespmem:v18+s24+$0x0], $0xffff  }
0x1d4: {  	s26 =	simm.s32 $0xF500;
	v19 =	vld.idx.msk [tilespmem:v19+s25+$0x0], $0xffff  }
0x1d5: {  	v20 =	vld.idx.msk [tilespmem:v20+s26+$0x0], $0xffff;
	_ =	sdelay $0x1  }
0x1d6: {  	v1 =	vld.idx.msk [tilespmem:v1+s17+$0x0], $0xffff  }
0x1d7: {  	v2 =	vld.idx.msk [tilespmem:v2+s15+$0x0], $0xffff;
	v15 =	vmul.f32 v16, v15  }
0x1d8: {  	v5 =	vbroadcast v63, $0xF;
	v58 =	vmul.f32 v18, v17  }
0x1d9: {  	v6 =	vbroadcast v24, $0xF;
	v59 =	vmul.f32 v20, v19;
	(xrf2) =	vadd.scan.msk.f32 $0xffff, v15  }
0x1da: {  	v4 =	vbroadcast v25, $0xF;
	(xrf2) =	vadd.scan.msk.f32 $0xffff, v58  }
0x1db: {  	v5 =	vsel vm0, v5, v6;
	v3 =	vbroadcast v3, $0xF;
	(xrf2) =	vadd.scan.msk.f32 $0xffff, v59  }
0x1dc: {  	v4 =	vsel vm1, v5, v4;
	v1 =	vmul.f32 v2, v1;
	v2 =	vbroadcast v35, $0xF  }
0x1dd: {  	v3 =	vsel vm2, v4, v3;
	v60 =	vbroadcast v36, $0xF  }
0x1de: {  	v2 =	vsel vm3, v3, v2;
	(xrf2) =	vadd.scan.msk.f32 $0xffff, v1;
	v1 =	vbroadcast v37, $0xF  }
0x1df: {  	v3 =	vbroadcast v38, $0xF;
	v2 =	vsel vm4, v2, v60  }
0x1e0: {  	v1 =	vsel vm5, v2, v1;
	v2 =	vbroadcast v48, $0xF  }
0x1e1: {  	v1 =	vsel vm6, v1, v3;
	v3 =	vbroadcast v49, $0xF  }
0x1e2: {  	v1 =	vsel vm7, v1, v2;
	v2 =	vbroadcast v50, $0xF  }
0x1e3: {  	v1 =	vsel vm8, v1, v3;
	v3 =	vbroadcast v51, $0xF;
	v61, _, _ =	vpop (xrf2)  }
0x1e4: {  	v1 =	vsel vm9, v1, v2;
	v62, _, _ =	vpop (xrf2);
	v2 =	vbroadcast v61, $0xF  }
0x1e5: {  	v1 =	vsel vm10, v1, v3;
	v63, _, _ =	vpop (xrf2)  }
0x1e6: {  	v1 =	vsel vm11, v1, v2;
	v2 =	vbroadcast v63, $0xF  }
0x1e7: {  	v3 =	vbroadcast v62, $0xF;
	_ =	sdelay $0x1  }
0x1e8: {  	v1 =	vsel vm12, v1, v3  }
0x1e9: {  	v1 =	vsel vm13, v1, v2;
	v2, _, _ =	vpop (xrf2)  }
0x1ea: {  	v1 =	vsel vm14, v1, v2  }
0x1eb: {  	v1 =	vsub.f32 $0.0e+00, v1;
	_ =	sdelay $0x1  }
0x1ec: {  	v1 =	vmul.f32 $1.442695020e+00, v1;
	_ =	sdelay $0x1  }
0x1ed: {  	(erf) = vpow2.f32 v1;
	_ =	sdelay $0x8  }
0x1ee: {  	v1 =	vpop (erf)  }
0x1ef: {  	v1 =	vadd.f32 $1.000000000e+00, v1;
	_ =	sdelay $0x1  }
0x1f0: {  	(erf) = vrcp.f32 v1;
	_ =	sdelay $0x4  }
0x1f1: {  	p0 =	sne.s32 s29, $0x7C  }
.Ltmp0:
0x1f2: {  	_ = 	snop;
	(pc) =	sbr.rel @p0 .LBB2_2-.Ltmp0, $3  }
0x1f3: {  	_ =	sdelay $0x1  }
0x1f4: {  	s19 =	sadd.s32 $0x10, s19;
	v1 =	vpop (erf)  }
0x1f5: {  	s20 =	sadd.s32 $0x10, s20;
	s29 =	sadd.s32 $0x4, s29;
	[tilespmem:s28+$0x0] =	vst v1;
	s28 =	sadd.s32 $0x10, s28  }
0x1f6: {  	_ =	swait.ge [sflag:s0], $0x800  }
0x1f7: {  	[sflag:s0] =	ssyncset.done $0x0  }
0x1f8: {  	[sflag:s0] =	ssyncadd.s32 $0xFFFFF800  }
0x1f9: {  	_ =	swait.ge [sflag:s3], $0x800  }
0x1fa: {  	[sflag:s3] =	ssyncset.done $0x0  }
0x1fb: {  	[sflag:s3] =	ssyncadd.s32 $0xFFFFF800  }
0x1fc: {  	_ =	swait.ge [sflag:s0], $0x800  }
0x1fd: {  	[sflag:s0] =	ssyncset.done $0x0  }
0x1fe: {  	[sflag:s0] =	ssyncadd.s32 $0xFFFFF800  }
0x1ff: {  	_ =	swait.ge [sflag:s3], $0x800  }
0x200: {  	[sflag:s3] =	ssyncset.done $0x0  }
0x201: {  	[sflag:s3] =	ssyncadd.s32 $0xFFFFF800  }
0x202: {  	_ =	swait.ge [sflag:s0], $0x800  }
0x203: {  	[sflag:s0] =	ssyncset.done $0x0  }
0x204: {  	[sflag:s0] =	ssyncadd.s32 $0xFFFFF800  }
0x205: {  	_ =	swait.ge [sflag:s3], $0x800  }
0x206: {  	[sflag:s3] =	ssyncset.done $0x0  }
0x207: {  	[sflag:s3] =	ssyncadd.s32 $0xFFFFF800  }
0x208: {  	_ =	swait.ge [sflag:s0], $0x800  }
0x209: {  	[sflag:s0] =	ssyncset.done $0x0  }
0x20a: {  	[sflag:s0] =	ssyncadd.s32 $0xFFFFF800  }
0x20b: {  	_ =	swait.ge [sflag:s3], $0x800  }
0x20c: {  	[sflag:s3] =	ssyncset.done $0x0  }
0x20d: {  	[sflag:s3] =	ssyncadd.s32 $0xFFFFF800  }
0x20e: {  	_ =	swait.ge [sflag:s30], $0x800  }
0x20f: {  	[sflag:s30] =	ssyncset.done $0x0  }
0x210: {  	[sflag:s30] =	ssyncadd.s32 $0xFFFFF800  }
0x211: {  	_ =	swait.ge [sflag:s31], $0x800  }
0x212: {  	[sflag:s31] =	ssyncset.done $0x0  }
0x213: {  	[sflag:s31] =	ssyncadd.s32 $0xFFFFF800  }
0x214: {  	_ =	swait.ge [sflag:s30], $0x800  }
0x215: {  	[sflag:s30] =	ssyncset.done $0x0  }
0x216: {  	[sflag:s30] =	ssyncadd.s32 $0xFFFFF800  }
0x217: {  	_ =	swait.ge [sflag:s31], $0x800  }
0x218: {  	[sflag:s31] =	ssyncset.done $0x0  }
0x219: {  	[sflag:s31] =	ssyncadd.s32 $0xFFFFF800  }
0x21a: {  	_ =	swait.ge [sflag:s30], $0x800  }
0x21b: {  	[sflag:s30] =	ssyncset.done $0x0  }
0x21c: {  	[sflag:s30] =	ssyncadd.s32 $0xFFFFF800  }
0x21d: {  	_ =	swait.ge [sflag:s31], $0x800  }
0x21e: {  	[sflag:s31] =	ssyncset.done $0x0  }
0x21f: {  	[sflag:s31] =	ssyncadd.s32 $0xFFFFF800  }
0x220: {  	_ =	swait.ge [sflag:s30], $0x800  }
0x221: {  	[sflag:s30] =	ssyncset.done $0x0  }
0x222: {  	[sflag:s30] =	ssyncadd.s32 $0xFFFFF800  }
0x223: {  	_ =	swait.ge [sflag:s31], $0x800  }
0x224: {  	[sflag:s31] =	ssyncset.done $0x0  }
0x225: {  	[sflag:s31] =	ssyncadd.s32 $0xFFFFF800  }
0x226: {  	_ =	swait.ge [sflag:s12], $0x800  }
0x227: {  	[sflag:s12] =	ssyncset.done $0x0  }
0x228: {  	[sflag:s12] =	ssyncadd.s32 $0xFFFFF800  }
0x229: {  	_ =	swait.ge [sflag:s5], $0x800  }
0x22a: {  	[sflag:s5] =	ssyncset.done $0x0  }
0x22b: {  	[sflag:s5] =	ssyncadd.s32 $0xFFFFF800  }
0x22c: {  	_ =	swait.ge [sflag:s12], $0x800  }
0x22d: {  	[sflag:s12] =	ssyncset.done $0x0  }
0x22e: {  	[sflag:s12] =	ssyncadd.s32 $0xFFFFF800  }
0x22f: {  	_ =	swait.ge [sflag:s5], $0x800  }
0x230: {  	[sflag:s5] =	ssyncset.done $0x0  }
0x231: {  	[sflag:s5] =	ssyncadd.s32 $0xFFFFF800  }
0x232: {  	_ =	swait.ge [sflag:s12], $0x800  }
0x233: {  	[sflag:s12] =	ssyncset.done $0x0  }
0x234: {  	[sflag:s12] =	ssyncadd.s32 $0xFFFFF800  }
0x235: {  	_ =	swait.ge [sflag:s5], $0x800  }
0x236: {  	[sflag:s5] =	ssyncset.done $0x0  }
0x237: {  	[sflag:s5] =	ssyncadd.s32 $0xFFFFF800  }
0x238: {  	_ =	swait.ge [sflag:s12], $0x800  }
0x239: {  	[sflag:s12] =	ssyncset.done $0x0  }
0x23a: {  	[sflag:s12] =	ssyncadd.s32 $0xFFFFF800  }
0x23b: {  	_ =	swait.ge [sflag:s5], $0x800  }
0x23c: {  	[sflag:s5] =	ssyncset.done $0x0  }
0x23d: {  	s9 =	simm.s32 $0x10500;
	s6 =	rddreg [dreg:$0x10];
	[sflag:s5] =	ssyncadd.s32 $0xFFFFF800  }
0x23e: {  	[hbm4b:s6+s4] =	stream.linear.scatter [tilespmem:s9], [sflag:$0x9], $0x200, $0x38;
	[tilespmem:$0x10700] =	vst v63  }
0x23f: {  	s9 =	simm.s32 $0x9  }
0x240: {  	_ =	swait.ge [sflag:s9], $0x200  }
0x241: {  	s13 =	rddreg [dreg:$0x12]  }
0x242: {  	s28 =	rddreg [dreg:$0x11];
	s13 =	sadd.s32 $0x1, s13  }
0x243: {  	p0 =	sne.s32 s13, s28  }
.Ltmp1:
0x244: {  	_ = 	snop;
	(pc) =	sbr.rel @p0 .LBB2_1-.Ltmp1, $3  }
0x245: {  	_ =	sdelay $0x1  }
0x246: {  	[sflag:s9] =	ssyncset.done $0x0  }
0x247: {  	s24 =	simm.s32 $0x8500;
	s29 =	simm.s32 $0x900;
	[sflag:s9] =	ssyncadd.s32 $0xFFFFFE00  }
0x248: {  	_ =	sfence.sel $0x180000  }
0x249: {  	[bflag:$0x0] =	sbarrier.arrive $0xFFFF  }
0x24a: {  	_ =	strace $0x90000047  }
0x24b: {  	s0 =	stileid.u32;
	[bflag:$0x2] =	sbarrier.arrive $0xFFFF  }
0x24c: {  	p0 =	sne.s32 s0, $0x0;
	s0 =	rddreg [dreg:$0x5]  }
0x24d: {  	s0 =	sadd.s32 @!p0 $0x100000, s0  }
0x24e: {  	[sflag:s0] =	ssyncadd.tile.s32 @!p0 $0x1;
	_ =	shalt  }
.Lfunc_end2:
_tile_overlayer_lowered:
.L_overlay_start_2:
0x24f: {  	(tag) =	ssettag $0x2  }
0x250: {  	s0 =	rddreg [dreg:$0x0];
	s2 =	stileid.u32  }
0x251: {  	s1 =	rddreg [dreg:$0x1];
	p0 =	sne.s32 s2, $0x0  }
0x252: {  	s3 =	rddreg [dreg:$0x2];
	[bflag:$0x3] =	sbarrier.arrive $0xFFFF;
	s2 =	simm.s32 @!p0 $0x1C09  }
0x253: {  	[timem:s3], [sflag:s2] =	dma.local @!p0 [hbm:s0], s1  }
0x254: {  	s0 =	simm.s32 @!p0 $0x9  }
0x255: {  	_ =	swait.ge @!p0 [sflag:s0], s1  }
0x256: {  	s1 =	ssub.s32 @!p0 $0x0, s1;
	[sflag:s0] =	ssyncset.done @!p0 $0x0  }
0x257: {  	[sflag:s0] =	ssyncadd.s32 @!p0 s1  }
0x258: {  	[bflag:$0x3] =	sbarrier.arrive $0xFFFF  }
0x259: {  	_ =	shalt  }

</sc_bundles>
